<compile_context>
chip_gen: v7x
topology: tpu7x:2x2x1
jax: 0.10.2.dev20260603
libtpu: 0.0.44.dev20260713+nightly
codegen_flags: <defaults>
</compile_context>

<pallas_src>
import functools
import math

import jax
import jax.numpy as jnp
from jax import lax
from jax.experimental import pallas as pl
from jax.experimental.pallas import tpu as pltpu
from jax.experimental.pallas import tpu_sc as plsc

NUM_ANCHORS = 3
NMS_THR = 0.8
TOPK = 2000


def _next_pow2(n):
    p = 1
    while p < n:
        p *= 2
    return p



def _gather_rows(tabf, idxf):
    G = idxf.shape[0]
    nw = 32
    rpw = G // nw
    mesh = plsc.VectorSubcoreMesh(core_axis_name="c", subcore_axis_name="s")

    @functools.partial(
        pl.kernel, mesh=mesh,
        out_type=jax.ShapeDtypeStruct((G, 8), jnp.float32),
        scratch_types=[
            pltpu.VMEM((rpw,), jnp.int32),
            pltpu.VMEM((rpw, 8), jnp.float32),
            pltpu.SemaphoreType.DMA,
        ],
        compiler_params=pltpu.CompilerParams(use_tc_tiling_on_sc=False),
    )
    def gk(tab_hbm, idx_hbm, out_hbm, idx_v, rows_v, sem):
        wid = lax.axis_index("s") * 2 + lax.axis_index("c")
        base = wid * rpw
        pltpu.sync_copy(idx_hbm.at[pl.ds(base, rpw)], idx_v)
        pltpu.async_copy(tab_hbm.at[idx_v], rows_v, sem).wait()
        pltpu.sync_copy(rows_v, out_hbm.at[pl.ds(base, rpw)])

    return gk(tabf, idxf)



def _nms_body(K, Kp, vt_ref, val_ref, out_ref, msk_ref):
    Sk = Kp // 128
    f32 = jnp.float32
    comps = [vt_ref[0, c] for c in range(8)]
    v1x, v1y, v2x, v2y, v3x, v3y, v4x, v4y = comps
    x1 = jnp.minimum(jnp.minimum(v1x, v2x), jnp.minimum(v3x, v4x))
    y1 = jnp.minimum(jnp.minimum(v1y, v2y), jnp.minimum(v3y, v4y))
    x2 = jnp.maximum(jnp.maximum(v1x, v2x), jnp.maximum(v3x, v4x))
    y2 = jnp.maximum(jnp.maximum(v1y, v2y), jnp.maximum(v3y, v4y))
    area = jnp.maximum(x2 - x1, 0.0) * jnp.maximum(y2 - y1, 0.0)

    jg = (lax.broadcasted_iota(jnp.int32, (Sk, 128), 0) * 128
          + lax.broadcasted_iota(jnp.int32, (Sk, 128), 1))
    valid = jg < K
    lane = lax.broadcasted_iota(jnp.int32, (128,), 0)
    keep = valid.astype(f32)

    nblk = (K + 127) // 128
    for bb in range(nblk):
        rows_bb = min(128, K - bb * 128)
        def col(v):
            return jnp.transpose(v[bb:bb + 1], (1, 0))[:, :, None]
        ix1 = jnp.maximum(col(x1), x1[None])
        iy1 = jnp.maximum(col(y1), y1[None])
        ix2 = jnp.minimum(col(x2), x2[None])
        iy2 = jnp.minimum(col(y2), y2[None])
        inter = (jnp.maximum(ix2 - ix1, 0.0)
                 * jnp.maximum(iy2 - iy1, 0.0))
        iou = inter / (col(area) + area[None] - inter + 1e-9)
        ig = bb * 128 + lax.broadcasted_iota(jnp.int32, (128, 1, 1), 0)
        sup = ((iou > NMS_THR) & (jg[None] > ig)
               & valid[None]).astype(f32)
        msk_ref[...] = sup

        def body(r, keep):
            ki = jnp.sum(jnp.where(lane == r, keep[bb], 0.0))
            row = msk_ref[r]
            return keep * (1.0 - ki * row)

        keep = lax.fori_loop(0, rows_bb, body, keep)

    outs = comps + [val_ref[0]]
    for ci, comp in enumerate(outs):
        out_ref[0, ci] = comp * keep
    zero = jnp.zeros((Sk, 128), f32)
    for ci in range(9, 16):
        out_ref[0, ci] = zero


def _nms(vt, valst, K, Kp):
    B = vt.shape[0]
    Sk = Kp // 128
    body = functools.partial(_nms_body, K, Kp)
    return pl.pallas_call(
        body,
        grid=(B,),
        in_specs=[
            pl.BlockSpec((1, 8, Sk, 128), lambda b: (b, 0, 0, 0)),
            pl.BlockSpec((1, Sk, 128), lambda b: (b, 0, 0)),
        ],
        out_specs=pl.BlockSpec((1, 16, Sk, 128), lambda b: (b, 0, 0, 0)),
        out_shape=jax.ShapeDtypeStruct((B, 16, Sk, 128), jnp.float32),
        scratch_shapes=[pltpu.VMEM((128, Sk, 128), jnp.float32)],
    )(vt, valst)



def _anchors(h, w):
    ratios = jnp.array([0.5, 1.0, 2.0], dtype=jnp.float32)
    base = 8.0
    aw = base * jnp.sqrt(ratios)
    ah = base / jnp.sqrt(ratios)
    ys = jnp.arange(h, dtype=jnp.float32) + 0.5
    xs = jnp.arange(w, dtype=jnp.float32) + 0.5
    cx = jnp.broadcast_to(xs[None, None, :], (NUM_ANCHORS, h, w))
    cy = jnp.broadcast_to(ys[None, :, None], (NUM_ANCHORS, h, w))
    aws = jnp.broadcast_to(aw[:, None, None], (NUM_ANCHORS, h, w))
    ahs = jnp.broadcast_to(ah[:, None, None], (NUM_ANCHORS, h, w))
    return jnp.stack([cx, cy, aws, ahs], -1).reshape(-1, 4)


def _decode(reg, anchors):
    ax, ay, aw, ah = anchors[:, 0], anchors[:, 1], anchors[:, 2], anchors[:, 3]
    dx, dy, dw, dh, da, db = [reg[..., i] for i in range(6)]
    w = aw[None, :] * jnp.exp(jnp.clip(dw, -4.0, 4.0))
    h = ah[None, :] * jnp.exp(jnp.clip(dh, -4.0, 4.0))
    x = ax[None, :] + dx * aw[None, :]
    y = ay[None, :] + dy * ah[None, :]
    da_ = da * w
    db_ = db * h
    v1 = jnp.stack([x + da_, y - h / 2], -1)
    v2 = jnp.stack([x + w / 2, y + db_], -1)
    v3 = jnp.stack([x - da_, y + h / 2], -1)
    v4 = jnp.stack([x - w / 2, y - db_], -1)
    return jnp.stack([v1, v2, v3, v4], 2)


def kernel(x0, x1, x2, x3, x4, Wc, bc, Wr, br, Wo, bo):
    B = x0.shape[0]
    outs = []
    for x in (x0, x1, x2, x3, x4):
        H, W = x.shape[2], x.shape[3]
        N = NUM_ANCHORS * H * W
        K = min(TOPK, N)
        Kp = 128 * ((K + 127) // 128)
        if (B * Kp // 32) % 8:
            Kp = 256 * ((K + 255) // 256)
        Sk = Kp // 128
        z = lax.conv_general_dilated(
            x, Wc, (1, 1), 'SAME',
            dimension_numbers=('NCHW', 'OIHW', 'NCHW')) + bc[None, :, None, None]
        z = jax.nn.relu(z)
        reg = (jnp.einsum('bchw,oc->bohw', z, Wr) + br[None, :, None, None])
        obj = (jnp.einsum('bchw,oc->bohw', z, Wo) + bo[None, :, None, None])
        reg = reg.reshape(B, NUM_ANCHORS, 6, H, W).transpose(
            0, 1, 3, 4, 2).reshape(B, -1, 6)
        obj = obj.reshape(B, -1)
        verts = _decode(reg, _anchors(H, W))
        scores = jax.nn.sigmoid(obj)
        vals, idx = lax.top_k(scores, K)

        vflat = verts.reshape(B * N, 8)
        idxp = jnp.concatenate(
            [idx, jnp.zeros((B, Kp - K), jnp.int32)], axis=1)
        idxf = (idxp + (jnp.arange(B, dtype=jnp.int32) * N)[:, None]
                ).reshape(B * Kp)
        rows = _gather_rows(vflat, idxf)
        vt = rows.reshape(B, Kp, 8).transpose(0, 2, 1).reshape(B, 8, Sk, 128)
        valsp = jnp.concatenate(
            [vals, jnp.zeros((B, Kp - K), jnp.float32)],
            axis=1).reshape(B, Sk, 128)
        outt = _nms(vt, valsp, K, Kp)
        out_l = outt.reshape(B, 16, Kp).transpose(0, 2, 1)[:, :K, :9]
        outs.append(out_l)
    return jnp.concatenate(outs, axis=1)

# --- scband reference (transcript-rebuilt; emitter-appended) ---
"""Pipeline reference for scband-oriented-rpn-85341000172283 (READ-ONLY COPY).

The authoritative reference and input builder live on the scoring server;
editing this copy changes nothing except your own understanding.
"""

import jax, jax.numpy as jnp
import numpy as np

NUM_ANCHORS = 3
NMS_THR = 0.8
TOPK = 2000


def setup_inputs(seed: int = 0) -> dict:
    key = jax.random.key(seed)
    ks = jax.random.split(key, 16)
    B = 2
    shapes = [(B, 256, 128, 128), (B, 256, 64, 64), (B, 256, 32, 32), (B, 256, 16, 16), (B, 256, 8, 8)]
    inp = {}
    for i, s in enumerate(shapes):
        inp['x%d' % i] = jax.random.normal(ks[i], s, dtype=jnp.float32)
    inp['Wc'] = jax.random.normal(ks[5], (256, 256, 3, 3), dtype=jnp.float32) * 0.02
    inp['bc'] = jnp.zeros((256,), jnp.float32)
    inp['Wr'] = jax.random.normal(ks[6], (6 * NUM_ANCHORS, 256), dtype=jnp.float32) * 0.02
    inp['br'] = jnp.zeros((6 * NUM_ANCHORS,), jnp.float32)
    inp['Wo'] = jax.random.normal(ks[7], (NUM_ANCHORS, 256), dtype=jnp.float32) * 0.02
    inp['bo'] = jnp.zeros((NUM_ANCHORS,), jnp.float32)
    return inp


def make_anchors(h, w):
    # anchors in feature-map units, HBB_CENTERED (cx, cy, w, h); base scale 8, ratios 0.5/1/2
    ratios = jnp.array([0.5, 1.0, 2.0], dtype=jnp.float32)
    base = 8.0
    aw = base * jnp.sqrt(ratios)
    ah = base / jnp.sqrt(ratios)
    ys = jnp.arange(h, dtype=jnp.float32) + 0.5
    xs = jnp.arange(w, dtype=jnp.float32) + 0.5
    cx = jnp.broadcast_to(xs[None, None, :], (NUM_ANCHORS, h, w))
    cy = jnp.broadcast_to(ys[None, :, None], (NUM_ANCHORS, h, w))
    aws = jnp.broadcast_to(aw[:, None, None], (NUM_ANCHORS, h, w))
    ahs = jnp.broadcast_to(ah[:, None, None], (NUM_ANCHORS, h, w))
    return jnp.stack([cx, cy, aws, ahs], -1).reshape(-1, 4)


def decode_offsets(reg, anchors):
    # midpoint-offset decoding (oriented RPN): ANCHOR_OFFSET -> VERTICES
    ax, ay, aw, ah = anchors[:, 0], anchors[:, 1], anchors[:, 2], anchors[:, 3]
    dx, dy, dw, dh, da, db = [reg[..., i] for i in range(6)]
    w = aw[None, :] * jnp.exp(jnp.clip(dw, -4.0, 4.0))
    h = ah[None, :] * jnp.exp(jnp.clip(dh, -4.0, 4.0))
    x = ax[None, :] + dx * aw[None, :]
    y = ay[None, :] + dy * ah[None, :]
    da_ = da * w
    db_ = db * h
    v1 = jnp.stack([x + da_, y - h / 2], -1)
    v2 = jnp.stack([x + w / 2, y + db_], -1)
    v3 = jnp.stack([x - da_, y + h / 2], -1)
    v4 = jnp.stack([x - w / 2, y - db_], -1)
    return jnp.stack([v1, v2, v3, v4], 2)  # [B, N, 4, 2]


def nms_keep(hbb):
    # hbb: [K, 4] corner boxes, already sorted by descending score
    K = hbb.shape[0]
    x1, y1, x2, y2 = hbb[:, 0], hbb[:, 1], hbb[:, 2], hbb[:, 3]
    area = jnp.maximum(x2 - x1, 0.0) * jnp.maximum(y2 - y1, 0.0)
    ix1 = jnp.maximum(x1[:, None], x1[None, :])
    iy1 = jnp.maximum(y1[:, None], y1[None, :])
    ix2 = jnp.minimum(x2[:, None], x2[None, :])
    iy2 = jnp.minimum(y2[:, None], y2[None, :])
    inter = jnp.maximum(ix2 - ix1, 0.0) * jnp.maximum(iy2 - iy1, 0.0)
    iou = inter / (area[:, None] + area[None, :] - inter + 1e-9)
    idxs = jnp.arange(K)

    def body(i, keep):
        sup = (iou[i] > NMS_THR) & (idxs > i) & keep[i]
        return keep & jnp.logical_not(sup)

    return jax.lax.fori_loop(0, K, body, jnp.ones((K,), dtype=bool))


def _forward(xs, Wc, bc, Wr, br, Wo, bo):
    outs = []
    for x in xs:
        B, C, h, w = x.shape
        z = jax.lax.conv_general_dilated(x, Wc, (1, 1), 'SAME', dimension_numbers=('NCHW', 'OIHW', 'NCHW')) + bc[None, :, None, None]
        z = jax.nn.relu(z)
        reg = jnp.einsum('bchw,oc->bohw', z, Wr) + br[None, :, None, None]
        obj = jnp.einsum('bchw,oc->bohw', z, Wo) + bo[None, :, None, None]
        reg = reg.reshape(B, NUM_ANCHORS, 6, h, w).transpose(0, 1, 3, 4, 2).reshape(B, -1, 6)
        obj = obj.reshape(B, -1)
        anchors = make_anchors(h, w)
        verts = decode_offsets(reg, anchors)
        scores = jax.nn.sigmoid(obj)
        K = min(TOPK, scores.shape[1])
        vals, idx = jax.lax.top_k(scores, K)
        verts_k = jnp.take_along_axis(verts, idx[:, :, None, None], axis=1)
        hbb = jnp.concatenate([
            jnp.min(verts_k[..., 0], axis=-1, keepdims=True),
            jnp.min(verts_k[..., 1], axis=-1, keepdims=True),
            jnp.max(verts_k[..., 0], axis=-1, keepdims=True),
            jnp.max(verts_k[..., 1], axis=-1, keepdims=True)], -1)
        keep = jax.lax.stop_gradient(jax.vmap(nms_keep)(hbb))
        out_l = jnp.concatenate([verts_k.reshape(B, K, 8), vals[:, :, None]], -1) * keep[:, :, None].astype(jnp.float32)
        outs.append(out_l)
    return jnp.concatenate(outs, axis=1)


def reference(x0, x1, x2, x3, x4, Wc, bc, Wr, br, Wo, bo):
    return _forward([x0, x1, x2, x3, x4], Wc, bc, Wr, br, Wo, bo)

if __name__ == "__main__":
    import jax
    _d = setup_inputs()
    print(jax.jit(kernel)(*tuple(_d.values())))

</pallas_src>

<mosaic_0001>
#map = affine_map<(d0, d1) -> (0, 0)>
#map1 = affine_map<(d0, d1) -> (0)>
module attributes {stable_mosaic.version = 14 : i64} {
  func.func @gk(%arg0: i32, %arg1: i32, %arg2: memref<384x8xf32, #tpu.memory_space<hbm>>, %arg3: memref<512xi32, #tpu.memory_space<hbm>>, %arg4: memref<512x8xf32, #tpu.memory_space<hbm>>, %arg5: memref<16xi32, #tpu.memory_space<vmem>>, %arg6: memref<16x8xf32, #tpu.memory_space<vmem>>, %arg7: memref<!tpu.dma_semaphore, #tpu.memory_space<semaphore_mem>>) attributes {dimension_semantics = [#tpu.dimension_semantics<core_parallel>, #tpu.dimension_semantics<subcore_parallel>], iteration_bounds = array<i64: 2, 16>, scalar_prefetch = 0 : i64, scratch_operands = 3 : i64, tpu.core_type = #tpu.core_type<sc_vector_subcore>, window_params = [{transform_indices = #map}, {transform_indices = #map1}, {transform_indices = #map}]} {
    %mul3A = arith.constant 2 : i32
    %mul3A_0 = arith.muli %arg1, %mul3A : i32
    %add3A = arith.addi %mul3A_0, %arg0 : i32
    %mul3A_1 = arith.constant 16 : i32
    %mul3A_2 = arith.muli %add3A, %mul3A_1 : i32
    "tpu.region"() ({
      %run_scoped3A = tpu.sem_alloc : memref<!tpu.dma_semaphore, #tpu.memory_space<semaphore_mem>>
      %dma_start3A_7 = tpu.memref_slice %arg3[%mul3A_2] : memref<512xi32, #tpu.memory_space<hbm>> -> memref<16xi32, #tpu.memory_space<hbm>>
      %dma_start3A_8 = tpu.memref_slice %arg3[%mul3A_2] : memref<512xi32, #tpu.memory_space<hbm>> -> memref<16xi32, #tpu.memory_space<hbm>>
      tpu.enqueue_dma source(%dma_start3A_8 : memref<16xi32, #tpu.memory_space<hbm>>) target(%arg5 : memref<16xi32, #tpu.memory_space<vmem>>) target_semaphore(%run_scoped3A : memref<!tpu.dma_semaphore, #tpu.memory_space<semaphore_mem>>)
      %dma_wait3A_9 = tpu.memref_slice %arg3[%mul3A_2] : memref<512xi32, #tpu.memory_space<hbm>> -> memref<16xi32, #tpu.memory_space<hbm>>
      %dma_wait3A_10 = tpu.memref_slice %arg3[%mul3A_2] : memref<512xi32, #tpu.memory_space<hbm>> -> memref<16xi32, #tpu.memory_space<hbm>>
      tpu.wait_dma2 semaphore(%run_scoped3A : memref<!tpu.dma_semaphore, #tpu.memory_space<semaphore_mem>>) src(%dma_wait3A_10 : memref<16xi32, #tpu.memory_space<hbm>>) dst(%arg5 : memref<16xi32, #tpu.memory_space<vmem>>)
      tpu.yield
    }) : () -> ()
    %dma_start3A = arith.constant 0 : i32
    %dma_start3A_3 = arith.constant 0 : i32
    %dma_start3A_4 = tpu.memref_slice %arg2[%dma_start3A, %dma_start3A_3] : memref<384x8xf32, #tpu.memory_space<hbm>> -> memref<384x8xf32, #tpu.memory_space<hbm>>
    tpu.enqueue_indirect_dma source(%dma_start3A_4 : memref<384x8xf32, #tpu.memory_space<hbm>>) target(%arg6 : memref<16x8xf32, #tpu.memory_space<vmem>>) offsets(%arg5 : memref<16xi32, #tpu.memory_space<vmem>>) semaphore(%arg7 : memref<!tpu.dma_semaphore, #tpu.memory_space<semaphore_mem>>)
    %dma_wait3A = arith.constant 0 : i32
    %dma_wait3A_5 = arith.constant 0 : i32
    %dma_wait3A_6 = tpu.memref_slice %arg2[%dma_wait3A, %dma_wait3A_5] : memref<384x8xf32, #tpu.memory_space<hbm>> -> memref<384x8xf32, #tpu.memory_space<hbm>>
    tpu.wait_indirect_dma semaphore(%arg7 : memref<!tpu.dma_semaphore, #tpu.memory_space<semaphore_mem>>) src(%dma_wait3A_6 : memref<384x8xf32, #tpu.memory_space<hbm>>) dst(%arg6 : memref<16x8xf32, #tpu.memory_space<vmem>>)
    "tpu.region"() ({
      %run_scoped3A = tpu.sem_alloc : memref<!tpu.dma_semaphore, #tpu.memory_space<semaphore_mem>>
      %dma_start3A_7 = arith.constant 0 : i32
      %dma_start3A_8 = tpu.memref_slice %arg4[%mul3A_2, %dma_start3A_7] : memref<512x8xf32, #tpu.memory_space<hbm>> -> memref<16x8xf32, #tpu.memory_space<hbm>>
      %dma_start3A_9 = arith.constant 0 : i32
      %dma_start3A_10 = tpu.memref_slice %arg4[%mul3A_2, %dma_start3A_9] : memref<512x8xf32, #tpu.memory_space<hbm>> -> memref<16x8xf32, #tpu.memory_space<hbm>>
      tpu.enqueue_dma source(%arg6 : memref<16x8xf32, #tpu.memory_space<vmem>>) target(%dma_start3A_10 : memref<16x8xf32, #tpu.memory_space<hbm>>) target_semaphore(%run_scoped3A : memref<!tpu.dma_semaphore, #tpu.memory_space<semaphore_mem>>)
      %dma_wait3A_11 = arith.constant 0 : i32
      %dma_wait3A_12 = tpu.memref_slice %arg4[%mul3A_2, %dma_wait3A_11] : memref<512x8xf32, #tpu.memory_space<hbm>> -> memref<16x8xf32, #tpu.memory_space<hbm>>
      %dma_wait3A_13 = arith.constant 0 : i32
      %dma_wait3A_14 = tpu.memref_slice %arg4[%mul3A_2, %dma_wait3A_13] : memref<512x8xf32, #tpu.memory_space<hbm>> -> memref<16x8xf32, #tpu.memory_space<hbm>>
      tpu.wait_dma2 semaphore(%run_scoped3A : memref<!tpu.dma_semaphore, #tpu.memory_space<semaphore_mem>>) src(%arg6 : memref<16x8xf32, #tpu.memory_space<vmem>>) dst(%dma_wait3A_14 : memref<16x8xf32, #tpu.memory_space<hbm>>)
      tpu.yield
    }) : () -> ()
    return
  }
}

#map = affine_map<(d0, d1) -> (0, 0)>
#map1 = affine_map<(d0, d1) -> (0)>
module attributes {stable_mosaic.version = 14 : i64} {
  func.func @gk(%arg0: i32, %arg1: i32, %arg2: memref<1536x8xf32, #tpu.memory_space<hbm>>, %arg3: memref<1536xi32, #tpu.memory_space<hbm>>, %arg4: memref<1536x8xf32, #tpu.memory_space<hbm>>, %arg5: memref<48xi32, #tpu.memory_space<vmem>>, %arg6: memref<48x8xf32, #tpu.memory_space<vmem>>, %arg7: memref<!tpu.dma_semaphore, #tpu.memory_space<semaphore_mem>>) attributes {dimension_semantics = [#tpu.dimension_semantics<core_parallel>, #tpu.dimension_semantics<subcore_parallel>], iteration_bounds = array<i64: 2, 16>, scalar_prefetch = 0 : i64, scratch_operands = 3 : i64, tpu.core_type = #tpu.core_type<sc_vector_subcore>, window_params = [{transform_indices = #map}, {transform_indices = #map1}, {transform_indices = #map}]} {
    %mul3A = arith.constant 2 : i32
    %mul3A_0 = arith.muli %arg1, %mul3A : i32
    %add3A = arith.addi %mul3A_0, %arg0 : i32
    %mul3A_1 = arith.constant 48 : i32
    %mul3A_2 = arith.muli %add3A, %mul3A_1 : i32
    "tpu.region"() ({
      %run_scoped3A = tpu.sem_alloc : memref<!tpu.dma_semaphore, #tpu.memory_space<semaphore_mem>>
      %dma_start3A_7 = tpu.memref_slice %arg3[%mul3A_2] : memref<1536xi32, #tpu.memory_space<hbm>> -> memref<48xi32, #tpu.memory_space<hbm>>
      %dma_start3A_8 = tpu.memref_slice %arg3[%mul3A_2] : memref<1536xi32, #tpu.memory_space<hbm>> -> memref<48xi32, #tpu.memory_space<hbm>>
      tpu.enqueue_dma source(%dma_start3A_8 : memref<48xi32, #tpu.memory_space<hbm>>) target(%arg5 : memref<48xi32, #tpu.memory_space<vmem>>) target_semaphore(%run_scoped3A : memref<!tpu.dma_semaphore, #tpu.memory_space<semaphore_mem>>)
      %dma_wait3A_9 = tpu.memref_slice %arg3[%mul3A_2] : memref<1536xi32, #tpu.memory_space<hbm>> -> memref<48xi32, #tpu.memory_space<hbm>>
      %dma_wait3A_10 = tpu.memref_slice %arg3[%mul3A_2] : memref<1536xi32, #tpu.memory_space<hbm>> -> memref<48xi32, #tpu.memory_space<hbm>>
      tpu.wait_dma2 semaphore(%run_scoped3A : memref<!tpu.dma_semaphore, #tpu.memory_space<semaphore_mem>>) src(%dma_wait3A_10 : memref<48xi32, #tpu.memory_space<hbm>>) dst(%arg5 : memref<48xi32, #tpu.memory_space<vmem>>)
      tpu.yield
    }) : () -> ()
    %dma_start3A = arith.constant 0 : i32
    %dma_start3A_3 = arith.constant 0 : i32
    %dma_start3A_4 = tpu.memref_slice %arg2[%dma_start3A, %dma_start3A_3] : memref<1536x8xf32, #tpu.memory_space<hbm>> -> memref<1536x8xf32, #tpu.memory_space<hbm>>
    tpu.enqueue_indirect_dma source(%dma_start3A_4 : memref<1536x8xf32, #tpu.memory_space<hbm>>) target(%arg6 : memref<48x8xf32, #tpu.memory_space<vmem>>) offsets(%arg5 : memref<48xi32, #tpu.memory_space<vmem>>) semaphore(%arg7 : memref<!tpu.dma_semaphore, #tpu.memory_space<semaphore_mem>>)
    %dma_wait3A = arith.constant 0 : i32
    %dma_wait3A_5 = arith.constant 0 : i32
    %dma_wait3A_6 = tpu.memref_slice %arg2[%dma_wait3A, %dma_wait3A_5] : memref<1536x8xf32, #tpu.memory_space<hbm>> -> memref<1536x8xf32, #tpu.memory_space<hbm>>
    tpu.wait_indirect_dma semaphore(%arg7 : memref<!tpu.dma_semaphore, #tpu.memory_space<semaphore_mem>>) src(%dma_wait3A_6 : memref<1536x8xf32, #tpu.memory_space<hbm>>) dst(%arg6 : memref<48x8xf32, #tpu.memory_space<vmem>>)
    "tpu.region"() ({
      %run_scoped3A = tpu.sem_alloc : memref<!tpu.dma_semaphore, #tpu.memory_space<semaphore_mem>>
      %dma_start3A_7 = arith.constant 0 : i32
      %dma_start3A_8 = tpu.memref_slice %arg4[%mul3A_2, %dma_start3A_7] : memref<1536x8xf32, #tpu.memory_space<hbm>> -> memref<48x8xf32, #tpu.memory_space<hbm>>
      %dma_start3A_9 = arith.constant 0 : i32
      %dma_start3A_10 = tpu.memref_slice %arg4[%mul3A_2, %dma_start3A_9] : memref<1536x8xf32, #tpu.memory_space<hbm>> -> memref<48x8xf32, #tpu.memory_space<hbm>>
      tpu.enqueue_dma source(%arg6 : memref<48x8xf32, #tpu.memory_space<vmem>>) target(%dma_start3A_10 : memref<48x8xf32, #tpu.memory_space<hbm>>) target_semaphore(%run_scoped3A : memref<!tpu.dma_semaphore, #tpu.memory_space<semaphore_mem>>)
      %dma_wait3A_11 = arith.constant 0 : i32
      %dma_wait3A_12 = tpu.memref_slice %arg4[%mul3A_2, %dma_wait3A_11] : memref<1536x8xf32, #tpu.memory_space<hbm>> -> memref<48x8xf32, #tpu.memory_space<hbm>>
      %dma_wait3A_13 = arith.constant 0 : i32
      %dma_wait3A_14 = tpu.memref_slice %arg4[%mul3A_2, %dma_wait3A_13] : memref<1536x8xf32, #tpu.memory_space<hbm>> -> memref<48x8xf32, #tpu.memory_space<hbm>>
      tpu.wait_dma2 semaphore(%run_scoped3A : memref<!tpu.dma_semaphore, #tpu.memory_space<semaphore_mem>>) src(%arg6 : memref<48x8xf32, #tpu.memory_space<vmem>>) dst(%dma_wait3A_14 : memref<48x8xf32, #tpu.memory_space<hbm>>)
      tpu.yield
    }) : () -> ()
    return
  }
}

#map = affine_map<(d0, d1) -> (0, 0)>
#map1 = affine_map<(d0, d1) -> (0)>
module attributes {stable_mosaic.version = 14 : i64} {
  func.func @gk(%arg0: i32, %arg1: i32, %arg2: memref<6144x8xf32, #tpu.memory_space<hbm>>, %arg3: memref<4096xi32, #tpu.memory_space<hbm>>, %arg4: memref<4096x8xf32, #tpu.memory_space<hbm>>, %arg5: memref<128xi32, #tpu.memory_space<vmem>>, %arg6: memref<128x8xf32, #tpu.memory_space<vmem>>, %arg7: memref<!tpu.dma_semaphore, #tpu.memory_space<semaphore_mem>>) attributes {dimension_semantics = [#tpu.dimension_semantics<core_parallel>, #tpu.dimension_semantics<subcore_parallel>], iteration_bounds = array<i64: 2, 16>, scalar_prefetch = 0 : i64, scratch_operands = 3 : i64, tpu.core_type = #tpu.core_type<sc_vector_subcore>, window_params = [{transform_indices = #map}, {transform_indices = #map1}, {transform_indices = #map}]} {
    %mul3A = arith.constant 2 : i32
    %mul3A_0 = arith.muli %arg1, %mul3A : i32
    %add3A = arith.addi %mul3A_0, %arg0 : i32
    %mul3A_1 = arith.constant 128 : i32
    %mul3A_2 = arith.muli %add3A, %mul3A_1 : i32
    "tpu.region"() ({
      %run_scoped3A = tpu.sem_alloc : memref<!tpu.dma_semaphore, #tpu.memory_space<semaphore_mem>>
      %dma_start3A_7 = tpu.memref_slice %arg3[%mul3A_2] : memref<4096xi32, #tpu.memory_space<hbm>> -> memref<128xi32, #tpu.memory_space<hbm>>
      %dma_start3A_8 = tpu.memref_slice %arg3[%mul3A_2] : memref<4096xi32, #tpu.memory_space<hbm>> -> memref<128xi32, #tpu.memory_space<hbm>>
      tpu.enqueue_dma source(%dma_start3A_8 : memref<128xi32, #tpu.memory_space<hbm>>) target(%arg5 : memref<128xi32, #tpu.memory_space<vmem>>) target_semaphore(%run_scoped3A : memref<!tpu.dma_semaphore, #tpu.memory_space<semaphore_mem>>)
      %dma_wait3A_9 = tpu.memref_slice %arg3[%mul3A_2] : memref<4096xi32, #tpu.memory_space<hbm>> -> memref<128xi32, #tpu.memory_space<hbm>>
      %dma_wait3A_10 = tpu.memref_slice %arg3[%mul3A_2] : memref<4096xi32, #tpu.memory_space<hbm>> -> memref<128xi32, #tpu.memory_space<hbm>>
      tpu.wait_dma2 semaphore(%run_scoped3A : memref<!tpu.dma_semaphore, #tpu.memory_space<semaphore_mem>>) src(%dma_wait3A_10 : memref<128xi32, #tpu.memory_space<hbm>>) dst(%arg5 : memref<128xi32, #tpu.memory_space<vmem>>)
      tpu.yield
    }) : () -> ()
    %dma_start3A = arith.constant 0 : i32
    %dma_start3A_3 = arith.constant 0 : i32
    %dma_start3A_4 = tpu.memref_slice %arg2[%dma_start3A, %dma_start3A_3] : memref<6144x8xf32, #tpu.memory_space<hbm>> -> memref<6144x8xf32, #tpu.memory_space<hbm>>
    tpu.enqueue_indirect_dma source(%dma_start3A_4 : memref<6144x8xf32, #tpu.memory_space<hbm>>) target(%arg6 : memref<128x8xf32, #tpu.memory_space<vmem>>) offsets(%arg5 : memref<128xi32, #tpu.memory_space<vmem>>) semaphore(%arg7 : memref<!tpu.dma_semaphore, #tpu.memory_space<semaphore_mem>>)
    %dma_wait3A = arith.constant 0 : i32
    %dma_wait3A_5 = arith.constant 0 : i32
    %dma_wait3A_6 = tpu.memref_slice %arg2[%dma_wait3A, %dma_wait3A_5] : memref<6144x8xf32, #tpu.memory_space<hbm>> -> memref<6144x8xf32, #tpu.memory_space<hbm>>
    tpu.wait_indirect_dma semaphore(%arg7 : memref<!tpu.dma_semaphore, #tpu.memory_space<semaphore_mem>>) src(%dma_wait3A_6 : memref<6144x8xf32, #tpu.memory_space<hbm>>) dst(%arg6 : memref<128x8xf32, #tpu.memory_space<vmem>>)
    "tpu.region"() ({
      %run_scoped3A = tpu.sem_alloc : memref<!tpu.dma_semaphore, #tpu.memory_space<semaphore_mem>>
      %dma_start3A_7 = arith.constant 0 : i32
      %dma_start3A_8 = tpu.memref_slice %arg4[%mul3A_2, %dma_start3A_7] : memref<4096x8xf32, #tpu.memory_space<hbm>> -> memref<128x8xf32, #tpu.memory_space<hbm>>
      %dma_start3A_9 = arith.constant 0 : i32
      %dma_start3A_10 = tpu.memref_slice %arg4[%mul3A_2, %dma_start3A_9] : memref<4096x8xf32, #tpu.memory_space<hbm>> -> memref<128x8xf32, #tpu.memory_space<hbm>>
      tpu.enqueue_dma source(%arg6 : memref<128x8xf32, #tpu.memory_space<vmem>>) target(%dma_start3A_10 : memref<128x8xf32, #tpu.memory_space<hbm>>) target_semaphore(%run_scoped3A : memref<!tpu.dma_semaphore, #tpu.memory_space<semaphore_mem>>)
      %dma_wait3A_11 = arith.constant 0 : i32
      %dma_wait3A_12 = tpu.memref_slice %arg4[%mul3A_2, %dma_wait3A_11] : memref<4096x8xf32, #tpu.memory_space<hbm>> -> memref<128x8xf32, #tpu.memory_space<hbm>>
      %dma_wait3A_13 = arith.constant 0 : i32
      %dma_wait3A_14 = tpu.memref_slice %arg4[%mul3A_2, %dma_wait3A_13] : memref<4096x8xf32, #tpu.memory_space<hbm>> -> memref<128x8xf32, #tpu.memory_space<hbm>>
      tpu.wait_dma2 semaphore(%run_scoped3A : memref<!tpu.dma_semaphore, #tpu.memory_space<semaphore_mem>>) src(%arg6 : memref<128x8xf32, #tpu.memory_space<vmem>>) dst(%dma_wait3A_14 : memref<128x8xf32, #tpu.memory_space<hbm>>)
      tpu.yield
    }) : () -> ()
    return
  }
}

#map = affine_map<(d0, d1) -> (0, 0)>
#map1 = affine_map<(d0, d1) -> (0)>
module attributes {stable_mosaic.version = 14 : i64} {
  func.func @gk(%arg0: i32, %arg1: i32, %arg2: memref<24576x8xf32, #tpu.memory_space<hbm>>, %arg3: memref<4096xi32, #tpu.memory_space<hbm>>, %arg4: memref<4096x8xf32, #tpu.memory_space<hbm>>, %arg5: memref<128xi32, #tpu.memory_space<vmem>>, %arg6: memref<128x8xf32, #tpu.memory_space<vmem>>, %arg7: memref<!tpu.dma_semaphore, #tpu.memory_space<semaphore_mem>>) attributes {dimension_semantics = [#tpu.dimension_semantics<core_parallel>, #tpu.dimension_semantics<subcore_parallel>], iteration_bounds = array<i64: 2, 16>, scalar_prefetch = 0 : i64, scratch_operands = 3 : i64, tpu.core_type = #tpu.core_type<sc_vector_subcore>, window_params = [{transform_indices = #map}, {transform_indices = #map1}, {transform_indices = #map}]} {
    %mul3A = arith.constant 2 : i32
    %mul3A_0 = arith.muli %arg1, %mul3A : i32
    %add3A = arith.addi %mul3A_0, %arg0 : i32
    %mul3A_1 = arith.constant 128 : i32
    %mul3A_2 = arith.muli %add3A, %mul3A_1 : i32
    "tpu.region"() ({
      %run_scoped3A = tpu.sem_alloc : memref<!tpu.dma_semaphore, #tpu.memory_space<semaphore_mem>>
      %dma_start3A_7 = tpu.memref_slice %arg3[%mul3A_2] : memref<4096xi32, #tpu.memory_space<hbm>> -> memref<128xi32, #tpu.memory_space<hbm>>
      %dma_start3A_8 = tpu.memref_slice %arg3[%mul3A_2] : memref<4096xi32, #tpu.memory_space<hbm>> -> memref<128xi32, #tpu.memory_space<hbm>>
      tpu.enqueue_dma source(%dma_start3A_8 : memref<128xi32, #tpu.memory_space<hbm>>) target(%arg5 : memref<128xi32, #tpu.memory_space<vmem>>) target_semaphore(%run_scoped3A : memref<!tpu.dma_semaphore, #tpu.memory_space<semaphore_mem>>)
      %dma_wait3A_9 = tpu.memref_slice %arg3[%mul3A_2] : memref<4096xi32, #tpu.memory_space<hbm>> -> memref<128xi32, #tpu.memory_space<hbm>>
      %dma_wait3A_10 = tpu.memref_slice %arg3[%mul3A_2] : memref<4096xi32, #tpu.memory_space<hbm>> -> memref<128xi32, #tpu.memory_space<hbm>>
      tpu.wait_dma2 semaphore(%run_scoped3A : memref<!tpu.dma_semaphore, #tpu.memory_space<semaphore_mem>>) src(%dma_wait3A_10 : memref<128xi32, #tpu.memory_space<hbm>>) dst(%arg5 : memref<128xi32, #tpu.memory_space<vmem>>)
      tpu.yield
    }) : () -> ()
    %dma_start3A = arith.constant 0 : i32
    %dma_start3A_3 = arith.constant 0 : i32
    %dma_start3A_4 = tpu.memref_slice %arg2[%dma_start3A, %dma_start3A_3] : memref<24576x8xf32, #tpu.memory_space<hbm>> -> memref<24576x8xf32, #tpu.memory_space<hbm>>
    tpu.enqueue_indirect_dma source(%dma_start3A_4 : memref<24576x8xf32, #tpu.memory_space<hbm>>) target(%arg6 : memref<128x8xf32, #tpu.memory_space<vmem>>) offsets(%arg5 : memref<128xi32, #tpu.memory_space<vmem>>) semaphore(%arg7 : memref<!tpu.dma_semaphore, #tpu.memory_space<semaphore_mem>>)
    %dma_wait3A = arith.constant 0 : i32
    %dma_wait3A_5 = arith.constant 0 : i32
    %dma_wait3A_6 = tpu.memref_slice %arg2[%dma_wait3A, %dma_wait3A_5] : memref<24576x8xf32, #tpu.memory_space<hbm>> -> memref<24576x8xf32, #tpu.memory_space<hbm>>
    tpu.wait_indirect_dma semaphore(%arg7 : memref<!tpu.dma_semaphore, #tpu.memory_space<semaphore_mem>>) src(%dma_wait3A_6 : memref<24576x8xf32, #tpu.memory_space<hbm>>) dst(%arg6 : memref<128x8xf32, #tpu.memory_space<vmem>>)
    "tpu.region"() ({
      %run_scoped3A = tpu.sem_alloc : memref<!tpu.dma_semaphore, #tpu.memory_space<semaphore_mem>>
      %dma_start3A_7 = arith.constant 0 : i32
      %dma_start3A_8 = tpu.memref_slice %arg4[%mul3A_2, %dma_start3A_7] : memref<4096x8xf32, #tpu.memory_space<hbm>> -> memref<128x8xf32, #tpu.memory_space<hbm>>
      %dma_start3A_9 = arith.constant 0 : i32
      %dma_start3A_10 = tpu.memref_slice %arg4[%mul3A_2, %dma_start3A_9] : memref<4096x8xf32, #tpu.memory_space<hbm>> -> memref<128x8xf32, #tpu.memory_space<hbm>>
      tpu.enqueue_dma source(%arg6 : memref<128x8xf32, #tpu.memory_space<vmem>>) target(%dma_start3A_10 : memref<128x8xf32, #tpu.memory_space<hbm>>) target_semaphore(%run_scoped3A : memref<!tpu.dma_semaphore, #tpu.memory_space<semaphore_mem>>)
      %dma_wait3A_11 = arith.constant 0 : i32
      %dma_wait3A_12 = tpu.memref_slice %arg4[%mul3A_2, %dma_wait3A_11] : memref<4096x8xf32, #tpu.memory_space<hbm>> -> memref<128x8xf32, #tpu.memory_space<hbm>>
      %dma_wait3A_13 = arith.constant 0 : i32
      %dma_wait3A_14 = tpu.memref_slice %arg4[%mul3A_2, %dma_wait3A_13] : memref<4096x8xf32, #tpu.memory_space<hbm>> -> memref<128x8xf32, #tpu.memory_space<hbm>>
      tpu.wait_dma2 semaphore(%run_scoped3A : memref<!tpu.dma_semaphore, #tpu.memory_space<semaphore_mem>>) src(%arg6 : memref<128x8xf32, #tpu.memory_space<vmem>>) dst(%dma_wait3A_14 : memref<128x8xf32, #tpu.memory_space<hbm>>)
      tpu.yield
    }) : () -> ()
    return
  }
}

#map = affine_map<(d0, d1) -> (0, 0)>
#map1 = affine_map<(d0, d1) -> (0)>
module attributes {stable_mosaic.version = 14 : i64} {
  func.func @gk(%arg0: i32, %arg1: i32, %arg2: memref<98304x8xf32, #tpu.memory_space<hbm>>, %arg3: memref<4096xi32, #tpu.memory_space<hbm>>, %arg4: memref<4096x8xf32, #tpu.memory_space<hbm>>, %arg5: memref<128xi32, #tpu.memory_space<vmem>>, %arg6: memref<128x8xf32, #tpu.memory_space<vmem>>, %arg7: memref<!tpu.dma_semaphore, #tpu.memory_space<semaphore_mem>>) attributes {dimension_semantics = [#tpu.dimension_semantics<core_parallel>, #tpu.dimension_semantics<subcore_parallel>], iteration_bounds = array<i64: 2, 16>, scalar_prefetch = 0 : i64, scratch_operands = 3 : i64, tpu.core_type = #tpu.core_type<sc_vector_subcore>, window_params = [{transform_indices = #map}, {transform_indices = #map1}, {transform_indices = #map}]} {
    %mul3A = arith.constant 2 : i32
    %mul3A_0 = arith.muli %arg1, %mul3A : i32
    %add3A = arith.addi %mul3A_0, %arg0 : i32
    %mul3A_1 = arith.constant 128 : i32
    %mul3A_2 = arith.muli %add3A, %mul3A_1 : i32
    "tpu.region"() ({
      %run_scoped3A = tpu.sem_alloc : memref<!tpu.dma_semaphore, #tpu.memory_space<semaphore_mem>>
      %dma_start3A_7 = tpu.memref_slice %arg3[%mul3A_2] : memref<4096xi32, #tpu.memory_space<hbm>> -> memref<128xi32, #tpu.memory_space<hbm>>
      %dma_start3A_8 = tpu.memref_slice %arg3[%mul3A_2] : memref<4096xi32, #tpu.memory_space<hbm>> -> memref<128xi32, #tpu.memory_space<hbm>>
      tpu.enqueue_dma source(%dma_start3A_8 : memref<128xi32, #tpu.memory_space<hbm>>) target(%arg5 : memref<128xi32, #tpu.memory_space<vmem>>) target_semaphore(%run_scoped3A : memref<!tpu.dma_semaphore, #tpu.memory_space<semaphore_mem>>)
      %dma_wait3A_9 = tpu.memref_slice %arg3[%mul3A_2] : memref<4096xi32, #tpu.memory_space<hbm>> -> memref<128xi32, #tpu.memory_space<hbm>>
      %dma_wait3A_10 = tpu.memref_slice %arg3[%mul3A_2] : memref<4096xi32, #tpu.memory_space<hbm>> -> memref<128xi32, #tpu.memory_space<hbm>>
      tpu.wait_dma2 semaphore(%run_scoped3A : memref<!tpu.dma_semaphore, #tpu.memory_space<semaphore_mem>>) src(%dma_wait3A_10 : memref<128xi32, #tpu.memory_space<hbm>>) dst(%arg5 : memref<128xi32, #tpu.memory_space<vmem>>)
      tpu.yield
    }) : () -> ()
    %dma_start3A = arith.constant 0 : i32
    %dma_start3A_3 = arith.constant 0 : i32
    %dma_start3A_4 = tpu.memref_slice %arg2[%dma_start3A, %dma_start3A_3] : memref<98304x8xf32, #tpu.memory_space<hbm>> -> memref<98304x8xf32, #tpu.memory_space<hbm>>
    tpu.enqueue_indirect_dma source(%dma_start3A_4 : memref<98304x8xf32, #tpu.memory_space<hbm>>) target(%arg6 : memref<128x8xf32, #tpu.memory_space<vmem>>) offsets(%arg5 : memref<128xi32, #tpu.memory_space<vmem>>) semaphore(%arg7 : memref<!tpu.dma_semaphore, #tpu.memory_space<semaphore_mem>>)
    %dma_wait3A = arith.constant 0 : i32
    %dma_wait3A_5 = arith.constant 0 : i32
    %dma_wait3A_6 = tpu.memref_slice %arg2[%dma_wait3A, %dma_wait3A_5] : memref<98304x8xf32, #tpu.memory_space<hbm>> -> memref<98304x8xf32, #tpu.memory_space<hbm>>
    tpu.wait_indirect_dma semaphore(%arg7 : memref<!tpu.dma_semaphore, #tpu.memory_space<semaphore_mem>>) src(%dma_wait3A_6 : memref<98304x8xf32, #tpu.memory_space<hbm>>) dst(%arg6 : memref<128x8xf32, #tpu.memory_space<vmem>>)
    "tpu.region"() ({
      %run_scoped3A = tpu.sem_alloc : memref<!tpu.dma_semaphore, #tpu.memory_space<semaphore_mem>>
      %dma_start3A_7 = arith.constant 0 : i32
      %dma_start3A_8 = tpu.memref_slice %arg4[%mul3A_2, %dma_start3A_7] : memref<4096x8xf32, #tpu.memory_space<hbm>> -> memref<128x8xf32, #tpu.memory_space<hbm>>
      %dma_start3A_9 = arith.constant 0 : i32
      %dma_start3A_10 = tpu.memref_slice %arg4[%mul3A_2, %dma_start3A_9] : memref<4096x8xf32, #tpu.memory_space<hbm>> -> memref<128x8xf32, #tpu.memory_space<hbm>>
      tpu.enqueue_dma source(%arg6 : memref<128x8xf32, #tpu.memory_space<vmem>>) target(%dma_start3A_10 : memref<128x8xf32, #tpu.memory_space<hbm>>) target_semaphore(%run_scoped3A : memref<!tpu.dma_semaphore, #tpu.memory_space<semaphore_mem>>)
      %dma_wait3A_11 = arith.constant 0 : i32
      %dma_wait3A_12 = tpu.memref_slice %arg4[%mul3A_2, %dma_wait3A_11] : memref<4096x8xf32, #tpu.memory_space<hbm>> -> memref<128x8xf32, #tpu.memory_space<hbm>>
      %dma_wait3A_13 = arith.constant 0 : i32
      %dma_wait3A_14 = tpu.memref_slice %arg4[%mul3A_2, %dma_wait3A_13] : memref<4096x8xf32, #tpu.memory_space<hbm>> -> memref<128x8xf32, #tpu.memory_space<hbm>>
      tpu.wait_dma2 semaphore(%run_scoped3A : memref<!tpu.dma_semaphore, #tpu.memory_space<semaphore_mem>>) src(%arg6 : memref<128x8xf32, #tpu.memory_space<vmem>>) dst(%dma_wait3A_14 : memref<128x8xf32, #tpu.memory_space<hbm>>)
      tpu.yield
    }) : () -> ()
    return
  }
}

module attributes {stable_mosaic.version = 14 : i64} {
  func.func @_nms_body(%arg0: i32, %arg1: memref<1x8x6x128xf32, #tpu.memory_space<vmem>>, %arg2: memref<1x6x128xf32, #tpu.memory_space<vmem>>, %arg3: memref<1x16x6x128xf32, #tpu.memory_space<vmem>>, %arg4: memref<128x6x128xf32, #tpu.memory_space<vmem>>) attributes {dimension_semantics = [#tpu.dimension_semantics<arbitrary>], iteration_bounds = array<i64: 2>, scalar_prefetch = 0 : i64, scratch_operands = 1 : i64, tpu.core_type = #tpu.core_type<tc>, window_params = [{transform_indices = @transform_0, window_bounds = array<i64: 1, 8, 6, 128>}, {transform_indices = @transform_1, window_bounds = array<i64: 1, 6, 128>}, {transform_indices = @transform_2, window_bounds = array<i64: 1, 16, 6, 128>}]} {
    %get3A = arith.constant 0 : index
    %get3A_0 = arith.constant 0 : index
    %get3A_1 = arith.constant 0 : index
    %get3A_2 = arith.constant 0 : index
    %get3A_3 = vector.load %arg1[%get3A, %get3A_0, %get3A_1, %get3A_2] : memref<1x8x6x128xf32, #tpu.memory_space<vmem>>, vector<1x1x6x128xf32>
    %get3A_4 = vector.shape_cast %get3A_3 : vector<1x1x6x128xf32> to vector<6x128xf32>
    %get3A_5 = arith.constant 0 : index
    %get3A_6 = arith.constant 1 : index
    %get3A_7 = arith.constant 0 : index
    %get3A_8 = arith.constant 0 : index
    %get3A_9 = vector.load %arg1[%get3A_5, %get3A_6, %get3A_7, %get3A_8] : memref<1x8x6x128xf32, #tpu.memory_space<vmem>>, vector<1x1x6x128xf32>
    %get3A_10 = vector.shape_cast %get3A_9 : vector<1x1x6x128xf32> to vector<6x128xf32>
    %get3A_11 = arith.constant 0 : index
    %get3A_12 = arith.constant 2 : index
    %get3A_13 = arith.constant 0 : index
    %get3A_14 = arith.constant 0 : index
    %get3A_15 = vector.load %arg1[%get3A_11, %get3A_12, %get3A_13, %get3A_14] : memref<1x8x6x128xf32, #tpu.memory_space<vmem>>, vector<1x1x6x128xf32>
    %get3A_16 = vector.shape_cast %get3A_15 : vector<1x1x6x128xf32> to vector<6x128xf32>
    %get3A_17 = arith.constant 0 : index
    %get3A_18 = arith.constant 3 : index
    %get3A_19 = arith.constant 0 : index
    %get3A_20 = arith.constant 0 : index
    %get3A_21 = vector.load %arg1[%get3A_17, %get3A_18, %get3A_19, %get3A_20] : memref<1x8x6x128xf32, #tpu.memory_space<vmem>>, vector<1x1x6x128xf32>
    %get3A_22 = vector.shape_cast %get3A_21 : vector<1x1x6x128xf32> to vector<6x128xf32>
    %get3A_23 = arith.constant 0 : index
    %get3A_24 = arith.constant 4 : index
    %get3A_25 = arith.constant 0 : index
    %get3A_26 = arith.constant 0 : index
    %get3A_27 = vector.load %arg1[%get3A_23, %get3A_24, %get3A_25, %get3A_26] : memref<1x8x6x128xf32, #tpu.memory_space<vmem>>, vector<1x1x6x128xf32>
    %get3A_28 = vector.shape_cast %get3A_27 : vector<1x1x6x128xf32> to vector<6x128xf32>
    %get3A_29 = arith.constant 0 : index
    %get3A_30 = arith.constant 5 : index
    %get3A_31 = arith.constant 0 : index
    %get3A_32 = arith.constant 0 : index
    %get3A_33 = vector.load %arg1[%get3A_29, %get3A_30, %get3A_31, %get3A_32] : memref<1x8x6x128xf32, #tpu.memory_space<vmem>>, vector<1x1x6x128xf32>
    %get3A_34 = vector.shape_cast %get3A_33 : vector<1x1x6x128xf32> to vector<6x128xf32>
    %get3A_35 = arith.constant 0 : index
    %get3A_36 = arith.constant 6 : index
    %get3A_37 = arith.constant 0 : index
    %get3A_38 = arith.constant 0 : index
    %get3A_39 = vector.load %arg1[%get3A_35, %get3A_36, %get3A_37, %get3A_38] : memref<1x8x6x128xf32, #tpu.memory_space<vmem>>, vector<1x1x6x128xf32>
    %get3A_40 = vector.shape_cast %get3A_39 : vector<1x1x6x128xf32> to vector<6x128xf32>
    %get3A_41 = arith.constant 0 : index
    %get3A_42 = arith.constant 7 : index
    %get3A_43 = arith.constant 0 : index
    %get3A_44 = arith.constant 0 : index
    %get3A_45 = vector.load %arg1[%get3A_41, %get3A_42, %get3A_43, %get3A_44] : memref<1x8x6x128xf32, #tpu.memory_space<vmem>>, vector<1x1x6x128xf32>
    %get3A_46 = vector.shape_cast %get3A_45 : vector<1x1x6x128xf32> to vector<6x128xf32>
    %min3A = arith.minimumf %get3A_4, %get3A_16 : vector<6x128xf32>
    %min3A_47 = arith.minimumf %get3A_28, %get3A_40 : vector<6x128xf32>
    %min3A_48 = arith.minimumf %min3A, %min3A_47 : vector<6x128xf32>
    %min3A_49 = arith.minimumf %get3A_10, %get3A_22 : vector<6x128xf32>
    %min3A_50 = arith.minimumf %get3A_34, %get3A_46 : vector<6x128xf32>
    %min3A_51 = arith.minimumf %min3A_49, %min3A_50 : vector<6x128xf32>
    %max3A = arith.maximumf %get3A_4, %get3A_16 : vector<6x128xf32>
    %max3A_52 = arith.maximumf %get3A_28, %get3A_40 : vector<6x128xf32>
    %max3A_53 = arith.maximumf %max3A, %max3A_52 : vector<6x128xf32>
    %max3A_54 = arith.maximumf %get3A_10, %get3A_22 : vector<6x128xf32>
    %max3A_55 = arith.maximumf %get3A_34, %get3A_46 : vector<6x128xf32>
    %max3A_56 = arith.maximumf %max3A_54, %max3A_55 : vector<6x128xf32>
    %sub3A = arith.subf %max3A_53, %min3A_48 : vector<6x128xf32>
    %max3A_57 = arith.constant 0.000000e+00 : f32
    %max3A_58 = vector.broadcast %max3A_57 : f32 to vector<6x128xf32>
    %max3A_59 = arith.maximumf %sub3A, %max3A_58 : vector<6x128xf32>
    %sub3A_60 = arith.subf %max3A_56, %min3A_51 : vector<6x128xf32>
    %max3A_61 = arith.constant 0.000000e+00 : f32
    %max3A_62 = vector.broadcast %max3A_61 : f32 to vector<6x128xf32>
    %max3A_63 = arith.maximumf %sub3A_60, %max3A_62 : vector<6x128xf32>
    %mul3A = arith.mulf %max3A_59, %max3A_63 : vector<6x128xf32>
    %iota3A = tpu.iota {dimensions = array<i32: 0>} : vector<6x128xi32>
    %mul3A_64 = arith.constant 128 : i32
    %mul3A_65 = vector.broadcast %mul3A_64 : i32 to vector<6x128xi32>
    %mul3A_66 = arith.muli %iota3A, %mul3A_65 : vector<6x128xi32>
    %iota3A_67 = tpu.iota {dimensions = array<i32: 1>} : vector<6x128xi32>
    %add3A = arith.addi %mul3A_66, %iota3A_67 : vector<6x128xi32>
    %lt3A = arith.constant 768 : i32
    %lt3A_68 = vector.broadcast %lt3A : i32 to vector<6x128xi32>
    %lt3A_69 = arith.cmpi slt, %add3A, %lt3A_68 : vector<6x128xi32>
    %iota3A_70 = tpu.iota {dimensions = array<i32: 1>} : vector<1x128xi32>
    %iota3A_71 = vector.shape_cast %iota3A_70 : vector<1x128xi32> to vector<128xi32>
    %convert_element_type3A = arith.extui %lt3A_69 : vector<6x128xi1> to vector<6x128xi32>
    %convert_element_type3A_72 = arith.sitofp %convert_element_type3A : vector<6x128xi32> to vector<6x128xf32>
    %slice3A = vector.extract_strided_slice %min3A_48 {offsets = [0, 0], sizes = [1, 128], strides = [1, 1]} : vector<6x128xf32> to vector<1x128xf32>
    %transpose3A = tpu.transpose %slice3A, [1, 0] : vector<1x128xf32> -> vector<128x1xf32>
    %broadcast_in_dim3A = vector.shape_cast %transpose3A : vector<128x1xf32> to vector<128x1x1xf32>
    %broadcast_in_dim3A_73 = vector.shape_cast %min3A_48 : vector<6x128xf32> to vector<1x6x128xf32>
    %max3A_74 = vector.broadcast %broadcast_in_dim3A : vector<128x1x1xf32> to vector<128x6x128xf32>
    %max3A_75 = vector.broadcast %broadcast_in_dim3A_73 : vector<1x6x128xf32> to vector<128x6x128xf32>
    %max3A_76 = arith.maximumf %max3A_74, %max3A_75 : vector<128x6x128xf32>
    %slice3A_77 = vector.extract_strided_slice %min3A_51 {offsets = [0, 0], sizes = [1, 128], strides = [1, 1]} : vector<6x128xf32> to vector<1x128xf32>
    %transpose3A_78 = tpu.transpose %slice3A_77, [1, 0] : vector<1x128xf32> -> vector<128x1xf32>
    %broadcast_in_dim3A_79 = vector.shape_cast %transpose3A_78 : vector<128x1xf32> to vector<128x1x1xf32>
    %broadcast_in_dim3A_80 = vector.shape_cast %min3A_51 : vector<6x128xf32> to vector<1x6x128xf32>
    %max3A_81 = vector.broadcast %broadcast_in_dim3A_79 : vector<128x1x1xf32> to vector<128x6x128xf32>
    %max3A_82 = vector.broadcast %broadcast_in_dim3A_80 : vector<1x6x128xf32> to vector<128x6x128xf32>
    %max3A_83 = arith.maximumf %max3A_81, %max3A_82 : vector<128x6x128xf32>
    %slice3A_84 = vector.extract_strided_slice %max3A_53 {offsets = [0, 0], sizes = [1, 128], strides = [1, 1]} : vector<6x128xf32> to vector<1x128xf32>
    %transpose3A_85 = tpu.transpose %slice3A_84, [1, 0] : vector<1x128xf32> -> vector<128x1xf32>
    %broadcast_in_dim3A_86 = vector.shape_cast %transpose3A_85 : vector<128x1xf32> to vector<128x1x1xf32>
    %broadcast_in_dim3A_87 = vector.shape_cast %max3A_53 : vector<6x128xf32> to vector<1x6x128xf32>
    %min3A_88 = vector.broadcast %broadcast_in_dim3A_86 : vector<128x1x1xf32> to vector<128x6x128xf32>
    %min3A_89 = vector.broadcast %broadcast_in_dim3A_87 : vector<1x6x128xf32> to vector<128x6x128xf32>
    %min3A_90 = arith.minimumf %min3A_88, %min3A_89 : vector<128x6x128xf32>
    %slice3A_91 = vector.extract_strided_slice %max3A_56 {offsets = [0, 0], sizes = [1, 128], strides = [1, 1]} : vector<6x128xf32> to vector<1x128xf32>
    %transpose3A_92 = tpu.transpose %slice3A_91, [1, 0] : vector<1x128xf32> -> vector<128x1xf32>
    %broadcast_in_dim3A_93 = vector.shape_cast %transpose3A_92 : vector<128x1xf32> to vector<128x1x1xf32>
    %broadcast_in_dim3A_94 = vector.shape_cast %max3A_56 : vector<6x128xf32> to vector<1x6x128xf32>
    %min3A_95 = vector.broadcast %broadcast_in_dim3A_93 : vector<128x1x1xf32> to vector<128x6x128xf32>
    %min3A_96 = vector.broadcast %broadcast_in_dim3A_94 : vector<1x6x128xf32> to vector<128x6x128xf32>
    %min3A_97 = arith.minimumf %min3A_95, %min3A_96 : vector<128x6x128xf32>
    %sub3A_98 = arith.subf %min3A_90, %max3A_76 : vector<128x6x128xf32>
    %max3A_99 = arith.constant 0.000000e+00 : f32
    %max3A_100 = vector.broadcast %max3A_99 : f32 to vector<128x6x128xf32>
    %max3A_101 = arith.maximumf %sub3A_98, %max3A_100 : vector<128x6x128xf32>
    %sub3A_102 = arith.subf %min3A_97, %max3A_83 : vector<128x6x128xf32>
    %max3A_103 = arith.constant 0.000000e+00 : f32
    %max3A_104 = vector.broadcast %max3A_103 : f32 to vector<128x6x128xf32>
    %max3A_105 = arith.maximumf %sub3A_102, %max3A_104 : vector<128x6x128xf32>
    %mul3A_106 = arith.mulf %max3A_101, %max3A_105 : vector<128x6x128xf32>
    %slice3A_107 = vector.extract_strided_slice %mul3A {offsets = [0, 0], sizes = [1, 128], strides = [1, 1]} : vector<6x128xf32> to vector<1x128xf32>
    %transpose3A_108 = tpu.transpose %slice3A_107, [1, 0] : vector<1x128xf32> -> vector<128x1xf32>
    %broadcast_in_dim3A_109 = vector.shape_cast %transpose3A_108 : vector<128x1xf32> to vector<128x1x1xf32>
    %broadcast_in_dim3A_110 = vector.shape_cast %mul3A : vector<6x128xf32> to vector<1x6x128xf32>
    %add3A_111 = vector.broadcast %broadcast_in_dim3A_109 : vector<128x1x1xf32> to vector<128x6x128xf32>
    %add3A_112 = vector.broadcast %broadcast_in_dim3A_110 : vector<1x6x128xf32> to vector<128x6x128xf32>
    %add3A_113 = arith.addf %add3A_111, %add3A_112 : vector<128x6x128xf32>
    %sub3A_114 = arith.subf %add3A_113, %mul3A_106 : vector<128x6x128xf32>
    %add3A_115 = arith.constant 9.99999971E-10 : f32
    %add3A_116 = vector.broadcast %add3A_115 : f32 to vector<128x6x128xf32>
    %add3A_117 = arith.addf %sub3A_114, %add3A_116 : vector<128x6x128xf32>
    %div3A = arith.divf %mul3A_106, %add3A_117 : vector<128x6x128xf32>
    %iota3A_118 = tpu.iota {dimensions = array<i32: 0>} : vector<128x1x1xi32>
    %add3A_119 = arith.constant 0 : i32
    %add3A_120 = vector.broadcast %add3A_119 : i32 to vector<128x1x1xi32>
    %add3A_121 = arith.addi %add3A_120, %iota3A_118 : vector<128x1x1xi32>
    %gt3A = arith.constant 8.000000e-01 : f32
    %gt3A_122 = vector.broadcast %gt3A : f32 to vector<128x6x128xf32>
    %gt3A_123 = arith.cmpf ogt, %div3A, %gt3A_122 : vector<128x6x128xf32>
    %broadcast_in_dim3A_124 = vector.shape_cast %add3A : vector<6x128xi32> to vector<1x6x128xi32>
    %gt3A_125 = vector.broadcast %broadcast_in_dim3A_124 : vector<1x6x128xi32> to vector<128x6x128xi32>
    %gt3A_126 = vector.broadcast %add3A_121 : vector<128x1x1xi32> to vector<128x6x128xi32>
    %gt3A_127 = arith.cmpi sgt, %gt3A_125, %gt3A_126 : vector<128x6x128xi32>
    %and3A = arith.andi %gt3A_123, %gt3A_127 : vector<128x6x128xi1>
    %broadcast_in_dim3A_128 = vector.shape_cast %lt3A_69 : vector<6x128xi1> to vector<1x6x128xi1>
    %and3A_129 = vector.broadcast %broadcast_in_dim3A_128 : vector<1x6x128xi1> to vector<128x6x128xi1>
    %and3A_130 = arith.andi %and3A, %and3A_129 : vector<128x6x128xi1>
    %convert_element_type3A_131 = arith.extui %and3A_130 : vector<128x6x128xi1> to vector<128x6x128xi32>
    %convert_element_type3A_132 = arith.sitofp %convert_element_type3A_131 : vector<128x6x128xi32> to vector<128x6x128xf32>
    %swap3A = arith.constant 0 : index
    %swap3A_133 = arith.constant 0 : index
    %swap3A_134 = arith.constant 0 : index
    %swap3A_135 = vector.load %arg4[%swap3A, %swap3A_133, %swap3A_134] : memref<128x6x128xf32, #tpu.memory_space<vmem>>, vector<128x6x128xf32>
    tpu.vector_store %arg4[%swap3A, %swap3A_133, %swap3A_134], %convert_element_type3A_132 {strides = array<i32>} : memref<128x6x128xf32, #tpu.memory_space<vmem>>, vector<128x6x128xf32>,
    %scan3A = arith.constant 0 : i32
    %scan3A_136 = arith.constant 128 : i32
    %scan3A_137 = arith.addi %scan3A, %scan3A_136 : i32
    %scan3A_138 = arith.constant 1 : i32
    %scan3A_139 = scf.for %scan3A_649 = %scan3A to %scan3A_137 step %scan3A_138 iter_args(%scan3A_650 = %convert_element_type3A_72) -> (vector<6x128xf32>)  : i32 {
      %eq3A = vector.broadcast %scan3A_649 : i32 to vector<128xi32>
      %eq3A_651 = arith.cmpi eq, %iota3A_71, %eq3A : vector<128xi32>
      %slice3A_652 = vector.extract_strided_slice %scan3A_650 {offsets = [0, 0], sizes = [1, 128], strides = [1, 1]} : vector<6x128xf32> to vector<1x128xf32>
      %squeeze3A = vector.shape_cast %slice3A_652 : vector<1x128xf32> to vector<128xf32>
      %jit3A = arith.constant 0.000000e+00 : f32
      %broadcast_in_dim3A_653 = vector.broadcast %jit3A : f32 to vector<128xf32>
      %select_n3A = arith.select %eq3A_651, %squeeze3A, %broadcast_in_dim3A_653 : vector<128xi1>, vector<128xf32>
      %reduce_sum3A = vector.shape_cast %select_n3A : vector<128xf32> to vector<1x128xf32>
      %reduce_sum3A_654 = arith.constant dense<0.000000e+00> : vector<1xf32>
      %reduce_sum3A_655 = vector.multi_reduction <add>, %reduce_sum3A, %reduce_sum3A_654 [1] : vector<1x128xf32> to vector<1xf32>
      %reduce_sum3A_656 = vector.shape_cast %reduce_sum3A_655 : vector<1xf32> to vector<1x1xf32>
      %reduce_sum3A_657 = vector.extract %reduce_sum3A_656[0, 0] : f32 from vector<1x1xf32>
      %get3A_658 = arith.index_cast %scan3A_649 : i32 to index
      %get3A_659 = arith.constant 0 : index
      %get3A_660 = arith.constant 0 : index
      %get3A_661 = vector.load %arg4[%get3A_658, %get3A_659, %get3A_660] : memref<128x6x128xf32, #tpu.memory_space<vmem>>, vector<1x6x128xf32>
      %get3A_662 = vector.shape_cast %get3A_661 : vector<1x6x128xf32> to vector<6x128xf32>
      %mul3A_663 = vector.broadcast %reduce_sum3A_657 : f32 to vector<6x128xf32>
      %mul3A_664 = arith.mulf %mul3A_663, %get3A_662 : vector<6x128xf32>
      %sub3A_665 = arith.constant 1.000000e+00 : f32
      %sub3A_666 = vector.broadcast %sub3A_665 : f32 to vector<6x128xf32>
      %sub3A_667 = arith.subf %sub3A_666, %mul3A_664 : vector<6x128xf32>
      %mul3A_668 = arith.mulf %scan3A_650, %sub3A_667 : vector<6x128xf32>
      scf.yield %mul3A_668 : vector<6x128xf32>
    }
    %scan3A_140 = arith.constant 128 : i32
    %slice3A_141 = vector.extract_strided_slice %min3A_48 {offsets = [1, 0], sizes = [1, 128], strides = [1, 1]} : vector<6x128xf32> to vector<1x128xf32>
    %transpose3A_142 = tpu.transpose %slice3A_141, [1, 0] : vector<1x128xf32> -> vector<128x1xf32>
    %broadcast_in_dim3A_143 = vector.shape_cast %transpose3A_142 : vector<128x1xf32> to vector<128x1x1xf32>
    %broadcast_in_dim3A_144 = vector.shape_cast %min3A_48 : vector<6x128xf32> to vector<1x6x128xf32>
    %max3A_145 = vector.broadcast %broadcast_in_dim3A_143 : vector<128x1x1xf32> to vector<128x6x128xf32>
    %max3A_146 = vector.broadcast %broadcast_in_dim3A_144 : vector<1x6x128xf32> to vector<128x6x128xf32>
    %max3A_147 = arith.maximumf %max3A_145, %max3A_146 : vector<128x6x128xf32>
    %slice3A_148 = vector.extract_strided_slice %min3A_51 {offsets = [1, 0], sizes = [1, 128], strides = [1, 1]} : vector<6x128xf32> to vector<1x128xf32>
    %transpose3A_149 = tpu.transpose %slice3A_148, [1, 0] : vector<1x128xf32> -> vector<128x1xf32>
    %broadcast_in_dim3A_150 = vector.shape_cast %transpose3A_149 : vector<128x1xf32> to vector<128x1x1xf32>
    %broadcast_in_dim3A_151 = vector.shape_cast %min3A_51 : vector<6x128xf32> to vector<1x6x128xf32>
    %max3A_152 = vector.broadcast %broadcast_in_dim3A_150 : vector<128x1x1xf32> to vector<128x6x128xf32>
    %max3A_153 = vector.broadcast %broadcast_in_dim3A_151 : vector<1x6x128xf32> to vector<128x6x128xf32>
    %max3A_154 = arith.maximumf %max3A_152, %max3A_153 : vector<128x6x128xf32>
    %slice3A_155 = vector.extract_strided_slice %max3A_53 {offsets = [1, 0], sizes = [1, 128], strides = [1, 1]} : vector<6x128xf32> to vector<1x128xf32>
    %transpose3A_156 = tpu.transpose %slice3A_155, [1, 0] : vector<1x128xf32> -> vector<128x1xf32>
    %broadcast_in_dim3A_157 = vector.shape_cast %transpose3A_156 : vector<128x1xf32> to vector<128x1x1xf32>
    %broadcast_in_dim3A_158 = vector.shape_cast %max3A_53 : vector<6x128xf32> to vector<1x6x128xf32>
    %min3A_159 = vector.broadcast %broadcast_in_dim3A_157 : vector<128x1x1xf32> to vector<128x6x128xf32>
    %min3A_160 = vector.broadcast %broadcast_in_dim3A_158 : vector<1x6x128xf32> to vector<128x6x128xf32>
    %min3A_161 = arith.minimumf %min3A_159, %min3A_160 : vector<128x6x128xf32>
    %slice3A_162 = vector.extract_strided_slice %max3A_56 {offsets = [1, 0], sizes = [1, 128], strides = [1, 1]} : vector<6x128xf32> to vector<1x128xf32>
    %transpose3A_163 = tpu.transpose %slice3A_162, [1, 0] : vector<1x128xf32> -> vector<128x1xf32>
    %broadcast_in_dim3A_164 = vector.shape_cast %transpose3A_163 : vector<128x1xf32> to vector<128x1x1xf32>
    %broadcast_in_dim3A_165 = vector.shape_cast %max3A_56 : vector<6x128xf32> to vector<1x6x128xf32>
    %min3A_166 = vector.broadcast %broadcast_in_dim3A_164 : vector<128x1x1xf32> to vector<128x6x128xf32>
    %min3A_167 = vector.broadcast %broadcast_in_dim3A_165 : vector<1x6x128xf32> to vector<128x6x128xf32>
    %min3A_168 = arith.minimumf %min3A_166, %min3A_167 : vector<128x6x128xf32>
    %sub3A_169 = arith.subf %min3A_161, %max3A_147 : vector<128x6x128xf32>
    %max3A_170 = arith.constant 0.000000e+00 : f32
    %max3A_171 = vector.broadcast %max3A_170 : f32 to vector<128x6x128xf32>
    %max3A_172 = arith.maximumf %sub3A_169, %max3A_171 : vector<128x6x128xf32>
    %sub3A_173 = arith.subf %min3A_168, %max3A_154 : vector<128x6x128xf32>
    %max3A_174 = arith.constant 0.000000e+00 : f32
    %max3A_175 = vector.broadcast %max3A_174 : f32 to vector<128x6x128xf32>
    %max3A_176 = arith.maximumf %sub3A_173, %max3A_175 : vector<128x6x128xf32>
    %mul3A_177 = arith.mulf %max3A_172, %max3A_176 : vector<128x6x128xf32>
    %slice3A_178 = vector.extract_strided_slice %mul3A {offsets = [1, 0], sizes = [1, 128], strides = [1, 1]} : vector<6x128xf32> to vector<1x128xf32>
    %transpose3A_179 = tpu.transpose %slice3A_178, [1, 0] : vector<1x128xf32> -> vector<128x1xf32>
    %broadcast_in_dim3A_180 = vector.shape_cast %transpose3A_179 : vector<128x1xf32> to vector<128x1x1xf32>
    %broadcast_in_dim3A_181 = vector.shape_cast %mul3A : vector<6x128xf32> to vector<1x6x128xf32>
    %add3A_182 = vector.broadcast %broadcast_in_dim3A_180 : vector<128x1x1xf32> to vector<128x6x128xf32>
    %add3A_183 = vector.broadcast %broadcast_in_dim3A_181 : vector<1x6x128xf32> to vector<128x6x128xf32>
    %add3A_184 = arith.addf %add3A_182, %add3A_183 : vector<128x6x128xf32>
    %sub3A_185 = arith.subf %add3A_184, %mul3A_177 : vector<128x6x128xf32>
    %add3A_186 = arith.constant 9.99999971E-10 : f32
    %add3A_187 = vector.broadcast %add3A_186 : f32 to vector<128x6x128xf32>
    %add3A_188 = arith.addf %sub3A_185, %add3A_187 : vector<128x6x128xf32>
    %div3A_189 = arith.divf %mul3A_177, %add3A_188 : vector<128x6x128xf32>
    %iota3A_190 = tpu.iota {dimensions = array<i32: 0>} : vector<128x1x1xi32>
    %add3A_191 = arith.constant 128 : i32
    %add3A_192 = vector.broadcast %add3A_191 : i32 to vector<128x1x1xi32>
    %add3A_193 = arith.addi %add3A_192, %iota3A_190 : vector<128x1x1xi32>
    %gt3A_194 = arith.constant 8.000000e-01 : f32
    %gt3A_195 = vector.broadcast %gt3A_194 : f32 to vector<128x6x128xf32>
    %gt3A_196 = arith.cmpf ogt, %div3A_189, %gt3A_195 : vector<128x6x128xf32>
    %broadcast_in_dim3A_197 = vector.shape_cast %add3A : vector<6x128xi32> to vector<1x6x128xi32>
    %gt3A_198 = vector.broadcast %broadcast_in_dim3A_197 : vector<1x6x128xi32> to vector<128x6x128xi32>
    %gt3A_199 = vector.broadcast %add3A_193 : vector<128x1x1xi32> to vector<128x6x128xi32>
    %gt3A_200 = arith.cmpi sgt, %gt3A_198, %gt3A_199 : vector<128x6x128xi32>
    %and3A_201 = arith.andi %gt3A_196, %gt3A_200 : vector<128x6x128xi1>
    %broadcast_in_dim3A_202 = vector.shape_cast %lt3A_69 : vector<6x128xi1> to vector<1x6x128xi1>
    %and3A_203 = vector.broadcast %broadcast_in_dim3A_202 : vector<1x6x128xi1> to vector<128x6x128xi1>
    %and3A_204 = arith.andi %and3A_201, %and3A_203 : vector<128x6x128xi1>
    %convert_element_type3A_205 = arith.extui %and3A_204 : vector<128x6x128xi1> to vector<128x6x128xi32>
    %convert_element_type3A_206 = arith.sitofp %convert_element_type3A_205 : vector<128x6x128xi32> to vector<128x6x128xf32>
    %swap3A_207 = arith.constant 0 : index
    %swap3A_208 = arith.constant 0 : index
    %swap3A_209 = arith.constant 0 : index
    %swap3A_210 = vector.load %arg4[%swap3A_207, %swap3A_208, %swap3A_209] : memref<128x6x128xf32, #tpu.memory_space<vmem>>, vector<128x6x128xf32>
    tpu.vector_store %arg4[%swap3A_207, %swap3A_208, %swap3A_209], %convert_element_type3A_206 {strides = array<i32>} : memref<128x6x128xf32, #tpu.memory_space<vmem>>, vector<128x6x128xf32>,
    %scan3A_211 = arith.constant 0 : i32
    %scan3A_212 = arith.constant 128 : i32
    %scan3A_213 = arith.addi %scan3A_211, %scan3A_212 : i32
    %scan3A_214 = arith.constant 1 : i32
    %scan3A_215 = scf.for %scan3A_649 = %scan3A_211 to %scan3A_213 step %scan3A_214 iter_args(%scan3A_650 = %scan3A_139) -> (vector<6x128xf32>)  : i32 {
      %eq3A = vector.broadcast %scan3A_649 : i32 to vector<128xi32>
      %eq3A_651 = arith.cmpi eq, %iota3A_71, %eq3A : vector<128xi32>
      %slice3A_652 = vector.extract_strided_slice %scan3A_650 {offsets = [1, 0], sizes = [1, 128], strides = [1, 1]} : vector<6x128xf32> to vector<1x128xf32>
      %squeeze3A = vector.shape_cast %slice3A_652 : vector<1x128xf32> to vector<128xf32>
      %jit3A = arith.constant 0.000000e+00 : f32
      %broadcast_in_dim3A_653 = vector.broadcast %jit3A : f32 to vector<128xf32>
      %select_n3A = arith.select %eq3A_651, %squeeze3A, %broadcast_in_dim3A_653 : vector<128xi1>, vector<128xf32>
      %reduce_sum3A = vector.shape_cast %select_n3A : vector<128xf32> to vector<1x128xf32>
      %reduce_sum3A_654 = arith.constant dense<0.000000e+00> : vector<1xf32>
      %reduce_sum3A_655 = vector.multi_reduction <add>, %reduce_sum3A, %reduce_sum3A_654 [1] : vector<1x128xf32> to vector<1xf32>
      %reduce_sum3A_656 = vector.shape_cast %reduce_sum3A_655 : vector<1xf32> to vector<1x1xf32>
      %reduce_sum3A_657 = vector.extract %reduce_sum3A_656[0, 0] : f32 from vector<1x1xf32>
      %get3A_658 = arith.index_cast %scan3A_649 : i32 to index
      %get3A_659 = arith.constant 0 : index
      %get3A_660 = arith.constant 0 : index
      %get3A_661 = vector.load %arg4[%get3A_658, %get3A_659, %get3A_660] : memref<128x6x128xf32, #tpu.memory_space<vmem>>, vector<1x6x128xf32>
      %get3A_662 = vector.shape_cast %get3A_661 : vector<1x6x128xf32> to vector<6x128xf32>
      %mul3A_663 = vector.broadcast %reduce_sum3A_657 : f32 to vector<6x128xf32>
      %mul3A_664 = arith.mulf %mul3A_663, %get3A_662 : vector<6x128xf32>
      %sub3A_665 = arith.constant 1.000000e+00 : f32
      %sub3A_666 = vector.broadcast %sub3A_665 : f32 to vector<6x128xf32>
      %sub3A_667 = arith.subf %sub3A_666, %mul3A_664 : vector<6x128xf32>
      %mul3A_668 = arith.mulf %scan3A_650, %sub3A_667 : vector<6x128xf32>
      scf.yield %mul3A_668 : vector<6x128xf32>
    }
    %scan3A_216 = arith.constant 128 : i32
    %slice3A_217 = vector.extract_strided_slice %min3A_48 {offsets = [2, 0], sizes = [1, 128], strides = [1, 1]} : vector<6x128xf32> to vector<1x128xf32>
    %transpose3A_218 = tpu.transpose %slice3A_217, [1, 0] : vector<1x128xf32> -> vector<128x1xf32>
    %broadcast_in_dim3A_219 = vector.shape_cast %transpose3A_218 : vector<128x1xf32> to vector<128x1x1xf32>
    %broadcast_in_dim3A_220 = vector.shape_cast %min3A_48 : vector<6x128xf32> to vector<1x6x128xf32>
    %max3A_221 = vector.broadcast %broadcast_in_dim3A_219 : vector<128x1x1xf32> to vector<128x6x128xf32>
    %max3A_222 = vector.broadcast %broadcast_in_dim3A_220 : vector<1x6x128xf32> to vector<128x6x128xf32>
    %max3A_223 = arith.maximumf %max3A_221, %max3A_222 : vector<128x6x128xf32>
    %slice3A_224 = vector.extract_strided_slice %min3A_51 {offsets = [2, 0], sizes = [1, 128], strides = [1, 1]} : vector<6x128xf32> to vector<1x128xf32>
    %transpose3A_225 = tpu.transpose %slice3A_224, [1, 0] : vector<1x128xf32> -> vector<128x1xf32>
    %broadcast_in_dim3A_226 = vector.shape_cast %transpose3A_225 : vector<128x1xf32> to vector<128x1x1xf32>
    %broadcast_in_dim3A_227 = vector.shape_cast %min3A_51 : vector<6x128xf32> to vector<1x6x128xf32>
    %max3A_228 = vector.broadcast %broadcast_in_dim3A_226 : vector<128x1x1xf32> to vector<128x6x128xf32>
    %max3A_229 = vector.broadcast %broadcast_in_dim3A_227 : vector<1x6x128xf32> to vector<128x6x128xf32>
    %max3A_230 = arith.maximumf %max3A_228, %max3A_229 : vector<128x6x128xf32>
    %slice3A_231 = vector.extract_strided_slice %max3A_53 {offsets = [2, 0], sizes = [1, 128], strides = [1, 1]} : vector<6x128xf32> to vector<1x128xf32>
    %transpose3A_232 = tpu.transpose %slice3A_231, [1, 0] : vector<1x128xf32> -> vector<128x1xf32>
    %broadcast_in_dim3A_233 = vector.shape_cast %transpose3A_232 : vector<128x1xf32> to vector<128x1x1xf32>
    %broadcast_in_dim3A_234 = vector.shape_cast %max3A_53 : vector<6x128xf32> to vector<1x6x128xf32>
    %min3A_235 = vector.broadcast %broadcast_in_dim3A_233 : vector<128x1x1xf32> to vector<128x6x128xf32>
    %min3A_236 = vector.broadcast %broadcast_in_dim3A_234 : vector<1x6x128xf32> to vector<128x6x128xf32>
    %min3A_237 = arith.minimumf %min3A_235, %min3A_236 : vector<128x6x128xf32>
    %slice3A_238 = vector.extract_strided_slice %max3A_56 {offsets = [2, 0], sizes = [1, 128], strides = [1, 1]} : vector<6x128xf32> to vector<1x128xf32>
    %transpose3A_239 = tpu.transpose %slice3A_238, [1, 0] : vector<1x128xf32> -> vector<128x1xf32>
    %broadcast_in_dim3A_240 = vector.shape_cast %transpose3A_239 : vector<128x1xf32> to vector<128x1x1xf32>
    %broadcast_in_dim3A_241 = vector.shape_cast %max3A_56 : vector<6x128xf32> to vector<1x6x128xf32>
    %min3A_242 = vector.broadcast %broadcast_in_dim3A_240 : vector<128x1x1xf32> to vector<128x6x128xf32>
    %min3A_243 = vector.broadcast %broadcast_in_dim3A_241 : vector<1x6x128xf32> to vector<128x6x128xf32>
    %min3A_244 = arith.minimumf %min3A_242, %min3A_243 : vector<128x6x128xf32>
    %sub3A_245 = arith.subf %min3A_237, %max3A_223 : vector<128x6x128xf32>
    %max3A_246 = arith.constant 0.000000e+00 : f32
    %max3A_247 = vector.broadcast %max3A_246 : f32 to vector<128x6x128xf32>
    %max3A_248 = arith.maximumf %sub3A_245, %max3A_247 : vector<128x6x128xf32>
    %sub3A_249 = arith.subf %min3A_244, %max3A_230 : vector<128x6x128xf32>
    %max3A_250 = arith.constant 0.000000e+00 : f32
    %max3A_251 = vector.broadcast %max3A_250 : f32 to vector<128x6x128xf32>
    %max3A_252 = arith.maximumf %sub3A_249, %max3A_251 : vector<128x6x128xf32>
    %mul3A_253 = arith.mulf %max3A_248, %max3A_252 : vector<128x6x128xf32>
    %slice3A_254 = vector.extract_strided_slice %mul3A {offsets = [2, 0], sizes = [1, 128], strides = [1, 1]} : vector<6x128xf32> to vector<1x128xf32>
    %transpose3A_255 = tpu.transpose %slice3A_254, [1, 0] : vector<1x128xf32> -> vector<128x1xf32>
    %broadcast_in_dim3A_256 = vector.shape_cast %transpose3A_255 : vector<128x1xf32> to vector<128x1x1xf32>
    %broadcast_in_dim3A_257 = vector.shape_cast %mul3A : vector<6x128xf32> to vector<1x6x128xf32>
    %add3A_258 = vector.broadcast %broadcast_in_dim3A_256 : vector<128x1x1xf32> to vector<128x6x128xf32>
    %add3A_259 = vector.broadcast %broadcast_in_dim3A_257 : vector<1x6x128xf32> to vector<128x6x128xf32>
    %add3A_260 = arith.addf %add3A_258, %add3A_259 : vector<128x6x128xf32>
    %sub3A_261 = arith.subf %add3A_260, %mul3A_253 : vector<128x6x128xf32>
    %add3A_262 = arith.constant 9.99999971E-10 : f32
    %add3A_263 = vector.broadcast %add3A_262 : f32 to vector<128x6x128xf32>
    %add3A_264 = arith.addf %sub3A_261, %add3A_263 : vector<128x6x128xf32>
    %div3A_265 = arith.divf %mul3A_253, %add3A_264 : vector<128x6x128xf32>
    %iota3A_266 = tpu.iota {dimensions = array<i32: 0>} : vector<128x1x1xi32>
    %add3A_267 = arith.constant 256 : i32
    %add3A_268 = vector.broadcast %add3A_267 : i32 to vector<128x1x1xi32>
    %add3A_269 = arith.addi %add3A_268, %iota3A_266 : vector<128x1x1xi32>
    %gt3A_270 = arith.constant 8.000000e-01 : f32
    %gt3A_271 = vector.broadcast %gt3A_270 : f32 to vector<128x6x128xf32>
    %gt3A_272 = arith.cmpf ogt, %div3A_265, %gt3A_271 : vector<128x6x128xf32>
    %broadcast_in_dim3A_273 = vector.shape_cast %add3A : vector<6x128xi32> to vector<1x6x128xi32>
    %gt3A_274 = vector.broadcast %broadcast_in_dim3A_273 : vector<1x6x128xi32> to vector<128x6x128xi32>
    %gt3A_275 = vector.broadcast %add3A_269 : vector<128x1x1xi32> to vector<128x6x128xi32>
    %gt3A_276 = arith.cmpi sgt, %gt3A_274, %gt3A_275 : vector<128x6x128xi32>
    %and3A_277 = arith.andi %gt3A_272, %gt3A_276 : vector<128x6x128xi1>
    %broadcast_in_dim3A_278 = vector.shape_cast %lt3A_69 : vector<6x128xi1> to vector<1x6x128xi1>
    %and3A_279 = vector.broadcast %broadcast_in_dim3A_278 : vector<1x6x128xi1> to vector<128x6x128xi1>
    %and3A_280 = arith.andi %and3A_277, %and3A_279 : vector<128x6x128xi1>
    %convert_element_type3A_281 = arith.extui %and3A_280 : vector<128x6x128xi1> to vector<128x6x128xi32>
    %convert_element_type3A_282 = arith.sitofp %convert_element_type3A_281 : vector<128x6x128xi32> to vector<128x6x128xf32>
    %swap3A_283 = arith.constant 0 : index
    %swap3A_284 = arith.constant 0 : index
    %swap3A_285 = arith.constant 0 : index
    %swap3A_286 = vector.load %arg4[%swap3A_283, %swap3A_284, %swap3A_285] : memref<128x6x128xf32, #tpu.memory_space<vmem>>, vector<128x6x128xf32>
    tpu.vector_store %arg4[%swap3A_283, %swap3A_284, %swap3A_285], %convert_element_type3A_282 {strides = array<i32>} : memref<128x6x128xf32, #tpu.memory_space<vmem>>, vector<128x6x128xf32>,
    %scan3A_287 = arith.constant 0 : i32
    %scan3A_288 = arith.constant 128 : i32
    %scan3A_289 = arith.addi %scan3A_287, %scan3A_288 : i32
    %scan3A_290 = arith.constant 1 : i32
    %scan3A_291 = scf.for %scan3A_649 = %scan3A_287 to %scan3A_289 step %scan3A_290 iter_args(%scan3A_650 = %scan3A_215) -> (vector<6x128xf32>)  : i32 {
      %eq3A = vector.broadcast %scan3A_649 : i32 to vector<128xi32>
      %eq3A_651 = arith.cmpi eq, %iota3A_71, %eq3A : vector<128xi32>
      %slice3A_652 = vector.extract_strided_slice %scan3A_650 {offsets = [2, 0], sizes = [1, 128], strides = [1, 1]} : vector<6x128xf32> to vector<1x128xf32>
      %squeeze3A = vector.shape_cast %slice3A_652 : vector<1x128xf32> to vector<128xf32>
      %jit3A = arith.constant 0.000000e+00 : f32
      %broadcast_in_dim3A_653 = vector.broadcast %jit3A : f32 to vector<128xf32>
      %select_n3A = arith.select %eq3A_651, %squeeze3A, %broadcast_in_dim3A_653 : vector<128xi1>, vector<128xf32>
      %reduce_sum3A = vector.shape_cast %select_n3A : vector<128xf32> to vector<1x128xf32>
      %reduce_sum3A_654 = arith.constant dense<0.000000e+00> : vector<1xf32>
      %reduce_sum3A_655 = vector.multi_reduction <add>, %reduce_sum3A, %reduce_sum3A_654 [1] : vector<1x128xf32> to vector<1xf32>
      %reduce_sum3A_656 = vector.shape_cast %reduce_sum3A_655 : vector<1xf32> to vector<1x1xf32>
      %reduce_sum3A_657 = vector.extract %reduce_sum3A_656[0, 0] : f32 from vector<1x1xf32>
      %get3A_658 = arith.index_cast %scan3A_649 : i32 to index
      %get3A_659 = arith.constant 0 : index
      %get3A_660 = arith.constant 0 : index
      %get3A_661 = vector.load %arg4[%get3A_658, %get3A_659, %get3A_660] : memref<128x6x128xf32, #tpu.memory_space<vmem>>, vector<1x6x128xf32>
      %get3A_662 = vector.shape_cast %get3A_661 : vector<1x6x128xf32> to vector<6x128xf32>
      %mul3A_663 = vector.broadcast %reduce_sum3A_657 : f32 to vector<6x128xf32>
      %mul3A_664 = arith.mulf %mul3A_663, %get3A_662 : vector<6x128xf32>
      %sub3A_665 = arith.constant 1.000000e+00 : f32
      %sub3A_666 = vector.broadcast %sub3A_665 : f32 to vector<6x128xf32>
      %sub3A_667 = arith.subf %sub3A_666, %mul3A_664 : vector<6x128xf32>
      %mul3A_668 = arith.mulf %scan3A_650, %sub3A_667 : vector<6x128xf32>
      scf.yield %mul3A_668 : vector<6x128xf32>
    }
    %scan3A_292 = arith.constant 128 : i32
    %slice3A_293 = vector.extract_strided_slice %min3A_48 {offsets = [3, 0], sizes = [1, 128], strides = [1, 1]} : vector<6x128xf32> to vector<1x128xf32>
    %transpose3A_294 = tpu.transpose %slice3A_293, [1, 0] : vector<1x128xf32> -> vector<128x1xf32>
    %broadcast_in_dim3A_295 = vector.shape_cast %transpose3A_294 : vector<128x1xf32> to vector<128x1x1xf32>
    %broadcast_in_dim3A_296 = vector.shape_cast %min3A_48 : vector<6x128xf32> to vector<1x6x128xf32>
    %max3A_297 = vector.broadcast %broadcast_in_dim3A_295 : vector<128x1x1xf32> to vector<128x6x128xf32>
    %max3A_298 = vector.broadcast %broadcast_in_dim3A_296 : vector<1x6x128xf32> to vector<128x6x128xf32>
    %max3A_299 = arith.maximumf %max3A_297, %max3A_298 : vector<128x6x128xf32>
    %slice3A_300 = vector.extract_strided_slice %min3A_51 {offsets = [3, 0], sizes = [1, 128], strides = [1, 1]} : vector<6x128xf32> to vector<1x128xf32>
    %transpose3A_301 = tpu.transpose %slice3A_300, [1, 0] : vector<1x128xf32> -> vector<128x1xf32>
    %broadcast_in_dim3A_302 = vector.shape_cast %transpose3A_301 : vector<128x1xf32> to vector<128x1x1xf32>
    %broadcast_in_dim3A_303 = vector.shape_cast %min3A_51 : vector<6x128xf32> to vector<1x6x128xf32>
    %max3A_304 = vector.broadcast %broadcast_in_dim3A_302 : vector<128x1x1xf32> to vector<128x6x128xf32>
    %max3A_305 = vector.broadcast %broadcast_in_dim3A_303 : vector<1x6x128xf32> to vector<128x6x128xf32>
    %max3A_306 = arith.maximumf %max3A_304, %max3A_305 : vector<128x6x128xf32>
    %slice3A_307 = vector.extract_strided_slice %max3A_53 {offsets = [3, 0], sizes = [1, 128], strides = [1, 1]} : vector<6x128xf32> to vector<1x128xf32>
    %transpose3A_308 = tpu.transpose %slice3A_307, [1, 0] : vector<1x128xf32> -> vector<128x1xf32>
    %broadcast_in_dim3A_309 = vector.shape_cast %transpose3A_308 : vector<128x1xf32> to vector<128x1x1xf32>
    %broadcast_in_dim3A_310 = vector.shape_cast %max3A_53 : vector<6x128xf32> to vector<1x6x128xf32>
    %min3A_311 = vector.broadcast %broadcast_in_dim3A_309 : vector<128x1x1xf32> to vector<128x6x128xf32>
    %min3A_312 = vector.broadcast %broadcast_in_dim3A_310 : vector<1x6x128xf32> to vector<128x6x128xf32>
    %min3A_313 = arith.minimumf %min3A_311, %min3A_312 : vector<128x6x128xf32>
    %slice3A_314 = vector.extract_strided_slice %max3A_56 {offsets = [3, 0], sizes = [1, 128], strides = [1, 1]} : vector<6x128xf32> to vector<1x128xf32>
    %transpose3A_315 = tpu.transpose %slice3A_314, [1, 0] : vector<1x128xf32> -> vector<128x1xf32>
    %broadcast_in_dim3A_316 = vector.shape_cast %transpose3A_315 : vector<128x1xf32> to vector<128x1x1xf32>
    %broadcast_in_dim3A_317 = vector.shape_cast %max3A_56 : vector<6x128xf32> to vector<1x6x128xf32>
    %min3A_318 = vector.broadcast %broadcast_in_dim3A_316 : vector<128x1x1xf32> to vector<128x6x128xf32>
    %min3A_319 = vector.broadcast %broadcast_in_dim3A_317 : vector<1x6x128xf32> to vector<128x6x128xf32>
    %min3A_320 = arith.minimumf %min3A_318, %min3A_319 : vector<128x6x128xf32>
    %sub3A_321 = arith.subf %min3A_313, %max3A_299 : vector<128x6x128xf32>
    %max3A_322 = arith.constant 0.000000e+00 : f32
    %max3A_323 = vector.broadcast %max3A_322 : f32 to vector<128x6x128xf32>
    %max3A_324 = arith.maximumf %sub3A_321, %max3A_323 : vector<128x6x128xf32>
    %sub3A_325 = arith.subf %min3A_320, %max3A_306 : vector<128x6x128xf32>
    %max3A_326 = arith.constant 0.000000e+00 : f32
    %max3A_327 = vector.broadcast %max3A_326 : f32 to vector<128x6x128xf32>
    %max3A_328 = arith.maximumf %sub3A_325, %max3A_327 : vector<128x6x128xf32>
    %mul3A_329 = arith.mulf %max3A_324, %max3A_328 : vector<128x6x128xf32>
    %slice3A_330 = vector.extract_strided_slice %mul3A {offsets = [3, 0], sizes = [1, 128], strides = [1, 1]} : vector<6x128xf32> to vector<1x128xf32>
    %transpose3A_331 = tpu.transpose %slice3A_330, [1, 0] : vector<1x128xf32> -> vector<128x1xf32>
    %broadcast_in_dim3A_332 = vector.shape_cast %transpose3A_331 : vector<128x1xf32> to vector<128x1x1xf32>
    %broadcast_in_dim3A_333 = vector.shape_cast %mul3A : vector<6x128xf32> to vector<1x6x128xf32>
    %add3A_334 = vector.broadcast %broadcast_in_dim3A_332 : vector<128x1x1xf32> to vector<128x6x128xf32>
    %add3A_335 = vector.broadcast %broadcast_in_dim3A_333 : vector<1x6x128xf32> to vector<128x6x128xf32>
    %add3A_336 = arith.addf %add3A_334, %add3A_335 : vector<128x6x128xf32>
    %sub3A_337 = arith.subf %add3A_336, %mul3A_329 : vector<128x6x128xf32>
    %add3A_338 = arith.constant 9.99999971E-10 : f32
    %add3A_339 = vector.broadcast %add3A_338 : f32 to vector<128x6x128xf32>
    %add3A_340 = arith.addf %sub3A_337, %add3A_339 : vector<128x6x128xf32>
    %div3A_341 = arith.divf %mul3A_329, %add3A_340 : vector<128x6x128xf32>
    %iota3A_342 = tpu.iota {dimensions = array<i32: 0>} : vector<128x1x1xi32>
    %add3A_343 = arith.constant 384 : i32
    %add3A_344 = vector.broadcast %add3A_343 : i32 to vector<128x1x1xi32>
    %add3A_345 = arith.addi %add3A_344, %iota3A_342 : vector<128x1x1xi32>
    %gt3A_346 = arith.constant 8.000000e-01 : f32
    %gt3A_347 = vector.broadcast %gt3A_346 : f32 to vector<128x6x128xf32>
    %gt3A_348 = arith.cmpf ogt, %div3A_341, %gt3A_347 : vector<128x6x128xf32>
    %broadcast_in_dim3A_349 = vector.shape_cast %add3A : vector<6x128xi32> to vector<1x6x128xi32>
    %gt3A_350 = vector.broadcast %broadcast_in_dim3A_349 : vector<1x6x128xi32> to vector<128x6x128xi32>
    %gt3A_351 = vector.broadcast %add3A_345 : vector<128x1x1xi32> to vector<128x6x128xi32>
    %gt3A_352 = arith.cmpi sgt, %gt3A_350, %gt3A_351 : vector<128x6x128xi32>
    %and3A_353 = arith.andi %gt3A_348, %gt3A_352 : vector<128x6x128xi1>
    %broadcast_in_dim3A_354 = vector.shape_cast %lt3A_69 : vector<6x128xi1> to vector<1x6x128xi1>
    %and3A_355 = vector.broadcast %broadcast_in_dim3A_354 : vector<1x6x128xi1> to vector<128x6x128xi1>
    %and3A_356 = arith.andi %and3A_353, %and3A_355 : vector<128x6x128xi1>
    %convert_element_type3A_357 = arith.extui %and3A_356 : vector<128x6x128xi1> to vector<128x6x128xi32>
    %convert_element_type3A_358 = arith.sitofp %convert_element_type3A_357 : vector<128x6x128xi32> to vector<128x6x128xf32>
    %swap3A_359 = arith.constant 0 : index
    %swap3A_360 = arith.constant 0 : index
    %swap3A_361 = arith.constant 0 : index
    %swap3A_362 = vector.load %arg4[%swap3A_359, %swap3A_360, %swap3A_361] : memref<128x6x128xf32, #tpu.memory_space<vmem>>, vector<128x6x128xf32>
    tpu.vector_store %arg4[%swap3A_359, %swap3A_360, %swap3A_361], %convert_element_type3A_358 {strides = array<i32>} : memref<128x6x128xf32, #tpu.memory_space<vmem>>, vector<128x6x128xf32>,
    %scan3A_363 = arith.constant 0 : i32
    %scan3A_364 = arith.constant 128 : i32
    %scan3A_365 = arith.addi %scan3A_363, %scan3A_364 : i32
    %scan3A_366 = arith.constant 1 : i32
    %scan3A_367 = scf.for %scan3A_649 = %scan3A_363 to %scan3A_365 step %scan3A_366 iter_args(%scan3A_650 = %scan3A_291) -> (vector<6x128xf32>)  : i32 {
      %eq3A = vector.broadcast %scan3A_649 : i32 to vector<128xi32>
      %eq3A_651 = arith.cmpi eq, %iota3A_71, %eq3A : vector<128xi32>
      %slice3A_652 = vector.extract_strided_slice %scan3A_650 {offsets = [3, 0], sizes = [1, 128], strides = [1, 1]} : vector<6x128xf32> to vector<1x128xf32>
      %squeeze3A = vector.shape_cast %slice3A_652 : vector<1x128xf32> to vector<128xf32>
      %jit3A = arith.constant 0.000000e+00 : f32
      %broadcast_in_dim3A_653 = vector.broadcast %jit3A : f32 to vector<128xf32>
      %select_n3A = arith.select %eq3A_651, %squeeze3A, %broadcast_in_dim3A_653 : vector<128xi1>, vector<128xf32>
      %reduce_sum3A = vector.shape_cast %select_n3A : vector<128xf32> to vector<1x128xf32>
      %reduce_sum3A_654 = arith.constant dense<0.000000e+00> : vector<1xf32>
      %reduce_sum3A_655 = vector.multi_reduction <add>, %reduce_sum3A, %reduce_sum3A_654 [1] : vector<1x128xf32> to vector<1xf32>
      %reduce_sum3A_656 = vector.shape_cast %reduce_sum3A_655 : vector<1xf32> to vector<1x1xf32>
      %reduce_sum3A_657 = vector.extract %reduce_sum3A_656[0, 0] : f32 from vector<1x1xf32>
      %get3A_658 = arith.index_cast %scan3A_649 : i32 to index
      %get3A_659 = arith.constant 0 : index
      %get3A_660 = arith.constant 0 : index
      %get3A_661 = vector.load %arg4[%get3A_658, %get3A_659, %get3A_660] : memref<128x6x128xf32, #tpu.memory_space<vmem>>, vector<1x6x128xf32>
      %get3A_662 = vector.shape_cast %get3A_661 : vector<1x6x128xf32> to vector<6x128xf32>
      %mul3A_663 = vector.broadcast %reduce_sum3A_657 : f32 to vector<6x128xf32>
      %mul3A_664 = arith.mulf %mul3A_663, %get3A_662 : vector<6x128xf32>
      %sub3A_665 = arith.constant 1.000000e+00 : f32
      %sub3A_666 = vector.broadcast %sub3A_665 : f32 to vector<6x128xf32>
      %sub3A_667 = arith.subf %sub3A_666, %mul3A_664 : vector<6x128xf32>
      %mul3A_668 = arith.mulf %scan3A_650, %sub3A_667 : vector<6x128xf32>
      scf.yield %mul3A_668 : vector<6x128xf32>
    }
    %scan3A_368 = arith.constant 128 : i32
    %slice3A_369 = vector.extract_strided_slice %min3A_48 {offsets = [4, 0], sizes = [1, 128], strides = [1, 1]} : vector<6x128xf32> to vector<1x128xf32>
    %transpose3A_370 = tpu.transpose %slice3A_369, [1, 0] : vector<1x128xf32> -> vector<128x1xf32>
    %broadcast_in_dim3A_371 = vector.shape_cast %transpose3A_370 : vector<128x1xf32> to vector<128x1x1xf32>
    %broadcast_in_dim3A_372 = vector.shape_cast %min3A_48 : vector<6x128xf32> to vector<1x6x128xf32>
    %max3A_373 = vector.broadcast %broadcast_in_dim3A_371 : vector<128x1x1xf32> to vector<128x6x128xf32>
    %max3A_374 = vector.broadcast %broadcast_in_dim3A_372 : vector<1x6x128xf32> to vector<128x6x128xf32>
    %max3A_375 = arith.maximumf %max3A_373, %max3A_374 : vector<128x6x128xf32>
    %slice3A_376 = vector.extract_strided_slice %min3A_51 {offsets = [4, 0], sizes = [1, 128], strides = [1, 1]} : vector<6x128xf32> to vector<1x128xf32>
    %transpose3A_377 = tpu.transpose %slice3A_376, [1, 0] : vector<1x128xf32> -> vector<128x1xf32>
    %broadcast_in_dim3A_378 = vector.shape_cast %transpose3A_377 : vector<128x1xf32> to vector<128x1x1xf32>
    %broadcast_in_dim3A_379 = vector.shape_cast %min3A_51 : vector<6x128xf32> to vector<1x6x128xf32>
    %max3A_380 = vector.broadcast %broadcast_in_dim3A_378 : vector<128x1x1xf32> to vector<128x6x128xf32>
    %max3A_381 = vector.broadcast %broadcast_in_dim3A_379 : vector<1x6x128xf32> to vector<128x6x128xf32>
    %max3A_382 = arith.maximumf %max3A_380, %max3A_381 : vector<128x6x128xf32>
    %slice3A_383 = vector.extract_strided_slice %max3A_53 {offsets = [4, 0], sizes = [1, 128], strides = [1, 1]} : vector<6x128xf32> to vector<1x128xf32>
    %transpose3A_384 = tpu.transpose %slice3A_383, [1, 0] : vector<1x128xf32> -> vector<128x1xf32>
    %broadcast_in_dim3A_385 = vector.shape_cast %transpose3A_384 : vector<128x1xf32> to vector<128x1x1xf32>
    %broadcast_in_dim3A_386 = vector.shape_cast %max3A_53 : vector<6x128xf32> to vector<1x6x128xf32>
    %min3A_387 = vector.broadcast %broadcast_in_dim3A_385 : vector<128x1x1xf32> to vector<128x6x128xf32>
    %min3A_388 = vector.broadcast %broadcast_in_dim3A_386 : vector<1x6x128xf32> to vector<128x6x128xf32>
    %min3A_389 = arith.minimumf %min3A_387, %min3A_388 : vector<128x6x128xf32>
    %slice3A_390 = vector.extract_strided_slice %max3A_56 {offsets = [4, 0], sizes = [1, 128], strides = [1, 1]} : vector<6x128xf32> to vector<1x128xf32>
    %transpose3A_391 = tpu.transpose %slice3A_390, [1, 0] : vector<1x128xf32> -> vector<128x1xf32>
    %broadcast_in_dim3A_392 = vector.shape_cast %transpose3A_391 : vector<128x1xf32> to vector<128x1x1xf32>
    %broadcast_in_dim3A_393 = vector.shape_cast %max3A_56 : vector<6x128xf32> to vector<1x6x128xf32>
    %min3A_394 = vector.broadcast %broadcast_in_dim3A_392 : vector<128x1x1xf32> to vector<128x6x128xf32>
    %min3A_395 = vector.broadcast %broadcast_in_dim3A_393 : vector<1x6x128xf32> to vector<128x6x128xf32>
    %min3A_396 = arith.minimumf %min3A_394, %min3A_395 : vector<128x6x128xf32>
    %sub3A_397 = arith.subf %min3A_389, %max3A_375 : vector<128x6x128xf32>
    %max3A_398 = arith.constant 0.000000e+00 : f32
    %max3A_399 = vector.broadcast %max3A_398 : f32 to vector<128x6x128xf32>
    %max3A_400 = arith.maximumf %sub3A_397, %max3A_399 : vector<128x6x128xf32>
    %sub3A_401 = arith.subf %min3A_396, %max3A_382 : vector<128x6x128xf32>
    %max3A_402 = arith.constant 0.000000e+00 : f32
    %max3A_403 = vector.broadcast %max3A_402 : f32 to vector<128x6x128xf32>
    %max3A_404 = arith.maximumf %sub3A_401, %max3A_403 : vector<128x6x128xf32>
    %mul3A_405 = arith.mulf %max3A_400, %max3A_404 : vector<128x6x128xf32>
    %slice3A_406 = vector.extract_strided_slice %mul3A {offsets = [4, 0], sizes = [1, 128], strides = [1, 1]} : vector<6x128xf32> to vector<1x128xf32>
    %transpose3A_407 = tpu.transpose %slice3A_406, [1, 0] : vector<1x128xf32> -> vector<128x1xf32>
    %broadcast_in_dim3A_408 = vector.shape_cast %transpose3A_407 : vector<128x1xf32> to vector<128x1x1xf32>
    %broadcast_in_dim3A_409 = vector.shape_cast %mul3A : vector<6x128xf32> to vector<1x6x128xf32>
    %add3A_410 = vector.broadcast %broadcast_in_dim3A_408 : vector<128x1x1xf32> to vector<128x6x128xf32>
    %add3A_411 = vector.broadcast %broadcast_in_dim3A_409 : vector<1x6x128xf32> to vector<128x6x128xf32>
    %add3A_412 = arith.addf %add3A_410, %add3A_411 : vector<128x6x128xf32>
    %sub3A_413 = arith.subf %add3A_412, %mul3A_405 : vector<128x6x128xf32>
    %add3A_414 = arith.constant 9.99999971E-10 : f32
    %add3A_415 = vector.broadcast %add3A_414 : f32 to vector<128x6x128xf32>
    %add3A_416 = arith.addf %sub3A_413, %add3A_415 : vector<128x6x128xf32>
    %div3A_417 = arith.divf %mul3A_405, %add3A_416 : vector<128x6x128xf32>
    %iota3A_418 = tpu.iota {dimensions = array<i32: 0>} : vector<128x1x1xi32>
    %add3A_419 = arith.constant 512 : i32
    %add3A_420 = vector.broadcast %add3A_419 : i32 to vector<128x1x1xi32>
    %add3A_421 = arith.addi %add3A_420, %iota3A_418 : vector<128x1x1xi32>
    %gt3A_422 = arith.constant 8.000000e-01 : f32
    %gt3A_423 = vector.broadcast %gt3A_422 : f32 to vector<128x6x128xf32>
    %gt3A_424 = arith.cmpf ogt, %div3A_417, %gt3A_423 : vector<128x6x128xf32>
    %broadcast_in_dim3A_425 = vector.shape_cast %add3A : vector<6x128xi32> to vector<1x6x128xi32>
    %gt3A_426 = vector.broadcast %broadcast_in_dim3A_425 : vector<1x6x128xi32> to vector<128x6x128xi32>
    %gt3A_427 = vector.broadcast %add3A_421 : vector<128x1x1xi32> to vector<128x6x128xi32>
    %gt3A_428 = arith.cmpi sgt, %gt3A_426, %gt3A_427 : vector<128x6x128xi32>
    %and3A_429 = arith.andi %gt3A_424, %gt3A_428 : vector<128x6x128xi1>
    %broadcast_in_dim3A_430 = vector.shape_cast %lt3A_69 : vector<6x128xi1> to vector<1x6x128xi1>
    %and3A_431 = vector.broadcast %broadcast_in_dim3A_430 : vector<1x6x128xi1> to vector<128x6x128xi1>
    %and3A_432 = arith.andi %and3A_429, %and3A_431 : vector<128x6x128xi1>
    %convert_element_type3A_433 = arith.extui %and3A_432 : vector<128x6x128xi1> to vector<128x6x128xi32>
    %convert_element_type3A_434 = arith.sitofp %convert_element_type3A_433 : vector<128x6x128xi32> to vector<128x6x128xf32>
    %swap3A_435 = arith.constant 0 : index
    %swap3A_436 = arith.constant 0 : index
    %swap3A_437 = arith.constant 0 : index
    %swap3A_438 = vector.load %arg4[%swap3A_435, %swap3A_436, %swap3A_437] : memref<128x6x128xf32, #tpu.memory_space<vmem>>, vector<128x6x128xf32>
    tpu.vector_store %arg4[%swap3A_435, %swap3A_436, %swap3A_437], %convert_element_type3A_434 {strides = array<i32>} : memref<128x6x128xf32, #tpu.memory_space<vmem>>, vector<128x6x128xf32>,
    %scan3A_439 = arith.constant 0 : i32
    %scan3A_440 = arith.constant 128 : i32
    %scan3A_441 = arith.addi %scan3A_439, %scan3A_440 : i32
    %scan3A_442 = arith.constant 1 : i32
    %scan3A_443 = scf.for %scan3A_649 = %scan3A_439 to %scan3A_441 step %scan3A_442 iter_args(%scan3A_650 = %scan3A_367) -> (vector<6x128xf32>)  : i32 {
      %eq3A = vector.broadcast %scan3A_649 : i32 to vector<128xi32>
      %eq3A_651 = arith.cmpi eq, %iota3A_71, %eq3A : vector<128xi32>
      %slice3A_652 = vector.extract_strided_slice %scan3A_650 {offsets = [4, 0], sizes = [1, 128], strides = [1, 1]} : vector<6x128xf32> to vector<1x128xf32>
      %squeeze3A = vector.shape_cast %slice3A_652 : vector<1x128xf32> to vector<128xf32>
      %jit3A = arith.constant 0.000000e+00 : f32
      %broadcast_in_dim3A_653 = vector.broadcast %jit3A : f32 to vector<128xf32>
      %select_n3A = arith.select %eq3A_651, %squeeze3A, %broadcast_in_dim3A_653 : vector<128xi1>, vector<128xf32>
      %reduce_sum3A = vector.shape_cast %select_n3A : vector<128xf32> to vector<1x128xf32>
      %reduce_sum3A_654 = arith.constant dense<0.000000e+00> : vector<1xf32>
      %reduce_sum3A_655 = vector.multi_reduction <add>, %reduce_sum3A, %reduce_sum3A_654 [1] : vector<1x128xf32> to vector<1xf32>
      %reduce_sum3A_656 = vector.shape_cast %reduce_sum3A_655 : vector<1xf32> to vector<1x1xf32>
      %reduce_sum3A_657 = vector.extract %reduce_sum3A_656[0, 0] : f32 from vector<1x1xf32>
      %get3A_658 = arith.index_cast %scan3A_649 : i32 to index
      %get3A_659 = arith.constant 0 : index
      %get3A_660 = arith.constant 0 : index
      %get3A_661 = vector.load %arg4[%get3A_658, %get3A_659, %get3A_660] : memref<128x6x128xf32, #tpu.memory_space<vmem>>, vector<1x6x128xf32>
      %get3A_662 = vector.shape_cast %get3A_661 : vector<1x6x128xf32> to vector<6x128xf32>
      %mul3A_663 = vector.broadcast %reduce_sum3A_657 : f32 to vector<6x128xf32>
      %mul3A_664 = arith.mulf %mul3A_663, %get3A_662 : vector<6x128xf32>
      %sub3A_665 = arith.constant 1.000000e+00 : f32
      %sub3A_666 = vector.broadcast %sub3A_665 : f32 to vector<6x128xf32>
      %sub3A_667 = arith.subf %sub3A_666, %mul3A_664 : vector<6x128xf32>
      %mul3A_668 = arith.mulf %scan3A_650, %sub3A_667 : vector<6x128xf32>
      scf.yield %mul3A_668 : vector<6x128xf32>
    }
    %scan3A_444 = arith.constant 128 : i32
    %slice3A_445 = vector.extract_strided_slice %min3A_48 {offsets = [5, 0], sizes = [1, 128], strides = [1, 1]} : vector<6x128xf32> to vector<1x128xf32>
    %transpose3A_446 = tpu.transpose %slice3A_445, [1, 0] : vector<1x128xf32> -> vector<128x1xf32>
    %broadcast_in_dim3A_447 = vector.shape_cast %transpose3A_446 : vector<128x1xf32> to vector<128x1x1xf32>
    %broadcast_in_dim3A_448 = vector.shape_cast %min3A_48 : vector<6x128xf32> to vector<1x6x128xf32>
    %max3A_449 = vector.broadcast %broadcast_in_dim3A_447 : vector<128x1x1xf32> to vector<128x6x128xf32>
    %max3A_450 = vector.broadcast %broadcast_in_dim3A_448 : vector<1x6x128xf32> to vector<128x6x128xf32>
    %max3A_451 = arith.maximumf %max3A_449, %max3A_450 : vector<128x6x128xf32>
    %slice3A_452 = vector.extract_strided_slice %min3A_51 {offsets = [5, 0], sizes = [1, 128], strides = [1, 1]} : vector<6x128xf32> to vector<1x128xf32>
    %transpose3A_453 = tpu.transpose %slice3A_452, [1, 0] : vector<1x128xf32> -> vector<128x1xf32>
    %broadcast_in_dim3A_454 = vector.shape_cast %transpose3A_453 : vector<128x1xf32> to vector<128x1x1xf32>
    %broadcast_in_dim3A_455 = vector.shape_cast %min3A_51 : vector<6x128xf32> to vector<1x6x128xf32>
    %max3A_456 = vector.broadcast %broadcast_in_dim3A_454 : vector<128x1x1xf32> to vector<128x6x128xf32>
    %max3A_457 = vector.broadcast %broadcast_in_dim3A_455 : vector<1x6x128xf32> to vector<128x6x128xf32>
    %max3A_458 = arith.maximumf %max3A_456, %max3A_457 : vector<128x6x128xf32>
    %slice3A_459 = vector.extract_strided_slice %max3A_53 {offsets = [5, 0], sizes = [1, 128], strides = [1, 1]} : vector<6x128xf32> to vector<1x128xf32>
    %transpose3A_460 = tpu.transpose %slice3A_459, [1, 0] : vector<1x128xf32> -> vector<128x1xf32>
    %broadcast_in_dim3A_461 = vector.shape_cast %transpose3A_460 : vector<128x1xf32> to vector<128x1x1xf32>
    %broadcast_in_dim3A_462 = vector.shape_cast %max3A_53 : vector<6x128xf32> to vector<1x6x128xf32>
    %min3A_463 = vector.broadcast %broadcast_in_dim3A_461 : vector<128x1x1xf32> to vector<128x6x128xf32>
    %min3A_464 = vector.broadcast %broadcast_in_dim3A_462 : vector<1x6x128xf32> to vector<128x6x128xf32>
    %min3A_465 = arith.minimumf %min3A_463, %min3A_464 : vector<128x6x128xf32>
    %slice3A_466 = vector.extract_strided_slice %max3A_56 {offsets = [5, 0], sizes = [1, 128], strides = [1, 1]} : vector<6x128xf32> to vector<1x128xf32>
    %transpose3A_467 = tpu.transpose %slice3A_466, [1, 0] : vector<1x128xf32> -> vector<128x1xf32>
    %broadcast_in_dim3A_468 = vector.shape_cast %transpose3A_467 : vector<128x1xf32> to vector<128x1x1xf32>
    %broadcast_in_dim3A_469 = vector.shape_cast %max3A_56 : vector<6x128xf32> to vector<1x6x128xf32>
    %min3A_470 = vector.broadcast %broadcast_in_dim3A_468 : vector<128x1x1xf32> to vector<128x6x128xf32>
    %min3A_471 = vector.broadcast %broadcast_in_dim3A_469 : vector<1x6x128xf32> to vector<128x6x128xf32>
    %min3A_472 = arith.minimumf %min3A_470, %min3A_471 : vector<128x6x128xf32>
    %sub3A_473 = arith.subf %min3A_465, %max3A_451 : vector<128x6x128xf32>
    %max3A_474 = arith.constant 0.000000e+00 : f32
    %max3A_475 = vector.broadcast %max3A_474 : f32 to vector<128x6x128xf32>
    %max3A_476 = arith.maximumf %sub3A_473, %max3A_475 : vector<128x6x128xf32>
    %sub3A_477 = arith.subf %min3A_472, %max3A_458 : vector<128x6x128xf32>
    %max3A_478 = arith.constant 0.000000e+00 : f32
    %max3A_479 = vector.broadcast %max3A_478 : f32 to vector<128x6x128xf32>
    %max3A_480 = arith.maximumf %sub3A_477, %max3A_479 : vector<128x6x128xf32>
    %mul3A_481 = arith.mulf %max3A_476, %max3A_480 : vector<128x6x128xf32>
    %slice3A_482 = vector.extract_strided_slice %mul3A {offsets = [5, 0], sizes = [1, 128], strides = [1, 1]} : vector<6x128xf32> to vector<1x128xf32>
    %transpose3A_483 = tpu.transpose %slice3A_482, [1, 0] : vector<1x128xf32> -> vector<128x1xf32>
    %broadcast_in_dim3A_484 = vector.shape_cast %transpose3A_483 : vector<128x1xf32> to vector<128x1x1xf32>
    %broadcast_in_dim3A_485 = vector.shape_cast %mul3A : vector<6x128xf32> to vector<1x6x128xf32>
    %add3A_486 = vector.broadcast %broadcast_in_dim3A_484 : vector<128x1x1xf32> to vector<128x6x128xf32>
    %add3A_487 = vector.broadcast %broadcast_in_dim3A_485 : vector<1x6x128xf32> to vector<128x6x128xf32>
    %add3A_488 = arith.addf %add3A_486, %add3A_487 : vector<128x6x128xf32>
    %sub3A_489 = arith.subf %add3A_488, %mul3A_481 : vector<128x6x128xf32>
    %add3A_490 = arith.constant 9.99999971E-10 : f32
    %add3A_491 = vector.broadcast %add3A_490 : f32 to vector<128x6x128xf32>
    %add3A_492 = arith.addf %sub3A_489, %add3A_491 : vector<128x6x128xf32>
    %div3A_493 = arith.divf %mul3A_481, %add3A_492 : vector<128x6x128xf32>
    %iota3A_494 = tpu.iota {dimensions = array<i32: 0>} : vector<128x1x1xi32>
    %add3A_495 = arith.constant 640 : i32
    %add3A_496 = vector.broadcast %add3A_495 : i32 to vector<128x1x1xi32>
    %add3A_497 = arith.addi %add3A_496, %iota3A_494 : vector<128x1x1xi32>
    %gt3A_498 = arith.constant 8.000000e-01 : f32
    %gt3A_499 = vector.broadcast %gt3A_498 : f32 to vector<128x6x128xf32>
    %gt3A_500 = arith.cmpf ogt, %div3A_493, %gt3A_499 : vector<128x6x128xf32>
    %broadcast_in_dim3A_501 = vector.shape_cast %add3A : vector<6x128xi32> to vector<1x6x128xi32>
    %gt3A_502 = vector.broadcast %broadcast_in_dim3A_501 : vector<1x6x128xi32> to vector<128x6x128xi32>
    %gt3A_503 = vector.broadcast %add3A_497 : vector<128x1x1xi32> to vector<128x6x128xi32>
    %gt3A_504 = arith.cmpi sgt, %gt3A_502, %gt3A_503 : vector<128x6x128xi32>
    %and3A_505 = arith.andi %gt3A_500, %gt3A_504 : vector<128x6x128xi1>
    %broadcast_in_dim3A_506 = vector.shape_cast %lt3A_69 : vector<6x128xi1> to vector<1x6x128xi1>
    %and3A_507 = vector.broadcast %broadcast_in_dim3A_506 : vector<1x6x128xi1> to vector<128x6x128xi1>
    %and3A_508 = arith.andi %and3A_505, %and3A_507 : vector<128x6x128xi1>
    %convert_element_type3A_509 = arith.extui %and3A_508 : vector<128x6x128xi1> to vector<128x6x128xi32>
    %convert_element_type3A_510 = arith.sitofp %convert_element_type3A_509 : vector<128x6x128xi32> to vector<128x6x128xf32>
    %swap3A_511 = arith.constant 0 : index
    %swap3A_512 = arith.constant 0 : index
    %swap3A_513 = arith.constant 0 : index
    %swap3A_514 = vector.load %arg4[%swap3A_511, %swap3A_512, %swap3A_513] : memref<128x6x128xf32, #tpu.memory_space<vmem>>, vector<128x6x128xf32>
    tpu.vector_store %arg4[%swap3A_511, %swap3A_512, %swap3A_513], %convert_element_type3A_510 {strides = array<i32>} : memref<128x6x128xf32, #tpu.memory_space<vmem>>, vector<128x6x128xf32>,
    %scan3A_515 = arith.constant 0 : i32
    %scan3A_516 = arith.constant 128 : i32
    %scan3A_517 = arith.addi %scan3A_515, %scan3A_516 : i32
    %scan3A_518 = arith.constant 1 : i32
    %scan3A_519 = scf.for %scan3A_649 = %scan3A_515 to %scan3A_517 step %scan3A_518 iter_args(%scan3A_650 = %scan3A_443) -> (vector<6x128xf32>)  : i32 {
      %eq3A = vector.broadcast %scan3A_649 : i32 to vector<128xi32>
      %eq3A_651 = arith.cmpi eq, %iota3A_71, %eq3A : vector<128xi32>
      %slice3A_652 = vector.extract_strided_slice %scan3A_650 {offsets = [5, 0], sizes = [1, 128], strides = [1, 1]} : vector<6x128xf32> to vector<1x128xf32>
      %squeeze3A = vector.shape_cast %slice3A_652 : vector<1x128xf32> to vector<128xf32>
      %jit3A = arith.constant 0.000000e+00 : f32
      %broadcast_in_dim3A_653 = vector.broadcast %jit3A : f32 to vector<128xf32>
      %select_n3A = arith.select %eq3A_651, %squeeze3A, %broadcast_in_dim3A_653 : vector<128xi1>, vector<128xf32>
      %reduce_sum3A = vector.shape_cast %select_n3A : vector<128xf32> to vector<1x128xf32>
      %reduce_sum3A_654 = arith.constant dense<0.000000e+00> : vector<1xf32>
      %reduce_sum3A_655 = vector.multi_reduction <add>, %reduce_sum3A, %reduce_sum3A_654 [1] : vector<1x128xf32> to vector<1xf32>
      %reduce_sum3A_656 = vector.shape_cast %reduce_sum3A_655 : vector<1xf32> to vector<1x1xf32>
      %reduce_sum3A_657 = vector.extract %reduce_sum3A_656[0, 0] : f32 from vector<1x1xf32>
      %get3A_658 = arith.index_cast %scan3A_649 : i32 to index
      %get3A_659 = arith.constant 0 : index
      %get3A_660 = arith.constant 0 : index
      %get3A_661 = vector.load %arg4[%get3A_658, %get3A_659, %get3A_660] : memref<128x6x128xf32, #tpu.memory_space<vmem>>, vector<1x6x128xf32>
      %get3A_662 = vector.shape_cast %get3A_661 : vector<1x6x128xf32> to vector<6x128xf32>
      %mul3A_663 = vector.broadcast %reduce_sum3A_657 : f32 to vector<6x128xf32>
      %mul3A_664 = arith.mulf %mul3A_663, %get3A_662 : vector<6x128xf32>
      %sub3A_665 = arith.constant 1.000000e+00 : f32
      %sub3A_666 = vector.broadcast %sub3A_665 : f32 to vector<6x128xf32>
      %sub3A_667 = arith.subf %sub3A_666, %mul3A_664 : vector<6x128xf32>
      %mul3A_668 = arith.mulf %scan3A_650, %sub3A_667 : vector<6x128xf32>
      scf.yield %mul3A_668 : vector<6x128xf32>
    }
    %scan3A_520 = arith.constant 128 : i32
    %get3A_521 = arith.constant 0 : index
    %get3A_522 = arith.constant 0 : index
    %get3A_523 = arith.constant 0 : index
    %get3A_524 = vector.load %arg2[%get3A_521, %get3A_522, %get3A_523] : memref<1x6x128xf32, #tpu.memory_space<vmem>>, vector<1x6x128xf32>
    %get3A_525 = vector.shape_cast %get3A_524 : vector<1x6x128xf32> to vector<6x128xf32>
    %mul3A_526 = arith.mulf %get3A_4, %scan3A_519 : vector<6x128xf32>
    %swap3A_527 = arith.constant 0 : index
    %swap3A_528 = arith.constant 0 : index
    %swap3A_529 = arith.constant 0 : index
    %swap3A_530 = arith.constant 0 : index
    %swap3A_531 = vector.load %arg3[%swap3A_527, %swap3A_528, %swap3A_529, %swap3A_530] : memref<1x16x6x128xf32, #tpu.memory_space<vmem>>, vector<1x1x6x128xf32>
    %swap3A_532 = vector.shape_cast %swap3A_531 : vector<1x1x6x128xf32> to vector<6x128xf32>
    %swap3A_533 = vector.shape_cast %mul3A_526 : vector<6x128xf32> to vector<1x1x6x128xf32>
    tpu.vector_store %arg3[%swap3A_527, %swap3A_528, %swap3A_529, %swap3A_530], %swap3A_533 {strides = array<i32>} : memref<1x16x6x128xf32, #tpu.memory_space<vmem>>, vector<1x1x6x128xf32>,
    %mul3A_534 = arith.mulf %get3A_10, %scan3A_519 : vector<6x128xf32>
    %swap3A_535 = arith.constant 0 : index
    %swap3A_536 = arith.constant 1 : index
    %swap3A_537 = arith.constant 0 : index
    %swap3A_538 = arith.constant 0 : index
    %swap3A_539 = vector.load %arg3[%swap3A_535, %swap3A_536, %swap3A_537, %swap3A_538] : memref<1x16x6x128xf32, #tpu.memory_space<vmem>>, vector<1x1x6x128xf32>
    %swap3A_540 = vector.shape_cast %swap3A_539 : vector<1x1x6x128xf32> to vector<6x128xf32>
    %swap3A_541 = vector.shape_cast %mul3A_534 : vector<6x128xf32> to vector<1x1x6x128xf32>
    tpu.vector_store %arg3[%swap3A_535, %swap3A_536, %swap3A_537, %swap3A_538], %swap3A_541 {strides = array<i32>} : memref<1x16x6x128xf32, #tpu.memory_space<vmem>>, vector<1x1x6x128xf32>,
    %mul3A_542 = arith.mulf %get3A_16, %scan3A_519 : vector<6x128xf32>
    %swap3A_543 = arith.constant 0 : index
    %swap3A_544 = arith.constant 2 : index
    %swap3A_545 = arith.constant 0 : index
    %swap3A_546 = arith.constant 0 : index
    %swap3A_547 = vector.load %arg3[%swap3A_543, %swap3A_544, %swap3A_545, %swap3A_546] : memref<1x16x6x128xf32, #tpu.memory_space<vmem>>, vector<1x1x6x128xf32>
    %swap3A_548 = vector.shape_cast %swap3A_547 : vector<1x1x6x128xf32> to vector<6x128xf32>
    %swap3A_549 = vector.shape_cast %mul3A_542 : vector<6x128xf32> to vector<1x1x6x128xf32>
    tpu.vector_store %arg3[%swap3A_543, %swap3A_544, %swap3A_545, %swap3A_546], %swap3A_549 {strides = array<i32>} : memref<1x16x6x128xf32, #tpu.memory_space<vmem>>, vector<1x1x6x128xf32>,
    %mul3A_550 = arith.mulf %get3A_22, %scan3A_519 : vector<6x128xf32>
    %swap3A_551 = arith.constant 0 : index
    %swap3A_552 = arith.constant 3 : index
    %swap3A_553 = arith.constant 0 : index
    %swap3A_554 = arith.constant 0 : index
    %swap3A_555 = vector.load %arg3[%swap3A_551, %swap3A_552, %swap3A_553, %swap3A_554] : memref<1x16x6x128xf32, #tpu.memory_space<vmem>>, vector<1x1x6x128xf32>
    %swap3A_556 = vector.shape_cast %swap3A_555 : vector<1x1x6x128xf32> to vector<6x128xf32>
    %swap3A_557 = vector.shape_cast %mul3A_550 : vector<6x128xf32> to vector<1x1x6x128xf32>
    tpu.vector_store %arg3[%swap3A_551, %swap3A_552, %swap3A_553, %swap3A_554], %swap3A_557 {strides = array<i32>} : memref<1x16x6x128xf32, #tpu.memory_space<vmem>>, vector<1x1x6x128xf32>,
    %mul3A_558 = arith.mulf %get3A_28, %scan3A_519 : vector<6x128xf32>
    %swap3A_559 = arith.constant 0 : index
    %swap3A_560 = arith.constant 4 : index
    %swap3A_561 = arith.constant 0 : index
    %swap3A_562 = arith.constant 0 : index
    %swap3A_563 = vector.load %arg3[%swap3A_559, %swap3A_560, %swap3A_561, %swap3A_562] : memref<1x16x6x128xf32, #tpu.memory_space<vmem>>, vector<1x1x6x128xf32>
    %swap3A_564 = vector.shape_cast %swap3A_563 : vector<1x1x6x128xf32> to vector<6x128xf32>
    %swap3A_565 = vector.shape_cast %mul3A_558 : vector<6x128xf32> to vector<1x1x6x128xf32>
    tpu.vector_store %arg3[%swap3A_559, %swap3A_560, %swap3A_561, %swap3A_562], %swap3A_565 {strides = array<i32>} : memref<1x16x6x128xf32, #tpu.memory_space<vmem>>, vector<1x1x6x128xf32>,
    %mul3A_566 = arith.mulf %get3A_34, %scan3A_519 : vector<6x128xf32>
    %swap3A_567 = arith.constant 0 : index
    %swap3A_568 = arith.constant 5 : index
    %swap3A_569 = arith.constant 0 : index
    %swap3A_570 = arith.constant 0 : index
    %swap3A_571 = vector.load %arg3[%swap3A_567, %swap3A_568, %swap3A_569, %swap3A_570] : memref<1x16x6x128xf32, #tpu.memory_space<vmem>>, vector<1x1x6x128xf32>
    %swap3A_572 = vector.shape_cast %swap3A_571 : vector<1x1x6x128xf32> to vector<6x128xf32>
    %swap3A_573 = vector.shape_cast %mul3A_566 : vector<6x128xf32> to vector<1x1x6x128xf32>
    tpu.vector_store %arg3[%swap3A_567, %swap3A_568, %swap3A_569, %swap3A_570], %swap3A_573 {strides = array<i32>} : memref<1x16x6x128xf32, #tpu.memory_space<vmem>>, vector<1x1x6x128xf32>,
    %mul3A_574 = arith.mulf %get3A_40, %scan3A_519 : vector<6x128xf32>
    %swap3A_575 = arith.constant 0 : index
    %swap3A_576 = arith.constant 6 : index
    %swap3A_577 = arith.constant 0 : index
    %swap3A_578 = arith.constant 0 : index
    %swap3A_579 = vector.load %arg3[%swap3A_575, %swap3A_576, %swap3A_577, %swap3A_578] : memref<1x16x6x128xf32, #tpu.memory_space<vmem>>, vector<1x1x6x128xf32>
    %swap3A_580 = vector.shape_cast %swap3A_579 : vector<1x1x6x128xf32> to vector<6x128xf32>
    %swap3A_581 = vector.shape_cast %mul3A_574 : vector<6x128xf32> to vector<1x1x6x128xf32>
    tpu.vector_store %arg3[%swap3A_575, %swap3A_576, %swap3A_577, %swap3A_578], %swap3A_581 {strides = array<i32>} : memref<1x16x6x128xf32, #tpu.memory_space<vmem>>, vector<1x1x6x128xf32>,
    %mul3A_582 = arith.mulf %get3A_46, %scan3A_519 : vector<6x128xf32>
    %swap3A_583 = arith.constant 0 : index
    %swap3A_584 = arith.constant 7 : index
    %swap3A_585 = arith.constant 0 : index
    %swap3A_586 = arith.constant 0 : index
    %swap3A_587 = vector.load %arg3[%swap3A_583, %swap3A_584, %swap3A_585, %swap3A_586] : memref<1x16x6x128xf32, #tpu.memory_space<vmem>>, vector<1x1x6x128xf32>
    %swap3A_588 = vector.shape_cast %swap3A_587 : vector<1x1x6x128xf32> to vector<6x128xf32>
    %swap3A_589 = vector.shape_cast %mul3A_582 : vector<6x128xf32> to vector<1x1x6x128xf32>
    tpu.vector_store %arg3[%swap3A_583, %swap3A_584, %swap3A_585, %swap3A_586], %swap3A_589 {strides = array<i32>} : memref<1x16x6x128xf32, #tpu.memory_space<vmem>>, vector<1x1x6x128xf32>,
    %mul3A_590 = arith.mulf %get3A_525, %scan3A_519 : vector<6x128xf32>
    %swap3A_591 = arith.constant 0 : index
    %swap3A_592 = arith.constant 8 : index
    %swap3A_593 = arith.constant 0 : index
    %swap3A_594 = arith.constant 0 : index
    %swap3A_595 = vector.load %arg3[%swap3A_591, %swap3A_592, %swap3A_593, %swap3A_594] : memref<1x16x6x128xf32, #tpu.memory_space<vmem>>, vector<1x1x6x128xf32>
    %swap3A_596 = vector.shape_cast %swap3A_595 : vector<1x1x6x128xf32> to vector<6x128xf32>
    %swap3A_597 = vector.shape_cast %mul3A_590 : vector<6x128xf32> to vector<1x1x6x128xf32>
    tpu.vector_store %arg3[%swap3A_591, %swap3A_592, %swap3A_593, %swap3A_594], %swap3A_597 {strides = array<i32>} : memref<1x16x6x128xf32, #tpu.memory_space<vmem>>, vector<1x1x6x128xf32>,
    %broadcast_in_dim3A_598 = arith.constant 0.000000e+00 : f32
    %broadcast_in_dim3A_599 = vector.broadcast %broadcast_in_dim3A_598 : f32 to vector<6x128xf32>
    %swap3A_600 = arith.constant 0 : index
    %swap3A_601 = arith.constant 9 : index
    %swap3A_602 = arith.constant 0 : index
    %swap3A_603 = arith.constant 0 : index
    %swap3A_604 = vector.load %arg3[%swap3A_600, %swap3A_601, %swap3A_602, %swap3A_603] : memref<1x16x6x128xf32, #tpu.memory_space<vmem>>, vector<1x1x6x128xf32>
    %swap3A_605 = vector.shape_cast %swap3A_604 : vector<1x1x6x128xf32> to vector<6x128xf32>
    %swap3A_606 = vector.shape_cast %broadcast_in_dim3A_599 : vector<6x128xf32> to vector<1x1x6x128xf32>
    tpu.vector_store %arg3[%swap3A_600, %swap3A_601, %swap3A_602, %swap3A_603], %swap3A_606 {strides = array<i32>} : memref<1x16x6x128xf32, #tpu.memory_space<vmem>>, vector<1x1x6x128xf32>,
    %swap3A_607 = arith.constant 0 : index
    %swap3A_608 = arith.constant 10 : index
    %swap3A_609 = arith.constant 0 : index
    %swap3A_610 = arith.constant 0 : index
    %swap3A_611 = vector.load %arg3[%swap3A_607, %swap3A_608, %swap3A_609, %swap3A_610] : memref<1x16x6x128xf32, #tpu.memory_space<vmem>>, vector<1x1x6x128xf32>
    %swap3A_612 = vector.shape_cast %swap3A_611 : vector<1x1x6x128xf32> to vector<6x128xf32>
    %swap3A_613 = vector.shape_cast %broadcast_in_dim3A_599 : vector<6x128xf32> to vector<1x1x6x128xf32>
    tpu.vector_store %arg3[%swap3A_607, %swap3A_608, %swap3A_609, %swap3A_610], %swap3A_613 {strides = array<i32>} : memref<1x16x6x128xf32, #tpu.memory_space<vmem>>, vector<1x1x6x128xf32>,
    %swap3A_614 = arith.constant 0 : index
    %swap3A_615 = arith.constant 11 : index
    %swap3A_616 = arith.constant 0 : index
    %swap3A_617 = arith.constant 0 : index
    %swap3A_618 = vector.load %arg3[%swap3A_614, %swap3A_615, %swap3A_616, %swap3A_617] : memref<1x16x6x128xf32, #tpu.memory_space<vmem>>, vector<1x1x6x128xf32>
    %swap3A_619 = vector.shape_cast %swap3A_618 : vector<1x1x6x128xf32> to vector<6x128xf32>
    %swap3A_620 = vector.shape_cast %broadcast_in_dim3A_599 : vector<6x128xf32> to vector<1x1x6x128xf32>
    tpu.vector_store %arg3[%swap3A_614, %swap3A_615, %swap3A_616, %swap3A_617], %swap3A_620 {strides = array<i32>} : memref<1x16x6x128xf32, #tpu.memory_space<vmem>>, vector<1x1x6x128xf32>,
    %swap3A_621 = arith.constant 0 : index
    %swap3A_622 = arith.constant 12 : index
    %swap3A_623 = arith.constant 0 : index
    %swap3A_624 = arith.constant 0 : index
    %swap3A_625 = vector.load %arg3[%swap3A_621, %swap3A_622, %swap3A_623, %swap3A_624] : memref<1x16x6x128xf32, #tpu.memory_space<vmem>>, vector<1x1x6x128xf32>
    %swap3A_626 = vector.shape_cast %swap3A_625 : vector<1x1x6x128xf32> to vector<6x128xf32>
    %swap3A_627 = vector.shape_cast %broadcast_in_dim3A_599 : vector<6x128xf32> to vector<1x1x6x128xf32>
    tpu.vector_store %arg3[%swap3A_621, %swap3A_622, %swap3A_623, %swap3A_624], %swap3A_627 {strides = array<i32>} : memref<1x16x6x128xf32, #tpu.memory_space<vmem>>, vector<1x1x6x128xf32>,
    %swap3A_628 = arith.constant 0 : index
    %swap3A_629 = arith.constant 13 : index
    %swap3A_630 = arith.constant 0 : index
    %swap3A_631 = arith.constant 0 : index
    %swap3A_632 = vector.load %arg3[%swap3A_628, %swap3A_629, %swap3A_630, %swap3A_631] : memref<1x16x6x128xf32, #tpu.memory_space<vmem>>, vector<1x1x6x128xf32>
    %swap3A_633 = vector.shape_cast %swap3A_632 : vector<1x1x6x128xf32> to vector<6x128xf32>
    %swap3A_634 = vector.shape_cast %broadcast_in_dim3A_599 : vector<6x128xf32> to vector<1x1x6x128xf32>
    tpu.vector_store %arg3[%swap3A_628, %swap3A_629, %swap3A_630, %swap3A_631], %swap3A_634 {strides = array<i32>} : memref<1x16x6x128xf32, #tpu.memory_space<vmem>>, vector<1x1x6x128xf32>,
    %swap3A_635 = arith.constant 0 : index
    %swap3A_636 = arith.constant 14 : index
    %swap3A_637 = arith.constant 0 : index
    %swap3A_638 = arith.constant 0 : index
    %swap3A_639 = vector.load %arg3[%swap3A_635, %swap3A_636, %swap3A_637, %swap3A_638] : memref<1x16x6x128xf32, #tpu.memory_space<vmem>>, vector<1x1x6x128xf32>
    %swap3A_640 = vector.shape_cast %swap3A_639 : vector<1x1x6x128xf32> to vector<6x128xf32>
    %swap3A_641 = vector.shape_cast %broadcast_in_dim3A_599 : vector<6x128xf32> to vector<1x1x6x128xf32>
    tpu.vector_store %arg3[%swap3A_635, %swap3A_636, %swap3A_637, %swap3A_638], %swap3A_641 {strides = array<i32>} : memref<1x16x6x128xf32, #tpu.memory_space<vmem>>, vector<1x1x6x128xf32>,
    %swap3A_642 = arith.constant 0 : index
    %swap3A_643 = arith.constant 15 : index
    %swap3A_644 = arith.constant 0 : index
    %swap3A_645 = arith.constant 0 : index
    %swap3A_646 = vector.load %arg3[%swap3A_642, %swap3A_643, %swap3A_644, %swap3A_645] : memref<1x16x6x128xf32, #tpu.memory_space<vmem>>, vector<1x1x6x128xf32>
    %swap3A_647 = vector.shape_cast %swap3A_646 : vector<1x1x6x128xf32> to vector<6x128xf32>
    %swap3A_648 = vector.shape_cast %broadcast_in_dim3A_599 : vector<6x128xf32> to vector<1x1x6x128xf32>
    tpu.vector_store %arg3[%swap3A_642, %swap3A_643, %swap3A_644, %swap3A_645], %swap3A_648 {strides = array<i32>} : memref<1x16x6x128xf32, #tpu.memory_space<vmem>>, vector<1x1x6x128xf32>,
    return
  }
  func.func @transform_0(%arg0: i32) -> (i32, i32, i32, i32) {
    %c0_i32 = arith.constant 0 : i32
    %c0_i32_0 = arith.constant 0 : i32
    %c0_i32_1 = arith.constant 0 : i32
    %c0_i32_2 = arith.constant 0 : i32
    return %arg0, %c0_i32, %c0_i32_0, %c0_i32_1 : i32, i32, i32, i32
  }
  func.func @transform_1(%arg0: i32) -> (i32, i32, i32) {
    %c0_i32 = arith.constant 0 : i32
    %c0_i32_0 = arith.constant 0 : i32
    %c0_i32_1 = arith.constant 0 : i32
    return %arg0, %c0_i32, %c0_i32_0 : i32, i32, i32
  }
  func.func @transform_2(%arg0: i32) -> (i32, i32, i32, i32) {
    %c0_i32 = arith.constant 0 : i32
    %c0_i32_0 = arith.constant 0 : i32
    %c0_i32_1 = arith.constant 0 : i32
    %c0_i32_2 = arith.constant 0 : i32
    return %arg0, %c0_i32, %c0_i32_0, %c0_i32_1 : i32, i32, i32, i32
  }
}

module attributes {stable_mosaic.version = 14 : i64} {
  func.func @_nms_body(%arg0: i32, %arg1: memref<1x8x2x128xf32, #tpu.memory_space<vmem>>, %arg2: memref<1x2x128xf32, #tpu.memory_space<vmem>>, %arg3: memref<1x16x2x128xf32, #tpu.memory_space<vmem>>, %arg4: memref<128x2x128xf32, #tpu.memory_space<vmem>>) attributes {dimension_semantics = [#tpu.dimension_semantics<arbitrary>], iteration_bounds = array<i64: 2>, scalar_prefetch = 0 : i64, scratch_operands = 1 : i64, tpu.core_type = #tpu.core_type<tc>, window_params = [{transform_indices = @transform_0, window_bounds = array<i64: 1, 8, 2, 128>}, {transform_indices = @transform_1, window_bounds = array<i64: 1, 2, 128>}, {transform_indices = @transform_2, window_bounds = array<i64: 1, 16, 2, 128>}]} {
    %get3A = arith.constant 0 : index
    %get3A_0 = arith.constant 0 : index
    %get3A_1 = arith.constant 0 : index
    %get3A_2 = arith.constant 0 : index
    %get3A_3 = vector.load %arg1[%get3A, %get3A_0, %get3A_1, %get3A_2] : memref<1x8x2x128xf32, #tpu.memory_space<vmem>>, vector<1x1x2x128xf32>
    %get3A_4 = vector.shape_cast %get3A_3 : vector<1x1x2x128xf32> to vector<2x128xf32>
    %get3A_5 = arith.constant 0 : index
    %get3A_6 = arith.constant 1 : index
    %get3A_7 = arith.constant 0 : index
    %get3A_8 = arith.constant 0 : index
    %get3A_9 = vector.load %arg1[%get3A_5, %get3A_6, %get3A_7, %get3A_8] : memref<1x8x2x128xf32, #tpu.memory_space<vmem>>, vector<1x1x2x128xf32>
    %get3A_10 = vector.shape_cast %get3A_9 : vector<1x1x2x128xf32> to vector<2x128xf32>
    %get3A_11 = arith.constant 0 : index
    %get3A_12 = arith.constant 2 : index
    %get3A_13 = arith.constant 0 : index
    %get3A_14 = arith.constant 0 : index
    %get3A_15 = vector.load %arg1[%get3A_11, %get3A_12, %get3A_13, %get3A_14] : memref<1x8x2x128xf32, #tpu.memory_space<vmem>>, vector<1x1x2x128xf32>
    %get3A_16 = vector.shape_cast %get3A_15 : vector<1x1x2x128xf32> to vector<2x128xf32>
    %get3A_17 = arith.constant 0 : index
    %get3A_18 = arith.constant 3 : index
    %get3A_19 = arith.constant 0 : index
    %get3A_20 = arith.constant 0 : index
    %get3A_21 = vector.load %arg1[%get3A_17, %get3A_18, %get3A_19, %get3A_20] : memref<1x8x2x128xf32, #tpu.memory_space<vmem>>, vector<1x1x2x128xf32>
    %get3A_22 = vector.shape_cast %get3A_21 : vector<1x1x2x128xf32> to vector<2x128xf32>
    %get3A_23 = arith.constant 0 : index
    %get3A_24 = arith.constant 4 : index
    %get3A_25 = arith.constant 0 : index
    %get3A_26 = arith.constant 0 : index
    %get3A_27 = vector.load %arg1[%get3A_23, %get3A_24, %get3A_25, %get3A_26] : memref<1x8x2x128xf32, #tpu.memory_space<vmem>>, vector<1x1x2x128xf32>
    %get3A_28 = vector.shape_cast %get3A_27 : vector<1x1x2x128xf32> to vector<2x128xf32>
    %get3A_29 = arith.constant 0 : index
    %get3A_30 = arith.constant 5 : index
    %get3A_31 = arith.constant 0 : index
    %get3A_32 = arith.constant 0 : index
    %get3A_33 = vector.load %arg1[%get3A_29, %get3A_30, %get3A_31, %get3A_32] : memref<1x8x2x128xf32, #tpu.memory_space<vmem>>, vector<1x1x2x128xf32>
    %get3A_34 = vector.shape_cast %get3A_33 : vector<1x1x2x128xf32> to vector<2x128xf32>
    %get3A_35 = arith.constant 0 : index
    %get3A_36 = arith.constant 6 : index
    %get3A_37 = arith.constant 0 : index
    %get3A_38 = arith.constant 0 : index
    %get3A_39 = vector.load %arg1[%get3A_35, %get3A_36, %get3A_37, %get3A_38] : memref<1x8x2x128xf32, #tpu.memory_space<vmem>>, vector<1x1x2x128xf32>
    %get3A_40 = vector.shape_cast %get3A_39 : vector<1x1x2x128xf32> to vector<2x128xf32>
    %get3A_41 = arith.constant 0 : index
    %get3A_42 = arith.constant 7 : index
    %get3A_43 = arith.constant 0 : index
    %get3A_44 = arith.constant 0 : index
    %get3A_45 = vector.load %arg1[%get3A_41, %get3A_42, %get3A_43, %get3A_44] : memref<1x8x2x128xf32, #tpu.memory_space<vmem>>, vector<1x1x2x128xf32>
    %get3A_46 = vector.shape_cast %get3A_45 : vector<1x1x2x128xf32> to vector<2x128xf32>
    %min3A = arith.minimumf %get3A_4, %get3A_16 : vector<2x128xf32>
    %min3A_47 = arith.minimumf %get3A_28, %get3A_40 : vector<2x128xf32>
    %min3A_48 = arith.minimumf %min3A, %min3A_47 : vector<2x128xf32>
    %min3A_49 = arith.minimumf %get3A_10, %get3A_22 : vector<2x128xf32>
    %min3A_50 = arith.minimumf %get3A_34, %get3A_46 : vector<2x128xf32>
    %min3A_51 = arith.minimumf %min3A_49, %min3A_50 : vector<2x128xf32>
    %max3A = arith.maximumf %get3A_4, %get3A_16 : vector<2x128xf32>
    %max3A_52 = arith.maximumf %get3A_28, %get3A_40 : vector<2x128xf32>
    %max3A_53 = arith.maximumf %max3A, %max3A_52 : vector<2x128xf32>
    %max3A_54 = arith.maximumf %get3A_10, %get3A_22 : vector<2x128xf32>
    %max3A_55 = arith.maximumf %get3A_34, %get3A_46 : vector<2x128xf32>
    %max3A_56 = arith.maximumf %max3A_54, %max3A_55 : vector<2x128xf32>
    %sub3A = arith.subf %max3A_53, %min3A_48 : vector<2x128xf32>
    %max3A_57 = arith.constant 0.000000e+00 : f32
    %max3A_58 = vector.broadcast %max3A_57 : f32 to vector<2x128xf32>
    %max3A_59 = arith.maximumf %sub3A, %max3A_58 : vector<2x128xf32>
    %sub3A_60 = arith.subf %max3A_56, %min3A_51 : vector<2x128xf32>
    %max3A_61 = arith.constant 0.000000e+00 : f32
    %max3A_62 = vector.broadcast %max3A_61 : f32 to vector<2x128xf32>
    %max3A_63 = arith.maximumf %sub3A_60, %max3A_62 : vector<2x128xf32>
    %mul3A = arith.mulf %max3A_59, %max3A_63 : vector<2x128xf32>
    %iota3A = tpu.iota {dimensions = array<i32: 0>} : vector<2x128xi32>
    %mul3A_64 = arith.constant 128 : i32
    %mul3A_65 = vector.broadcast %mul3A_64 : i32 to vector<2x128xi32>
    %mul3A_66 = arith.muli %iota3A, %mul3A_65 : vector<2x128xi32>
    %iota3A_67 = tpu.iota {dimensions = array<i32: 1>} : vector<2x128xi32>
    %add3A = arith.addi %mul3A_66, %iota3A_67 : vector<2x128xi32>
    %lt3A = arith.constant 192 : i32
    %lt3A_68 = vector.broadcast %lt3A : i32 to vector<2x128xi32>
    %lt3A_69 = arith.cmpi slt, %add3A, %lt3A_68 : vector<2x128xi32>
    %iota3A_70 = tpu.iota {dimensions = array<i32: 1>} : vector<1x128xi32>
    %iota3A_71 = vector.shape_cast %iota3A_70 : vector<1x128xi32> to vector<128xi32>
    %convert_element_type3A = arith.extui %lt3A_69 : vector<2x128xi1> to vector<2x128xi32>
    %convert_element_type3A_72 = arith.sitofp %convert_element_type3A : vector<2x128xi32> to vector<2x128xf32>
    %slice3A = vector.extract_strided_slice %min3A_48 {offsets = [0, 0], sizes = [1, 128], strides = [1, 1]} : vector<2x128xf32> to vector<1x128xf32>
    %transpose3A = tpu.transpose %slice3A, [1, 0] : vector<1x128xf32> -> vector<128x1xf32>
    %broadcast_in_dim3A = vector.shape_cast %transpose3A : vector<128x1xf32> to vector<128x1x1xf32>
    %broadcast_in_dim3A_73 = vector.shape_cast %min3A_48 : vector<2x128xf32> to vector<1x2x128xf32>
    %max3A_74 = vector.broadcast %broadcast_in_dim3A : vector<128x1x1xf32> to vector<128x2x128xf32>
    %max3A_75 = vector.broadcast %broadcast_in_dim3A_73 : vector<1x2x128xf32> to vector<128x2x128xf32>
    %max3A_76 = arith.maximumf %max3A_74, %max3A_75 : vector<128x2x128xf32>
    %slice3A_77 = vector.extract_strided_slice %min3A_51 {offsets = [0, 0], sizes = [1, 128], strides = [1, 1]} : vector<2x128xf32> to vector<1x128xf32>
    %transpose3A_78 = tpu.transpose %slice3A_77, [1, 0] : vector<1x128xf32> -> vector<128x1xf32>
    %broadcast_in_dim3A_79 = vector.shape_cast %transpose3A_78 : vector<128x1xf32> to vector<128x1x1xf32>
    %broadcast_in_dim3A_80 = vector.shape_cast %min3A_51 : vector<2x128xf32> to vector<1x2x128xf32>
    %max3A_81 = vector.broadcast %broadcast_in_dim3A_79 : vector<128x1x1xf32> to vector<128x2x128xf32>
    %max3A_82 = vector.broadcast %broadcast_in_dim3A_80 : vector<1x2x128xf32> to vector<128x2x128xf32>
    %max3A_83 = arith.maximumf %max3A_81, %max3A_82 : vector<128x2x128xf32>
    %slice3A_84 = vector.extract_strided_slice %max3A_53 {offsets = [0, 0], sizes = [1, 128], strides = [1, 1]} : vector<2x128xf32> to vector<1x128xf32>
    %transpose3A_85 = tpu.transpose %slice3A_84, [1, 0] : vector<1x128xf32> -> vector<128x1xf32>
    %broadcast_in_dim3A_86 = vector.shape_cast %transpose3A_85 : vector<128x1xf32> to vector<128x1x1xf32>
    %broadcast_in_dim3A_87 = vector.shape_cast %max3A_53 : vector<2x128xf32> to vector<1x2x128xf32>
    %min3A_88 = vector.broadcast %broadcast_in_dim3A_86 : vector<128x1x1xf32> to vector<128x2x128xf32>
    %min3A_89 = vector.broadcast %broadcast_in_dim3A_87 : vector<1x2x128xf32> to vector<128x2x128xf32>
    %min3A_90 = arith.minimumf %min3A_88, %min3A_89 : vector<128x2x128xf32>
    %slice3A_91 = vector.extract_strided_slice %max3A_56 {offsets = [0, 0], sizes = [1, 128], strides = [1, 1]} : vector<2x128xf32> to vector<1x128xf32>
    %transpose3A_92 = tpu.transpose %slice3A_91, [1, 0] : vector<1x128xf32> -> vector<128x1xf32>
    %broadcast_in_dim3A_93 = vector.shape_cast %transpose3A_92 : vector<128x1xf32> to vector<128x1x1xf32>
    %broadcast_in_dim3A_94 = vector.shape_cast %max3A_56 : vector<2x128xf32> to vector<1x2x128xf32>
    %min3A_95 = vector.broadcast %broadcast_in_dim3A_93 : vector<128x1x1xf32> to vector<128x2x128xf32>
    %min3A_96 = vector.broadcast %broadcast_in_dim3A_94 : vector<1x2x128xf32> to vector<128x2x128xf32>
    %min3A_97 = arith.minimumf %min3A_95, %min3A_96 : vector<128x2x128xf32>
    %sub3A_98 = arith.subf %min3A_90, %max3A_76 : vector<128x2x128xf32>
    %max3A_99 = arith.constant 0.000000e+00 : f32
    %max3A_100 = vector.broadcast %max3A_99 : f32 to vector<128x2x128xf32>
    %max3A_101 = arith.maximumf %sub3A_98, %max3A_100 : vector<128x2x128xf32>
    %sub3A_102 = arith.subf %min3A_97, %max3A_83 : vector<128x2x128xf32>
    %max3A_103 = arith.constant 0.000000e+00 : f32
    %max3A_104 = vector.broadcast %max3A_103 : f32 to vector<128x2x128xf32>
    %max3A_105 = arith.maximumf %sub3A_102, %max3A_104 : vector<128x2x128xf32>
    %mul3A_106 = arith.mulf %max3A_101, %max3A_105 : vector<128x2x128xf32>
    %slice3A_107 = vector.extract_strided_slice %mul3A {offsets = [0, 0], sizes = [1, 128], strides = [1, 1]} : vector<2x128xf32> to vector<1x128xf32>
    %transpose3A_108 = tpu.transpose %slice3A_107, [1, 0] : vector<1x128xf32> -> vector<128x1xf32>
    %broadcast_in_dim3A_109 = vector.shape_cast %transpose3A_108 : vector<128x1xf32> to vector<128x1x1xf32>
    %broadcast_in_dim3A_110 = vector.shape_cast %mul3A : vector<2x128xf32> to vector<1x2x128xf32>
    %add3A_111 = vector.broadcast %broadcast_in_dim3A_109 : vector<128x1x1xf32> to vector<128x2x128xf32>
    %add3A_112 = vector.broadcast %broadcast_in_dim3A_110 : vector<1x2x128xf32> to vector<128x2x128xf32>
    %add3A_113 = arith.addf %add3A_111, %add3A_112 : vector<128x2x128xf32>
    %sub3A_114 = arith.subf %add3A_113, %mul3A_106 : vector<128x2x128xf32>
    %add3A_115 = arith.constant 9.99999971E-10 : f32
    %add3A_116 = vector.broadcast %add3A_115 : f32 to vector<128x2x128xf32>
    %add3A_117 = arith.addf %sub3A_114, %add3A_116 : vector<128x2x128xf32>
    %div3A = arith.divf %mul3A_106, %add3A_117 : vector<128x2x128xf32>
    %iota3A_118 = tpu.iota {dimensions = array<i32: 0>} : vector<128x1x1xi32>
    %add3A_119 = arith.constant 0 : i32
    %add3A_120 = vector.broadcast %add3A_119 : i32 to vector<128x1x1xi32>
    %add3A_121 = arith.addi %add3A_120, %iota3A_118 : vector<128x1x1xi32>
    %gt3A = arith.constant 8.000000e-01 : f32
    %gt3A_122 = vector.broadcast %gt3A : f32 to vector<128x2x128xf32>
    %gt3A_123 = arith.cmpf ogt, %div3A, %gt3A_122 : vector<128x2x128xf32>
    %broadcast_in_dim3A_124 = vector.shape_cast %add3A : vector<2x128xi32> to vector<1x2x128xi32>
    %gt3A_125 = vector.broadcast %broadcast_in_dim3A_124 : vector<1x2x128xi32> to vector<128x2x128xi32>
    %gt3A_126 = vector.broadcast %add3A_121 : vector<128x1x1xi32> to vector<128x2x128xi32>
    %gt3A_127 = arith.cmpi sgt, %gt3A_125, %gt3A_126 : vector<128x2x128xi32>
    %and3A = arith.andi %gt3A_123, %gt3A_127 : vector<128x2x128xi1>
    %broadcast_in_dim3A_128 = vector.shape_cast %lt3A_69 : vector<2x128xi1> to vector<1x2x128xi1>
    %and3A_129 = vector.broadcast %broadcast_in_dim3A_128 : vector<1x2x128xi1> to vector<128x2x128xi1>
    %and3A_130 = arith.andi %and3A, %and3A_129 : vector<128x2x128xi1>
    %convert_element_type3A_131 = arith.extui %and3A_130 : vector<128x2x128xi1> to vector<128x2x128xi32>
    %convert_element_type3A_132 = arith.sitofp %convert_element_type3A_131 : vector<128x2x128xi32> to vector<128x2x128xf32>
    %swap3A = arith.constant 0 : index
    %swap3A_133 = arith.constant 0 : index
    %swap3A_134 = arith.constant 0 : index
    %swap3A_135 = vector.load %arg4[%swap3A, %swap3A_133, %swap3A_134] : memref<128x2x128xf32, #tpu.memory_space<vmem>>, vector<128x2x128xf32>
    tpu.vector_store %arg4[%swap3A, %swap3A_133, %swap3A_134], %convert_element_type3A_132 {strides = array<i32>} : memref<128x2x128xf32, #tpu.memory_space<vmem>>, vector<128x2x128xf32>,
    %scan3A = arith.constant 0 : i32
    %scan3A_136 = arith.constant 128 : i32
    %scan3A_137 = arith.addi %scan3A, %scan3A_136 : i32
    %scan3A_138 = arith.constant 1 : i32
    %scan3A_139 = scf.for %scan3A_345 = %scan3A to %scan3A_137 step %scan3A_138 iter_args(%scan3A_346 = %convert_element_type3A_72) -> (vector<2x128xf32>)  : i32 {
      %eq3A = vector.broadcast %scan3A_345 : i32 to vector<128xi32>
      %eq3A_347 = arith.cmpi eq, %iota3A_71, %eq3A : vector<128xi32>
      %slice3A_348 = vector.extract_strided_slice %scan3A_346 {offsets = [0, 0], sizes = [1, 128], strides = [1, 1]} : vector<2x128xf32> to vector<1x128xf32>
      %squeeze3A = vector.shape_cast %slice3A_348 : vector<1x128xf32> to vector<128xf32>
      %jit3A = arith.constant 0.000000e+00 : f32
      %broadcast_in_dim3A_349 = vector.broadcast %jit3A : f32 to vector<128xf32>
      %select_n3A = arith.select %eq3A_347, %squeeze3A, %broadcast_in_dim3A_349 : vector<128xi1>, vector<128xf32>
      %reduce_sum3A = vector.shape_cast %select_n3A : vector<128xf32> to vector<1x128xf32>
      %reduce_sum3A_350 = arith.constant dense<0.000000e+00> : vector<1xf32>
      %reduce_sum3A_351 = vector.multi_reduction <add>, %reduce_sum3A, %reduce_sum3A_350 [1] : vector<1x128xf32> to vector<1xf32>
      %reduce_sum3A_352 = vector.shape_cast %reduce_sum3A_351 : vector<1xf32> to vector<1x1xf32>
      %reduce_sum3A_353 = vector.extract %reduce_sum3A_352[0, 0] : f32 from vector<1x1xf32>
      %get3A_354 = arith.index_cast %scan3A_345 : i32 to index
      %get3A_355 = arith.constant 0 : index
      %get3A_356 = arith.constant 0 : index
      %get3A_357 = vector.load %arg4[%get3A_354, %get3A_355, %get3A_356] : memref<128x2x128xf32, #tpu.memory_space<vmem>>, vector<1x2x128xf32>
      %get3A_358 = vector.shape_cast %get3A_357 : vector<1x2x128xf32> to vector<2x128xf32>
      %mul3A_359 = vector.broadcast %reduce_sum3A_353 : f32 to vector<2x128xf32>
      %mul3A_360 = arith.mulf %mul3A_359, %get3A_358 : vector<2x128xf32>
      %sub3A_361 = arith.constant 1.000000e+00 : f32
      %sub3A_362 = vector.broadcast %sub3A_361 : f32 to vector<2x128xf32>
      %sub3A_363 = arith.subf %sub3A_362, %mul3A_360 : vector<2x128xf32>
      %mul3A_364 = arith.mulf %scan3A_346, %sub3A_363 : vector<2x128xf32>
      scf.yield %mul3A_364 : vector<2x128xf32>
    }
    %scan3A_140 = arith.constant 128 : i32
    %slice3A_141 = vector.extract_strided_slice %min3A_48 {offsets = [1, 0], sizes = [1, 128], strides = [1, 1]} : vector<2x128xf32> to vector<1x128xf32>
    %transpose3A_142 = tpu.transpose %slice3A_141, [1, 0] : vector<1x128xf32> -> vector<128x1xf32>
    %broadcast_in_dim3A_143 = vector.shape_cast %transpose3A_142 : vector<128x1xf32> to vector<128x1x1xf32>
    %broadcast_in_dim3A_144 = vector.shape_cast %min3A_48 : vector<2x128xf32> to vector<1x2x128xf32>
    %max3A_145 = vector.broadcast %broadcast_in_dim3A_143 : vector<128x1x1xf32> to vector<128x2x128xf32>
    %max3A_146 = vector.broadcast %broadcast_in_dim3A_144 : vector<1x2x128xf32> to vector<128x2x128xf32>
    %max3A_147 = arith.maximumf %max3A_145, %max3A_146 : vector<128x2x128xf32>
    %slice3A_148 = vector.extract_strided_slice %min3A_51 {offsets = [1, 0], sizes = [1, 128], strides = [1, 1]} : vector<2x128xf32> to vector<1x128xf32>
    %transpose3A_149 = tpu.transpose %slice3A_148, [1, 0] : vector<1x128xf32> -> vector<128x1xf32>
    %broadcast_in_dim3A_150 = vector.shape_cast %transpose3A_149 : vector<128x1xf32> to vector<128x1x1xf32>
    %broadcast_in_dim3A_151 = vector.shape_cast %min3A_51 : vector<2x128xf32> to vector<1x2x128xf32>
    %max3A_152 = vector.broadcast %broadcast_in_dim3A_150 : vector<128x1x1xf32> to vector<128x2x128xf32>
    %max3A_153 = vector.broadcast %broadcast_in_dim3A_151 : vector<1x2x128xf32> to vector<128x2x128xf32>
    %max3A_154 = arith.maximumf %max3A_152, %max3A_153 : vector<128x2x128xf32>
    %slice3A_155 = vector.extract_strided_slice %max3A_53 {offsets = [1, 0], sizes = [1, 128], strides = [1, 1]} : vector<2x128xf32> to vector<1x128xf32>
    %transpose3A_156 = tpu.transpose %slice3A_155, [1, 0] : vector<1x128xf32> -> vector<128x1xf32>
    %broadcast_in_dim3A_157 = vector.shape_cast %transpose3A_156 : vector<128x1xf32> to vector<128x1x1xf32>
    %broadcast_in_dim3A_158 = vector.shape_cast %max3A_53 : vector<2x128xf32> to vector<1x2x128xf32>
    %min3A_159 = vector.broadcast %broadcast_in_dim3A_157 : vector<128x1x1xf32> to vector<128x2x128xf32>
    %min3A_160 = vector.broadcast %broadcast_in_dim3A_158 : vector<1x2x128xf32> to vector<128x2x128xf32>
    %min3A_161 = arith.minimumf %min3A_159, %min3A_160 : vector<128x2x128xf32>
    %slice3A_162 = vector.extract_strided_slice %max3A_56 {offsets = [1, 0], sizes = [1, 128], strides = [1, 1]} : vector<2x128xf32> to vector<1x128xf32>
    %transpose3A_163 = tpu.transpose %slice3A_162, [1, 0] : vector<1x128xf32> -> vector<128x1xf32>
    %broadcast_in_dim3A_164 = vector.shape_cast %transpose3A_163 : vector<128x1xf32> to vector<128x1x1xf32>
    %broadcast_in_dim3A_165 = vector.shape_cast %max3A_56 : vector<2x128xf32> to vector<1x2x128xf32>
    %min3A_166 = vector.broadcast %broadcast_in_dim3A_164 : vector<128x1x1xf32> to vector<128x2x128xf32>
    %min3A_167 = vector.broadcast %broadcast_in_dim3A_165 : vector<1x2x128xf32> to vector<128x2x128xf32>
    %min3A_168 = arith.minimumf %min3A_166, %min3A_167 : vector<128x2x128xf32>
    %sub3A_169 = arith.subf %min3A_161, %max3A_147 : vector<128x2x128xf32>
    %max3A_170 = arith.constant 0.000000e+00 : f32
    %max3A_171 = vector.broadcast %max3A_170 : f32 to vector<128x2x128xf32>
    %max3A_172 = arith.maximumf %sub3A_169, %max3A_171 : vector<128x2x128xf32>
    %sub3A_173 = arith.subf %min3A_168, %max3A_154 : vector<128x2x128xf32>
    %max3A_174 = arith.constant 0.000000e+00 : f32
    %max3A_175 = vector.broadcast %max3A_174 : f32 to vector<128x2x128xf32>
    %max3A_176 = arith.maximumf %sub3A_173, %max3A_175 : vector<128x2x128xf32>
    %mul3A_177 = arith.mulf %max3A_172, %max3A_176 : vector<128x2x128xf32>
    %slice3A_178 = vector.extract_strided_slice %mul3A {offsets = [1, 0], sizes = [1, 128], strides = [1, 1]} : vector<2x128xf32> to vector<1x128xf32>
    %transpose3A_179 = tpu.transpose %slice3A_178, [1, 0] : vector<1x128xf32> -> vector<128x1xf32>
    %broadcast_in_dim3A_180 = vector.shape_cast %transpose3A_179 : vector<128x1xf32> to vector<128x1x1xf32>
    %broadcast_in_dim3A_181 = vector.shape_cast %mul3A : vector<2x128xf32> to vector<1x2x128xf32>
    %add3A_182 = vector.broadcast %broadcast_in_dim3A_180 : vector<128x1x1xf32> to vector<128x2x128xf32>
    %add3A_183 = vector.broadcast %broadcast_in_dim3A_181 : vector<1x2x128xf32> to vector<128x2x128xf32>
    %add3A_184 = arith.addf %add3A_182, %add3A_183 : vector<128x2x128xf32>
    %sub3A_185 = arith.subf %add3A_184, %mul3A_177 : vector<128x2x128xf32>
    %add3A_186 = arith.constant 9.99999971E-10 : f32
    %add3A_187 = vector.broadcast %add3A_186 : f32 to vector<128x2x128xf32>
    %add3A_188 = arith.addf %sub3A_185, %add3A_187 : vector<128x2x128xf32>
    %div3A_189 = arith.divf %mul3A_177, %add3A_188 : vector<128x2x128xf32>
    %iota3A_190 = tpu.iota {dimensions = array<i32: 0>} : vector<128x1x1xi32>
    %add3A_191 = arith.constant 128 : i32
    %add3A_192 = vector.broadcast %add3A_191 : i32 to vector<128x1x1xi32>
    %add3A_193 = arith.addi %add3A_192, %iota3A_190 : vector<128x1x1xi32>
    %gt3A_194 = arith.constant 8.000000e-01 : f32
    %gt3A_195 = vector.broadcast %gt3A_194 : f32 to vector<128x2x128xf32>
    %gt3A_196 = arith.cmpf ogt, %div3A_189, %gt3A_195 : vector<128x2x128xf32>
    %broadcast_in_dim3A_197 = vector.shape_cast %add3A : vector<2x128xi32> to vector<1x2x128xi32>
    %gt3A_198 = vector.broadcast %broadcast_in_dim3A_197 : vector<1x2x128xi32> to vector<128x2x128xi32>
    %gt3A_199 = vector.broadcast %add3A_193 : vector<128x1x1xi32> to vector<128x2x128xi32>
    %gt3A_200 = arith.cmpi sgt, %gt3A_198, %gt3A_199 : vector<128x2x128xi32>
    %and3A_201 = arith.andi %gt3A_196, %gt3A_200 : vector<128x2x128xi1>
    %broadcast_in_dim3A_202 = vector.shape_cast %lt3A_69 : vector<2x128xi1> to vector<1x2x128xi1>
    %and3A_203 = vector.broadcast %broadcast_in_dim3A_202 : vector<1x2x128xi1> to vector<128x2x128xi1>
    %and3A_204 = arith.andi %and3A_201, %and3A_203 : vector<128x2x128xi1>
    %convert_element_type3A_205 = arith.extui %and3A_204 : vector<128x2x128xi1> to vector<128x2x128xi32>
    %convert_element_type3A_206 = arith.sitofp %convert_element_type3A_205 : vector<128x2x128xi32> to vector<128x2x128xf32>
    %swap3A_207 = arith.constant 0 : index
    %swap3A_208 = arith.constant 0 : index
    %swap3A_209 = arith.constant 0 : index
    %swap3A_210 = vector.load %arg4[%swap3A_207, %swap3A_208, %swap3A_209] : memref<128x2x128xf32, #tpu.memory_space<vmem>>, vector<128x2x128xf32>
    tpu.vector_store %arg4[%swap3A_207, %swap3A_208, %swap3A_209], %convert_element_type3A_206 {strides = array<i32>} : memref<128x2x128xf32, #tpu.memory_space<vmem>>, vector<128x2x128xf32>,
    %scan3A_211 = arith.constant 0 : i32
    %scan3A_212 = arith.constant 64 : i32
    %scan3A_213 = arith.addi %scan3A_211, %scan3A_212 : i32
    %scan3A_214 = arith.constant 1 : i32
    %scan3A_215 = scf.for %scan3A_345 = %scan3A_211 to %scan3A_213 step %scan3A_214 iter_args(%scan3A_346 = %scan3A_139) -> (vector<2x128xf32>)  : i32 {
      %eq3A = vector.broadcast %scan3A_345 : i32 to vector<128xi32>
      %eq3A_347 = arith.cmpi eq, %iota3A_71, %eq3A : vector<128xi32>
      %slice3A_348 = vector.extract_strided_slice %scan3A_346 {offsets = [1, 0], sizes = [1, 128], strides = [1, 1]} : vector<2x128xf32> to vector<1x128xf32>
      %squeeze3A = vector.shape_cast %slice3A_348 : vector<1x128xf32> to vector<128xf32>
      %jit3A = arith.constant 0.000000e+00 : f32
      %broadcast_in_dim3A_349 = vector.broadcast %jit3A : f32 to vector<128xf32>
      %select_n3A = arith.select %eq3A_347, %squeeze3A, %broadcast_in_dim3A_349 : vector<128xi1>, vector<128xf32>
      %reduce_sum3A = vector.shape_cast %select_n3A : vector<128xf32> to vector<1x128xf32>
      %reduce_sum3A_350 = arith.constant dense<0.000000e+00> : vector<1xf32>
      %reduce_sum3A_351 = vector.multi_reduction <add>, %reduce_sum3A, %reduce_sum3A_350 [1] : vector<1x128xf32> to vector<1xf32>
      %reduce_sum3A_352 = vector.shape_cast %reduce_sum3A_351 : vector<1xf32> to vector<1x1xf32>
      %reduce_sum3A_353 = vector.extract %reduce_sum3A_352[0, 0] : f32 from vector<1x1xf32>
      %get3A_354 = arith.index_cast %scan3A_345 : i32 to index
      %get3A_355 = arith.constant 0 : index
      %get3A_356 = arith.constant 0 : index
      %get3A_357 = vector.load %arg4[%get3A_354, %get3A_355, %get3A_356] : memref<128x2x128xf32, #tpu.memory_space<vmem>>, vector<1x2x128xf32>
      %get3A_358 = vector.shape_cast %get3A_357 : vector<1x2x128xf32> to vector<2x128xf32>
      %mul3A_359 = vector.broadcast %reduce_sum3A_353 : f32 to vector<2x128xf32>
      %mul3A_360 = arith.mulf %mul3A_359, %get3A_358 : vector<2x128xf32>
      %sub3A_361 = arith.constant 1.000000e+00 : f32
      %sub3A_362 = vector.broadcast %sub3A_361 : f32 to vector<2x128xf32>
      %sub3A_363 = arith.subf %sub3A_362, %mul3A_360 : vector<2x128xf32>
      %mul3A_364 = arith.mulf %scan3A_346, %sub3A_363 : vector<2x128xf32>
      scf.yield %mul3A_364 : vector<2x128xf32>
    }
    %scan3A_216 = arith.constant 64 : i32
    %get3A_217 = arith.constant 0 : index
    %get3A_218 = arith.constant 0 : index
    %get3A_219 = arith.constant 0 : index
    %get3A_220 = vector.load %arg2[%get3A_217, %get3A_218, %get3A_219] : memref<1x2x128xf32, #tpu.memory_space<vmem>>, vector<1x2x128xf32>
    %get3A_221 = vector.shape_cast %get3A_220 : vector<1x2x128xf32> to vector<2x128xf32>
    %mul3A_222 = arith.mulf %get3A_4, %scan3A_215 : vector<2x128xf32>
    %swap3A_223 = arith.constant 0 : index
    %swap3A_224 = arith.constant 0 : index
    %swap3A_225 = arith.constant 0 : index
    %swap3A_226 = arith.constant 0 : index
    %swap3A_227 = vector.load %arg3[%swap3A_223, %swap3A_224, %swap3A_225, %swap3A_226] : memref<1x16x2x128xf32, #tpu.memory_space<vmem>>, vector<1x1x2x128xf32>
    %swap3A_228 = vector.shape_cast %swap3A_227 : vector<1x1x2x128xf32> to vector<2x128xf32>
    %swap3A_229 = vector.shape_cast %mul3A_222 : vector<2x128xf32> to vector<1x1x2x128xf32>
    tpu.vector_store %arg3[%swap3A_223, %swap3A_224, %swap3A_225, %swap3A_226], %swap3A_229 {strides = array<i32>} : memref<1x16x2x128xf32, #tpu.memory_space<vmem>>, vector<1x1x2x128xf32>,
    %mul3A_230 = arith.mulf %get3A_10, %scan3A_215 : vector<2x128xf32>
    %swap3A_231 = arith.constant 0 : index
    %swap3A_232 = arith.constant 1 : index
    %swap3A_233 = arith.constant 0 : index
    %swap3A_234 = arith.constant 0 : index
    %swap3A_235 = vector.load %arg3[%swap3A_231, %swap3A_232, %swap3A_233, %swap3A_234] : memref<1x16x2x128xf32, #tpu.memory_space<vmem>>, vector<1x1x2x128xf32>
    %swap3A_236 = vector.shape_cast %swap3A_235 : vector<1x1x2x128xf32> to vector<2x128xf32>
    %swap3A_237 = vector.shape_cast %mul3A_230 : vector<2x128xf32> to vector<1x1x2x128xf32>
    tpu.vector_store %arg3[%swap3A_231, %swap3A_232, %swap3A_233, %swap3A_234], %swap3A_237 {strides = array<i32>} : memref<1x16x2x128xf32, #tpu.memory_space<vmem>>, vector<1x1x2x128xf32>,
    %mul3A_238 = arith.mulf %get3A_16, %scan3A_215 : vector<2x128xf32>
    %swap3A_239 = arith.constant 0 : index
    %swap3A_240 = arith.constant 2 : index
    %swap3A_241 = arith.constant 0 : index
    %swap3A_242 = arith.constant 0 : index
    %swap3A_243 = vector.load %arg3[%swap3A_239, %swap3A_240, %swap3A_241, %swap3A_242] : memref<1x16x2x128xf32, #tpu.memory_space<vmem>>, vector<1x1x2x128xf32>
    %swap3A_244 = vector.shape_cast %swap3A_243 : vector<1x1x2x128xf32> to vector<2x128xf32>
    %swap3A_245 = vector.shape_cast %mul3A_238 : vector<2x128xf32> to vector<1x1x2x128xf32>
    tpu.vector_store %arg3[%swap3A_239, %swap3A_240, %swap3A_241, %swap3A_242], %swap3A_245 {strides = array<i32>} : memref<1x16x2x128xf32, #tpu.memory_space<vmem>>, vector<1x1x2x128xf32>,
    %mul3A_246 = arith.mulf %get3A_22, %scan3A_215 : vector<2x128xf32>
    %swap3A_247 = arith.constant 0 : index
    %swap3A_248 = arith.constant 3 : index
    %swap3A_249 = arith.constant 0 : index
    %swap3A_250 = arith.constant 0 : index
    %swap3A_251 = vector.load %arg3[%swap3A_247, %swap3A_248, %swap3A_249, %swap3A_250] : memref<1x16x2x128xf32, #tpu.memory_space<vmem>>, vector<1x1x2x128xf32>
    %swap3A_252 = vector.shape_cast %swap3A_251 : vector<1x1x2x128xf32> to vector<2x128xf32>
    %swap3A_253 = vector.shape_cast %mul3A_246 : vector<2x128xf32> to vector<1x1x2x128xf32>
    tpu.vector_store %arg3[%swap3A_247, %swap3A_248, %swap3A_249, %swap3A_250], %swap3A_253 {strides = array<i32>} : memref<1x16x2x128xf32, #tpu.memory_space<vmem>>, vector<1x1x2x128xf32>,
    %mul3A_254 = arith.mulf %get3A_28, %scan3A_215 : vector<2x128xf32>
    %swap3A_255 = arith.constant 0 : index
    %swap3A_256 = arith.constant 4 : index
    %swap3A_257 = arith.constant 0 : index
    %swap3A_258 = arith.constant 0 : index
    %swap3A_259 = vector.load %arg3[%swap3A_255, %swap3A_256, %swap3A_257, %swap3A_258] : memref<1x16x2x128xf32, #tpu.memory_space<vmem>>, vector<1x1x2x128xf32>
    %swap3A_260 = vector.shape_cast %swap3A_259 : vector<1x1x2x128xf32> to vector<2x128xf32>
    %swap3A_261 = vector.shape_cast %mul3A_254 : vector<2x128xf32> to vector<1x1x2x128xf32>
    tpu.vector_store %arg3[%swap3A_255, %swap3A_256, %swap3A_257, %swap3A_258], %swap3A_261 {strides = array<i32>} : memref<1x16x2x128xf32, #tpu.memory_space<vmem>>, vector<1x1x2x128xf32>,
    %mul3A_262 = arith.mulf %get3A_34, %scan3A_215 : vector<2x128xf32>
    %swap3A_263 = arith.constant 0 : index
    %swap3A_264 = arith.constant 5 : index
    %swap3A_265 = arith.constant 0 : index
    %swap3A_266 = arith.constant 0 : index
    %swap3A_267 = vector.load %arg3[%swap3A_263, %swap3A_264, %swap3A_265, %swap3A_266] : memref<1x16x2x128xf32, #tpu.memory_space<vmem>>, vector<1x1x2x128xf32>
    %swap3A_268 = vector.shape_cast %swap3A_267 : vector<1x1x2x128xf32> to vector<2x128xf32>
    %swap3A_269 = vector.shape_cast %mul3A_262 : vector<2x128xf32> to vector<1x1x2x128xf32>
    tpu.vector_store %arg3[%swap3A_263, %swap3A_264, %swap3A_265, %swap3A_266], %swap3A_269 {strides = array<i32>} : memref<1x16x2x128xf32, #tpu.memory_space<vmem>>, vector<1x1x2x128xf32>,
    %mul3A_270 = arith.mulf %get3A_40, %scan3A_215 : vector<2x128xf32>
    %swap3A_271 = arith.constant 0 : index
    %swap3A_272 = arith.constant 6 : index
    %swap3A_273 = arith.constant 0 : index
    %swap3A_274 = arith.constant 0 : index
    %swap3A_275 = vector.load %arg3[%swap3A_271, %swap3A_272, %swap3A_273, %swap3A_274] : memref<1x16x2x128xf32, #tpu.memory_space<vmem>>, vector<1x1x2x128xf32>
    %swap3A_276 = vector.shape_cast %swap3A_275 : vector<1x1x2x128xf32> to vector<2x128xf32>
    %swap3A_277 = vector.shape_cast %mul3A_270 : vector<2x128xf32> to vector<1x1x2x128xf32>
    tpu.vector_store %arg3[%swap3A_271, %swap3A_272, %swap3A_273, %swap3A_274], %swap3A_277 {strides = array<i32>} : memref<1x16x2x128xf32, #tpu.memory_space<vmem>>, vector<1x1x2x128xf32>,
    %mul3A_278 = arith.mulf %get3A_46, %scan3A_215 : vector<2x128xf32>
    %swap3A_279 = arith.constant 0 : index
    %swap3A_280 = arith.constant 7 : index
    %swap3A_281 = arith.constant 0 : index
    %swap3A_282 = arith.constant 0 : index
    %swap3A_283 = vector.load %arg3[%swap3A_279, %swap3A_280, %swap3A_281, %swap3A_282] : memref<1x16x2x128xf32, #tpu.memory_space<vmem>>, vector<1x1x2x128xf32>
    %swap3A_284 = vector.shape_cast %swap3A_283 : vector<1x1x2x128xf32> to vector<2x128xf32>
    %swap3A_285 = vector.shape_cast %mul3A_278 : vector<2x128xf32> to vector<1x1x2x128xf32>
    tpu.vector_store %arg3[%swap3A_279, %swap3A_280, %swap3A_281, %swap3A_282], %swap3A_285 {strides = array<i32>} : memref<1x16x2x128xf32, #tpu.memory_space<vmem>>, vector<1x1x2x128xf32>,
    %mul3A_286 = arith.mulf %get3A_221, %scan3A_215 : vector<2x128xf32>
    %swap3A_287 = arith.constant 0 : index
    %swap3A_288 = arith.constant 8 : index
    %swap3A_289 = arith.constant 0 : index
    %swap3A_290 = arith.constant 0 : index
    %swap3A_291 = vector.load %arg3[%swap3A_287, %swap3A_288, %swap3A_289, %swap3A_290] : memref<1x16x2x128xf32, #tpu.memory_space<vmem>>, vector<1x1x2x128xf32>
    %swap3A_292 = vector.shape_cast %swap3A_291 : vector<1x1x2x128xf32> to vector<2x128xf32>
    %swap3A_293 = vector.shape_cast %mul3A_286 : vector<2x128xf32> to vector<1x1x2x128xf32>
    tpu.vector_store %arg3[%swap3A_287, %swap3A_288, %swap3A_289, %swap3A_290], %swap3A_293 {strides = array<i32>} : memref<1x16x2x128xf32, #tpu.memory_space<vmem>>, vector<1x1x2x128xf32>,
    %broadcast_in_dim3A_294 = arith.constant 0.000000e+00 : f32
    %broadcast_in_dim3A_295 = vector.broadcast %broadcast_in_dim3A_294 : f32 to vector<2x128xf32>
    %swap3A_296 = arith.constant 0 : index
    %swap3A_297 = arith.constant 9 : index
    %swap3A_298 = arith.constant 0 : index
    %swap3A_299 = arith.constant 0 : index
    %swap3A_300 = vector.load %arg3[%swap3A_296, %swap3A_297, %swap3A_298, %swap3A_299] : memref<1x16x2x128xf32, #tpu.memory_space<vmem>>, vector<1x1x2x128xf32>
    %swap3A_301 = vector.shape_cast %swap3A_300 : vector<1x1x2x128xf32> to vector<2x128xf32>
    %swap3A_302 = vector.shape_cast %broadcast_in_dim3A_295 : vector<2x128xf32> to vector<1x1x2x128xf32>
    tpu.vector_store %arg3[%swap3A_296, %swap3A_297, %swap3A_298, %swap3A_299], %swap3A_302 {strides = array<i32>} : memref<1x16x2x128xf32, #tpu.memory_space<vmem>>, vector<1x1x2x128xf32>,
    %swap3A_303 = arith.constant 0 : index
    %swap3A_304 = arith.constant 10 : index
    %swap3A_305 = arith.constant 0 : index
    %swap3A_306 = arith.constant 0 : index
    %swap3A_307 = vector.load %arg3[%swap3A_303, %swap3A_304, %swap3A_305, %swap3A_306] : memref<1x16x2x128xf32, #tpu.memory_space<vmem>>, vector<1x1x2x128xf32>
    %swap3A_308 = vector.shape_cast %swap3A_307 : vector<1x1x2x128xf32> to vector<2x128xf32>
    %swap3A_309 = vector.shape_cast %broadcast_in_dim3A_295 : vector<2x128xf32> to vector<1x1x2x128xf32>
    tpu.vector_store %arg3[%swap3A_303, %swap3A_304, %swap3A_305, %swap3A_306], %swap3A_309 {strides = array<i32>} : memref<1x16x2x128xf32, #tpu.memory_space<vmem>>, vector<1x1x2x128xf32>,
    %swap3A_310 = arith.constant 0 : index
    %swap3A_311 = arith.constant 11 : index
    %swap3A_312 = arith.constant 0 : index
    %swap3A_313 = arith.constant 0 : index
    %swap3A_314 = vector.load %arg3[%swap3A_310, %swap3A_311, %swap3A_312, %swap3A_313] : memref<1x16x2x128xf32, #tpu.memory_space<vmem>>, vector<1x1x2x128xf32>
    %swap3A_315 = vector.shape_cast %swap3A_314 : vector<1x1x2x128xf32> to vector<2x128xf32>
    %swap3A_316 = vector.shape_cast %broadcast_in_dim3A_295 : vector<2x128xf32> to vector<1x1x2x128xf32>
    tpu.vector_store %arg3[%swap3A_310, %swap3A_311, %swap3A_312, %swap3A_313], %swap3A_316 {strides = array<i32>} : memref<1x16x2x128xf32, #tpu.memory_space<vmem>>, vector<1x1x2x128xf32>,
    %swap3A_317 = arith.constant 0 : index
    %swap3A_318 = arith.constant 12 : index
    %swap3A_319 = arith.constant 0 : index
    %swap3A_320 = arith.constant 0 : index
    %swap3A_321 = vector.load %arg3[%swap3A_317, %swap3A_318, %swap3A_319, %swap3A_320] : memref<1x16x2x128xf32, #tpu.memory_space<vmem>>, vector<1x1x2x128xf32>
    %swap3A_322 = vector.shape_cast %swap3A_321 : vector<1x1x2x128xf32> to vector<2x128xf32>
    %swap3A_323 = vector.shape_cast %broadcast_in_dim3A_295 : vector<2x128xf32> to vector<1x1x2x128xf32>
    tpu.vector_store %arg3[%swap3A_317, %swap3A_318, %swap3A_319, %swap3A_320], %swap3A_323 {strides = array<i32>} : memref<1x16x2x128xf32, #tpu.memory_space<vmem>>, vector<1x1x2x128xf32>,
    %swap3A_324 = arith.constant 0 : index
    %swap3A_325 = arith.constant 13 : index
    %swap3A_326 = arith.constant 0 : index
    %swap3A_327 = arith.constant 0 : index
    %swap3A_328 = vector.load %arg3[%swap3A_324, %swap3A_325, %swap3A_326, %swap3A_327] : memref<1x16x2x128xf32, #tpu.memory_space<vmem>>, vector<1x1x2x128xf32>
    %swap3A_329 = vector.shape_cast %swap3A_328 : vector<1x1x2x128xf32> to vector<2x128xf32>
    %swap3A_330 = vector.shape_cast %broadcast_in_dim3A_295 : vector<2x128xf32> to vector<1x1x2x128xf32>
    tpu.vector_store %arg3[%swap3A_324, %swap3A_325, %swap3A_326, %swap3A_327], %swap3A_330 {strides = array<i32>} : memref<1x16x2x128xf32, #tpu.memory_space<vmem>>, vector<1x1x2x128xf32>,
    %swap3A_331 = arith.constant 0 : index
    %swap3A_332 = arith.constant 14 : index
    %swap3A_333 = arith.constant 0 : index
    %swap3A_334 = arith.constant 0 : index
    %swap3A_335 = vector.load %arg3[%swap3A_331, %swap3A_332, %swap3A_333, %swap3A_334] : memref<1x16x2x128xf32, #tpu.memory_space<vmem>>, vector<1x1x2x128xf32>
    %swap3A_336 = vector.shape_cast %swap3A_335 : vector<1x1x2x128xf32> to vector<2x128xf32>
    %swap3A_337 = vector.shape_cast %broadcast_in_dim3A_295 : vector<2x128xf32> to vector<1x1x2x128xf32>
    tpu.vector_store %arg3[%swap3A_331, %swap3A_332, %swap3A_333, %swap3A_334], %swap3A_337 {strides = array<i32>} : memref<1x16x2x128xf32, #tpu.memory_space<vmem>>, vector<1x1x2x128xf32>,
    %swap3A_338 = arith.constant 0 : index
    %swap3A_339 = arith.constant 15 : index
    %swap3A_340 = arith.constant 0 : index
    %swap3A_341 = arith.constant 0 : index
    %swap3A_342 = vector.load %arg3[%swap3A_338, %swap3A_339, %swap3A_340, %swap3A_341] : memref<1x16x2x128xf32, #tpu.memory_space<vmem>>, vector<1x1x2x128xf32>
    %swap3A_343 = vector.shape_cast %swap3A_342 : vector<1x1x2x128xf32> to vector<2x128xf32>
    %swap3A_344 = vector.shape_cast %broadcast_in_dim3A_295 : vector<2x128xf32> to vector<1x1x2x128xf32>
    tpu.vector_store %arg3[%swap3A_338, %swap3A_339, %swap3A_340, %swap3A_341], %swap3A_344 {strides = array<i32>} : memref<1x16x2x128xf32, #tpu.memory_space<vmem>>, vector<1x1x2x128xf32>,
    return
  }
  func.func @transform_0(%arg0: i32) -> (i32, i32, i32, i32) {
    %c0_i32 = arith.constant 0 : i32
    %c0_i32_0 = arith.constant 0 : i32
    %c0_i32_1 = arith.constant 0 : i32
    %c0_i32_2 = arith.constant 0 : i32
    return %arg0, %c0_i32, %c0_i32_0, %c0_i32_1 : i32, i32, i32, i32
  }
  func.func @transform_1(%arg0: i32) -> (i32, i32, i32) {
    %c0_i32 = arith.constant 0 : i32
    %c0_i32_0 = arith.constant 0 : i32
    %c0_i32_1 = arith.constant 0 : i32
    return %arg0, %c0_i32, %c0_i32_0 : i32, i32, i32
  }
  func.func @transform_2(%arg0: i32) -> (i32, i32, i32, i32) {
    %c0_i32 = arith.constant 0 : i32
    %c0_i32_0 = arith.constant 0 : i32
    %c0_i32_1 = arith.constant 0 : i32
    %c0_i32_2 = arith.constant 0 : i32
    return %arg0, %c0_i32, %c0_i32_0, %c0_i32_1 : i32, i32, i32, i32
  }
}

module attributes {stable_mosaic.version = 14 : i64} {
  func.func @_nms_body(%arg0: i32, %arg1: memref<1x8x16x128xf32, #tpu.memory_space<vmem>>, %arg2: memref<1x16x128xf32, #tpu.memory_space<vmem>>, %arg3: memref<1x16x16x128xf32, #tpu.memory_space<vmem>>, %arg4: memref<128x16x128xf32, #tpu.memory_space<vmem>>) attributes {dimension_semantics = [#tpu.dimension_semantics<arbitrary>], iteration_bounds = array<i64: 2>, scalar_prefetch = 0 : i64, scratch_operands = 1 : i64, tpu.core_type = #tpu.core_type<tc>, window_params = [{transform_indices = @transform_0, window_bounds = array<i64: 1, 8, 16, 128>}, {transform_indices = @transform_1, window_bounds = array<i64: 1, 16, 128>}, {transform_indices = @transform_2, window_bounds = array<i64: 1, 16, 16, 128>}]} {
    %get3A = arith.constant 0 : index
    %get3A_0 = arith.constant 0 : index
    %get3A_1 = arith.constant 0 : index
    %get3A_2 = arith.constant 0 : index
    %get3A_3 = vector.load %arg1[%get3A, %get3A_0, %get3A_1, %get3A_2] : memref<1x8x16x128xf32, #tpu.memory_space<vmem>>, vector<1x1x16x128xf32>
    %get3A_4 = vector.shape_cast %get3A_3 : vector<1x1x16x128xf32> to vector<16x128xf32>
    %get3A_5 = arith.constant 0 : index
    %get3A_6 = arith.constant 1 : index
    %get3A_7 = arith.constant 0 : index
    %get3A_8 = arith.constant 0 : index
    %get3A_9 = vector.load %arg1[%get3A_5, %get3A_6, %get3A_7, %get3A_8] : memref<1x8x16x128xf32, #tpu.memory_space<vmem>>, vector<1x1x16x128xf32>
    %get3A_10 = vector.shape_cast %get3A_9 : vector<1x1x16x128xf32> to vector<16x128xf32>
    %get3A_11 = arith.constant 0 : index
    %get3A_12 = arith.constant 2 : index
    %get3A_13 = arith.constant 0 : index
    %get3A_14 = arith.constant 0 : index
    %get3A_15 = vector.load %arg1[%get3A_11, %get3A_12, %get3A_13, %get3A_14] : memref<1x8x16x128xf32, #tpu.memory_space<vmem>>, vector<1x1x16x128xf32>
    %get3A_16 = vector.shape_cast %get3A_15 : vector<1x1x16x128xf32> to vector<16x128xf32>
    %get3A_17 = arith.constant 0 : index
    %get3A_18 = arith.constant 3 : index
    %get3A_19 = arith.constant 0 : index
    %get3A_20 = arith.constant 0 : index
    %get3A_21 = vector.load %arg1[%get3A_17, %get3A_18, %get3A_19, %get3A_20] : memref<1x8x16x128xf32, #tpu.memory_space<vmem>>, vector<1x1x16x128xf32>
    %get3A_22 = vector.shape_cast %get3A_21 : vector<1x1x16x128xf32> to vector<16x128xf32>
    %get3A_23 = arith.constant 0 : index
    %get3A_24 = arith.constant 4 : index
    %get3A_25 = arith.constant 0 : index
    %get3A_26 = arith.constant 0 : index
    %get3A_27 = vector.load %arg1[%get3A_23, %get3A_24, %get3A_25, %get3A_26] : memref<1x8x16x128xf32, #tpu.memory_space<vmem>>, vector<1x1x16x128xf32>
    %get3A_28 = vector.shape_cast %get3A_27 : vector<1x1x16x128xf32> to vector<16x128xf32>
    %get3A_29 = arith.constant 0 : index
    %get3A_30 = arith.constant 5 : index
    %get3A_31 = arith.constant 0 : index
    %get3A_32 = arith.constant 0 : index
    %get3A_33 = vector.load %arg1[%get3A_29, %get3A_30, %get3A_31, %get3A_32] : memref<1x8x16x128xf32, #tpu.memory_space<vmem>>, vector<1x1x16x128xf32>
    %get3A_34 = vector.shape_cast %get3A_33 : vector<1x1x16x128xf32> to vector<16x128xf32>
    %get3A_35 = arith.constant 0 : index
    %get3A_36 = arith.constant 6 : index
    %get3A_37 = arith.constant 0 : index
    %get3A_38 = arith.constant 0 : index
    %get3A_39 = vector.load %arg1[%get3A_35, %get3A_36, %get3A_37, %get3A_38] : memref<1x8x16x128xf32, #tpu.memory_space<vmem>>, vector<1x1x16x128xf32>
    %get3A_40 = vector.shape_cast %get3A_39 : vector<1x1x16x128xf32> to vector<16x128xf32>
    %get3A_41 = arith.constant 0 : index
    %get3A_42 = arith.constant 7 : index
    %get3A_43 = arith.constant 0 : index
    %get3A_44 = arith.constant 0 : index
    %get3A_45 = vector.load %arg1[%get3A_41, %get3A_42, %get3A_43, %get3A_44] : memref<1x8x16x128xf32, #tpu.memory_space<vmem>>, vector<1x1x16x128xf32>
    %get3A_46 = vector.shape_cast %get3A_45 : vector<1x1x16x128xf32> to vector<16x128xf32>
    %min3A = arith.minimumf %get3A_4, %get3A_16 : vector<16x128xf32>
    %min3A_47 = arith.minimumf %get3A_28, %get3A_40 : vector<16x128xf32>
    %min3A_48 = arith.minimumf %min3A, %min3A_47 : vector<16x128xf32>
    %min3A_49 = arith.minimumf %get3A_10, %get3A_22 : vector<16x128xf32>
    %min3A_50 = arith.minimumf %get3A_34, %get3A_46 : vector<16x128xf32>
    %min3A_51 = arith.minimumf %min3A_49, %min3A_50 : vector<16x128xf32>
    %max3A = arith.maximumf %get3A_4, %get3A_16 : vector<16x128xf32>
    %max3A_52 = arith.maximumf %get3A_28, %get3A_40 : vector<16x128xf32>
    %max3A_53 = arith.maximumf %max3A, %max3A_52 : vector<16x128xf32>
    %max3A_54 = arith.maximumf %get3A_10, %get3A_22 : vector<16x128xf32>
    %max3A_55 = arith.maximumf %get3A_34, %get3A_46 : vector<16x128xf32>
    %max3A_56 = arith.maximumf %max3A_54, %max3A_55 : vector<16x128xf32>
    %sub3A = arith.subf %max3A_53, %min3A_48 : vector<16x128xf32>
    %max3A_57 = arith.constant 0.000000e+00 : f32
    %max3A_58 = vector.broadcast %max3A_57 : f32 to vector<16x128xf32>
    %max3A_59 = arith.maximumf %sub3A, %max3A_58 : vector<16x128xf32>
    %sub3A_60 = arith.subf %max3A_56, %min3A_51 : vector<16x128xf32>
    %max3A_61 = arith.constant 0.000000e+00 : f32
    %max3A_62 = vector.broadcast %max3A_61 : f32 to vector<16x128xf32>
    %max3A_63 = arith.maximumf %sub3A_60, %max3A_62 : vector<16x128xf32>
    %mul3A = arith.mulf %max3A_59, %max3A_63 : vector<16x128xf32>
    %iota3A = tpu.iota {dimensions = array<i32: 0>} : vector<16x128xi32>
    %mul3A_64 = arith.constant 128 : i32
    %mul3A_65 = vector.broadcast %mul3A_64 : i32 to vector<16x128xi32>
    %mul3A_66 = arith.muli %iota3A, %mul3A_65 : vector<16x128xi32>
    %iota3A_67 = tpu.iota {dimensions = array<i32: 1>} : vector<16x128xi32>
    %add3A = arith.addi %mul3A_66, %iota3A_67 : vector<16x128xi32>
    %lt3A = arith.constant 2000 : i32
    %lt3A_68 = vector.broadcast %lt3A : i32 to vector<16x128xi32>
    %lt3A_69 = arith.cmpi slt, %add3A, %lt3A_68 : vector<16x128xi32>
    %iota3A_70 = tpu.iota {dimensions = array<i32: 1>} : vector<1x128xi32>
    %iota3A_71 = vector.shape_cast %iota3A_70 : vector<1x128xi32> to vector<128xi32>
    %convert_element_type3A = arith.extui %lt3A_69 : vector<16x128xi1> to vector<16x128xi32>
    %convert_element_type3A_72 = arith.sitofp %convert_element_type3A : vector<16x128xi32> to vector<16x128xf32>
    %slice3A = vector.extract_strided_slice %min3A_48 {offsets = [0, 0], sizes = [1, 128], strides = [1, 1]} : vector<16x128xf32> to vector<1x128xf32>
    %transpose3A = tpu.transpose %slice3A, [1, 0] : vector<1x128xf32> -> vector<128x1xf32>
    %broadcast_in_dim3A = vector.shape_cast %transpose3A : vector<128x1xf32> to vector<128x1x1xf32>
    %broadcast_in_dim3A_73 = vector.shape_cast %min3A_48 : vector<16x128xf32> to vector<1x16x128xf32>
    %max3A_74 = vector.broadcast %broadcast_in_dim3A : vector<128x1x1xf32> to vector<128x16x128xf32>
    %max3A_75 = vector.broadcast %broadcast_in_dim3A_73 : vector<1x16x128xf32> to vector<128x16x128xf32>
    %max3A_76 = arith.maximumf %max3A_74, %max3A_75 : vector<128x16x128xf32>
    %slice3A_77 = vector.extract_strided_slice %min3A_51 {offsets = [0, 0], sizes = [1, 128], strides = [1, 1]} : vector<16x128xf32> to vector<1x128xf32>
    %transpose3A_78 = tpu.transpose %slice3A_77, [1, 0] : vector<1x128xf32> -> vector<128x1xf32>
    %broadcast_in_dim3A_79 = vector.shape_cast %transpose3A_78 : vector<128x1xf32> to vector<128x1x1xf32>
    %broadcast_in_dim3A_80 = vector.shape_cast %min3A_51 : vector<16x128xf32> to vector<1x16x128xf32>
    %max3A_81 = vector.broadcast %broadcast_in_dim3A_79 : vector<128x1x1xf32> to vector<128x16x128xf32>
    %max3A_82 = vector.broadcast %broadcast_in_dim3A_80 : vector<1x16x128xf32> to vector<128x16x128xf32>
    %max3A_83 = arith.maximumf %max3A_81, %max3A_82 : vector<128x16x128xf32>
    %slice3A_84 = vector.extract_strided_slice %max3A_53 {offsets = [0, 0], sizes = [1, 128], strides = [1, 1]} : vector<16x128xf32> to vector<1x128xf32>
    %transpose3A_85 = tpu.transpose %slice3A_84, [1, 0] : vector<1x128xf32> -> vector<128x1xf32>
    %broadcast_in_dim3A_86 = vector.shape_cast %transpose3A_85 : vector<128x1xf32> to vector<128x1x1xf32>
    %broadcast_in_dim3A_87 = vector.shape_cast %max3A_53 : vector<16x128xf32> to vector<1x16x128xf32>
    %min3A_88 = vector.broadcast %broadcast_in_dim3A_86 : vector<128x1x1xf32> to vector<128x16x128xf32>
    %min3A_89 = vector.broadcast %broadcast_in_dim3A_87 : vector<1x16x128xf32> to vector<128x16x128xf32>
    %min3A_90 = arith.minimumf %min3A_88, %min3A_89 : vector<128x16x128xf32>
    %slice3A_91 = vector.extract_strided_slice %max3A_56 {offsets = [0, 0], sizes = [1, 128], strides = [1, 1]} : vector<16x128xf32> to vector<1x128xf32>
    %transpose3A_92 = tpu.transpose %slice3A_91, [1, 0] : vector<1x128xf32> -> vector<128x1xf32>
    %broadcast_in_dim3A_93 = vector.shape_cast %transpose3A_92 : vector<128x1xf32> to vector<128x1x1xf32>
    %broadcast_in_dim3A_94 = vector.shape_cast %max3A_56 : vector<16x128xf32> to vector<1x16x128xf32>
    %min3A_95 = vector.broadcast %broadcast_in_dim3A_93 : vector<128x1x1xf32> to vector<128x16x128xf32>
    %min3A_96 = vector.broadcast %broadcast_in_dim3A_94 : vector<1x16x128xf32> to vector<128x16x128xf32>
    %min3A_97 = arith.minimumf %min3A_95, %min3A_96 : vector<128x16x128xf32>
    %sub3A_98 = arith.subf %min3A_90, %max3A_76 : vector<128x16x128xf32>
    %max3A_99 = arith.constant 0.000000e+00 : f32
    %max3A_100 = vector.broadcast %max3A_99 : f32 to vector<128x16x128xf32>
    %max3A_101 = arith.maximumf %sub3A_98, %max3A_100 : vector<128x16x128xf32>
    %sub3A_102 = arith.subf %min3A_97, %max3A_83 : vector<128x16x128xf32>
    %max3A_103 = arith.constant 0.000000e+00 : f32
    %max3A_104 = vector.broadcast %max3A_103 : f32 to vector<128x16x128xf32>
    %max3A_105 = arith.maximumf %sub3A_102, %max3A_104 : vector<128x16x128xf32>
    %mul3A_106 = arith.mulf %max3A_101, %max3A_105 : vector<128x16x128xf32>
    %slice3A_107 = vector.extract_strided_slice %mul3A {offsets = [0, 0], sizes = [1, 128], strides = [1, 1]} : vector<16x128xf32> to vector<1x128xf32>
    %transpose3A_108 = tpu.transpose %slice3A_107, [1, 0] : vector<1x128xf32> -> vector<128x1xf32>
    %broadcast_in_dim3A_109 = vector.shape_cast %transpose3A_108 : vector<128x1xf32> to vector<128x1x1xf32>
    %broadcast_in_dim3A_110 = vector.shape_cast %mul3A : vector<16x128xf32> to vector<1x16x128xf32>
    %add3A_111 = vector.broadcast %broadcast_in_dim3A_109 : vector<128x1x1xf32> to vector<128x16x128xf32>
    %add3A_112 = vector.broadcast %broadcast_in_dim3A_110 : vector<1x16x128xf32> to vector<128x16x128xf32>
    %add3A_113 = arith.addf %add3A_111, %add3A_112 : vector<128x16x128xf32>
    %sub3A_114 = arith.subf %add3A_113, %mul3A_106 : vector<128x16x128xf32>
    %add3A_115 = arith.constant 9.99999971E-10 : f32
    %add3A_116 = vector.broadcast %add3A_115 : f32 to vector<128x16x128xf32>
    %add3A_117 = arith.addf %sub3A_114, %add3A_116 : vector<128x16x128xf32>
    %div3A = arith.divf %mul3A_106, %add3A_117 : vector<128x16x128xf32>
    %iota3A_118 = tpu.iota {dimensions = array<i32: 0>} : vector<128x1x1xi32>
    %add3A_119 = arith.constant 0 : i32
    %add3A_120 = vector.broadcast %add3A_119 : i32 to vector<128x1x1xi32>
    %add3A_121 = arith.addi %add3A_120, %iota3A_118 : vector<128x1x1xi32>
    %gt3A = arith.constant 8.000000e-01 : f32
    %gt3A_122 = vector.broadcast %gt3A : f32 to vector<128x16x128xf32>
    %gt3A_123 = arith.cmpf ogt, %div3A, %gt3A_122 : vector<128x16x128xf32>
    %broadcast_in_dim3A_124 = vector.shape_cast %add3A : vector<16x128xi32> to vector<1x16x128xi32>
    %gt3A_125 = vector.broadcast %broadcast_in_dim3A_124 : vector<1x16x128xi32> to vector<128x16x128xi32>
    %gt3A_126 = vector.broadcast %add3A_121 : vector<128x1x1xi32> to vector<128x16x128xi32>
    %gt3A_127 = arith.cmpi sgt, %gt3A_125, %gt3A_126 : vector<128x16x128xi32>
    %and3A = arith.andi %gt3A_123, %gt3A_127 : vector<128x16x128xi1>
    %broadcast_in_dim3A_128 = vector.shape_cast %lt3A_69 : vector<16x128xi1> to vector<1x16x128xi1>
    %and3A_129 = vector.broadcast %broadcast_in_dim3A_128 : vector<1x16x128xi1> to vector<128x16x128xi1>
    %and3A_130 = arith.andi %and3A, %and3A_129 : vector<128x16x128xi1>
    %convert_element_type3A_131 = arith.extui %and3A_130 : vector<128x16x128xi1> to vector<128x16x128xi32>
    %convert_element_type3A_132 = arith.sitofp %convert_element_type3A_131 : vector<128x16x128xi32> to vector<128x16x128xf32>
    %swap3A = arith.constant 0 : index
    %swap3A_133 = arith.constant 0 : index
    %swap3A_134 = arith.constant 0 : index
    %swap3A_135 = vector.load %arg4[%swap3A, %swap3A_133, %swap3A_134] : memref<128x16x128xf32, #tpu.memory_space<vmem>>, vector<128x16x128xf32>
    tpu.vector_store %arg4[%swap3A, %swap3A_133, %swap3A_134], %convert_element_type3A_132 {strides = array<i32>} : memref<128x16x128xf32, #tpu.memory_space<vmem>>, vector<128x16x128xf32>,
    %scan3A = arith.constant 0 : i32
    %scan3A_136 = arith.constant 128 : i32
    %scan3A_137 = arith.addi %scan3A, %scan3A_136 : i32
    %scan3A_138 = arith.constant 1 : i32
    %scan3A_139 = scf.for %scan3A_1409 = %scan3A to %scan3A_137 step %scan3A_138 iter_args(%scan3A_1410 = %convert_element_type3A_72) -> (vector<16x128xf32>)  : i32 {
      %eq3A = vector.broadcast %scan3A_1409 : i32 to vector<128xi32>
      %eq3A_1411 = arith.cmpi eq, %iota3A_71, %eq3A : vector<128xi32>
      %slice3A_1412 = vector.extract_strided_slice %scan3A_1410 {offsets = [0, 0], sizes = [1, 128], strides = [1, 1]} : vector<16x128xf32> to vector<1x128xf32>
      %squeeze3A = vector.shape_cast %slice3A_1412 : vector<1x128xf32> to vector<128xf32>
      %jit3A = arith.constant 0.000000e+00 : f32
      %broadcast_in_dim3A_1413 = vector.broadcast %jit3A : f32 to vector<128xf32>
      %select_n3A = arith.select %eq3A_1411, %squeeze3A, %broadcast_in_dim3A_1413 : vector<128xi1>, vector<128xf32>
      %reduce_sum3A = vector.shape_cast %select_n3A : vector<128xf32> to vector<1x128xf32>
      %reduce_sum3A_1414 = arith.constant dense<0.000000e+00> : vector<1xf32>
      %reduce_sum3A_1415 = vector.multi_reduction <add>, %reduce_sum3A, %reduce_sum3A_1414 [1] : vector<1x128xf32> to vector<1xf32>
      %reduce_sum3A_1416 = vector.shape_cast %reduce_sum3A_1415 : vector<1xf32> to vector<1x1xf32>
      %reduce_sum3A_1417 = vector.extract %reduce_sum3A_1416[0, 0] : f32 from vector<1x1xf32>
      %get3A_1418 = arith.index_cast %scan3A_1409 : i32 to index
      %get3A_1419 = arith.constant 0 : index
      %get3A_1420 = arith.constant 0 : index
      %get3A_1421 = vector.load %arg4[%get3A_1418, %get3A_1419, %get3A_1420] : memref<128x16x128xf32, #tpu.memory_space<vmem>>, vector<1x16x128xf32>
      %get3A_1422 = vector.shape_cast %get3A_1421 : vector<1x16x128xf32> to vector<16x128xf32>
      %mul3A_1423 = vector.broadcast %reduce_sum3A_1417 : f32 to vector<16x128xf32>
      %mul3A_1424 = arith.mulf %mul3A_1423, %get3A_1422 : vector<16x128xf32>
      %sub3A_1425 = arith.constant 1.000000e+00 : f32
      %sub3A_1426 = vector.broadcast %sub3A_1425 : f32 to vector<16x128xf32>
      %sub3A_1427 = arith.subf %sub3A_1426, %mul3A_1424 : vector<16x128xf32>
      %mul3A_1428 = arith.mulf %scan3A_1410, %sub3A_1427 : vector<16x128xf32>
      scf.yield %mul3A_1428 : vector<16x128xf32>
    }
    %scan3A_140 = arith.constant 128 : i32
    %slice3A_141 = vector.extract_strided_slice %min3A_48 {offsets = [1, 0], sizes = [1, 128], strides = [1, 1]} : vector<16x128xf32> to vector<1x128xf32>
    %transpose3A_142 = tpu.transpose %slice3A_141, [1, 0] : vector<1x128xf32> -> vector<128x1xf32>
    %broadcast_in_dim3A_143 = vector.shape_cast %transpose3A_142 : vector<128x1xf32> to vector<128x1x1xf32>
    %broadcast_in_dim3A_144 = vector.shape_cast %min3A_48 : vector<16x128xf32> to vector<1x16x128xf32>
    %max3A_145 = vector.broadcast %broadcast_in_dim3A_143 : vector<128x1x1xf32> to vector<128x16x128xf32>
    %max3A_146 = vector.broadcast %broadcast_in_dim3A_144 : vector<1x16x128xf32> to vector<128x16x128xf32>
    %max3A_147 = arith.maximumf %max3A_145, %max3A_146 : vector<128x16x128xf32>
    %slice3A_148 = vector.extract_strided_slice %min3A_51 {offsets = [1, 0], sizes = [1, 128], strides = [1, 1]} : vector<16x128xf32> to vector<1x128xf32>
    %transpose3A_149 = tpu.transpose %slice3A_148, [1, 0] : vector<1x128xf32> -> vector<128x1xf32>
    %broadcast_in_dim3A_150 = vector.shape_cast %transpose3A_149 : vector<128x1xf32> to vector<128x1x1xf32>
    %broadcast_in_dim3A_151 = vector.shape_cast %min3A_51 : vector<16x128xf32> to vector<1x16x128xf32>
    %max3A_152 = vector.broadcast %broadcast_in_dim3A_150 : vector<128x1x1xf32> to vector<128x16x128xf32>
    %max3A_153 = vector.broadcast %broadcast_in_dim3A_151 : vector<1x16x128xf32> to vector<128x16x128xf32>
    %max3A_154 = arith.maximumf %max3A_152, %max3A_153 : vector<128x16x128xf32>
    %slice3A_155 = vector.extract_strided_slice %max3A_53 {offsets = [1, 0], sizes = [1, 128], strides = [1, 1]} : vector<16x128xf32> to vector<1x128xf32>
    %transpose3A_156 = tpu.transpose %slice3A_155, [1, 0] : vector<1x128xf32> -> vector<128x1xf32>
    %broadcast_in_dim3A_157 = vector.shape_cast %transpose3A_156 : vector<128x1xf32> to vector<128x1x1xf32>
    %broadcast_in_dim3A_158 = vector.shape_cast %max3A_53 : vector<16x128xf32> to vector<1x16x128xf32>
    %min3A_159 = vector.broadcast %broadcast_in_dim3A_157 : vector<128x1x1xf32> to vector<128x16x128xf32>
    %min3A_160 = vector.broadcast %broadcast_in_dim3A_158 : vector<1x16x128xf32> to vector<128x16x128xf32>
    %min3A_161 = arith.minimumf %min3A_159, %min3A_160 : vector<128x16x128xf32>
    %slice3A_162 = vector.extract_strided_slice %max3A_56 {offsets = [1, 0], sizes = [1, 128], strides = [1, 1]} : vector<16x128xf32> to vector<1x128xf32>
    %transpose3A_163 = tpu.transpose %slice3A_162, [1, 0] : vector<1x128xf32> -> vector<128x1xf32>
    %broadcast_in_dim3A_164 = vector.shape_cast %transpose3A_163 : vector<128x1xf32> to vector<128x1x1xf32>
    %broadcast_in_dim3A_165 = vector.shape_cast %max3A_56 : vector<16x128xf32> to vector<1x16x128xf32>
    %min3A_166 = vector.broadcast %broadcast_in_dim3A_164 : vector<128x1x1xf32> to vector<128x16x128xf32>
    %min3A_167 = vector.broadcast %broadcast_in_dim3A_165 : vector<1x16x128xf32> to vector<128x16x128xf32>
    %min3A_168 = arith.minimumf %min3A_166, %min3A_167 : vector<128x16x128xf32>
    %sub3A_169 = arith.subf %min3A_161, %max3A_147 : vector<128x16x128xf32>
    %max3A_170 = arith.constant 0.000000e+00 : f32
    %max3A_171 = vector.broadcast %max3A_170 : f32 to vector<128x16x128xf32>
    %max3A_172 = arith.maximumf %sub3A_169, %max3A_171 : vector<128x16x128xf32>
    %sub3A_173 = arith.subf %min3A_168, %max3A_154 : vector<128x16x128xf32>
    %max3A_174 = arith.constant 0.000000e+00 : f32
    %max3A_175 = vector.broadcast %max3A_174 : f32 to vector<128x16x128xf32>
    %max3A_176 = arith.maximumf %sub3A_173, %max3A_175 : vector<128x16x128xf32>
    %mul3A_177 = arith.mulf %max3A_172, %max3A_176 : vector<128x16x128xf32>
    %slice3A_178 = vector.extract_strided_slice %mul3A {offsets = [1, 0], sizes = [1, 128], strides = [1, 1]} : vector<16x128xf32> to vector<1x128xf32>
    %transpose3A_179 = tpu.transpose %slice3A_178, [1, 0] : vector<1x128xf32> -> vector<128x1xf32>
    %broadcast_in_dim3A_180 = vector.shape_cast %transpose3A_179 : vector<128x1xf32> to vector<128x1x1xf32>
    %broadcast_in_dim3A_181 = vector.shape_cast %mul3A : vector<16x128xf32> to vector<1x16x128xf32>
    %add3A_182 = vector.broadcast %broadcast_in_dim3A_180 : vector<128x1x1xf32> to vector<128x16x128xf32>
    %add3A_183 = vector.broadcast %broadcast_in_dim3A_181 : vector<1x16x128xf32> to vector<128x16x128xf32>
    %add3A_184 = arith.addf %add3A_182, %add3A_183 : vector<128x16x128xf32>
    %sub3A_185 = arith.subf %add3A_184, %mul3A_177 : vector<128x16x128xf32>
    %add3A_186 = arith.constant 9.99999971E-10 : f32
    %add3A_187 = vector.broadcast %add3A_186 : f32 to vector<128x16x128xf32>
    %add3A_188 = arith.addf %sub3A_185, %add3A_187 : vector<128x16x128xf32>
    %div3A_189 = arith.divf %mul3A_177, %add3A_188 : vector<128x16x128xf32>
    %iota3A_190 = tpu.iota {dimensions = array<i32: 0>} : vector<128x1x1xi32>
    %add3A_191 = arith.constant 128 : i32
    %add3A_192 = vector.broadcast %add3A_191 : i32 to vector<128x1x1xi32>
    %add3A_193 = arith.addi %add3A_192, %iota3A_190 : vector<128x1x1xi32>
    %gt3A_194 = arith.constant 8.000000e-01 : f32
    %gt3A_195 = vector.broadcast %gt3A_194 : f32 to vector<128x16x128xf32>
    %gt3A_196 = arith.cmpf ogt, %div3A_189, %gt3A_195 : vector<128x16x128xf32>
    %broadcast_in_dim3A_197 = vector.shape_cast %add3A : vector<16x128xi32> to vector<1x16x128xi32>
    %gt3A_198 = vector.broadcast %broadcast_in_dim3A_197 : vector<1x16x128xi32> to vector<128x16x128xi32>
    %gt3A_199 = vector.broadcast %add3A_193 : vector<128x1x1xi32> to vector<128x16x128xi32>
    %gt3A_200 = arith.cmpi sgt, %gt3A_198, %gt3A_199 : vector<128x16x128xi32>
    %and3A_201 = arith.andi %gt3A_196, %gt3A_200 : vector<128x16x128xi1>
    %broadcast_in_dim3A_202 = vector.shape_cast %lt3A_69 : vector<16x128xi1> to vector<1x16x128xi1>
    %and3A_203 = vector.broadcast %broadcast_in_dim3A_202 : vector<1x16x128xi1> to vector<128x16x128xi1>
    %and3A_204 = arith.andi %and3A_201, %and3A_203 : vector<128x16x128xi1>
    %convert_element_type3A_205 = arith.extui %and3A_204 : vector<128x16x128xi1> to vector<128x16x128xi32>
    %convert_element_type3A_206 = arith.sitofp %convert_element_type3A_205 : vector<128x16x128xi32> to vector<128x16x128xf32>
    %swap3A_207 = arith.constant 0 : index
    %swap3A_208 = arith.constant 0 : index
    %swap3A_209 = arith.constant 0 : index
    %swap3A_210 = vector.load %arg4[%swap3A_207, %swap3A_208, %swap3A_209] : memref<128x16x128xf32, #tpu.memory_space<vmem>>, vector<128x16x128xf32>
    tpu.vector_store %arg4[%swap3A_207, %swap3A_208, %swap3A_209], %convert_element_type3A_206 {strides = array<i32>} : memref<128x16x128xf32, #tpu.memory_space<vmem>>, vector<128x16x128xf32>,
    %scan3A_211 = arith.constant 0 : i32
    %scan3A_212 = arith.constant 128 : i32
    %scan3A_213 = arith.addi %scan3A_211, %scan3A_212 : i32
    %scan3A_214 = arith.constant 1 : i32
    %scan3A_215 = scf.for %scan3A_1409 = %scan3A_211 to %scan3A_213 step %scan3A_214 iter_args(%scan3A_1410 = %scan3A_139) -> (vector<16x128xf32>)  : i32 {
      %eq3A = vector.broadcast %scan3A_1409 : i32 to vector<128xi32>
      %eq3A_1411 = arith.cmpi eq, %iota3A_71, %eq3A : vector<128xi32>
      %slice3A_1412 = vector.extract_strided_slice %scan3A_1410 {offsets = [1, 0], sizes = [1, 128], strides = [1, 1]} : vector<16x128xf32> to vector<1x128xf32>
      %squeeze3A = vector.shape_cast %slice3A_1412 : vector<1x128xf32> to vector<128xf32>
      %jit3A = arith.constant 0.000000e+00 : f32
      %broadcast_in_dim3A_1413 = vector.broadcast %jit3A : f32 to vector<128xf32>
      %select_n3A = arith.select %eq3A_1411, %squeeze3A, %broadcast_in_dim3A_1413 : vector<128xi1>, vector<128xf32>
      %reduce_sum3A = vector.shape_cast %select_n3A : vector<128xf32> to vector<1x128xf32>
      %reduce_sum3A_1414 = arith.constant dense<0.000000e+00> : vector<1xf32>
      %reduce_sum3A_1415 = vector.multi_reduction <add>, %reduce_sum3A, %reduce_sum3A_1414 [1] : vector<1x128xf32> to vector<1xf32>
      %reduce_sum3A_1416 = vector.shape_cast %reduce_sum3A_1415 : vector<1xf32> to vector<1x1xf32>
      %reduce_sum3A_1417 = vector.extract %reduce_sum3A_1416[0, 0] : f32 from vector<1x1xf32>
      %get3A_1418 = arith.index_cast %scan3A_1409 : i32 to index
      %get3A_1419 = arith.constant 0 : index
      %get3A_1420 = arith.constant 0 : index
      %get3A_1421 = vector.load %arg4[%get3A_1418, %get3A_1419, %get3A_1420] : memref<128x16x128xf32, #tpu.memory_space<vmem>>, vector<1x16x128xf32>
      %get3A_1422 = vector.shape_cast %get3A_1421 : vector<1x16x128xf32> to vector<16x128xf32>
      %mul3A_1423 = vector.broadcast %reduce_sum3A_1417 : f32 to vector<16x128xf32>
      %mul3A_1424 = arith.mulf %mul3A_1423, %get3A_1422 : vector<16x128xf32>
      %sub3A_1425 = arith.constant 1.000000e+00 : f32
      %sub3A_1426 = vector.broadcast %sub3A_1425 : f32 to vector<16x128xf32>
      %sub3A_1427 = arith.subf %sub3A_1426, %mul3A_1424 : vector<16x128xf32>
      %mul3A_1428 = arith.mulf %scan3A_1410, %sub3A_1427 : vector<16x128xf32>
      scf.yield %mul3A_1428 : vector<16x128xf32>
    }
    %scan3A_216 = arith.constant 128 : i32
    %slice3A_217 = vector.extract_strided_slice %min3A_48 {offsets = [2, 0], sizes = [1, 128], strides = [1, 1]} : vector<16x128xf32> to vector<1x128xf32>
    %transpose3A_218 = tpu.transpose %slice3A_217, [1, 0] : vector<1x128xf32> -> vector<128x1xf32>
    %broadcast_in_dim3A_219 = vector.shape_cast %transpose3A_218 : vector<128x1xf32> to vector<128x1x1xf32>
    %broadcast_in_dim3A_220 = vector.shape_cast %min3A_48 : vector<16x128xf32> to vector<1x16x128xf32>
    %max3A_221 = vector.broadcast %broadcast_in_dim3A_219 : vector<128x1x1xf32> to vector<128x16x128xf32>
    %max3A_222 = vector.broadcast %broadcast_in_dim3A_220 : vector<1x16x128xf32> to vector<128x16x128xf32>
    %max3A_223 = arith.maximumf %max3A_221, %max3A_222 : vector<128x16x128xf32>
    %slice3A_224 = vector.extract_strided_slice %min3A_51 {offsets = [2, 0], sizes = [1, 128], strides = [1, 1]} : vector<16x128xf32> to vector<1x128xf32>
    %transpose3A_225 = tpu.transpose %slice3A_224, [1, 0] : vector<1x128xf32> -> vector<128x1xf32>
    %broadcast_in_dim3A_226 = vector.shape_cast %transpose3A_225 : vector<128x1xf32> to vector<128x1x1xf32>
    %broadcast_in_dim3A_227 = vector.shape_cast %min3A_51 : vector<16x128xf32> to vector<1x16x128xf32>
    %max3A_228 = vector.broadcast %broadcast_in_dim3A_226 : vector<128x1x1xf32> to vector<128x16x128xf32>
    %max3A_229 = vector.broadcast %broadcast_in_dim3A_227 : vector<1x16x128xf32> to vector<128x16x128xf32>
    %max3A_230 = arith.maximumf %max3A_228, %max3A_229 : vector<128x16x128xf32>
    %slice3A_231 = vector.extract_strided_slice %max3A_53 {offsets = [2, 0], sizes = [1, 128], strides = [1, 1]} : vector<16x128xf32> to vector<1x128xf32>
    %transpose3A_232 = tpu.transpose %slice3A_231, [1, 0] : vector<1x128xf32> -> vector<128x1xf32>
    %broadcast_in_dim3A_233 = vector.shape_cast %transpose3A_232 : vector<128x1xf32> to vector<128x1x1xf32>
    %broadcast_in_dim3A_234 = vector.shape_cast %max3A_53 : vector<16x128xf32> to vector<1x16x128xf32>
    %min3A_235 = vector.broadcast %broadcast_in_dim3A_233 : vector<128x1x1xf32> to vector<128x16x128xf32>
    %min3A_236 = vector.broadcast %broadcast_in_dim3A_234 : vector<1x16x128xf32> to vector<128x16x128xf32>
    %min3A_237 = arith.minimumf %min3A_235, %min3A_236 : vector<128x16x128xf32>
    %slice3A_238 = vector.extract_strided_slice %max3A_56 {offsets = [2, 0], sizes = [1, 128], strides = [1, 1]} : vector<16x128xf32> to vector<1x128xf32>
    %transpose3A_239 = tpu.transpose %slice3A_238, [1, 0] : vector<1x128xf32> -> vector<128x1xf32>
    %broadcast_in_dim3A_240 = vector.shape_cast %transpose3A_239 : vector<128x1xf32> to vector<128x1x1xf32>
    %broadcast_in_dim3A_241 = vector.shape_cast %max3A_56 : vector<16x128xf32> to vector<1x16x128xf32>
    %min3A_242 = vector.broadcast %broadcast_in_dim3A_240 : vector<128x1x1xf32> to vector<128x16x128xf32>
    %min3A_243 = vector.broadcast %broadcast_in_dim3A_241 : vector<1x16x128xf32> to vector<128x16x128xf32>
    %min3A_244 = arith.minimumf %min3A_242, %min3A_243 : vector<128x16x128xf32>
    %sub3A_245 = arith.subf %min3A_237, %max3A_223 : vector<128x16x128xf32>
    %max3A_246 = arith.constant 0.000000e+00 : f32
    %max3A_247 = vector.broadcast %max3A_246 : f32 to vector<128x16x128xf32>
    %max3A_248 = arith.maximumf %sub3A_245, %max3A_247 : vector<128x16x128xf32>
    %sub3A_249 = arith.subf %min3A_244, %max3A_230 : vector<128x16x128xf32>
    %max3A_250 = arith.constant 0.000000e+00 : f32
    %max3A_251 = vector.broadcast %max3A_250 : f32 to vector<128x16x128xf32>
    %max3A_252 = arith.maximumf %sub3A_249, %max3A_251 : vector<128x16x128xf32>
    %mul3A_253 = arith.mulf %max3A_248, %max3A_252 : vector<128x16x128xf32>
    %slice3A_254 = vector.extract_strided_slice %mul3A {offsets = [2, 0], sizes = [1, 128], strides = [1, 1]} : vector<16x128xf32> to vector<1x128xf32>
    %transpose3A_255 = tpu.transpose %slice3A_254, [1, 0] : vector<1x128xf32> -> vector<128x1xf32>
    %broadcast_in_dim3A_256 = vector.shape_cast %transpose3A_255 : vector<128x1xf32> to vector<128x1x1xf32>
    %broadcast_in_dim3A_257 = vector.shape_cast %mul3A : vector<16x128xf32> to vector<1x16x128xf32>
    %add3A_258 = vector.broadcast %broadcast_in_dim3A_256 : vector<128x1x1xf32> to vector<128x16x128xf32>
    %add3A_259 = vector.broadcast %broadcast_in_dim3A_257 : vector<1x16x128xf32> to vector<128x16x128xf32>
    %add3A_260 = arith.addf %add3A_258, %add3A_259 : vector<128x16x128xf32>
    %sub3A_261 = arith.subf %add3A_260, %mul3A_253 : vector<128x16x128xf32>
    %add3A_262 = arith.constant 9.99999971E-10 : f32
    %add3A_263 = vector.broadcast %add3A_262 : f32 to vector<128x16x128xf32>
    %add3A_264 = arith.addf %sub3A_261, %add3A_263 : vector<128x16x128xf32>
    %div3A_265 = arith.divf %mul3A_253, %add3A_264 : vector<128x16x128xf32>
    %iota3A_266 = tpu.iota {dimensions = array<i32: 0>} : vector<128x1x1xi32>
    %add3A_267 = arith.constant 256 : i32
    %add3A_268 = vector.broadcast %add3A_267 : i32 to vector<128x1x1xi32>
    %add3A_269 = arith.addi %add3A_268, %iota3A_266 : vector<128x1x1xi32>
    %gt3A_270 = arith.constant 8.000000e-01 : f32
    %gt3A_271 = vector.broadcast %gt3A_270 : f32 to vector<128x16x128xf32>
    %gt3A_272 = arith.cmpf ogt, %div3A_265, %gt3A_271 : vector<128x16x128xf32>
    %broadcast_in_dim3A_273 = vector.shape_cast %add3A : vector<16x128xi32> to vector<1x16x128xi32>
    %gt3A_274 = vector.broadcast %broadcast_in_dim3A_273 : vector<1x16x128xi32> to vector<128x16x128xi32>
    %gt3A_275 = vector.broadcast %add3A_269 : vector<128x1x1xi32> to vector<128x16x128xi32>
    %gt3A_276 = arith.cmpi sgt, %gt3A_274, %gt3A_275 : vector<128x16x128xi32>
    %and3A_277 = arith.andi %gt3A_272, %gt3A_276 : vector<128x16x128xi1>
    %broadcast_in_dim3A_278 = vector.shape_cast %lt3A_69 : vector<16x128xi1> to vector<1x16x128xi1>
    %and3A_279 = vector.broadcast %broadcast_in_dim3A_278 : vector<1x16x128xi1> to vector<128x16x128xi1>
    %and3A_280 = arith.andi %and3A_277, %and3A_279 : vector<128x16x128xi1>
    %convert_element_type3A_281 = arith.extui %and3A_280 : vector<128x16x128xi1> to vector<128x16x128xi32>
    %convert_element_type3A_282 = arith.sitofp %convert_element_type3A_281 : vector<128x16x128xi32> to vector<128x16x128xf32>
    %swap3A_283 = arith.constant 0 : index
    %swap3A_284 = arith.constant 0 : index
    %swap3A_285 = arith.constant 0 : index
    %swap3A_286 = vector.load %arg4[%swap3A_283, %swap3A_284, %swap3A_285] : memref<128x16x128xf32, #tpu.memory_space<vmem>>, vector<128x16x128xf32>
    tpu.vector_store %arg4[%swap3A_283, %swap3A_284, %swap3A_285], %convert_element_type3A_282 {strides = array<i32>} : memref<128x16x128xf32, #tpu.memory_space<vmem>>, vector<128x16x128xf32>,
    %scan3A_287 = arith.constant 0 : i32
    %scan3A_288 = arith.constant 128 : i32
    %scan3A_289 = arith.addi %scan3A_287, %scan3A_288 : i32
    %scan3A_290 = arith.constant 1 : i32
    %scan3A_291 = scf.for %scan3A_1409 = %scan3A_287 to %scan3A_289 step %scan3A_290 iter_args(%scan3A_1410 = %scan3A_215) -> (vector<16x128xf32>)  : i32 {
      %eq3A = vector.broadcast %scan3A_1409 : i32 to vector<128xi32>
      %eq3A_1411 = arith.cmpi eq, %iota3A_71, %eq3A : vector<128xi32>
      %slice3A_1412 = vector.extract_strided_slice %scan3A_1410 {offsets = [2, 0], sizes = [1, 128], strides = [1, 1]} : vector<16x128xf32> to vector<1x128xf32>
      %squeeze3A = vector.shape_cast %slice3A_1412 : vector<1x128xf32> to vector<128xf32>
      %jit3A = arith.constant 0.000000e+00 : f32
      %broadcast_in_dim3A_1413 = vector.broadcast %jit3A : f32 to vector<128xf32>
      %select_n3A = arith.select %eq3A_1411, %squeeze3A, %broadcast_in_dim3A_1413 : vector<128xi1>, vector<128xf32>
      %reduce_sum3A = vector.shape_cast %select_n3A : vector<128xf32> to vector<1x128xf32>
      %reduce_sum3A_1414 = arith.constant dense<0.000000e+00> : vector<1xf32>
      %reduce_sum3A_1415 = vector.multi_reduction <add>, %reduce_sum3A, %reduce_sum3A_1414 [1] : vector<1x128xf32> to vector<1xf32>
      %reduce_sum3A_1416 = vector.shape_cast %reduce_sum3A_1415 : vector<1xf32> to vector<1x1xf32>
      %reduce_sum3A_1417 = vector.extract %reduce_sum3A_1416[0, 0] : f32 from vector<1x1xf32>
      %get3A_1418 = arith.index_cast %scan3A_1409 : i32 to index
      %get3A_1419 = arith.constant 0 : index
      %get3A_1420 = arith.constant 0 : index
      %get3A_1421 = vector.load %arg4[%get3A_1418, %get3A_1419, %get3A_1420] : memref<128x16x128xf32, #tpu.memory_space<vmem>>, vector<1x16x128xf32>
      %get3A_1422 = vector.shape_cast %get3A_1421 : vector<1x16x128xf32> to vector<16x128xf32>
      %mul3A_1423 = vector.broadcast %reduce_sum3A_1417 : f32 to vector<16x128xf32>
      %mul3A_1424 = arith.mulf %mul3A_1423, %get3A_1422 : vector<16x128xf32>
      %sub3A_1425 = arith.constant 1.000000e+00 : f32
      %sub3A_1426 = vector.broadcast %sub3A_1425 : f32 to vector<16x128xf32>
      %sub3A_1427 = arith.subf %sub3A_1426, %mul3A_1424 : vector<16x128xf32>
      %mul3A_1428 = arith.mulf %scan3A_1410, %sub3A_1427 : vector<16x128xf32>
      scf.yield %mul3A_1428 : vector<16x128xf32>
    }
    %scan3A_292 = arith.constant 128 : i32
    %slice3A_293 = vector.extract_strided_slice %min3A_48 {offsets = [3, 0], sizes = [1, 128], strides = [1, 1]} : vector<16x128xf32> to vector<1x128xf32>
    %transpose3A_294 = tpu.transpose %slice3A_293, [1, 0] : vector<1x128xf32> -> vector<128x1xf32>
    %broadcast_in_dim3A_295 = vector.shape_cast %transpose3A_294 : vector<128x1xf32> to vector<128x1x1xf32>
    %broadcast_in_dim3A_296 = vector.shape_cast %min3A_48 : vector<16x128xf32> to vector<1x16x128xf32>
    %max3A_297 = vector.broadcast %broadcast_in_dim3A_295 : vector<128x1x1xf32> to vector<128x16x128xf32>
    %max3A_298 = vector.broadcast %broadcast_in_dim3A_296 : vector<1x16x128xf32> to vector<128x16x128xf32>
    %max3A_299 = arith.maximumf %max3A_297, %max3A_298 : vector<128x16x128xf32>
    %slice3A_300 = vector.extract_strided_slice %min3A_51 {offsets = [3, 0], sizes = [1, 128], strides = [1, 1]} : vector<16x128xf32> to vector<1x128xf32>
    %transpose3A_301 = tpu.transpose %slice3A_300, [1, 0] : vector<1x128xf32> -> vector<128x1xf32>
    %broadcast_in_dim3A_302 = vector.shape_cast %transpose3A_301 : vector<128x1xf32> to vector<128x1x1xf32>
    %broadcast_in_dim3A_303 = vector.shape_cast %min3A_51 : vector<16x128xf32> to vector<1x16x128xf32>
    %max3A_304 = vector.broadcast %broadcast_in_dim3A_302 : vector<128x1x1xf32> to vector<128x16x128xf32>
    %max3A_305 = vector.broadcast %broadcast_in_dim3A_303 : vector<1x16x128xf32> to vector<128x16x128xf32>
    %max3A_306 = arith.maximumf %max3A_304, %max3A_305 : vector<128x16x128xf32>
    %slice3A_307 = vector.extract_strided_slice %max3A_53 {offsets = [3, 0], sizes = [1, 128], strides = [1, 1]} : vector<16x128xf32> to vector<1x128xf32>
    %transpose3A_308 = tpu.transpose %slice3A_307, [1, 0] : vector<1x128xf32> -> vector<128x1xf32>
    %broadcast_in_dim3A_309 = vector.shape_cast %transpose3A_308 : vector<128x1xf32> to vector<128x1x1xf32>
    %broadcast_in_dim3A_310 = vector.shape_cast %max3A_53 : vector<16x128xf32> to vector<1x16x128xf32>
    %min3A_311 = vector.broadcast %broadcast_in_dim3A_309 : vector<128x1x1xf32> to vector<128x16x128xf32>
    %min3A_312 = vector.broadcast %broadcast_in_dim3A_310 : vector<1x16x128xf32> to vector<128x16x128xf32>
    %min3A_313 = arith.minimumf %min3A_311, %min3A_312 : vector<128x16x128xf32>
    %slice3A_314 = vector.extract_strided_slice %max3A_56 {offsets = [3, 0], sizes = [1, 128], strides = [1, 1]} : vector<16x128xf32> to vector<1x128xf32>
    %transpose3A_315 = tpu.transpose %slice3A_314, [1, 0] : vector<1x128xf32> -> vector<128x1xf32>
    %broadcast_in_dim3A_316 = vector.shape_cast %transpose3A_315 : vector<128x1xf32> to vector<128x1x1xf32>
    %broadcast_in_dim3A_317 = vector.shape_cast %max3A_56 : vector<16x128xf32> to vector<1x16x128xf32>
    %min3A_318 = vector.broadcast %broadcast_in_dim3A_316 : vector<128x1x1xf32> to vector<128x16x128xf32>
    %min3A_319 = vector.broadcast %broadcast_in_dim3A_317 : vector<1x16x128xf32> to vector<128x16x128xf32>
    %min3A_320 = arith.minimumf %min3A_318, %min3A_319 : vector<128x16x128xf32>
    %sub3A_321 = arith.subf %min3A_313, %max3A_299 : vector<128x16x128xf32>
    %max3A_322 = arith.constant 0.000000e+00 : f32
    %max3A_323 = vector.broadcast %max3A_322 : f32 to vector<128x16x128xf32>
    %max3A_324 = arith.maximumf %sub3A_321, %max3A_323 : vector<128x16x128xf32>
    %sub3A_325 = arith.subf %min3A_320, %max3A_306 : vector<128x16x128xf32>
    %max3A_326 = arith.constant 0.000000e+00 : f32
    %max3A_327 = vector.broadcast %max3A_326 : f32 to vector<128x16x128xf32>
    %max3A_328 = arith.maximumf %sub3A_325, %max3A_327 : vector<128x16x128xf32>
    %mul3A_329 = arith.mulf %max3A_324, %max3A_328 : vector<128x16x128xf32>
    %slice3A_330 = vector.extract_strided_slice %mul3A {offsets = [3, 0], sizes = [1, 128], strides = [1, 1]} : vector<16x128xf32> to vector<1x128xf32>
    %transpose3A_331 = tpu.transpose %slice3A_330, [1, 0] : vector<1x128xf32> -> vector<128x1xf32>
    %broadcast_in_dim3A_332 = vector.shape_cast %transpose3A_331 : vector<128x1xf32> to vector<128x1x1xf32>
    %broadcast_in_dim3A_333 = vector.shape_cast %mul3A : vector<16x128xf32> to vector<1x16x128xf32>
    %add3A_334 = vector.broadcast %broadcast_in_dim3A_332 : vector<128x1x1xf32> to vector<128x16x128xf32>
    %add3A_335 = vector.broadcast %broadcast_in_dim3A_333 : vector<1x16x128xf32> to vector<128x16x128xf32>
    %add3A_336 = arith.addf %add3A_334, %add3A_335 : vector<128x16x128xf32>
    %sub3A_337 = arith.subf %add3A_336, %mul3A_329 : vector<128x16x128xf32>
    %add3A_338 = arith.constant 9.99999971E-10 : f32
    %add3A_339 = vector.broadcast %add3A_338 : f32 to vector<128x16x128xf32>
    %add3A_340 = arith.addf %sub3A_337, %add3A_339 : vector<128x16x128xf32>
    %div3A_341 = arith.divf %mul3A_329, %add3A_340 : vector<128x16x128xf32>
    %iota3A_342 = tpu.iota {dimensions = array<i32: 0>} : vector<128x1x1xi32>
    %add3A_343 = arith.constant 384 : i32
    %add3A_344 = vector.broadcast %add3A_343 : i32 to vector<128x1x1xi32>
    %add3A_345 = arith.addi %add3A_344, %iota3A_342 : vector<128x1x1xi32>
    %gt3A_346 = arith.constant 8.000000e-01 : f32
    %gt3A_347 = vector.broadcast %gt3A_346 : f32 to vector<128x16x128xf32>
    %gt3A_348 = arith.cmpf ogt, %div3A_341, %gt3A_347 : vector<128x16x128xf32>
    %broadcast_in_dim3A_349 = vector.shape_cast %add3A : vector<16x128xi32> to vector<1x16x128xi32>
    %gt3A_350 = vector.broadcast %broadcast_in_dim3A_349 : vector<1x16x128xi32> to vector<128x16x128xi32>
    %gt3A_351 = vector.broadcast %add3A_345 : vector<128x1x1xi32> to vector<128x16x128xi32>
    %gt3A_352 = arith.cmpi sgt, %gt3A_350, %gt3A_351 : vector<128x16x128xi32>
    %and3A_353 = arith.andi %gt3A_348, %gt3A_352 : vector<128x16x128xi1>
    %broadcast_in_dim3A_354 = vector.shape_cast %lt3A_69 : vector<16x128xi1> to vector<1x16x128xi1>
    %and3A_355 = vector.broadcast %broadcast_in_dim3A_354 : vector<1x16x128xi1> to vector<128x16x128xi1>
    %and3A_356 = arith.andi %and3A_353, %and3A_355 : vector<128x16x128xi1>
    %convert_element_type3A_357 = arith.extui %and3A_356 : vector<128x16x128xi1> to vector<128x16x128xi32>
    %convert_element_type3A_358 = arith.sitofp %convert_element_type3A_357 : vector<128x16x128xi32> to vector<128x16x128xf32>
    %swap3A_359 = arith.constant 0 : index
    %swap3A_360 = arith.constant 0 : index
    %swap3A_361 = arith.constant 0 : index
    %swap3A_362 = vector.load %arg4[%swap3A_359, %swap3A_360, %swap3A_361] : memref<128x16x128xf32, #tpu.memory_space<vmem>>, vector<128x16x128xf32>
    tpu.vector_store %arg4[%swap3A_359, %swap3A_360, %swap3A_361], %convert_element_type3A_358 {strides = array<i32>} : memref<128x16x128xf32, #tpu.memory_space<vmem>>, vector<128x16x128xf32>,
    %scan3A_363 = arith.constant 0 : i32
    %scan3A_364 = arith.constant 128 : i32
    %scan3A_365 = arith.addi %scan3A_363, %scan3A_364 : i32
    %scan3A_366 = arith.constant 1 : i32
    %scan3A_367 = scf.for %scan3A_1409 = %scan3A_363 to %scan3A_365 step %scan3A_366 iter_args(%scan3A_1410 = %scan3A_291) -> (vector<16x128xf32>)  : i32 {
      %eq3A = vector.broadcast %scan3A_1409 : i32 to vector<128xi32>
      %eq3A_1411 = arith.cmpi eq, %iota3A_71, %eq3A : vector<128xi32>
      %slice3A_1412 = vector.extract_strided_slice %scan3A_1410 {offsets = [3, 0], sizes = [1, 128], strides = [1, 1]} : vector<16x128xf32> to vector<1x128xf32>
      %squeeze3A = vector.shape_cast %slice3A_1412 : vector<1x128xf32> to vector<128xf32>
      %jit3A = arith.constant 0.000000e+00 : f32
      %broadcast_in_dim3A_1413 = vector.broadcast %jit3A : f32 to vector<128xf32>
      %select_n3A = arith.select %eq3A_1411, %squeeze3A, %broadcast_in_dim3A_1413 : vector<128xi1>, vector<128xf32>
      %reduce_sum3A = vector.shape_cast %select_n3A : vector<128xf32> to vector<1x128xf32>
      %reduce_sum3A_1414 = arith.constant dense<0.000000e+00> : vector<1xf32>
      %reduce_sum3A_1415 = vector.multi_reduction <add>, %reduce_sum3A, %reduce_sum3A_1414 [1] : vector<1x128xf32> to vector<1xf32>
      %reduce_sum3A_1416 = vector.shape_cast %reduce_sum3A_1415 : vector<1xf32> to vector<1x1xf32>
      %reduce_sum3A_1417 = vector.extract %reduce_sum3A_1416[0, 0] : f32 from vector<1x1xf32>
      %get3A_1418 = arith.index_cast %scan3A_1409 : i32 to index
      %get3A_1419 = arith.constant 0 : index
      %get3A_1420 = arith.constant 0 : index
      %get3A_1421 = vector.load %arg4[%get3A_1418, %get3A_1419, %get3A_1420] : memref<128x16x128xf32, #tpu.memory_space<vmem>>, vector<1x16x128xf32>
      %get3A_1422 = vector.shape_cast %get3A_1421 : vector<1x16x128xf32> to vector<16x128xf32>
      %mul3A_1423 = vector.broadcast %reduce_sum3A_1417 : f32 to vector<16x128xf32>
      %mul3A_1424 = arith.mulf %mul3A_1423, %get3A_1422 : vector<16x128xf32>
      %sub3A_1425 = arith.constant 1.000000e+00 : f32
      %sub3A_1426 = vector.broadcast %sub3A_1425 : f32 to vector<16x128xf32>
      %sub3A_1427 = arith.subf %sub3A_1426, %mul3A_1424 : vector<16x128xf32>
      %mul3A_1428 = arith.mulf %scan3A_1410, %sub3A_1427 : vector<16x128xf32>
      scf.yield %mul3A_1428 : vector<16x128xf32>
    }
    %scan3A_368 = arith.constant 128 : i32
    %slice3A_369 = vector.extract_strided_slice %min3A_48 {offsets = [4, 0], sizes = [1, 128], strides = [1, 1]} : vector<16x128xf32> to vector<1x128xf32>
    %transpose3A_370 = tpu.transpose %slice3A_369, [1, 0] : vector<1x128xf32> -> vector<128x1xf32>
    %broadcast_in_dim3A_371 = vector.shape_cast %transpose3A_370 : vector<128x1xf32> to vector<128x1x1xf32>
    %broadcast_in_dim3A_372 = vector.shape_cast %min3A_48 : vector<16x128xf32> to vector<1x16x128xf32>
    %max3A_373 = vector.broadcast %broadcast_in_dim3A_371 : vector<128x1x1xf32> to vector<128x16x128xf32>
    %max3A_374 = vector.broadcast %broadcast_in_dim3A_372 : vector<1x16x128xf32> to vector<128x16x128xf32>
    %max3A_375 = arith.maximumf %max3A_373, %max3A_374 : vector<128x16x128xf32>
    %slice3A_376 = vector.extract_strided_slice %min3A_51 {offsets = [4, 0], sizes = [1, 128], strides = [1, 1]} : vector<16x128xf32> to vector<1x128xf32>
    %transpose3A_377 = tpu.transpose %slice3A_376, [1, 0] : vector<1x128xf32> -> vector<128x1xf32>
    %broadcast_in_dim3A_378 = vector.shape_cast %transpose3A_377 : vector<128x1xf32> to vector<128x1x1xf32>
    %broadcast_in_dim3A_379 = vector.shape_cast %min3A_51 : vector<16x128xf32> to vector<1x16x128xf32>
    %max3A_380 = vector.broadcast %broadcast_in_dim3A_378 : vector<128x1x1xf32> to vector<128x16x128xf32>
    %max3A_381 = vector.broadcast %broadcast_in_dim3A_379 : vector<1x16x128xf32> to vector<128x16x128xf32>
    %max3A_382 = arith.maximumf %max3A_380, %max3A_381 : vector<128x16x128xf32>
    %slice3A_383 = vector.extract_strided_slice %max3A_53 {offsets = [4, 0], sizes = [1, 128], strides = [1, 1]} : vector<16x128xf32> to vector<1x128xf32>
    %transpose3A_384 = tpu.transpose %slice3A_383, [1, 0] : vector<1x128xf32> -> vector<128x1xf32>
    %broadcast_in_dim3A_385 = vector.shape_cast %transpose3A_384 : vector<128x1xf32> to vector<128x1x1xf32>
    %broadcast_in_dim3A_386 = vector.shape_cast %max3A_53 : vector<16x128xf32> to vector<1x16x128xf32>
    %min3A_387 = vector.broadcast %broadcast_in_dim3A_385 : vector<128x1x1xf32> to vector<128x16x128xf32>
    %min3A_388 = vector.broadcast %broadcast_in_dim3A_386 : vector<1x16x128xf32> to vector<128x16x128xf32>
    %min3A_389 = arith.minimumf %min3A_387, %min3A_388 : vector<128x16x128xf32>
    %slice3A_390 = vector.extract_strided_slice %max3A_56 {offsets = [4, 0], sizes = [1, 128], strides = [1, 1]} : vector<16x128xf32> to vector<1x128xf32>
    %transpose3A_391 = tpu.transpose %slice3A_390, [1, 0] : vector<1x128xf32> -> vector<128x1xf32>
    %broadcast_in_dim3A_392 = vector.shape_cast %transpose3A_391 : vector<128x1xf32> to vector<128x1x1xf32>
    %broadcast_in_dim3A_393 = vector.shape_cast %max3A_56 : vector<16x128xf32> to vector<1x16x128xf32>
    %min3A_394 = vector.broadcast %broadcast_in_dim3A_392 : vector<128x1x1xf32> to vector<128x16x128xf32>
    %min3A_395 = vector.broadcast %broadcast_in_dim3A_393 : vector<1x16x128xf32> to vector<128x16x128xf32>
    %min3A_396 = arith.minimumf %min3A_394, %min3A_395 : vector<128x16x128xf32>
    %sub3A_397 = arith.subf %min3A_389, %max3A_375 : vector<128x16x128xf32>
    %max3A_398 = arith.constant 0.000000e+00 : f32
    %max3A_399 = vector.broadcast %max3A_398 : f32 to vector<128x16x128xf32>
    %max3A_400 = arith.maximumf %sub3A_397, %max3A_399 : vector<128x16x128xf32>
    %sub3A_401 = arith.subf %min3A_396, %max3A_382 : vector<128x16x128xf32>
    %max3A_402 = arith.constant 0.000000e+00 : f32
    %max3A_403 = vector.broadcast %max3A_402 : f32 to vector<128x16x128xf32>
    %max3A_404 = arith.maximumf %sub3A_401, %max3A_403 : vector<128x16x128xf32>
    %mul3A_405 = arith.mulf %max3A_400, %max3A_404 : vector<128x16x128xf32>
    %slice3A_406 = vector.extract_strided_slice %mul3A {offsets = [4, 0], sizes = [1, 128], strides = [1, 1]} : vector<16x128xf32> to vector<1x128xf32>
    %transpose3A_407 = tpu.transpose %slice3A_406, [1, 0] : vector<1x128xf32> -> vector<128x1xf32>
    %broadcast_in_dim3A_408 = vector.shape_cast %transpose3A_407 : vector<128x1xf32> to vector<128x1x1xf32>
    %broadcast_in_dim3A_409 = vector.shape_cast %mul3A : vector<16x128xf32> to vector<1x16x128xf32>
    %add3A_410 = vector.broadcast %broadcast_in_dim3A_408 : vector<128x1x1xf32> to vector<128x16x128xf32>
    %add3A_411 = vector.broadcast %broadcast_in_dim3A_409 : vector<1x16x128xf32> to vector<128x16x128xf32>
    %add3A_412 = arith.addf %add3A_410, %add3A_411 : vector<128x16x128xf32>
    %sub3A_413 = arith.subf %add3A_412, %mul3A_405 : vector<128x16x128xf32>
    %add3A_414 = arith.constant 9.99999971E-10 : f32
    %add3A_415 = vector.broadcast %add3A_414 : f32 to vector<128x16x128xf32>
    %add3A_416 = arith.addf %sub3A_413, %add3A_415 : vector<128x16x128xf32>
    %div3A_417 = arith.divf %mul3A_405, %add3A_416 : vector<128x16x128xf32>
    %iota3A_418 = tpu.iota {dimensions = array<i32: 0>} : vector<128x1x1xi32>
    %add3A_419 = arith.constant 512 : i32
    %add3A_420 = vector.broadcast %add3A_419 : i32 to vector<128x1x1xi32>
    %add3A_421 = arith.addi %add3A_420, %iota3A_418 : vector<128x1x1xi32>
    %gt3A_422 = arith.constant 8.000000e-01 : f32
    %gt3A_423 = vector.broadcast %gt3A_422 : f32 to vector<128x16x128xf32>
    %gt3A_424 = arith.cmpf ogt, %div3A_417, %gt3A_423 : vector<128x16x128xf32>
    %broadcast_in_dim3A_425 = vector.shape_cast %add3A : vector<16x128xi32> to vector<1x16x128xi32>
    %gt3A_426 = vector.broadcast %broadcast_in_dim3A_425 : vector<1x16x128xi32> to vector<128x16x128xi32>
    %gt3A_427 = vector.broadcast %add3A_421 : vector<128x1x1xi32> to vector<128x16x128xi32>
    %gt3A_428 = arith.cmpi sgt, %gt3A_426, %gt3A_427 : vector<128x16x128xi32>
    %and3A_429 = arith.andi %gt3A_424, %gt3A_428 : vector<128x16x128xi1>
    %broadcast_in_dim3A_430 = vector.shape_cast %lt3A_69 : vector<16x128xi1> to vector<1x16x128xi1>
    %and3A_431 = vector.broadcast %broadcast_in_dim3A_430 : vector<1x16x128xi1> to vector<128x16x128xi1>
    %and3A_432 = arith.andi %and3A_429, %and3A_431 : vector<128x16x128xi1>
    %convert_element_type3A_433 = arith.extui %and3A_432 : vector<128x16x128xi1> to vector<128x16x128xi32>
    %convert_element_type3A_434 = arith.sitofp %convert_element_type3A_433 : vector<128x16x128xi32> to vector<128x16x128xf32>
    %swap3A_435 = arith.constant 0 : index
    %swap3A_436 = arith.constant 0 : index
    %swap3A_437 = arith.constant 0 : index
    %swap3A_438 = vector.load %arg4[%swap3A_435, %swap3A_436, %swap3A_437] : memref<128x16x128xf32, #tpu.memory_space<vmem>>, vector<128x16x128xf32>
    tpu.vector_store %arg4[%swap3A_435, %swap3A_436, %swap3A_437], %convert_element_type3A_434 {strides = array<i32>} : memref<128x16x128xf32, #tpu.memory_space<vmem>>, vector<128x16x128xf32>,
    %scan3A_439 = arith.constant 0 : i32
    %scan3A_440 = arith.constant 128 : i32
    %scan3A_441 = arith.addi %scan3A_439, %scan3A_440 : i32
    %scan3A_442 = arith.constant 1 : i32
    %scan3A_443 = scf.for %scan3A_1409 = %scan3A_439 to %scan3A_441 step %scan3A_442 iter_args(%scan3A_1410 = %scan3A_367) -> (vector<16x128xf32>)  : i32 {
      %eq3A = vector.broadcast %scan3A_1409 : i32 to vector<128xi32>
      %eq3A_1411 = arith.cmpi eq, %iota3A_71, %eq3A : vector<128xi32>
      %slice3A_1412 = vector.extract_strided_slice %scan3A_1410 {offsets = [4, 0], sizes = [1, 128], strides = [1, 1]} : vector<16x128xf32> to vector<1x128xf32>
      %squeeze3A = vector.shape_cast %slice3A_1412 : vector<1x128xf32> to vector<128xf32>
      %jit3A = arith.constant 0.000000e+00 : f32
      %broadcast_in_dim3A_1413 = vector.broadcast %jit3A : f32 to vector<128xf32>
      %select_n3A = arith.select %eq3A_1411, %squeeze3A, %broadcast_in_dim3A_1413 : vector<128xi1>, vector<128xf32>
      %reduce_sum3A = vector.shape_cast %select_n3A : vector<128xf32> to vector<1x128xf32>
      %reduce_sum3A_1414 = arith.constant dense<0.000000e+00> : vector<1xf32>
      %reduce_sum3A_1415 = vector.multi_reduction <add>, %reduce_sum3A, %reduce_sum3A_1414 [1] : vector<1x128xf32> to vector<1xf32>
      %reduce_sum3A_1416 = vector.shape_cast %reduce_sum3A_1415 : vector<1xf32> to vector<1x1xf32>
      %reduce_sum3A_1417 = vector.extract %reduce_sum3A_1416[0, 0] : f32 from vector<1x1xf32>
      %get3A_1418 = arith.index_cast %scan3A_1409 : i32 to index
      %get3A_1419 = arith.constant 0 : index
      %get3A_1420 = arith.constant 0 : index
      %get3A_1421 = vector.load %arg4[%get3A_1418, %get3A_1419, %get3A_1420] : memref<128x16x128xf32, #tpu.memory_space<vmem>>, vector<1x16x128xf32>
      %get3A_1422 = vector.shape_cast %get3A_1421 : vector<1x16x128xf32> to vector<16x128xf32>
      %mul3A_1423 = vector.broadcast %reduce_sum3A_1417 : f32 to vector<16x128xf32>
      %mul3A_1424 = arith.mulf %mul3A_1423, %get3A_1422 : vector<16x128xf32>
      %sub3A_1425 = arith.constant 1.000000e+00 : f32
      %sub3A_1426 = vector.broadcast %sub3A_1425 : f32 to vector<16x128xf32>
      %sub3A_1427 = arith.subf %sub3A_1426, %mul3A_1424 : vector<16x128xf32>
      %mul3A_1428 = arith.mulf %scan3A_1410, %sub3A_1427 : vector<16x128xf32>
      scf.yield %mul3A_1428 : vector<16x128xf32>
    }
    %scan3A_444 = arith.constant 128 : i32
    %slice3A_445 = vector.extract_strided_slice %min3A_48 {offsets = [5, 0], sizes = [1, 128], strides = [1, 1]} : vector<16x128xf32> to vector<1x128xf32>
    %transpose3A_446 = tpu.transpose %slice3A_445, [1, 0] : vector<1x128xf32> -> vector<128x1xf32>
    %broadcast_in_dim3A_447 = vector.shape_cast %transpose3A_446 : vector<128x1xf32> to vector<128x1x1xf32>
    %broadcast_in_dim3A_448 = vector.shape_cast %min3A_48 : vector<16x128xf32> to vector<1x16x128xf32>
    %max3A_449 = vector.broadcast %broadcast_in_dim3A_447 : vector<128x1x1xf32> to vector<128x16x128xf32>
    %max3A_450 = vector.broadcast %broadcast_in_dim3A_448 : vector<1x16x128xf32> to vector<128x16x128xf32>
    %max3A_451 = arith.maximumf %max3A_449, %max3A_450 : vector<128x16x128xf32>
    %slice3A_452 = vector.extract_strided_slice %min3A_51 {offsets = [5, 0], sizes = [1, 128], strides = [1, 1]} : vector<16x128xf32> to vector<1x128xf32>
    %transpose3A_453 = tpu.transpose %slice3A_452, [1, 0] : vector<1x128xf32> -> vector<128x1xf32>
    %broadcast_in_dim3A_454 = vector.shape_cast %transpose3A_453 : vector<128x1xf32> to vector<128x1x1xf32>
    %broadcast_in_dim3A_455 = vector.shape_cast %min3A_51 : vector<16x128xf32> to vector<1x16x128xf32>
    %max3A_456 = vector.broadcast %broadcast_in_dim3A_454 : vector<128x1x1xf32> to vector<128x16x128xf32>
    %max3A_457 = vector.broadcast %broadcast_in_dim3A_455 : vector<1x16x128xf32> to vector<128x16x128xf32>
    %max3A_458 = arith.maximumf %max3A_456, %max3A_457 : vector<128x16x128xf32>
    %slice3A_459 = vector.extract_strided_slice %max3A_53 {offsets = [5, 0], sizes = [1, 128], strides = [1, 1]} : vector<16x128xf32> to vector<1x128xf32>
    %transpose3A_460 = tpu.transpose %slice3A_459, [1, 0] : vector<1x128xf32> -> vector<128x1xf32>
    %broadcast_in_dim3A_461 = vector.shape_cast %transpose3A_460 : vector<128x1xf32> to vector<128x1x1xf32>
    %broadcast_in_dim3A_462 = vector.shape_cast %max3A_53 : vector<16x128xf32> to vector<1x16x128xf32>
    %min3A_463 = vector.broadcast %broadcast_in_dim3A_461 : vector<128x1x1xf32> to vector<128x16x128xf32>
    %min3A_464 = vector.broadcast %broadcast_in_dim3A_462 : vector<1x16x128xf32> to vector<128x16x128xf32>
    %min3A_465 = arith.minimumf %min3A_463, %min3A_464 : vector<128x16x128xf32>
    %slice3A_466 = vector.extract_strided_slice %max3A_56 {offsets = [5, 0], sizes = [1, 128], strides = [1, 1]} : vector<16x128xf32> to vector<1x128xf32>
    %transpose3A_467 = tpu.transpose %slice3A_466, [1, 0] : vector<1x128xf32> -> vector<128x1xf32>
    %broadcast_in_dim3A_468 = vector.shape_cast %transpose3A_467 : vector<128x1xf32> to vector<128x1x1xf32>
    %broadcast_in_dim3A_469 = vector.shape_cast %max3A_56 : vector<16x128xf32> to vector<1x16x128xf32>
    %min3A_470 = vector.broadcast %broadcast_in_dim3A_468 : vector<128x1x1xf32> to vector<128x16x128xf32>
    %min3A_471 = vector.broadcast %broadcast_in_dim3A_469 : vector<1x16x128xf32> to vector<128x16x128xf32>
    %min3A_472 = arith.minimumf %min3A_470, %min3A_471 : vector<128x16x128xf32>
    %sub3A_473 = arith.subf %min3A_465, %max3A_451 : vector<128x16x128xf32>
    %max3A_474 = arith.constant 0.000000e+00 : f32
    %max3A_475 = vector.broadcast %max3A_474 : f32 to vector<128x16x128xf32>
    %max3A_476 = arith.maximumf %sub3A_473, %max3A_475 : vector<128x16x128xf32>
    %sub3A_477 = arith.subf %min3A_472, %max3A_458 : vector<128x16x128xf32>
    %max3A_478 = arith.constant 0.000000e+00 : f32
    %max3A_479 = vector.broadcast %max3A_478 : f32 to vector<128x16x128xf32>
    %max3A_480 = arith.maximumf %sub3A_477, %max3A_479 : vector<128x16x128xf32>
    %mul3A_481 = arith.mulf %max3A_476, %max3A_480 : vector<128x16x128xf32>
    %slice3A_482 = vector.extract_strided_slice %mul3A {offsets = [5, 0], sizes = [1, 128], strides = [1, 1]} : vector<16x128xf32> to vector<1x128xf32>
    %transpose3A_483 = tpu.transpose %slice3A_482, [1, 0] : vector<1x128xf32> -> vector<128x1xf32>
    %broadcast_in_dim3A_484 = vector.shape_cast %transpose3A_483 : vector<128x1xf32> to vector<128x1x1xf32>
    %broadcast_in_dim3A_485 = vector.shape_cast %mul3A : vector<16x128xf32> to vector<1x16x128xf32>
    %add3A_486 = vector.broadcast %broadcast_in_dim3A_484 : vector<128x1x1xf32> to vector<128x16x128xf32>
    %add3A_487 = vector.broadcast %broadcast_in_dim3A_485 : vector<1x16x128xf32> to vector<128x16x128xf32>
    %add3A_488 = arith.addf %add3A_486, %add3A_487 : vector<128x16x128xf32>
    %sub3A_489 = arith.subf %add3A_488, %mul3A_481 : vector<128x16x128xf32>
    %add3A_490 = arith.constant 9.99999971E-10 : f32
    %add3A_491 = vector.broadcast %add3A_490 : f32 to vector<128x16x128xf32>
    %add3A_492 = arith.addf %sub3A_489, %add3A_491 : vector<128x16x128xf32>
    %div3A_493 = arith.divf %mul3A_481, %add3A_492 : vector<128x16x128xf32>
    %iota3A_494 = tpu.iota {dimensions = array<i32: 0>} : vector<128x1x1xi32>
    %add3A_495 = arith.constant 640 : i32
    %add3A_496 = vector.broadcast %add3A_495 : i32 to vector<128x1x1xi32>
    %add3A_497 = arith.addi %add3A_496, %iota3A_494 : vector<128x1x1xi32>
    %gt3A_498 = arith.constant 8.000000e-01 : f32
    %gt3A_499 = vector.broadcast %gt3A_498 : f32 to vector<128x16x128xf32>
    %gt3A_500 = arith.cmpf ogt, %div3A_493, %gt3A_499 : vector<128x16x128xf32>
    %broadcast_in_dim3A_501 = vector.shape_cast %add3A : vector<16x128xi32> to vector<1x16x128xi32>
    %gt3A_502 = vector.broadcast %broadcast_in_dim3A_501 : vector<1x16x128xi32> to vector<128x16x128xi32>
    %gt3A_503 = vector.broadcast %add3A_497 : vector<128x1x1xi32> to vector<128x16x128xi32>
    %gt3A_504 = arith.cmpi sgt, %gt3A_502, %gt3A_503 : vector<128x16x128xi32>
    %and3A_505 = arith.andi %gt3A_500, %gt3A_504 : vector<128x16x128xi1>
    %broadcast_in_dim3A_506 = vector.shape_cast %lt3A_69 : vector<16x128xi1> to vector<1x16x128xi1>
    %and3A_507 = vector.broadcast %broadcast_in_dim3A_506 : vector<1x16x128xi1> to vector<128x16x128xi1>
    %and3A_508 = arith.andi %and3A_505, %and3A_507 : vector<128x16x128xi1>
    %convert_element_type3A_509 = arith.extui %and3A_508 : vector<128x16x128xi1> to vector<128x16x128xi32>
    %convert_element_type3A_510 = arith.sitofp %convert_element_type3A_509 : vector<128x16x128xi32> to vector<128x16x128xf32>
    %swap3A_511 = arith.constant 0 : index
    %swap3A_512 = arith.constant 0 : index
    %swap3A_513 = arith.constant 0 : index
    %swap3A_514 = vector.load %arg4[%swap3A_511, %swap3A_512, %swap3A_513] : memref<128x16x128xf32, #tpu.memory_space<vmem>>, vector<128x16x128xf32>
    tpu.vector_store %arg4[%swap3A_511, %swap3A_512, %swap3A_513], %convert_element_type3A_510 {strides = array<i32>} : memref<128x16x128xf32, #tpu.memory_space<vmem>>, vector<128x16x128xf32>,
    %scan3A_515 = arith.constant 0 : i32
    %scan3A_516 = arith.constant 128 : i32
    %scan3A_517 = arith.addi %scan3A_515, %scan3A_516 : i32
    %scan3A_518 = arith.constant 1 : i32
    %scan3A_519 = scf.for %scan3A_1409 = %scan3A_515 to %scan3A_517 step %scan3A_518 iter_args(%scan3A_1410 = %scan3A_443) -> (vector<16x128xf32>)  : i32 {
      %eq3A = vector.broadcast %scan3A_1409 : i32 to vector<128xi32>
      %eq3A_1411 = arith.cmpi eq, %iota3A_71, %eq3A : vector<128xi32>
      %slice3A_1412 = vector.extract_strided_slice %scan3A_1410 {offsets = [5, 0], sizes = [1, 128], strides = [1, 1]} : vector<16x128xf32> to vector<1x128xf32>
      %squeeze3A = vector.shape_cast %slice3A_1412 : vector<1x128xf32> to vector<128xf32>
      %jit3A = arith.constant 0.000000e+00 : f32
      %broadcast_in_dim3A_1413 = vector.broadcast %jit3A : f32 to vector<128xf32>
      %select_n3A = arith.select %eq3A_1411, %squeeze3A, %broadcast_in_dim3A_1413 : vector<128xi1>, vector<128xf32>
      %reduce_sum3A = vector.shape_cast %select_n3A : vector<128xf32> to vector<1x128xf32>
      %reduce_sum3A_1414 = arith.constant dense<0.000000e+00> : vector<1xf32>
      %reduce_sum3A_1415 = vector.multi_reduction <add>, %reduce_sum3A, %reduce_sum3A_1414 [1] : vector<1x128xf32> to vector<1xf32>
      %reduce_sum3A_1416 = vector.shape_cast %reduce_sum3A_1415 : vector<1xf32> to vector<1x1xf32>
      %reduce_sum3A_1417 = vector.extract %reduce_sum3A_1416[0, 0] : f32 from vector<1x1xf32>
      %get3A_1418 = arith.index_cast %scan3A_1409 : i32 to index
      %get3A_1419 = arith.constant 0 : index
      %get3A_1420 = arith.constant 0 : index
      %get3A_1421 = vector.load %arg4[%get3A_1418, %get3A_1419, %get3A_1420] : memref<128x16x128xf32, #tpu.memory_space<vmem>>, vector<1x16x128xf32>
      %get3A_1422 = vector.shape_cast %get3A_1421 : vector<1x16x128xf32> to vector<16x128xf32>
      %mul3A_1423 = vector.broadcast %reduce_sum3A_1417 : f32 to vector<16x128xf32>
      %mul3A_1424 = arith.mulf %mul3A_1423, %get3A_1422 : vector<16x128xf32>
      %sub3A_1425 = arith.constant 1.000000e+00 : f32
      %sub3A_1426 = vector.broadcast %sub3A_1425 : f32 to vector<16x128xf32>
      %sub3A_1427 = arith.subf %sub3A_1426, %mul3A_1424 : vector<16x128xf32>
      %mul3A_1428 = arith.mulf %scan3A_1410, %sub3A_1427 : vector<16x128xf32>
      scf.yield %mul3A_1428 : vector<16x128xf32>
    }
    %scan3A_520 = arith.constant 128 : i32
    %slice3A_521 = vector.extract_strided_slice %min3A_48 {offsets = [6, 0], sizes = [1, 128], strides = [1, 1]} : vector<16x128xf32> to vector<1x128xf32>
    %transpose3A_522 = tpu.transpose %slice3A_521, [1, 0] : vector<1x128xf32> -> vector<128x1xf32>
    %broadcast_in_dim3A_523 = vector.shape_cast %transpose3A_522 : vector<128x1xf32> to vector<128x1x1xf32>
    %broadcast_in_dim3A_524 = vector.shape_cast %min3A_48 : vector<16x128xf32> to vector<1x16x128xf32>
    %max3A_525 = vector.broadcast %broadcast_in_dim3A_523 : vector<128x1x1xf32> to vector<128x16x128xf32>
    %max3A_526 = vector.broadcast %broadcast_in_dim3A_524 : vector<1x16x128xf32> to vector<128x16x128xf32>
    %max3A_527 = arith.maximumf %max3A_525, %max3A_526 : vector<128x16x128xf32>
    %slice3A_528 = vector.extract_strided_slice %min3A_51 {offsets = [6, 0], sizes = [1, 128], strides = [1, 1]} : vector<16x128xf32> to vector<1x128xf32>
    %transpose3A_529 = tpu.transpose %slice3A_528, [1, 0] : vector<1x128xf32> -> vector<128x1xf32>
    %broadcast_in_dim3A_530 = vector.shape_cast %transpose3A_529 : vector<128x1xf32> to vector<128x1x1xf32>
    %broadcast_in_dim3A_531 = vector.shape_cast %min3A_51 : vector<16x128xf32> to vector<1x16x128xf32>
    %max3A_532 = vector.broadcast %broadcast_in_dim3A_530 : vector<128x1x1xf32> to vector<128x16x128xf32>
    %max3A_533 = vector.broadcast %broadcast_in_dim3A_531 : vector<1x16x128xf32> to vector<128x16x128xf32>
    %max3A_534 = arith.maximumf %max3A_532, %max3A_533 : vector<128x16x128xf32>
    %slice3A_535 = vector.extract_strided_slice %max3A_53 {offsets = [6, 0], sizes = [1, 128], strides = [1, 1]} : vector<16x128xf32> to vector<1x128xf32>
    %transpose3A_536 = tpu.transpose %slice3A_535, [1, 0] : vector<1x128xf32> -> vector<128x1xf32>
    %broadcast_in_dim3A_537 = vector.shape_cast %transpose3A_536 : vector<128x1xf32> to vector<128x1x1xf32>
    %broadcast_in_dim3A_538 = vector.shape_cast %max3A_53 : vector<16x128xf32> to vector<1x16x128xf32>
    %min3A_539 = vector.broadcast %broadcast_in_dim3A_537 : vector<128x1x1xf32> to vector<128x16x128xf32>
    %min3A_540 = vector.broadcast %broadcast_in_dim3A_538 : vector<1x16x128xf32> to vector<128x16x128xf32>
    %min3A_541 = arith.minimumf %min3A_539, %min3A_540 : vector<128x16x128xf32>
    %slice3A_542 = vector.extract_strided_slice %max3A_56 {offsets = [6, 0], sizes = [1, 128], strides = [1, 1]} : vector<16x128xf32> to vector<1x128xf32>
    %transpose3A_543 = tpu.transpose %slice3A_542, [1, 0] : vector<1x128xf32> -> vector<128x1xf32>
    %broadcast_in_dim3A_544 = vector.shape_cast %transpose3A_543 : vector<128x1xf32> to vector<128x1x1xf32>
    %broadcast_in_dim3A_545 = vector.shape_cast %max3A_56 : vector<16x128xf32> to vector<1x16x128xf32>
    %min3A_546 = vector.broadcast %broadcast_in_dim3A_544 : vector<128x1x1xf32> to vector<128x16x128xf32>
    %min3A_547 = vector.broadcast %broadcast_in_dim3A_545 : vector<1x16x128xf32> to vector<128x16x128xf32>
    %min3A_548 = arith.minimumf %min3A_546, %min3A_547 : vector<128x16x128xf32>
    %sub3A_549 = arith.subf %min3A_541, %max3A_527 : vector<128x16x128xf32>
    %max3A_550 = arith.constant 0.000000e+00 : f32
    %max3A_551 = vector.broadcast %max3A_550 : f32 to vector<128x16x128xf32>
    %max3A_552 = arith.maximumf %sub3A_549, %max3A_551 : vector<128x16x128xf32>
    %sub3A_553 = arith.subf %min3A_548, %max3A_534 : vector<128x16x128xf32>
    %max3A_554 = arith.constant 0.000000e+00 : f32
    %max3A_555 = vector.broadcast %max3A_554 : f32 to vector<128x16x128xf32>
    %max3A_556 = arith.maximumf %sub3A_553, %max3A_555 : vector<128x16x128xf32>
    %mul3A_557 = arith.mulf %max3A_552, %max3A_556 : vector<128x16x128xf32>
    %slice3A_558 = vector.extract_strided_slice %mul3A {offsets = [6, 0], sizes = [1, 128], strides = [1, 1]} : vector<16x128xf32> to vector<1x128xf32>
    %transpose3A_559 = tpu.transpose %slice3A_558, [1, 0] : vector<1x128xf32> -> vector<128x1xf32>
    %broadcast_in_dim3A_560 = vector.shape_cast %transpose3A_559 : vector<128x1xf32> to vector<128x1x1xf32>
    %broadcast_in_dim3A_561 = vector.shape_cast %mul3A : vector<16x128xf32> to vector<1x16x128xf32>
    %add3A_562 = vector.broadcast %broadcast_in_dim3A_560 : vector<128x1x1xf32> to vector<128x16x128xf32>
    %add3A_563 = vector.broadcast %broadcast_in_dim3A_561 : vector<1x16x128xf32> to vector<128x16x128xf32>
    %add3A_564 = arith.addf %add3A_562, %add3A_563 : vector<128x16x128xf32>
    %sub3A_565 = arith.subf %add3A_564, %mul3A_557 : vector<128x16x128xf32>
    %add3A_566 = arith.constant 9.99999971E-10 : f32
    %add3A_567 = vector.broadcast %add3A_566 : f32 to vector<128x16x128xf32>
    %add3A_568 = arith.addf %sub3A_565, %add3A_567 : vector<128x16x128xf32>
    %div3A_569 = arith.divf %mul3A_557, %add3A_568 : vector<128x16x128xf32>
    %iota3A_570 = tpu.iota {dimensions = array<i32: 0>} : vector<128x1x1xi32>
    %add3A_571 = arith.constant 768 : i32
    %add3A_572 = vector.broadcast %add3A_571 : i32 to vector<128x1x1xi32>
    %add3A_573 = arith.addi %add3A_572, %iota3A_570 : vector<128x1x1xi32>
    %gt3A_574 = arith.constant 8.000000e-01 : f32
    %gt3A_575 = vector.broadcast %gt3A_574 : f32 to vector<128x16x128xf32>
    %gt3A_576 = arith.cmpf ogt, %div3A_569, %gt3A_575 : vector<128x16x128xf32>
    %broadcast_in_dim3A_577 = vector.shape_cast %add3A : vector<16x128xi32> to vector<1x16x128xi32>
    %gt3A_578 = vector.broadcast %broadcast_in_dim3A_577 : vector<1x16x128xi32> to vector<128x16x128xi32>
    %gt3A_579 = vector.broadcast %add3A_573 : vector<128x1x1xi32> to vector<128x16x128xi32>
    %gt3A_580 = arith.cmpi sgt, %gt3A_578, %gt3A_579 : vector<128x16x128xi32>
    %and3A_581 = arith.andi %gt3A_576, %gt3A_580 : vector<128x16x128xi1>
    %broadcast_in_dim3A_582 = vector.shape_cast %lt3A_69 : vector<16x128xi1> to vector<1x16x128xi1>
    %and3A_583 = vector.broadcast %broadcast_in_dim3A_582 : vector<1x16x128xi1> to vector<128x16x128xi1>
    %and3A_584 = arith.andi %and3A_581, %and3A_583 : vector<128x16x128xi1>
    %convert_element_type3A_585 = arith.extui %and3A_584 : vector<128x16x128xi1> to vector<128x16x128xi32>
    %convert_element_type3A_586 = arith.sitofp %convert_element_type3A_585 : vector<128x16x128xi32> to vector<128x16x128xf32>
    %swap3A_587 = arith.constant 0 : index
    %swap3A_588 = arith.constant 0 : index
    %swap3A_589 = arith.constant 0 : index
    %swap3A_590 = vector.load %arg4[%swap3A_587, %swap3A_588, %swap3A_589] : memref<128x16x128xf32, #tpu.memory_space<vmem>>, vector<128x16x128xf32>
    tpu.vector_store %arg4[%swap3A_587, %swap3A_588, %swap3A_589], %convert_element_type3A_586 {strides = array<i32>} : memref<128x16x128xf32, #tpu.memory_space<vmem>>, vector<128x16x128xf32>,
    %scan3A_591 = arith.constant 0 : i32
    %scan3A_592 = arith.constant 128 : i32
    %scan3A_593 = arith.addi %scan3A_591, %scan3A_592 : i32
    %scan3A_594 = arith.constant 1 : i32
    %scan3A_595 = scf.for %scan3A_1409 = %scan3A_591 to %scan3A_593 step %scan3A_594 iter_args(%scan3A_1410 = %scan3A_519) -> (vector<16x128xf32>)  : i32 {
      %eq3A = vector.broadcast %scan3A_1409 : i32 to vector<128xi32>
      %eq3A_1411 = arith.cmpi eq, %iota3A_71, %eq3A : vector<128xi32>
      %slice3A_1412 = vector.extract_strided_slice %scan3A_1410 {offsets = [6, 0], sizes = [1, 128], strides = [1, 1]} : vector<16x128xf32> to vector<1x128xf32>
      %squeeze3A = vector.shape_cast %slice3A_1412 : vector<1x128xf32> to vector<128xf32>
      %jit3A = arith.constant 0.000000e+00 : f32
      %broadcast_in_dim3A_1413 = vector.broadcast %jit3A : f32 to vector<128xf32>
      %select_n3A = arith.select %eq3A_1411, %squeeze3A, %broadcast_in_dim3A_1413 : vector<128xi1>, vector<128xf32>
      %reduce_sum3A = vector.shape_cast %select_n3A : vector<128xf32> to vector<1x128xf32>
      %reduce_sum3A_1414 = arith.constant dense<0.000000e+00> : vector<1xf32>
      %reduce_sum3A_1415 = vector.multi_reduction <add>, %reduce_sum3A, %reduce_sum3A_1414 [1] : vector<1x128xf32> to vector<1xf32>
      %reduce_sum3A_1416 = vector.shape_cast %reduce_sum3A_1415 : vector<1xf32> to vector<1x1xf32>
      %reduce_sum3A_1417 = vector.extract %reduce_sum3A_1416[0, 0] : f32 from vector<1x1xf32>
      %get3A_1418 = arith.index_cast %scan3A_1409 : i32 to index
      %get3A_1419 = arith.constant 0 : index
      %get3A_1420 = arith.constant 0 : index
      %get3A_1421 = vector.load %arg4[%get3A_1418, %get3A_1419, %get3A_1420] : memref<128x16x128xf32, #tpu.memory_space<vmem>>, vector<1x16x128xf32>
      %get3A_1422 = vector.shape_cast %get3A_1421 : vector<1x16x128xf32> to vector<16x128xf32>
      %mul3A_1423 = vector.broadcast %reduce_sum3A_1417 : f32 to vector<16x128xf32>
      %mul3A_1424 = arith.mulf %mul3A_1423, %get3A_1422 : vector<16x128xf32>
      %sub3A_1425 = arith.constant 1.000000e+00 : f32
      %sub3A_1426 = vector.broadcast %sub3A_1425 : f32 to vector<16x128xf32>
      %sub3A_1427 = arith.subf %sub3A_1426, %mul3A_1424 : vector<16x128xf32>
      %mul3A_1428 = arith.mulf %scan3A_1410, %sub3A_1427 : vector<16x128xf32>
      scf.yield %mul3A_1428 : vector<16x128xf32>
    }
    %scan3A_596 = arith.constant 128 : i32
    %slice3A_597 = vector.extract_strided_slice %min3A_48 {offsets = [7, 0], sizes = [1, 128], strides = [1, 1]} : vector<16x128xf32> to vector<1x128xf32>
    %transpose3A_598 = tpu.transpose %slice3A_597, [1, 0] : vector<1x128xf32> -> vector<128x1xf32>
    %broadcast_in_dim3A_599 = vector.shape_cast %transpose3A_598 : vector<128x1xf32> to vector<128x1x1xf32>
    %broadcast_in_dim3A_600 = vector.shape_cast %min3A_48 : vector<16x128xf32> to vector<1x16x128xf32>
    %max3A_601 = vector.broadcast %broadcast_in_dim3A_599 : vector<128x1x1xf32> to vector<128x16x128xf32>
    %max3A_602 = vector.broadcast %broadcast_in_dim3A_600 : vector<1x16x128xf32> to vector<128x16x128xf32>
    %max3A_603 = arith.maximumf %max3A_601, %max3A_602 : vector<128x16x128xf32>
    %slice3A_604 = vector.extract_strided_slice %min3A_51 {offsets = [7, 0], sizes = [1, 128], strides = [1, 1]} : vector<16x128xf32> to vector<1x128xf32>
    %transpose3A_605 = tpu.transpose %slice3A_604, [1, 0] : vector<1x128xf32> -> vector<128x1xf32>
    %broadcast_in_dim3A_606 = vector.shape_cast %transpose3A_605 : vector<128x1xf32> to vector<128x1x1xf32>
    %broadcast_in_dim3A_607 = vector.shape_cast %min3A_51 : vector<16x128xf32> to vector<1x16x128xf32>
    %max3A_608 = vector.broadcast %broadcast_in_dim3A_606 : vector<128x1x1xf32> to vector<128x16x128xf32>
    %max3A_609 = vector.broadcast %broadcast_in_dim3A_607 : vector<1x16x128xf32> to vector<128x16x128xf32>
    %max3A_610 = arith.maximumf %max3A_608, %max3A_609 : vector<128x16x128xf32>
    %slice3A_611 = vector.extract_strided_slice %max3A_53 {offsets = [7, 0], sizes = [1, 128], strides = [1, 1]} : vector<16x128xf32> to vector<1x128xf32>
    %transpose3A_612 = tpu.transpose %slice3A_611, [1, 0] : vector<1x128xf32> -> vector<128x1xf32>
    %broadcast_in_dim3A_613 = vector.shape_cast %transpose3A_612 : vector<128x1xf32> to vector<128x1x1xf32>
    %broadcast_in_dim3A_614 = vector.shape_cast %max3A_53 : vector<16x128xf32> to vector<1x16x128xf32>
    %min3A_615 = vector.broadcast %broadcast_in_dim3A_613 : vector<128x1x1xf32> to vector<128x16x128xf32>
    %min3A_616 = vector.broadcast %broadcast_in_dim3A_614 : vector<1x16x128xf32> to vector<128x16x128xf32>
    %min3A_617 = arith.minimumf %min3A_615, %min3A_616 : vector<128x16x128xf32>
    %slice3A_618 = vector.extract_strided_slice %max3A_56 {offsets = [7, 0], sizes = [1, 128], strides = [1, 1]} : vector<16x128xf32> to vector<1x128xf32>
    %transpose3A_619 = tpu.transpose %slice3A_618, [1, 0] : vector<1x128xf32> -> vector<128x1xf32>
    %broadcast_in_dim3A_620 = vector.shape_cast %transpose3A_619 : vector<128x1xf32> to vector<128x1x1xf32>
    %broadcast_in_dim3A_621 = vector.shape_cast %max3A_56 : vector<16x128xf32> to vector<1x16x128xf32>
    %min3A_622 = vector.broadcast %broadcast_in_dim3A_620 : vector<128x1x1xf32> to vector<128x16x128xf32>
    %min3A_623 = vector.broadcast %broadcast_in_dim3A_621 : vector<1x16x128xf32> to vector<128x16x128xf32>
    %min3A_624 = arith.minimumf %min3A_622, %min3A_623 : vector<128x16x128xf32>
    %sub3A_625 = arith.subf %min3A_617, %max3A_603 : vector<128x16x128xf32>
    %max3A_626 = arith.constant 0.000000e+00 : f32
    %max3A_627 = vector.broadcast %max3A_626 : f32 to vector<128x16x128xf32>
    %max3A_628 = arith.maximumf %sub3A_625, %max3A_627 : vector<128x16x128xf32>
    %sub3A_629 = arith.subf %min3A_624, %max3A_610 : vector<128x16x128xf32>
    %max3A_630 = arith.constant 0.000000e+00 : f32
    %max3A_631 = vector.broadcast %max3A_630 : f32 to vector<128x16x128xf32>
    %max3A_632 = arith.maximumf %sub3A_629, %max3A_631 : vector<128x16x128xf32>
    %mul3A_633 = arith.mulf %max3A_628, %max3A_632 : vector<128x16x128xf32>
    %slice3A_634 = vector.extract_strided_slice %mul3A {offsets = [7, 0], sizes = [1, 128], strides = [1, 1]} : vector<16x128xf32> to vector<1x128xf32>
    %transpose3A_635 = tpu.transpose %slice3A_634, [1, 0] : vector<1x128xf32> -> vector<128x1xf32>
    %broadcast_in_dim3A_636 = vector.shape_cast %transpose3A_635 : vector<128x1xf32> to vector<128x1x1xf32>
    %broadcast_in_dim3A_637 = vector.shape_cast %mul3A : vector<16x128xf32> to vector<1x16x128xf32>
    %add3A_638 = vector.broadcast %broadcast_in_dim3A_636 : vector<128x1x1xf32> to vector<128x16x128xf32>
    %add3A_639 = vector.broadcast %broadcast_in_dim3A_637 : vector<1x16x128xf32> to vector<128x16x128xf32>
    %add3A_640 = arith.addf %add3A_638, %add3A_639 : vector<128x16x128xf32>
    %sub3A_641 = arith.subf %add3A_640, %mul3A_633 : vector<128x16x128xf32>
    %add3A_642 = arith.constant 9.99999971E-10 : f32
    %add3A_643 = vector.broadcast %add3A_642 : f32 to vector<128x16x128xf32>
    %add3A_644 = arith.addf %sub3A_641, %add3A_643 : vector<128x16x128xf32>
    %div3A_645 = arith.divf %mul3A_633, %add3A_644 : vector<128x16x128xf32>
    %iota3A_646 = tpu.iota {dimensions = array<i32: 0>} : vector<128x1x1xi32>
    %add3A_647 = arith.constant 896 : i32
    %add3A_648 = vector.broadcast %add3A_647 : i32 to vector<128x1x1xi32>
    %add3A_649 = arith.addi %add3A_648, %iota3A_646 : vector<128x1x1xi32>
    %gt3A_650 = arith.constant 8.000000e-01 : f32
    %gt3A_651 = vector.broadcast %gt3A_650 : f32 to vector<128x16x128xf32>
    %gt3A_652 = arith.cmpf ogt, %div3A_645, %gt3A_651 : vector<128x16x128xf32>
    %broadcast_in_dim3A_653 = vector.shape_cast %add3A : vector<16x128xi32> to vector<1x16x128xi32>
    %gt3A_654 = vector.broadcast %broadcast_in_dim3A_653 : vector<1x16x128xi32> to vector<128x16x128xi32>
    %gt3A_655 = vector.broadcast %add3A_649 : vector<128x1x1xi32> to vector<128x16x128xi32>
    %gt3A_656 = arith.cmpi sgt, %gt3A_654, %gt3A_655 : vector<128x16x128xi32>
    %and3A_657 = arith.andi %gt3A_652, %gt3A_656 : vector<128x16x128xi1>
    %broadcast_in_dim3A_658 = vector.shape_cast %lt3A_69 : vector<16x128xi1> to vector<1x16x128xi1>
    %and3A_659 = vector.broadcast %broadcast_in_dim3A_658 : vector<1x16x128xi1> to vector<128x16x128xi1>
    %and3A_660 = arith.andi %and3A_657, %and3A_659 : vector<128x16x128xi1>
    %convert_element_type3A_661 = arith.extui %and3A_660 : vector<128x16x128xi1> to vector<128x16x128xi32>
    %convert_element_type3A_662 = arith.sitofp %convert_element_type3A_661 : vector<128x16x128xi32> to vector<128x16x128xf32>
    %swap3A_663 = arith.constant 0 : index
    %swap3A_664 = arith.constant 0 : index
    %swap3A_665 = arith.constant 0 : index
    %swap3A_666 = vector.load %arg4[%swap3A_663, %swap3A_664, %swap3A_665] : memref<128x16x128xf32, #tpu.memory_space<vmem>>, vector<128x16x128xf32>
    tpu.vector_store %arg4[%swap3A_663, %swap3A_664, %swap3A_665], %convert_element_type3A_662 {strides = array<i32>} : memref<128x16x128xf32, #tpu.memory_space<vmem>>, vector<128x16x128xf32>,
    %scan3A_667 = arith.constant 0 : i32
    %scan3A_668 = arith.constant 128 : i32
    %scan3A_669 = arith.addi %scan3A_667, %scan3A_668 : i32
    %scan3A_670 = arith.constant 1 : i32
    %scan3A_671 = scf.for %scan3A_1409 = %scan3A_667 to %scan3A_669 step %scan3A_670 iter_args(%scan3A_1410 = %scan3A_595) -> (vector<16x128xf32>)  : i32 {
      %eq3A = vector.broadcast %scan3A_1409 : i32 to vector<128xi32>
      %eq3A_1411 = arith.cmpi eq, %iota3A_71, %eq3A : vector<128xi32>
      %slice3A_1412 = vector.extract_strided_slice %scan3A_1410 {offsets = [7, 0], sizes = [1, 128], strides = [1, 1]} : vector<16x128xf32> to vector<1x128xf32>
      %squeeze3A = vector.shape_cast %slice3A_1412 : vector<1x128xf32> to vector<128xf32>
      %jit3A = arith.constant 0.000000e+00 : f32
      %broadcast_in_dim3A_1413 = vector.broadcast %jit3A : f32 to vector<128xf32>
      %select_n3A = arith.select %eq3A_1411, %squeeze3A, %broadcast_in_dim3A_1413 : vector<128xi1>, vector<128xf32>
      %reduce_sum3A = vector.shape_cast %select_n3A : vector<128xf32> to vector<1x128xf32>
      %reduce_sum3A_1414 = arith.constant dense<0.000000e+00> : vector<1xf32>
      %reduce_sum3A_1415 = vector.multi_reduction <add>, %reduce_sum3A, %reduce_sum3A_1414 [1] : vector<1x128xf32> to vector<1xf32>
      %reduce_sum3A_1416 = vector.shape_cast %reduce_sum3A_1415 : vector<1xf32> to vector<1x1xf32>
      %reduce_sum3A_1417 = vector.extract %reduce_sum3A_1416[0, 0] : f32 from vector<1x1xf32>
      %get3A_1418 = arith.index_cast %scan3A_1409 : i32 to index
      %get3A_1419 = arith.constant 0 : index
      %get3A_1420 = arith.constant 0 : index
      %get3A_1421 = vector.load %arg4[%get3A_1418, %get3A_1419, %get3A_1420] : memref<128x16x128xf32, #tpu.memory_space<vmem>>, vector<1x16x128xf32>
      %get3A_1422 = vector.shape_cast %get3A_1421 : vector<1x16x128xf32> to vector<16x128xf32>
      %mul3A_1423 = vector.broadcast %reduce_sum3A_1417 : f32 to vector<16x128xf32>
      %mul3A_1424 = arith.mulf %mul3A_1423, %get3A_1422 : vector<16x128xf32>
      %sub3A_1425 = arith.constant 1.000000e+00 : f32
      %sub3A_1426 = vector.broadcast %sub3A_1425 : f32 to vector<16x128xf32>
      %sub3A_1427 = arith.subf %sub3A_1426, %mul3A_1424 : vector<16x128xf32>
      %mul3A_1428 = arith.mulf %scan3A_1410, %sub3A_1427 : vector<16x128xf32>
      scf.yield %mul3A_1428 : vector<16x128xf32>
    }
    %scan3A_672 = arith.constant 128 : i32
    %slice3A_673 = vector.extract_strided_slice %min3A_48 {offsets = [8, 0], sizes = [1, 128], strides = [1, 1]} : vector<16x128xf32> to vector<1x128xf32>
    %transpose3A_674 = tpu.transpose %slice3A_673, [1, 0] : vector<1x128xf32> -> vector<128x1xf32>
    %broadcast_in_dim3A_675 = vector.shape_cast %transpose3A_674 : vector<128x1xf32> to vector<128x1x1xf32>
    %broadcast_in_dim3A_676 = vector.shape_cast %min3A_48 : vector<16x128xf32> to vector<1x16x128xf32>
    %max3A_677 = vector.broadcast %broadcast_in_dim3A_675 : vector<128x1x1xf32> to vector<128x16x128xf32>
    %max3A_678 = vector.broadcast %broadcast_in_dim3A_676 : vector<1x16x128xf32> to vector<128x16x128xf32>
    %max3A_679 = arith.maximumf %max3A_677, %max3A_678 : vector<128x16x128xf32>
    %slice3A_680 = vector.extract_strided_slice %min3A_51 {offsets = [8, 0], sizes = [1, 128], strides = [1, 1]} : vector<16x128xf32> to vector<1x128xf32>
    %transpose3A_681 = tpu.transpose %slice3A_680, [1, 0] : vector<1x128xf32> -> vector<128x1xf32>
    %broadcast_in_dim3A_682 = vector.shape_cast %transpose3A_681 : vector<128x1xf32> to vector<128x1x1xf32>
    %broadcast_in_dim3A_683 = vector.shape_cast %min3A_51 : vector<16x128xf32> to vector<1x16x128xf32>
    %max3A_684 = vector.broadcast %broadcast_in_dim3A_682 : vector<128x1x1xf32> to vector<128x16x128xf32>
    %max3A_685 = vector.broadcast %broadcast_in_dim3A_683 : vector<1x16x128xf32> to vector<128x16x128xf32>
    %max3A_686 = arith.maximumf %max3A_684, %max3A_685 : vector<128x16x128xf32>
    %slice3A_687 = vector.extract_strided_slice %max3A_53 {offsets = [8, 0], sizes = [1, 128], strides = [1, 1]} : vector<16x128xf32> to vector<1x128xf32>
    %transpose3A_688 = tpu.transpose %slice3A_687, [1, 0] : vector<1x128xf32> -> vector<128x1xf32>
    %broadcast_in_dim3A_689 = vector.shape_cast %transpose3A_688 : vector<128x1xf32> to vector<128x1x1xf32>
    %broadcast_in_dim3A_690 = vector.shape_cast %max3A_53 : vector<16x128xf32> to vector<1x16x128xf32>
    %min3A_691 = vector.broadcast %broadcast_in_dim3A_689 : vector<128x1x1xf32> to vector<128x16x128xf32>
    %min3A_692 = vector.broadcast %broadcast_in_dim3A_690 : vector<1x16x128xf32> to vector<128x16x128xf32>
    %min3A_693 = arith.minimumf %min3A_691, %min3A_692 : vector<128x16x128xf32>
    %slice3A_694 = vector.extract_strided_slice %max3A_56 {offsets = [8, 0], sizes = [1, 128], strides = [1, 1]} : vector<16x128xf32> to vector<1x128xf32>
    %transpose3A_695 = tpu.transpose %slice3A_694, [1, 0] : vector<1x128xf32> -> vector<128x1xf32>
    %broadcast_in_dim3A_696 = vector.shape_cast %transpose3A_695 : vector<128x1xf32> to vector<128x1x1xf32>
    %broadcast_in_dim3A_697 = vector.shape_cast %max3A_56 : vector<16x128xf32> to vector<1x16x128xf32>
    %min3A_698 = vector.broadcast %broadcast_in_dim3A_696 : vector<128x1x1xf32> to vector<128x16x128xf32>
    %min3A_699 = vector.broadcast %broadcast_in_dim3A_697 : vector<1x16x128xf32> to vector<128x16x128xf32>
    %min3A_700 = arith.minimumf %min3A_698, %min3A_699 : vector<128x16x128xf32>
    %sub3A_701 = arith.subf %min3A_693, %max3A_679 : vector<128x16x128xf32>
    %max3A_702 = arith.constant 0.000000e+00 : f32
    %max3A_703 = vector.broadcast %max3A_702 : f32 to vector<128x16x128xf32>
    %max3A_704 = arith.maximumf %sub3A_701, %max3A_703 : vector<128x16x128xf32>
    %sub3A_705 = arith.subf %min3A_700, %max3A_686 : vector<128x16x128xf32>
    %max3A_706 = arith.constant 0.000000e+00 : f32
    %max3A_707 = vector.broadcast %max3A_706 : f32 to vector<128x16x128xf32>
    %max3A_708 = arith.maximumf %sub3A_705, %max3A_707 : vector<128x16x128xf32>
    %mul3A_709 = arith.mulf %max3A_704, %max3A_708 : vector<128x16x128xf32>
    %slice3A_710 = vector.extract_strided_slice %mul3A {offsets = [8, 0], sizes = [1, 128], strides = [1, 1]} : vector<16x128xf32> to vector<1x128xf32>
    %transpose3A_711 = tpu.transpose %slice3A_710, [1, 0] : vector<1x128xf32> -> vector<128x1xf32>
    %broadcast_in_dim3A_712 = vector.shape_cast %transpose3A_711 : vector<128x1xf32> to vector<128x1x1xf32>
    %broadcast_in_dim3A_713 = vector.shape_cast %mul3A : vector<16x128xf32> to vector<1x16x128xf32>
    %add3A_714 = vector.broadcast %broadcast_in_dim3A_712 : vector<128x1x1xf32> to vector<128x16x128xf32>
    %add3A_715 = vector.broadcast %broadcast_in_dim3A_713 : vector<1x16x128xf32> to vector<128x16x128xf32>
    %add3A_716 = arith.addf %add3A_714, %add3A_715 : vector<128x16x128xf32>
    %sub3A_717 = arith.subf %add3A_716, %mul3A_709 : vector<128x16x128xf32>
    %add3A_718 = arith.constant 9.99999971E-10 : f32
    %add3A_719 = vector.broadcast %add3A_718 : f32 to vector<128x16x128xf32>
    %add3A_720 = arith.addf %sub3A_717, %add3A_719 : vector<128x16x128xf32>
    %div3A_721 = arith.divf %mul3A_709, %add3A_720 : vector<128x16x128xf32>
    %iota3A_722 = tpu.iota {dimensions = array<i32: 0>} : vector<128x1x1xi32>
    %add3A_723 = arith.constant 1024 : i32
    %add3A_724 = vector.broadcast %add3A_723 : i32 to vector<128x1x1xi32>
    %add3A_725 = arith.addi %add3A_724, %iota3A_722 : vector<128x1x1xi32>
    %gt3A_726 = arith.constant 8.000000e-01 : f32
    %gt3A_727 = vector.broadcast %gt3A_726 : f32 to vector<128x16x128xf32>
    %gt3A_728 = arith.cmpf ogt, %div3A_721, %gt3A_727 : vector<128x16x128xf32>
    %broadcast_in_dim3A_729 = vector.shape_cast %add3A : vector<16x128xi32> to vector<1x16x128xi32>
    %gt3A_730 = vector.broadcast %broadcast_in_dim3A_729 : vector<1x16x128xi32> to vector<128x16x128xi32>
    %gt3A_731 = vector.broadcast %add3A_725 : vector<128x1x1xi32> to vector<128x16x128xi32>
    %gt3A_732 = arith.cmpi sgt, %gt3A_730, %gt3A_731 : vector<128x16x128xi32>
    %and3A_733 = arith.andi %gt3A_728, %gt3A_732 : vector<128x16x128xi1>
    %broadcast_in_dim3A_734 = vector.shape_cast %lt3A_69 : vector<16x128xi1> to vector<1x16x128xi1>
    %and3A_735 = vector.broadcast %broadcast_in_dim3A_734 : vector<1x16x128xi1> to vector<128x16x128xi1>
    %and3A_736 = arith.andi %and3A_733, %and3A_735 : vector<128x16x128xi1>
    %convert_element_type3A_737 = arith.extui %and3A_736 : vector<128x16x128xi1> to vector<128x16x128xi32>
    %convert_element_type3A_738 = arith.sitofp %convert_element_type3A_737 : vector<128x16x128xi32> to vector<128x16x128xf32>
    %swap3A_739 = arith.constant 0 : index
    %swap3A_740 = arith.constant 0 : index
    %swap3A_741 = arith.constant 0 : index
    %swap3A_742 = vector.load %arg4[%swap3A_739, %swap3A_740, %swap3A_741] : memref<128x16x128xf32, #tpu.memory_space<vmem>>, vector<128x16x128xf32>
    tpu.vector_store %arg4[%swap3A_739, %swap3A_740, %swap3A_741], %convert_element_type3A_738 {strides = array<i32>} : memref<128x16x128xf32, #tpu.memory_space<vmem>>, vector<128x16x128xf32>,
    %scan3A_743 = arith.constant 0 : i32
    %scan3A_744 = arith.constant 128 : i32
    %scan3A_745 = arith.addi %scan3A_743, %scan3A_744 : i32
    %scan3A_746 = arith.constant 1 : i32
    %scan3A_747 = scf.for %scan3A_1409 = %scan3A_743 to %scan3A_745 step %scan3A_746 iter_args(%scan3A_1410 = %scan3A_671) -> (vector<16x128xf32>)  : i32 {
      %eq3A = vector.broadcast %scan3A_1409 : i32 to vector<128xi32>
      %eq3A_1411 = arith.cmpi eq, %iota3A_71, %eq3A : vector<128xi32>
      %slice3A_1412 = vector.extract_strided_slice %scan3A_1410 {offsets = [8, 0], sizes = [1, 128], strides = [1, 1]} : vector<16x128xf32> to vector<1x128xf32>
      %squeeze3A = vector.shape_cast %slice3A_1412 : vector<1x128xf32> to vector<128xf32>
      %jit3A = arith.constant 0.000000e+00 : f32
      %broadcast_in_dim3A_1413 = vector.broadcast %jit3A : f32 to vector<128xf32>
      %select_n3A = arith.select %eq3A_1411, %squeeze3A, %broadcast_in_dim3A_1413 : vector<128xi1>, vector<128xf32>
      %reduce_sum3A = vector.shape_cast %select_n3A : vector<128xf32> to vector<1x128xf32>
      %reduce_sum3A_1414 = arith.constant dense<0.000000e+00> : vector<1xf32>
      %reduce_sum3A_1415 = vector.multi_reduction <add>, %reduce_sum3A, %reduce_sum3A_1414 [1] : vector<1x128xf32> to vector<1xf32>
      %reduce_sum3A_1416 = vector.shape_cast %reduce_sum3A_1415 : vector<1xf32> to vector<1x1xf32>
      %reduce_sum3A_1417 = vector.extract %reduce_sum3A_1416[0, 0] : f32 from vector<1x1xf32>
      %get3A_1418 = arith.index_cast %scan3A_1409 : i32 to index
      %get3A_1419 = arith.constant 0 : index
      %get3A_1420 = arith.constant 0 : index
      %get3A_1421 = vector.load %arg4[%get3A_1418, %get3A_1419, %get3A_1420] : memref<128x16x128xf32, #tpu.memory_space<vmem>>, vector<1x16x128xf32>
      %get3A_1422 = vector.shape_cast %get3A_1421 : vector<1x16x128xf32> to vector<16x128xf32>
      %mul3A_1423 = vector.broadcast %reduce_sum3A_1417 : f32 to vector<16x128xf32>
      %mul3A_1424 = arith.mulf %mul3A_1423, %get3A_1422 : vector<16x128xf32>
      %sub3A_1425 = arith.constant 1.000000e+00 : f32
      %sub3A_1426 = vector.broadcast %sub3A_1425 : f32 to vector<16x128xf32>
      %sub3A_1427 = arith.subf %sub3A_1426, %mul3A_1424 : vector<16x128xf32>
      %mul3A_1428 = arith.mulf %scan3A_1410, %sub3A_1427 : vector<16x128xf32>
      scf.yield %mul3A_1428 : vector<16x128xf32>
    }
    %scan3A_748 = arith.constant 128 : i32
    %slice3A_749 = vector.extract_strided_slice %min3A_48 {offsets = [9, 0], sizes = [1, 128], strides = [1, 1]} : vector<16x128xf32> to vector<1x128xf32>
    %transpose3A_750 = tpu.transpose %slice3A_749, [1, 0] : vector<1x128xf32> -> vector<128x1xf32>
    %broadcast_in_dim3A_751 = vector.shape_cast %transpose3A_750 : vector<128x1xf32> to vector<128x1x1xf32>
    %broadcast_in_dim3A_752 = vector.shape_cast %min3A_48 : vector<16x128xf32> to vector<1x16x128xf32>
    %max3A_753 = vector.broadcast %broadcast_in_dim3A_751 : vector<128x1x1xf32> to vector<128x16x128xf32>
    %max3A_754 = vector.broadcast %broadcast_in_dim3A_752 : vector<1x16x128xf32> to vector<128x16x128xf32>
    %max3A_755 = arith.maximumf %max3A_753, %max3A_754 : vector<128x16x128xf32>
    %slice3A_756 = vector.extract_strided_slice %min3A_51 {offsets = [9, 0], sizes = [1, 128], strides = [1, 1]} : vector<16x128xf32> to vector<1x128xf32>
    %transpose3A_757 = tpu.transpose %slice3A_756, [1, 0] : vector<1x128xf32> -> vector<128x1xf32>
    %broadcast_in_dim3A_758 = vector.shape_cast %transpose3A_757 : vector<128x1xf32> to vector<128x1x1xf32>
    %broadcast_in_dim3A_759 = vector.shape_cast %min3A_51 : vector<16x128xf32> to vector<1x16x128xf32>
    %max3A_760 = vector.broadcast %broadcast_in_dim3A_758 : vector<128x1x1xf32> to vector<128x16x128xf32>
    %max3A_761 = vector.broadcast %broadcast_in_dim3A_759 : vector<1x16x128xf32> to vector<128x16x128xf32>
    %max3A_762 = arith.maximumf %max3A_760, %max3A_761 : vector<128x16x128xf32>
    %slice3A_763 = vector.extract_strided_slice %max3A_53 {offsets = [9, 0], sizes = [1, 128], strides = [1, 1]} : vector<16x128xf32> to vector<1x128xf32>
    %transpose3A_764 = tpu.transpose %slice3A_763, [1, 0] : vector<1x128xf32> -> vector<128x1xf32>
    %broadcast_in_dim3A_765 = vector.shape_cast %transpose3A_764 : vector<128x1xf32> to vector<128x1x1xf32>
    %broadcast_in_dim3A_766 = vector.shape_cast %max3A_53 : vector<16x128xf32> to vector<1x16x128xf32>
    %min3A_767 = vector.broadcast %broadcast_in_dim3A_765 : vector<128x1x1xf32> to vector<128x16x128xf32>
    %min3A_768 = vector.broadcast %broadcast_in_dim3A_766 : vector<1x16x128xf32> to vector<128x16x128xf32>
    %min3A_769 = arith.minimumf %min3A_767, %min3A_768 : vector<128x16x128xf32>
    %slice3A_770 = vector.extract_strided_slice %max3A_56 {offsets = [9, 0], sizes = [1, 128], strides = [1, 1]} : vector<16x128xf32> to vector<1x128xf32>
    %transpose3A_771 = tpu.transpose %slice3A_770, [1, 0] : vector<1x128xf32> -> vector<128x1xf32>
    %broadcast_in_dim3A_772 = vector.shape_cast %transpose3A_771 : vector<128x1xf32> to vector<128x1x1xf32>
    %broadcast_in_dim3A_773 = vector.shape_cast %max3A_56 : vector<16x128xf32> to vector<1x16x128xf32>
    %min3A_774 = vector.broadcast %broadcast_in_dim3A_772 : vector<128x1x1xf32> to vector<128x16x128xf32>
    %min3A_775 = vector.broadcast %broadcast_in_dim3A_773 : vector<1x16x128xf32> to vector<128x16x128xf32>
    %min3A_776 = arith.minimumf %min3A_774, %min3A_775 : vector<128x16x128xf32>
    %sub3A_777 = arith.subf %min3A_769, %max3A_755 : vector<128x16x128xf32>
    %max3A_778 = arith.constant 0.000000e+00 : f32
    %max3A_779 = vector.broadcast %max3A_778 : f32 to vector<128x16x128xf32>
    %max3A_780 = arith.maximumf %sub3A_777, %max3A_779 : vector<128x16x128xf32>
    %sub3A_781 = arith.subf %min3A_776, %max3A_762 : vector<128x16x128xf32>
    %max3A_782 = arith.constant 0.000000e+00 : f32
    %max3A_783 = vector.broadcast %max3A_782 : f32 to vector<128x16x128xf32>
    %max3A_784 = arith.maximumf %sub3A_781, %max3A_783 : vector<128x16x128xf32>
    %mul3A_785 = arith.mulf %max3A_780, %max3A_784 : vector<128x16x128xf32>
    %slice3A_786 = vector.extract_strided_slice %mul3A {offsets = [9, 0], sizes = [1, 128], strides = [1, 1]} : vector<16x128xf32> to vector<1x128xf32>
    %transpose3A_787 = tpu.transpose %slice3A_786, [1, 0] : vector<1x128xf32> -> vector<128x1xf32>
    %broadcast_in_dim3A_788 = vector.shape_cast %transpose3A_787 : vector<128x1xf32> to vector<128x1x1xf32>
    %broadcast_in_dim3A_789 = vector.shape_cast %mul3A : vector<16x128xf32> to vector<1x16x128xf32>
    %add3A_790 = vector.broadcast %broadcast_in_dim3A_788 : vector<128x1x1xf32> to vector<128x16x128xf32>
    %add3A_791 = vector.broadcast %broadcast_in_dim3A_789 : vector<1x16x128xf32> to vector<128x16x128xf32>
    %add3A_792 = arith.addf %add3A_790, %add3A_791 : vector<128x16x128xf32>
    %sub3A_793 = arith.subf %add3A_792, %mul3A_785 : vector<128x16x128xf32>
    %add3A_794 = arith.constant 9.99999971E-10 : f32
    %add3A_795 = vector.broadcast %add3A_794 : f32 to vector<128x16x128xf32>
    %add3A_796 = arith.addf %sub3A_793, %add3A_795 : vector<128x16x128xf32>
    %div3A_797 = arith.divf %mul3A_785, %add3A_796 : vector<128x16x128xf32>
    %iota3A_798 = tpu.iota {dimensions = array<i32: 0>} : vector<128x1x1xi32>
    %add3A_799 = arith.constant 1152 : i32
    %add3A_800 = vector.broadcast %add3A_799 : i32 to vector<128x1x1xi32>
    %add3A_801 = arith.addi %add3A_800, %iota3A_798 : vector<128x1x1xi32>
    %gt3A_802 = arith.constant 8.000000e-01 : f32
    %gt3A_803 = vector.broadcast %gt3A_802 : f32 to vector<128x16x128xf32>
    %gt3A_804 = arith.cmpf ogt, %div3A_797, %gt3A_803 : vector<128x16x128xf32>
    %broadcast_in_dim3A_805 = vector.shape_cast %add3A : vector<16x128xi32> to vector<1x16x128xi32>
    %gt3A_806 = vector.broadcast %broadcast_in_dim3A_805 : vector<1x16x128xi32> to vector<128x16x128xi32>
    %gt3A_807 = vector.broadcast %add3A_801 : vector<128x1x1xi32> to vector<128x16x128xi32>
    %gt3A_808 = arith.cmpi sgt, %gt3A_806, %gt3A_807 : vector<128x16x128xi32>
    %and3A_809 = arith.andi %gt3A_804, %gt3A_808 : vector<128x16x128xi1>
    %broadcast_in_dim3A_810 = vector.shape_cast %lt3A_69 : vector<16x128xi1> to vector<1x16x128xi1>
    %and3A_811 = vector.broadcast %broadcast_in_dim3A_810 : vector<1x16x128xi1> to vector<128x16x128xi1>
    %and3A_812 = arith.andi %and3A_809, %and3A_811 : vector<128x16x128xi1>
    %convert_element_type3A_813 = arith.extui %and3A_812 : vector<128x16x128xi1> to vector<128x16x128xi32>
    %convert_element_type3A_814 = arith.sitofp %convert_element_type3A_813 : vector<128x16x128xi32> to vector<128x16x128xf32>
    %swap3A_815 = arith.constant 0 : index
    %swap3A_816 = arith.constant 0 : index
    %swap3A_817 = arith.constant 0 : index
    %swap3A_818 = vector.load %arg4[%swap3A_815, %swap3A_816, %swap3A_817] : memref<128x16x128xf32, #tpu.memory_space<vmem>>, vector<128x16x128xf32>
    tpu.vector_store %arg4[%swap3A_815, %swap3A_816, %swap3A_817], %convert_element_type3A_814 {strides = array<i32>} : memref<128x16x128xf32, #tpu.memory_space<vmem>>, vector<128x16x128xf32>,
    %scan3A_819 = arith.constant 0 : i32
    %scan3A_820 = arith.constant 128 : i32
    %scan3A_821 = arith.addi %scan3A_819, %scan3A_820 : i32
    %scan3A_822 = arith.constant 1 : i32
    %scan3A_823 = scf.for %scan3A_1409 = %scan3A_819 to %scan3A_821 step %scan3A_822 iter_args(%scan3A_1410 = %scan3A_747) -> (vector<16x128xf32>)  : i32 {
      %eq3A = vector.broadcast %scan3A_1409 : i32 to vector<128xi32>
      %eq3A_1411 = arith.cmpi eq, %iota3A_71, %eq3A : vector<128xi32>
      %slice3A_1412 = vector.extract_strided_slice %scan3A_1410 {offsets = [9, 0], sizes = [1, 128], strides = [1, 1]} : vector<16x128xf32> to vector<1x128xf32>
      %squeeze3A = vector.shape_cast %slice3A_1412 : vector<1x128xf32> to vector<128xf32>
      %jit3A = arith.constant 0.000000e+00 : f32
      %broadcast_in_dim3A_1413 = vector.broadcast %jit3A : f32 to vector<128xf32>
      %select_n3A = arith.select %eq3A_1411, %squeeze3A, %broadcast_in_dim3A_1413 : vector<128xi1>, vector<128xf32>
      %reduce_sum3A = vector.shape_cast %select_n3A : vector<128xf32> to vector<1x128xf32>
      %reduce_sum3A_1414 = arith.constant dense<0.000000e+00> : vector<1xf32>
      %reduce_sum3A_1415 = vector.multi_reduction <add>, %reduce_sum3A, %reduce_sum3A_1414 [1] : vector<1x128xf32> to vector<1xf32>
      %reduce_sum3A_1416 = vector.shape_cast %reduce_sum3A_1415 : vector<1xf32> to vector<1x1xf32>
      %reduce_sum3A_1417 = vector.extract %reduce_sum3A_1416[0, 0] : f32 from vector<1x1xf32>
      %get3A_1418 = arith.index_cast %scan3A_1409 : i32 to index
      %get3A_1419 = arith.constant 0 : index
      %get3A_1420 = arith.constant 0 : index
      %get3A_1421 = vector.load %arg4[%get3A_1418, %get3A_1419, %get3A_1420] : memref<128x16x128xf32, #tpu.memory_space<vmem>>, vector<1x16x128xf32>
      %get3A_1422 = vector.shape_cast %get3A_1421 : vector<1x16x128xf32> to vector<16x128xf32>
      %mul3A_1423 = vector.broadcast %reduce_sum3A_1417 : f32 to vector<16x128xf32>
      %mul3A_1424 = arith.mulf %mul3A_1423, %get3A_1422 : vector<16x128xf32>
      %sub3A_1425 = arith.constant 1.000000e+00 : f32
      %sub3A_1426 = vector.broadcast %sub3A_1425 : f32 to vector<16x128xf32>
      %sub3A_1427 = arith.subf %sub3A_1426, %mul3A_1424 : vector<16x128xf32>
      %mul3A_1428 = arith.mulf %scan3A_1410, %sub3A_1427 : vector<16x128xf32>
      scf.yield %mul3A_1428 : vector<16x128xf32>
    }
    %scan3A_824 = arith.constant 128 : i32
    %slice3A_825 = vector.extract_strided_slice %min3A_48 {offsets = [10, 0], sizes = [1, 128], strides = [1, 1]} : vector<16x128xf32> to vector<1x128xf32>
    %transpose3A_826 = tpu.transpose %slice3A_825, [1, 0] : vector<1x128xf32> -> vector<128x1xf32>
    %broadcast_in_dim3A_827 = vector.shape_cast %transpose3A_826 : vector<128x1xf32> to vector<128x1x1xf32>
    %broadcast_in_dim3A_828 = vector.shape_cast %min3A_48 : vector<16x128xf32> to vector<1x16x128xf32>
    %max3A_829 = vector.broadcast %broadcast_in_dim3A_827 : vector<128x1x1xf32> to vector<128x16x128xf32>
    %max3A_830 = vector.broadcast %broadcast_in_dim3A_828 : vector<1x16x128xf32> to vector<128x16x128xf32>
    %max3A_831 = arith.maximumf %max3A_829, %max3A_830 : vector<128x16x128xf32>
    %slice3A_832 = vector.extract_strided_slice %min3A_51 {offsets = [10, 0], sizes = [1, 128], strides = [1, 1]} : vector<16x128xf32> to vector<1x128xf32>
    %transpose3A_833 = tpu.transpose %slice3A_832, [1, 0] : vector<1x128xf32> -> vector<128x1xf32>
    %broadcast_in_dim3A_834 = vector.shape_cast %transpose3A_833 : vector<128x1xf32> to vector<128x1x1xf32>
    %broadcast_in_dim3A_835 = vector.shape_cast %min3A_51 : vector<16x128xf32> to vector<1x16x128xf32>
    %max3A_836 = vector.broadcast %broadcast_in_dim3A_834 : vector<128x1x1xf32> to vector<128x16x128xf32>
    %max3A_837 = vector.broadcast %broadcast_in_dim3A_835 : vector<1x16x128xf32> to vector<128x16x128xf32>
    %max3A_838 = arith.maximumf %max3A_836, %max3A_837 : vector<128x16x128xf32>
    %slice3A_839 = vector.extract_strided_slice %max3A_53 {offsets = [10, 0], sizes = [1, 128], strides = [1, 1]} : vector<16x128xf32> to vector<1x128xf32>
    %transpose3A_840 = tpu.transpose %slice3A_839, [1, 0] : vector<1x128xf32> -> vector<128x1xf32>
    %broadcast_in_dim3A_841 = vector.shape_cast %transpose3A_840 : vector<128x1xf32> to vector<128x1x1xf32>
    %broadcast_in_dim3A_842 = vector.shape_cast %max3A_53 : vector<16x128xf32> to vector<1x16x128xf32>
    %min3A_843 = vector.broadcast %broadcast_in_dim3A_841 : vector<128x1x1xf32> to vector<128x16x128xf32>
    %min3A_844 = vector.broadcast %broadcast_in_dim3A_842 : vector<1x16x128xf32> to vector<128x16x128xf32>
    %min3A_845 = arith.minimumf %min3A_843, %min3A_844 : vector<128x16x128xf32>
    %slice3A_846 = vector.extract_strided_slice %max3A_56 {offsets = [10, 0], sizes = [1, 128], strides = [1, 1]} : vector<16x128xf32> to vector<1x128xf32>
    %transpose3A_847 = tpu.transpose %slice3A_846, [1, 0] : vector<1x128xf32> -> vector<128x1xf32>
    %broadcast_in_dim3A_848 = vector.shape_cast %transpose3A_847 : vector<128x1xf32> to vector<128x1x1xf32>
    %broadcast_in_dim3A_849 = vector.shape_cast %max3A_56 : vector<16x128xf32> to vector<1x16x128xf32>
    %min3A_850 = vector.broadcast %broadcast_in_dim3A_848 : vector<128x1x1xf32> to vector<128x16x128xf32>
    %min3A_851 = vector.broadcast %broadcast_in_dim3A_849 : vector<1x16x128xf32> to vector<128x16x128xf32>
    %min3A_852 = arith.minimumf %min3A_850, %min3A_851 : vector<128x16x128xf32>
    %sub3A_853 = arith.subf %min3A_845, %max3A_831 : vector<128x16x128xf32>
    %max3A_854 = arith.constant 0.000000e+00 : f32
    %max3A_855 = vector.broadcast %max3A_854 : f32 to vector<128x16x128xf32>
    %max3A_856 = arith.maximumf %sub3A_853, %max3A_855 : vector<128x16x128xf32>
    %sub3A_857 = arith.subf %min3A_852, %max3A_838 : vector<128x16x128xf32>
    %max3A_858 = arith.constant 0.000000e+00 : f32
    %max3A_859 = vector.broadcast %max3A_858 : f32 to vector<128x16x128xf32>
    %max3A_860 = arith.maximumf %sub3A_857, %max3A_859 : vector<128x16x128xf32>
    %mul3A_861 = arith.mulf %max3A_856, %max3A_860 : vector<128x16x128xf32>
    %slice3A_862 = vector.extract_strided_slice %mul3A {offsets = [10, 0], sizes = [1, 128], strides = [1, 1]} : vector<16x128xf32> to vector<1x128xf32>
    %transpose3A_863 = tpu.transpose %slice3A_862, [1, 0] : vector<1x128xf32> -> vector<128x1xf32>
    %broadcast_in_dim3A_864 = vector.shape_cast %transpose3A_863 : vector<128x1xf32> to vector<128x1x1xf32>
    %broadcast_in_dim3A_865 = vector.shape_cast %mul3A : vector<16x128xf32> to vector<1x16x128xf32>
    %add3A_866 = vector.broadcast %broadcast_in_dim3A_864 : vector<128x1x1xf32> to vector<128x16x128xf32>
    %add3A_867 = vector.broadcast %broadcast_in_dim3A_865 : vector<1x16x128xf32> to vector<128x16x128xf32>
    %add3A_868 = arith.addf %add3A_866, %add3A_867 : vector<128x16x128xf32>
    %sub3A_869 = arith.subf %add3A_868, %mul3A_861 : vector<128x16x128xf32>
    %add3A_870 = arith.constant 9.99999971E-10 : f32
    %add3A_871 = vector.broadcast %add3A_870 : f32 to vector<128x16x128xf32>
    %add3A_872 = arith.addf %sub3A_869, %add3A_871 : vector<128x16x128xf32>
    %div3A_873 = arith.divf %mul3A_861, %add3A_872 : vector<128x16x128xf32>
    %iota3A_874 = tpu.iota {dimensions = array<i32: 0>} : vector<128x1x1xi32>
    %add3A_875 = arith.constant 1280 : i32
    %add3A_876 = vector.broadcast %add3A_875 : i32 to vector<128x1x1xi32>
    %add3A_877 = arith.addi %add3A_876, %iota3A_874 : vector<128x1x1xi32>
    %gt3A_878 = arith.constant 8.000000e-01 : f32
    %gt3A_879 = vector.broadcast %gt3A_878 : f32 to vector<128x16x128xf32>
    %gt3A_880 = arith.cmpf ogt, %div3A_873, %gt3A_879 : vector<128x16x128xf32>
    %broadcast_in_dim3A_881 = vector.shape_cast %add3A : vector<16x128xi32> to vector<1x16x128xi32>
    %gt3A_882 = vector.broadcast %broadcast_in_dim3A_881 : vector<1x16x128xi32> to vector<128x16x128xi32>
    %gt3A_883 = vector.broadcast %add3A_877 : vector<128x1x1xi32> to vector<128x16x128xi32>
    %gt3A_884 = arith.cmpi sgt, %gt3A_882, %gt3A_883 : vector<128x16x128xi32>
    %and3A_885 = arith.andi %gt3A_880, %gt3A_884 : vector<128x16x128xi1>
    %broadcast_in_dim3A_886 = vector.shape_cast %lt3A_69 : vector<16x128xi1> to vector<1x16x128xi1>
    %and3A_887 = vector.broadcast %broadcast_in_dim3A_886 : vector<1x16x128xi1> to vector<128x16x128xi1>
    %and3A_888 = arith.andi %and3A_885, %and3A_887 : vector<128x16x128xi1>
    %convert_element_type3A_889 = arith.extui %and3A_888 : vector<128x16x128xi1> to vector<128x16x128xi32>
    %convert_element_type3A_890 = arith.sitofp %convert_element_type3A_889 : vector<128x16x128xi32> to vector<128x16x128xf32>
    %swap3A_891 = arith.constant 0 : index
    %swap3A_892 = arith.constant 0 : index
    %swap3A_893 = arith.constant 0 : index
    %swap3A_894 = vector.load %arg4[%swap3A_891, %swap3A_892, %swap3A_893] : memref<128x16x128xf32, #tpu.memory_space<vmem>>, vector<128x16x128xf32>
    tpu.vector_store %arg4[%swap3A_891, %swap3A_892, %swap3A_893], %convert_element_type3A_890 {strides = array<i32>} : memref<128x16x128xf32, #tpu.memory_space<vmem>>, vector<128x16x128xf32>,
    %scan3A_895 = arith.constant 0 : i32
    %scan3A_896 = arith.constant 128 : i32
    %scan3A_897 = arith.addi %scan3A_895, %scan3A_896 : i32
    %scan3A_898 = arith.constant 1 : i32
    %scan3A_899 = scf.for %scan3A_1409 = %scan3A_895 to %scan3A_897 step %scan3A_898 iter_args(%scan3A_1410 = %scan3A_823) -> (vector<16x128xf32>)  : i32 {
      %eq3A = vector.broadcast %scan3A_1409 : i32 to vector<128xi32>
      %eq3A_1411 = arith.cmpi eq, %iota3A_71, %eq3A : vector<128xi32>
      %slice3A_1412 = vector.extract_strided_slice %scan3A_1410 {offsets = [10, 0], sizes = [1, 128], strides = [1, 1]} : vector<16x128xf32> to vector<1x128xf32>
      %squeeze3A = vector.shape_cast %slice3A_1412 : vector<1x128xf32> to vector<128xf32>
      %jit3A = arith.constant 0.000000e+00 : f32
      %broadcast_in_dim3A_1413 = vector.broadcast %jit3A : f32 to vector<128xf32>
      %select_n3A = arith.select %eq3A_1411, %squeeze3A, %broadcast_in_dim3A_1413 : vector<128xi1>, vector<128xf32>
      %reduce_sum3A = vector.shape_cast %select_n3A : vector<128xf32> to vector<1x128xf32>
      %reduce_sum3A_1414 = arith.constant dense<0.000000e+00> : vector<1xf32>
      %reduce_sum3A_1415 = vector.multi_reduction <add>, %reduce_sum3A, %reduce_sum3A_1414 [1] : vector<1x128xf32> to vector<1xf32>
      %reduce_sum3A_1416 = vector.shape_cast %reduce_sum3A_1415 : vector<1xf32> to vector<1x1xf32>
      %reduce_sum3A_1417 = vector.extract %reduce_sum3A_1416[0, 0] : f32 from vector<1x1xf32>
      %get3A_1418 = arith.index_cast %scan3A_1409 : i32 to index
      %get3A_1419 = arith.constant 0 : index
      %get3A_1420 = arith.constant 0 : index
      %get3A_1421 = vector.load %arg4[%get3A_1418, %get3A_1419, %get3A_1420] : memref<128x16x128xf32, #tpu.memory_space<vmem>>, vector<1x16x128xf32>
      %get3A_1422 = vector.shape_cast %get3A_1421 : vector<1x16x128xf32> to vector<16x128xf32>
      %mul3A_1423 = vector.broadcast %reduce_sum3A_1417 : f32 to vector<16x128xf32>
      %mul3A_1424 = arith.mulf %mul3A_1423, %get3A_1422 : vector<16x128xf32>
      %sub3A_1425 = arith.constant 1.000000e+00 : f32
      %sub3A_1426 = vector.broadcast %sub3A_1425 : f32 to vector<16x128xf32>
      %sub3A_1427 = arith.subf %sub3A_1426, %mul3A_1424 : vector<16x128xf32>
      %mul3A_1428 = arith.mulf %scan3A_1410, %sub3A_1427 : vector<16x128xf32>
      scf.yield %mul3A_1428 : vector<16x128xf32>
    }
    %scan3A_900 = arith.constant 128 : i32
    %slice3A_901 = vector.extract_strided_slice %min3A_48 {offsets = [11, 0], sizes = [1, 128], strides = [1, 1]} : vector<16x128xf32> to vector<1x128xf32>
    %transpose3A_902 = tpu.transpose %slice3A_901, [1, 0] : vector<1x128xf32> -> vector<128x1xf32>
    %broadcast_in_dim3A_903 = vector.shape_cast %transpose3A_902 : vector<128x1xf32> to vector<128x1x1xf32>
    %broadcast_in_dim3A_904 = vector.shape_cast %min3A_48 : vector<16x128xf32> to vector<1x16x128xf32>
    %max3A_905 = vector.broadcast %broadcast_in_dim3A_903 : vector<128x1x1xf32> to vector<128x16x128xf32>
    %max3A_906 = vector.broadcast %broadcast_in_dim3A_904 : vector<1x16x128xf32> to vector<128x16x128xf32>
    %max3A_907 = arith.maximumf %max3A_905, %max3A_906 : vector<128x16x128xf32>
    %slice3A_908 = vector.extract_strided_slice %min3A_51 {offsets = [11, 0], sizes = [1, 128], strides = [1, 1]} : vector<16x128xf32> to vector<1x128xf32>
    %transpose3A_909 = tpu.transpose %slice3A_908, [1, 0] : vector<1x128xf32> -> vector<128x1xf32>
    %broadcast_in_dim3A_910 = vector.shape_cast %transpose3A_909 : vector<128x1xf32> to vector<128x1x1xf32>
    %broadcast_in_dim3A_911 = vector.shape_cast %min3A_51 : vector<16x128xf32> to vector<1x16x128xf32>
    %max3A_912 = vector.broadcast %broadcast_in_dim3A_910 : vector<128x1x1xf32> to vector<128x16x128xf32>
    %max3A_913 = vector.broadcast %broadcast_in_dim3A_911 : vector<1x16x128xf32> to vector<128x16x128xf32>
    %max3A_914 = arith.maximumf %max3A_912, %max3A_913 : vector<128x16x128xf32>
    %slice3A_915 = vector.extract_strided_slice %max3A_53 {offsets = [11, 0], sizes = [1, 128], strides = [1, 1]} : vector<16x128xf32> to vector<1x128xf32>
    %transpose3A_916 = tpu.transpose %slice3A_915, [1, 0] : vector<1x128xf32> -> vector<128x1xf32>
    %broadcast_in_dim3A_917 = vector.shape_cast %transpose3A_916 : vector<128x1xf32> to vector<128x1x1xf32>
    %broadcast_in_dim3A_918 = vector.shape_cast %max3A_53 : vector<16x128xf32> to vector<1x16x128xf32>
    %min3A_919 = vector.broadcast %broadcast_in_dim3A_917 : vector<128x1x1xf32> to vector<128x16x128xf32>
    %min3A_920 = vector.broadcast %broadcast_in_dim3A_918 : vector<1x16x128xf32> to vector<128x16x128xf32>
    %min3A_921 = arith.minimumf %min3A_919, %min3A_920 : vector<128x16x128xf32>
    %slice3A_922 = vector.extract_strided_slice %max3A_56 {offsets = [11, 0], sizes = [1, 128], strides = [1, 1]} : vector<16x128xf32> to vector<1x128xf32>
    %transpose3A_923 = tpu.transpose %slice3A_922, [1, 0] : vector<1x128xf32> -> vector<128x1xf32>
    %broadcast_in_dim3A_924 = vector.shape_cast %transpose3A_923 : vector<128x1xf32> to vector<128x1x1xf32>
    %broadcast_in_dim3A_925 = vector.shape_cast %max3A_56 : vector<16x128xf32> to vector<1x16x128xf32>
    %min3A_926 = vector.broadcast %broadcast_in_dim3A_924 : vector<128x1x1xf32> to vector<128x16x128xf32>
    %min3A_927 = vector.broadcast %broadcast_in_dim3A_925 : vector<1x16x128xf32> to vector<128x16x128xf32>
    %min3A_928 = arith.minimumf %min3A_926, %min3A_927 : vector<128x16x128xf32>
    %sub3A_929 = arith.subf %min3A_921, %max3A_907 : vector<128x16x128xf32>
    %max3A_930 = arith.constant 0.000000e+00 : f32
    %max3A_931 = vector.broadcast %max3A_930 : f32 to vector<128x16x128xf32>
    %max3A_932 = arith.maximumf %sub3A_929, %max3A_931 : vector<128x16x128xf32>
    %sub3A_933 = arith.subf %min3A_928, %max3A_914 : vector<128x16x128xf32>
    %max3A_934 = arith.constant 0.000000e+00 : f32
    %max3A_935 = vector.broadcast %max3A_934 : f32 to vector<128x16x128xf32>
    %max3A_936 = arith.maximumf %sub3A_933, %max3A_935 : vector<128x16x128xf32>
    %mul3A_937 = arith.mulf %max3A_932, %max3A_936 : vector<128x16x128xf32>
    %slice3A_938 = vector.extract_strided_slice %mul3A {offsets = [11, 0], sizes = [1, 128], strides = [1, 1]} : vector<16x128xf32> to vector<1x128xf32>
    %transpose3A_939 = tpu.transpose %slice3A_938, [1, 0] : vector<1x128xf32> -> vector<128x1xf32>
    %broadcast_in_dim3A_940 = vector.shape_cast %transpose3A_939 : vector<128x1xf32> to vector<128x1x1xf32>
    %broadcast_in_dim3A_941 = vector.shape_cast %mul3A : vector<16x128xf32> to vector<1x16x128xf32>
    %add3A_942 = vector.broadcast %broadcast_in_dim3A_940 : vector<128x1x1xf32> to vector<128x16x128xf32>
    %add3A_943 = vector.broadcast %broadcast_in_dim3A_941 : vector<1x16x128xf32> to vector<128x16x128xf32>
    %add3A_944 = arith.addf %add3A_942, %add3A_943 : vector<128x16x128xf32>
    %sub3A_945 = arith.subf %add3A_944, %mul3A_937 : vector<128x16x128xf32>
    %add3A_946 = arith.constant 9.99999971E-10 : f32
    %add3A_947 = vector.broadcast %add3A_946 : f32 to vector<128x16x128xf32>
    %add3A_948 = arith.addf %sub3A_945, %add3A_947 : vector<128x16x128xf32>
    %div3A_949 = arith.divf %mul3A_937, %add3A_948 : vector<128x16x128xf32>
    %iota3A_950 = tpu.iota {dimensions = array<i32: 0>} : vector<128x1x1xi32>
    %add3A_951 = arith.constant 1408 : i32
    %add3A_952 = vector.broadcast %add3A_951 : i32 to vector<128x1x1xi32>
    %add3A_953 = arith.addi %add3A_952, %iota3A_950 : vector<128x1x1xi32>
    %gt3A_954 = arith.constant 8.000000e-01 : f32
    %gt3A_955 = vector.broadcast %gt3A_954 : f32 to vector<128x16x128xf32>
    %gt3A_956 = arith.cmpf ogt, %div3A_949, %gt3A_955 : vector<128x16x128xf32>
    %broadcast_in_dim3A_957 = vector.shape_cast %add3A : vector<16x128xi32> to vector<1x16x128xi32>
    %gt3A_958 = vector.broadcast %broadcast_in_dim3A_957 : vector<1x16x128xi32> to vector<128x16x128xi32>
    %gt3A_959 = vector.broadcast %add3A_953 : vector<128x1x1xi32> to vector<128x16x128xi32>
    %gt3A_960 = arith.cmpi sgt, %gt3A_958, %gt3A_959 : vector<128x16x128xi32>
    %and3A_961 = arith.andi %gt3A_956, %gt3A_960 : vector<128x16x128xi1>
    %broadcast_in_dim3A_962 = vector.shape_cast %lt3A_69 : vector<16x128xi1> to vector<1x16x128xi1>
    %and3A_963 = vector.broadcast %broadcast_in_dim3A_962 : vector<1x16x128xi1> to vector<128x16x128xi1>
    %and3A_964 = arith.andi %and3A_961, %and3A_963 : vector<128x16x128xi1>
    %convert_element_type3A_965 = arith.extui %and3A_964 : vector<128x16x128xi1> to vector<128x16x128xi32>
    %convert_element_type3A_966 = arith.sitofp %convert_element_type3A_965 : vector<128x16x128xi32> to vector<128x16x128xf32>
    %swap3A_967 = arith.constant 0 : index
    %swap3A_968 = arith.constant 0 : index
    %swap3A_969 = arith.constant 0 : index
    %swap3A_970 = vector.load %arg4[%swap3A_967, %swap3A_968, %swap3A_969] : memref<128x16x128xf32, #tpu.memory_space<vmem>>, vector<128x16x128xf32>
    tpu.vector_store %arg4[%swap3A_967, %swap3A_968, %swap3A_969], %convert_element_type3A_966 {strides = array<i32>} : memref<128x16x128xf32, #tpu.memory_space<vmem>>, vector<128x16x128xf32>,
    %scan3A_971 = arith.constant 0 : i32
    %scan3A_972 = arith.constant 128 : i32
    %scan3A_973 = arith.addi %scan3A_971, %scan3A_972 : i32
    %scan3A_974 = arith.constant 1 : i32
    %scan3A_975 = scf.for %scan3A_1409 = %scan3A_971 to %scan3A_973 step %scan3A_974 iter_args(%scan3A_1410 = %scan3A_899) -> (vector<16x128xf32>)  : i32 {
      %eq3A = vector.broadcast %scan3A_1409 : i32 to vector<128xi32>
      %eq3A_1411 = arith.cmpi eq, %iota3A_71, %eq3A : vector<128xi32>
      %slice3A_1412 = vector.extract_strided_slice %scan3A_1410 {offsets = [11, 0], sizes = [1, 128], strides = [1, 1]} : vector<16x128xf32> to vector<1x128xf32>
      %squeeze3A = vector.shape_cast %slice3A_1412 : vector<1x128xf32> to vector<128xf32>
      %jit3A = arith.constant 0.000000e+00 : f32
      %broadcast_in_dim3A_1413 = vector.broadcast %jit3A : f32 to vector<128xf32>
      %select_n3A = arith.select %eq3A_1411, %squeeze3A, %broadcast_in_dim3A_1413 : vector<128xi1>, vector<128xf32>
      %reduce_sum3A = vector.shape_cast %select_n3A : vector<128xf32> to vector<1x128xf32>
      %reduce_sum3A_1414 = arith.constant dense<0.000000e+00> : vector<1xf32>
      %reduce_sum3A_1415 = vector.multi_reduction <add>, %reduce_sum3A, %reduce_sum3A_1414 [1] : vector<1x128xf32> to vector<1xf32>
      %reduce_sum3A_1416 = vector.shape_cast %reduce_sum3A_1415 : vector<1xf32> to vector<1x1xf32>
      %reduce_sum3A_1417 = vector.extract %reduce_sum3A_1416[0, 0] : f32 from vector<1x1xf32>
      %get3A_1418 = arith.index_cast %scan3A_1409 : i32 to index
      %get3A_1419 = arith.constant 0 : index
      %get3A_1420 = arith.constant 0 : index
      %get3A_1421 = vector.load %arg4[%get3A_1418, %get3A_1419, %get3A_1420] : memref<128x16x128xf32, #tpu.memory_space<vmem>>, vector<1x16x128xf32>
      %get3A_1422 = vector.shape_cast %get3A_1421 : vector<1x16x128xf32> to vector<16x128xf32>
      %mul3A_1423 = vector.broadcast %reduce_sum3A_1417 : f32 to vector<16x128xf32>
      %mul3A_1424 = arith.mulf %mul3A_1423, %get3A_1422 : vector<16x128xf32>
      %sub3A_1425 = arith.constant 1.000000e+00 : f32
      %sub3A_1426 = vector.broadcast %sub3A_1425 : f32 to vector<16x128xf32>
      %sub3A_1427 = arith.subf %sub3A_1426, %mul3A_1424 : vector<16x128xf32>
      %mul3A_1428 = arith.mulf %scan3A_1410, %sub3A_1427 : vector<16x128xf32>
      scf.yield %mul3A_1428 : vector<16x128xf32>
    }
    %scan3A_976 = arith.constant 128 : i32
    %slice3A_977 = vector.extract_strided_slice %min3A_48 {offsets = [12, 0], sizes = [1, 128], strides = [1, 1]} : vector<16x128xf32> to vector<1x128xf32>
    %transpose3A_978 = tpu.transpose %slice3A_977, [1, 0] : vector<1x128xf32> -> vector<128x1xf32>
    %broadcast_in_dim3A_979 = vector.shape_cast %transpose3A_978 : vector<128x1xf32> to vector<128x1x1xf32>
    %broadcast_in_dim3A_980 = vector.shape_cast %min3A_48 : vector<16x128xf32> to vector<1x16x128xf32>
    %max3A_981 = vector.broadcast %broadcast_in_dim3A_979 : vector<128x1x1xf32> to vector<128x16x128xf32>
    %max3A_982 = vector.broadcast %broadcast_in_dim3A_980 : vector<1x16x128xf32> to vector<128x16x128xf32>
    %max3A_983 = arith.maximumf %max3A_981, %max3A_982 : vector<128x16x128xf32>
    %slice3A_984 = vector.extract_strided_slice %min3A_51 {offsets = [12, 0], sizes = [1, 128], strides = [1, 1]} : vector<16x128xf32> to vector<1x128xf32>
    %transpose3A_985 = tpu.transpose %slice3A_984, [1, 0] : vector<1x128xf32> -> vector<128x1xf32>
    %broadcast_in_dim3A_986 = vector.shape_cast %transpose3A_985 : vector<128x1xf32> to vector<128x1x1xf32>
    %broadcast_in_dim3A_987 = vector.shape_cast %min3A_51 : vector<16x128xf32> to vector<1x16x128xf32>
    %max3A_988 = vector.broadcast %broadcast_in_dim3A_986 : vector<128x1x1xf32> to vector<128x16x128xf32>
    %max3A_989 = vector.broadcast %broadcast_in_dim3A_987 : vector<1x16x128xf32> to vector<128x16x128xf32>
    %max3A_990 = arith.maximumf %max3A_988, %max3A_989 : vector<128x16x128xf32>
    %slice3A_991 = vector.extract_strided_slice %max3A_53 {offsets = [12, 0], sizes = [1, 128], strides = [1, 1]} : vector<16x128xf32> to vector<1x128xf32>
    %transpose3A_992 = tpu.transpose %slice3A_991, [1, 0] : vector<1x128xf32> -> vector<128x1xf32>
    %broadcast_in_dim3A_993 = vector.shape_cast %transpose3A_992 : vector<128x1xf32> to vector<128x1x1xf32>
    %broadcast_in_dim3A_994 = vector.shape_cast %max3A_53 : vector<16x128xf32> to vector<1x16x128xf32>
    %min3A_995 = vector.broadcast %broadcast_in_dim3A_993 : vector<128x1x1xf32> to vector<128x16x128xf32>
    %min3A_996 = vector.broadcast %broadcast_in_dim3A_994 : vector<1x16x128xf32> to vector<128x16x128xf32>
    %min3A_997 = arith.minimumf %min3A_995, %min3A_996 : vector<128x16x128xf32>
    %slice3A_998 = vector.extract_strided_slice %max3A_56 {offsets = [12, 0], sizes = [1, 128], strides = [1, 1]} : vector<16x128xf32> to vector<1x128xf32>
    %transpose3A_999 = tpu.transpose %slice3A_998, [1, 0] : vector<1x128xf32> -> vector<128x1xf32>
    %broadcast_in_dim3A_1000 = vector.shape_cast %transpose3A_999 : vector<128x1xf32> to vector<128x1x1xf32>
    %broadcast_in_dim3A_1001 = vector.shape_cast %max3A_56 : vector<16x128xf32> to vector<1x16x128xf32>
    %min3A_1002 = vector.broadcast %broadcast_in_dim3A_1000 : vector<128x1x1xf32> to vector<128x16x128xf32>
    %min3A_1003 = vector.broadcast %broadcast_in_dim3A_1001 : vector<1x16x128xf32> to vector<128x16x128xf32>
    %min3A_1004 = arith.minimumf %min3A_1002, %min3A_1003 : vector<128x16x128xf32>
    %sub3A_1005 = arith.subf %min3A_997, %max3A_983 : vector<128x16x128xf32>
    %max3A_1006 = arith.constant 0.000000e+00 : f32
    %max3A_1007 = vector.broadcast %max3A_1006 : f32 to vector<128x16x128xf32>
    %max3A_1008 = arith.maximumf %sub3A_1005, %max3A_1007 : vector<128x16x128xf32>
    %sub3A_1009 = arith.subf %min3A_1004, %max3A_990 : vector<128x16x128xf32>
    %max3A_1010 = arith.constant 0.000000e+00 : f32
    %max3A_1011 = vector.broadcast %max3A_1010 : f32 to vector<128x16x128xf32>
    %max3A_1012 = arith.maximumf %sub3A_1009, %max3A_1011 : vector<128x16x128xf32>
    %mul3A_1013 = arith.mulf %max3A_1008, %max3A_1012 : vector<128x16x128xf32>
    %slice3A_1014 = vector.extract_strided_slice %mul3A {offsets = [12, 0], sizes = [1, 128], strides = [1, 1]} : vector<16x128xf32> to vector<1x128xf32>
    %transpose3A_1015 = tpu.transpose %slice3A_1014, [1, 0] : vector<1x128xf32> -> vector<128x1xf32>
    %broadcast_in_dim3A_1016 = vector.shape_cast %transpose3A_1015 : vector<128x1xf32> to vector<128x1x1xf32>
    %broadcast_in_dim3A_1017 = vector.shape_cast %mul3A : vector<16x128xf32> to vector<1x16x128xf32>
    %add3A_1018 = vector.broadcast %broadcast_in_dim3A_1016 : vector<128x1x1xf32> to vector<128x16x128xf32>
    %add3A_1019 = vector.broadcast %broadcast_in_dim3A_1017 : vector<1x16x128xf32> to vector<128x16x128xf32>
    %add3A_1020 = arith.addf %add3A_1018, %add3A_1019 : vector<128x16x128xf32>
    %sub3A_1021 = arith.subf %add3A_1020, %mul3A_1013 : vector<128x16x128xf32>
    %add3A_1022 = arith.constant 9.99999971E-10 : f32
    %add3A_1023 = vector.broadcast %add3A_1022 : f32 to vector<128x16x128xf32>
    %add3A_1024 = arith.addf %sub3A_1021, %add3A_1023 : vector<128x16x128xf32>
    %div3A_1025 = arith.divf %mul3A_1013, %add3A_1024 : vector<128x16x128xf32>
    %iota3A_1026 = tpu.iota {dimensions = array<i32: 0>} : vector<128x1x1xi32>
    %add3A_1027 = arith.constant 1536 : i32
    %add3A_1028 = vector.broadcast %add3A_1027 : i32 to vector<128x1x1xi32>
    %add3A_1029 = arith.addi %add3A_1028, %iota3A_1026 : vector<128x1x1xi32>
    %gt3A_1030 = arith.constant 8.000000e-01 : f32
    %gt3A_1031 = vector.broadcast %gt3A_1030 : f32 to vector<128x16x128xf32>
    %gt3A_1032 = arith.cmpf ogt, %div3A_1025, %gt3A_1031 : vector<128x16x128xf32>
    %broadcast_in_dim3A_1033 = vector.shape_cast %add3A : vector<16x128xi32> to vector<1x16x128xi32>
    %gt3A_1034 = vector.broadcast %broadcast_in_dim3A_1033 : vector<1x16x128xi32> to vector<128x16x128xi32>
    %gt3A_1035 = vector.broadcast %add3A_1029 : vector<128x1x1xi32> to vector<128x16x128xi32>
    %gt3A_1036 = arith.cmpi sgt, %gt3A_1034, %gt3A_1035 : vector<128x16x128xi32>
    %and3A_1037 = arith.andi %gt3A_1032, %gt3A_1036 : vector<128x16x128xi1>
    %broadcast_in_dim3A_1038 = vector.shape_cast %lt3A_69 : vector<16x128xi1> to vector<1x16x128xi1>
    %and3A_1039 = vector.broadcast %broadcast_in_dim3A_1038 : vector<1x16x128xi1> to vector<128x16x128xi1>
    %and3A_1040 = arith.andi %and3A_1037, %and3A_1039 : vector<128x16x128xi1>
    %convert_element_type3A_1041 = arith.extui %and3A_1040 : vector<128x16x128xi1> to vector<128x16x128xi32>
    %convert_element_type3A_1042 = arith.sitofp %convert_element_type3A_1041 : vector<128x16x128xi32> to vector<128x16x128xf32>
    %swap3A_1043 = arith.constant 0 : index
    %swap3A_1044 = arith.constant 0 : index
    %swap3A_1045 = arith.constant 0 : index
    %swap3A_1046 = vector.load %arg4[%swap3A_1043, %swap3A_1044, %swap3A_1045] : memref<128x16x128xf32, #tpu.memory_space<vmem>>, vector<128x16x128xf32>
    tpu.vector_store %arg4[%swap3A_1043, %swap3A_1044, %swap3A_1045], %convert_element_type3A_1042 {strides = array<i32>} : memref<128x16x128xf32, #tpu.memory_space<vmem>>, vector<128x16x128xf32>,
    %scan3A_1047 = arith.constant 0 : i32
    %scan3A_1048 = arith.constant 128 : i32
    %scan3A_1049 = arith.addi %scan3A_1047, %scan3A_1048 : i32
    %scan3A_1050 = arith.constant 1 : i32
    %scan3A_1051 = scf.for %scan3A_1409 = %scan3A_1047 to %scan3A_1049 step %scan3A_1050 iter_args(%scan3A_1410 = %scan3A_975) -> (vector<16x128xf32>)  : i32 {
      %eq3A = vector.broadcast %scan3A_1409 : i32 to vector<128xi32>
      %eq3A_1411 = arith.cmpi eq, %iota3A_71, %eq3A : vector<128xi32>
      %slice3A_1412 = vector.extract_strided_slice %scan3A_1410 {offsets = [12, 0], sizes = [1, 128], strides = [1, 1]} : vector<16x128xf32> to vector<1x128xf32>
      %squeeze3A = vector.shape_cast %slice3A_1412 : vector<1x128xf32> to vector<128xf32>
      %jit3A = arith.constant 0.000000e+00 : f32
      %broadcast_in_dim3A_1413 = vector.broadcast %jit3A : f32 to vector<128xf32>
      %select_n3A = arith.select %eq3A_1411, %squeeze3A, %broadcast_in_dim3A_1413 : vector<128xi1>, vector<128xf32>
      %reduce_sum3A = vector.shape_cast %select_n3A : vector<128xf32> to vector<1x128xf32>
      %reduce_sum3A_1414 = arith.constant dense<0.000000e+00> : vector<1xf32>
      %reduce_sum3A_1415 = vector.multi_reduction <add>, %reduce_sum3A, %reduce_sum3A_1414 [1] : vector<1x128xf32> to vector<1xf32>
      %reduce_sum3A_1416 = vector.shape_cast %reduce_sum3A_1415 : vector<1xf32> to vector<1x1xf32>
      %reduce_sum3A_1417 = vector.extract %reduce_sum3A_1416[0, 0] : f32 from vector<1x1xf32>
      %get3A_1418 = arith.index_cast %scan3A_1409 : i32 to index
      %get3A_1419 = arith.constant 0 : index
      %get3A_1420 = arith.constant 0 : index
      %get3A_1421 = vector.load %arg4[%get3A_1418, %get3A_1419, %get3A_1420] : memref<128x16x128xf32, #tpu.memory_space<vmem>>, vector<1x16x128xf32>
      %get3A_1422 = vector.shape_cast %get3A_1421 : vector<1x16x128xf32> to vector<16x128xf32>
      %mul3A_1423 = vector.broadcast %reduce_sum3A_1417 : f32 to vector<16x128xf32>
      %mul3A_1424 = arith.mulf %mul3A_1423, %get3A_1422 : vector<16x128xf32>
      %sub3A_1425 = arith.constant 1.000000e+00 : f32
      %sub3A_1426 = vector.broadcast %sub3A_1425 : f32 to vector<16x128xf32>
      %sub3A_1427 = arith.subf %sub3A_1426, %mul3A_1424 : vector<16x128xf32>
      %mul3A_1428 = arith.mulf %scan3A_1410, %sub3A_1427 : vector<16x128xf32>
      scf.yield %mul3A_1428 : vector<16x128xf32>
    }
    %scan3A_1052 = arith.constant 128 : i32
    %slice3A_1053 = vector.extract_strided_slice %min3A_48 {offsets = [13, 0], sizes = [1, 128], strides = [1, 1]} : vector<16x128xf32> to vector<1x128xf32>
    %transpose3A_1054 = tpu.transpose %slice3A_1053, [1, 0] : vector<1x128xf32> -> vector<128x1xf32>
    %broadcast_in_dim3A_1055 = vector.shape_cast %transpose3A_1054 : vector<128x1xf32> to vector<128x1x1xf32>
    %broadcast_in_dim3A_1056 = vector.shape_cast %min3A_48 : vector<16x128xf32> to vector<1x16x128xf32>
    %max3A_1057 = vector.broadcast %broadcast_in_dim3A_1055 : vector<128x1x1xf32> to vector<128x16x128xf32>
    %max3A_1058 = vector.broadcast %broadcast_in_dim3A_1056 : vector<1x16x128xf32> to vector<128x16x128xf32>
    %max3A_1059 = arith.maximumf %max3A_1057, %max3A_1058 : vector<128x16x128xf32>
    %slice3A_1060 = vector.extract_strided_slice %min3A_51 {offsets = [13, 0], sizes = [1, 128], strides = [1, 1]} : vector<16x128xf32> to vector<1x128xf32>
    %transpose3A_1061 = tpu.transpose %slice3A_1060, [1, 0] : vector<1x128xf32> -> vector<128x1xf32>
    %broadcast_in_dim3A_1062 = vector.shape_cast %transpose3A_1061 : vector<128x1xf32> to vector<128x1x1xf32>
    %broadcast_in_dim3A_1063 = vector.shape_cast %min3A_51 : vector<16x128xf32> to vector<1x16x128xf32>
    %max3A_1064 = vector.broadcast %broadcast_in_dim3A_1062 : vector<128x1x1xf32> to vector<128x16x128xf32>
    %max3A_1065 = vector.broadcast %broadcast_in_dim3A_1063 : vector<1x16x128xf32> to vector<128x16x128xf32>
    %max3A_1066 = arith.maximumf %max3A_1064, %max3A_1065 : vector<128x16x128xf32>
    %slice3A_1067 = vector.extract_strided_slice %max3A_53 {offsets = [13, 0], sizes = [1, 128], strides = [1, 1]} : vector<16x128xf32> to vector<1x128xf32>
    %transpose3A_1068 = tpu.transpose %slice3A_1067, [1, 0] : vector<1x128xf32> -> vector<128x1xf32>
    %broadcast_in_dim3A_1069 = vector.shape_cast %transpose3A_1068 : vector<128x1xf32> to vector<128x1x1xf32>
    %broadcast_in_dim3A_1070 = vector.shape_cast %max3A_53 : vector<16x128xf32> to vector<1x16x128xf32>
    %min3A_1071 = vector.broadcast %broadcast_in_dim3A_1069 : vector<128x1x1xf32> to vector<128x16x128xf32>
    %min3A_1072 = vector.broadcast %broadcast_in_dim3A_1070 : vector<1x16x128xf32> to vector<128x16x128xf32>
    %min3A_1073 = arith.minimumf %min3A_1071, %min3A_1072 : vector<128x16x128xf32>
    %slice3A_1074 = vector.extract_strided_slice %max3A_56 {offsets = [13, 0], sizes = [1, 128], strides = [1, 1]} : vector<16x128xf32> to vector<1x128xf32>
    %transpose3A_1075 = tpu.transpose %slice3A_1074, [1, 0] : vector<1x128xf32> -> vector<128x1xf32>
    %broadcast_in_dim3A_1076 = vector.shape_cast %transpose3A_1075 : vector<128x1xf32> to vector<128x1x1xf32>
    %broadcast_in_dim3A_1077 = vector.shape_cast %max3A_56 : vector<16x128xf32> to vector<1x16x128xf32>
    %min3A_1078 = vector.broadcast %broadcast_in_dim3A_1076 : vector<128x1x1xf32> to vector<128x16x128xf32>
    %min3A_1079 = vector.broadcast %broadcast_in_dim3A_1077 : vector<1x16x128xf32> to vector<128x16x128xf32>
    %min3A_1080 = arith.minimumf %min3A_1078, %min3A_1079 : vector<128x16x128xf32>
    %sub3A_1081 = arith.subf %min3A_1073, %max3A_1059 : vector<128x16x128xf32>
    %max3A_1082 = arith.constant 0.000000e+00 : f32
    %max3A_1083 = vector.broadcast %max3A_1082 : f32 to vector<128x16x128xf32>
    %max3A_1084 = arith.maximumf %sub3A_1081, %max3A_1083 : vector<128x16x128xf32>
    %sub3A_1085 = arith.subf %min3A_1080, %max3A_1066 : vector<128x16x128xf32>
    %max3A_1086 = arith.constant 0.000000e+00 : f32
    %max3A_1087 = vector.broadcast %max3A_1086 : f32 to vector<128x16x128xf32>
    %max3A_1088 = arith.maximumf %sub3A_1085, %max3A_1087 : vector<128x16x128xf32>
    %mul3A_1089 = arith.mulf %max3A_1084, %max3A_1088 : vector<128x16x128xf32>
    %slice3A_1090 = vector.extract_strided_slice %mul3A {offsets = [13, 0], sizes = [1, 128], strides = [1, 1]} : vector<16x128xf32> to vector<1x128xf32>
    %transpose3A_1091 = tpu.transpose %slice3A_1090, [1, 0] : vector<1x128xf32> -> vector<128x1xf32>
    %broadcast_in_dim3A_1092 = vector.shape_cast %transpose3A_1091 : vector<128x1xf32> to vector<128x1x1xf32>
    %broadcast_in_dim3A_1093 = vector.shape_cast %mul3A : vector<16x128xf32> to vector<1x16x128xf32>
    %add3A_1094 = vector.broadcast %broadcast_in_dim3A_1092 : vector<128x1x1xf32> to vector<128x16x128xf32>
    %add3A_1095 = vector.broadcast %broadcast_in_dim3A_1093 : vector<1x16x128xf32> to vector<128x16x128xf32>
    %add3A_1096 = arith.addf %add3A_1094, %add3A_1095 : vector<128x16x128xf32>
    %sub3A_1097 = arith.subf %add3A_1096, %mul3A_1089 : vector<128x16x128xf32>
    %add3A_1098 = arith.constant 9.99999971E-10 : f32
    %add3A_1099 = vector.broadcast %add3A_1098 : f32 to vector<128x16x128xf32>
    %add3A_1100 = arith.addf %sub3A_1097, %add3A_1099 : vector<128x16x128xf32>
    %div3A_1101 = arith.divf %mul3A_1089, %add3A_1100 : vector<128x16x128xf32>
    %iota3A_1102 = tpu.iota {dimensions = array<i32: 0>} : vector<128x1x1xi32>
    %add3A_1103 = arith.constant 1664 : i32
    %add3A_1104 = vector.broadcast %add3A_1103 : i32 to vector<128x1x1xi32>
    %add3A_1105 = arith.addi %add3A_1104, %iota3A_1102 : vector<128x1x1xi32>
    %gt3A_1106 = arith.constant 8.000000e-01 : f32
    %gt3A_1107 = vector.broadcast %gt3A_1106 : f32 to vector<128x16x128xf32>
    %gt3A_1108 = arith.cmpf ogt, %div3A_1101, %gt3A_1107 : vector<128x16x128xf32>
    %broadcast_in_dim3A_1109 = vector.shape_cast %add3A : vector<16x128xi32> to vector<1x16x128xi32>
    %gt3A_1110 = vector.broadcast %broadcast_in_dim3A_1109 : vector<1x16x128xi32> to vector<128x16x128xi32>
    %gt3A_1111 = vector.broadcast %add3A_1105 : vector<128x1x1xi32> to vector<128x16x128xi32>
    %gt3A_1112 = arith.cmpi sgt, %gt3A_1110, %gt3A_1111 : vector<128x16x128xi32>
    %and3A_1113 = arith.andi %gt3A_1108, %gt3A_1112 : vector<128x16x128xi1>
    %broadcast_in_dim3A_1114 = vector.shape_cast %lt3A_69 : vector<16x128xi1> to vector<1x16x128xi1>
    %and3A_1115 = vector.broadcast %broadcast_in_dim3A_1114 : vector<1x16x128xi1> to vector<128x16x128xi1>
    %and3A_1116 = arith.andi %and3A_1113, %and3A_1115 : vector<128x16x128xi1>
    %convert_element_type3A_1117 = arith.extui %and3A_1116 : vector<128x16x128xi1> to vector<128x16x128xi32>
    %convert_element_type3A_1118 = arith.sitofp %convert_element_type3A_1117 : vector<128x16x128xi32> to vector<128x16x128xf32>
    %swap3A_1119 = arith.constant 0 : index
    %swap3A_1120 = arith.constant 0 : index
    %swap3A_1121 = arith.constant 0 : index
    %swap3A_1122 = vector.load %arg4[%swap3A_1119, %swap3A_1120, %swap3A_1121] : memref<128x16x128xf32, #tpu.memory_space<vmem>>, vector<128x16x128xf32>
    tpu.vector_store %arg4[%swap3A_1119, %swap3A_1120, %swap3A_1121], %convert_element_type3A_1118 {strides = array<i32>} : memref<128x16x128xf32, #tpu.memory_space<vmem>>, vector<128x16x128xf32>,
    %scan3A_1123 = arith.constant 0 : i32
    %scan3A_1124 = arith.constant 128 : i32
    %scan3A_1125 = arith.addi %scan3A_1123, %scan3A_1124 : i32
    %scan3A_1126 = arith.constant 1 : i32
    %scan3A_1127 = scf.for %scan3A_1409 = %scan3A_1123 to %scan3A_1125 step %scan3A_1126 iter_args(%scan3A_1410 = %scan3A_1051) -> (vector<16x128xf32>)  : i32 {
      %eq3A = vector.broadcast %scan3A_1409 : i32 to vector<128xi32>
      %eq3A_1411 = arith.cmpi eq, %iota3A_71, %eq3A : vector<128xi32>
      %slice3A_1412 = vector.extract_strided_slice %scan3A_1410 {offsets = [13, 0], sizes = [1, 128], strides = [1, 1]} : vector<16x128xf32> to vector<1x128xf32>
      %squeeze3A = vector.shape_cast %slice3A_1412 : vector<1x128xf32> to vector<128xf32>
      %jit3A = arith.constant 0.000000e+00 : f32
      %broadcast_in_dim3A_1413 = vector.broadcast %jit3A : f32 to vector<128xf32>
      %select_n3A = arith.select %eq3A_1411, %squeeze3A, %broadcast_in_dim3A_1413 : vector<128xi1>, vector<128xf32>
      %reduce_sum3A = vector.shape_cast %select_n3A : vector<128xf32> to vector<1x128xf32>
      %reduce_sum3A_1414 = arith.constant dense<0.000000e+00> : vector<1xf32>
      %reduce_sum3A_1415 = vector.multi_reduction <add>, %reduce_sum3A, %reduce_sum3A_1414 [1] : vector<1x128xf32> to vector<1xf32>
      %reduce_sum3A_1416 = vector.shape_cast %reduce_sum3A_1415 : vector<1xf32> to vector<1x1xf32>
      %reduce_sum3A_1417 = vector.extract %reduce_sum3A_1416[0, 0] : f32 from vector<1x1xf32>
      %get3A_1418 = arith.index_cast %scan3A_1409 : i32 to index
      %get3A_1419 = arith.constant 0 : index
      %get3A_1420 = arith.constant 0 : index
      %get3A_1421 = vector.load %arg4[%get3A_1418, %get3A_1419, %get3A_1420] : memref<128x16x128xf32, #tpu.memory_space<vmem>>, vector<1x16x128xf32>
      %get3A_1422 = vector.shape_cast %get3A_1421 : vector<1x16x128xf32> to vector<16x128xf32>
      %mul3A_1423 = vector.broadcast %reduce_sum3A_1417 : f32 to vector<16x128xf32>
      %mul3A_1424 = arith.mulf %mul3A_1423, %get3A_1422 : vector<16x128xf32>
      %sub3A_1425 = arith.constant 1.000000e+00 : f32
      %sub3A_1426 = vector.broadcast %sub3A_1425 : f32 to vector<16x128xf32>
      %sub3A_1427 = arith.subf %sub3A_1426, %mul3A_1424 : vector<16x128xf32>
      %mul3A_1428 = arith.mulf %scan3A_1410, %sub3A_1427 : vector<16x128xf32>
      scf.yield %mul3A_1428 : vector<16x128xf32>
    }
    %scan3A_1128 = arith.constant 128 : i32
    %slice3A_1129 = vector.extract_strided_slice %min3A_48 {offsets = [14, 0], sizes = [1, 128], strides = [1, 1]} : vector<16x128xf32> to vector<1x128xf32>
    %transpose3A_1130 = tpu.transpose %slice3A_1129, [1, 0] : vector<1x128xf32> -> vector<128x1xf32>
    %broadcast_in_dim3A_1131 = vector.shape_cast %transpose3A_1130 : vector<128x1xf32> to vector<128x1x1xf32>
    %broadcast_in_dim3A_1132 = vector.shape_cast %min3A_48 : vector<16x128xf32> to vector<1x16x128xf32>
    %max3A_1133 = vector.broadcast %broadcast_in_dim3A_1131 : vector<128x1x1xf32> to vector<128x16x128xf32>
    %max3A_1134 = vector.broadcast %broadcast_in_dim3A_1132 : vector<1x16x128xf32> to vector<128x16x128xf32>
    %max3A_1135 = arith.maximumf %max3A_1133, %max3A_1134 : vector<128x16x128xf32>
    %slice3A_1136 = vector.extract_strided_slice %min3A_51 {offsets = [14, 0], sizes = [1, 128], strides = [1, 1]} : vector<16x128xf32> to vector<1x128xf32>
    %transpose3A_1137 = tpu.transpose %slice3A_1136, [1, 0] : vector<1x128xf32> -> vector<128x1xf32>
    %broadcast_in_dim3A_1138 = vector.shape_cast %transpose3A_1137 : vector<128x1xf32> to vector<128x1x1xf32>
    %broadcast_in_dim3A_1139 = vector.shape_cast %min3A_51 : vector<16x128xf32> to vector<1x16x128xf32>
    %max3A_1140 = vector.broadcast %broadcast_in_dim3A_1138 : vector<128x1x1xf32> to vector<128x16x128xf32>
    %max3A_1141 = vector.broadcast %broadcast_in_dim3A_1139 : vector<1x16x128xf32> to vector<128x16x128xf32>
    %max3A_1142 = arith.maximumf %max3A_1140, %max3A_1141 : vector<128x16x128xf32>
    %slice3A_1143 = vector.extract_strided_slice %max3A_53 {offsets = [14, 0], sizes = [1, 128], strides = [1, 1]} : vector<16x128xf32> to vector<1x128xf32>
    %transpose3A_1144 = tpu.transpose %slice3A_1143, [1, 0] : vector<1x128xf32> -> vector<128x1xf32>
    %broadcast_in_dim3A_1145 = vector.shape_cast %transpose3A_1144 : vector<128x1xf32> to vector<128x1x1xf32>
    %broadcast_in_dim3A_1146 = vector.shape_cast %max3A_53 : vector<16x128xf32> to vector<1x16x128xf32>
    %min3A_1147 = vector.broadcast %broadcast_in_dim3A_1145 : vector<128x1x1xf32> to vector<128x16x128xf32>
    %min3A_1148 = vector.broadcast %broadcast_in_dim3A_1146 : vector<1x16x128xf32> to vector<128x16x128xf32>
    %min3A_1149 = arith.minimumf %min3A_1147, %min3A_1148 : vector<128x16x128xf32>
    %slice3A_1150 = vector.extract_strided_slice %max3A_56 {offsets = [14, 0], sizes = [1, 128], strides = [1, 1]} : vector<16x128xf32> to vector<1x128xf32>
    %transpose3A_1151 = tpu.transpose %slice3A_1150, [1, 0] : vector<1x128xf32> -> vector<128x1xf32>
    %broadcast_in_dim3A_1152 = vector.shape_cast %transpose3A_1151 : vector<128x1xf32> to vector<128x1x1xf32>
    %broadcast_in_dim3A_1153 = vector.shape_cast %max3A_56 : vector<16x128xf32> to vector<1x16x128xf32>
    %min3A_1154 = vector.broadcast %broadcast_in_dim3A_1152 : vector<128x1x1xf32> to vector<128x16x128xf32>
    %min3A_1155 = vector.broadcast %broadcast_in_dim3A_1153 : vector<1x16x128xf32> to vector<128x16x128xf32>
    %min3A_1156 = arith.minimumf %min3A_1154, %min3A_1155 : vector<128x16x128xf32>
    %sub3A_1157 = arith.subf %min3A_1149, %max3A_1135 : vector<128x16x128xf32>
    %max3A_1158 = arith.constant 0.000000e+00 : f32
    %max3A_1159 = vector.broadcast %max3A_1158 : f32 to vector<128x16x128xf32>
    %max3A_1160 = arith.maximumf %sub3A_1157, %max3A_1159 : vector<128x16x128xf32>
    %sub3A_1161 = arith.subf %min3A_1156, %max3A_1142 : vector<128x16x128xf32>
    %max3A_1162 = arith.constant 0.000000e+00 : f32
    %max3A_1163 = vector.broadcast %max3A_1162 : f32 to vector<128x16x128xf32>
    %max3A_1164 = arith.maximumf %sub3A_1161, %max3A_1163 : vector<128x16x128xf32>
    %mul3A_1165 = arith.mulf %max3A_1160, %max3A_1164 : vector<128x16x128xf32>
    %slice3A_1166 = vector.extract_strided_slice %mul3A {offsets = [14, 0], sizes = [1, 128], strides = [1, 1]} : vector<16x128xf32> to vector<1x128xf32>
    %transpose3A_1167 = tpu.transpose %slice3A_1166, [1, 0] : vector<1x128xf32> -> vector<128x1xf32>
    %broadcast_in_dim3A_1168 = vector.shape_cast %transpose3A_1167 : vector<128x1xf32> to vector<128x1x1xf32>
    %broadcast_in_dim3A_1169 = vector.shape_cast %mul3A : vector<16x128xf32> to vector<1x16x128xf32>
    %add3A_1170 = vector.broadcast %broadcast_in_dim3A_1168 : vector<128x1x1xf32> to vector<128x16x128xf32>
    %add3A_1171 = vector.broadcast %broadcast_in_dim3A_1169 : vector<1x16x128xf32> to vector<128x16x128xf32>
    %add3A_1172 = arith.addf %add3A_1170, %add3A_1171 : vector<128x16x128xf32>
    %sub3A_1173 = arith.subf %add3A_1172, %mul3A_1165 : vector<128x16x128xf32>
    %add3A_1174 = arith.constant 9.99999971E-10 : f32
    %add3A_1175 = vector.broadcast %add3A_1174 : f32 to vector<128x16x128xf32>
    %add3A_1176 = arith.addf %sub3A_1173, %add3A_1175 : vector<128x16x128xf32>
    %div3A_1177 = arith.divf %mul3A_1165, %add3A_1176 : vector<128x16x128xf32>
    %iota3A_1178 = tpu.iota {dimensions = array<i32: 0>} : vector<128x1x1xi32>
    %add3A_1179 = arith.constant 1792 : i32
    %add3A_1180 = vector.broadcast %add3A_1179 : i32 to vector<128x1x1xi32>
    %add3A_1181 = arith.addi %add3A_1180, %iota3A_1178 : vector<128x1x1xi32>
    %gt3A_1182 = arith.constant 8.000000e-01 : f32
    %gt3A_1183 = vector.broadcast %gt3A_1182 : f32 to vector<128x16x128xf32>
    %gt3A_1184 = arith.cmpf ogt, %div3A_1177, %gt3A_1183 : vector<128x16x128xf32>
    %broadcast_in_dim3A_1185 = vector.shape_cast %add3A : vector<16x128xi32> to vector<1x16x128xi32>
    %gt3A_1186 = vector.broadcast %broadcast_in_dim3A_1185 : vector<1x16x128xi32> to vector<128x16x128xi32>
    %gt3A_1187 = vector.broadcast %add3A_1181 : vector<128x1x1xi32> to vector<128x16x128xi32>
    %gt3A_1188 = arith.cmpi sgt, %gt3A_1186, %gt3A_1187 : vector<128x16x128xi32>
    %and3A_1189 = arith.andi %gt3A_1184, %gt3A_1188 : vector<128x16x128xi1>
    %broadcast_in_dim3A_1190 = vector.shape_cast %lt3A_69 : vector<16x128xi1> to vector<1x16x128xi1>
    %and3A_1191 = vector.broadcast %broadcast_in_dim3A_1190 : vector<1x16x128xi1> to vector<128x16x128xi1>
    %and3A_1192 = arith.andi %and3A_1189, %and3A_1191 : vector<128x16x128xi1>
    %convert_element_type3A_1193 = arith.extui %and3A_1192 : vector<128x16x128xi1> to vector<128x16x128xi32>
    %convert_element_type3A_1194 = arith.sitofp %convert_element_type3A_1193 : vector<128x16x128xi32> to vector<128x16x128xf32>
    %swap3A_1195 = arith.constant 0 : index
    %swap3A_1196 = arith.constant 0 : index
    %swap3A_1197 = arith.constant 0 : index
    %swap3A_1198 = vector.load %arg4[%swap3A_1195, %swap3A_1196, %swap3A_1197] : memref<128x16x128xf32, #tpu.memory_space<vmem>>, vector<128x16x128xf32>
    tpu.vector_store %arg4[%swap3A_1195, %swap3A_1196, %swap3A_1197], %convert_element_type3A_1194 {strides = array<i32>} : memref<128x16x128xf32, #tpu.memory_space<vmem>>, vector<128x16x128xf32>,
    %scan3A_1199 = arith.constant 0 : i32
    %scan3A_1200 = arith.constant 128 : i32
    %scan3A_1201 = arith.addi %scan3A_1199, %scan3A_1200 : i32
    %scan3A_1202 = arith.constant 1 : i32
    %scan3A_1203 = scf.for %scan3A_1409 = %scan3A_1199 to %scan3A_1201 step %scan3A_1202 iter_args(%scan3A_1410 = %scan3A_1127) -> (vector<16x128xf32>)  : i32 {
      %eq3A = vector.broadcast %scan3A_1409 : i32 to vector<128xi32>
      %eq3A_1411 = arith.cmpi eq, %iota3A_71, %eq3A : vector<128xi32>
      %slice3A_1412 = vector.extract_strided_slice %scan3A_1410 {offsets = [14, 0], sizes = [1, 128], strides = [1, 1]} : vector<16x128xf32> to vector<1x128xf32>
      %squeeze3A = vector.shape_cast %slice3A_1412 : vector<1x128xf32> to vector<128xf32>
      %jit3A = arith.constant 0.000000e+00 : f32
      %broadcast_in_dim3A_1413 = vector.broadcast %jit3A : f32 to vector<128xf32>
      %select_n3A = arith.select %eq3A_1411, %squeeze3A, %broadcast_in_dim3A_1413 : vector<128xi1>, vector<128xf32>
      %reduce_sum3A = vector.shape_cast %select_n3A : vector<128xf32> to vector<1x128xf32>
      %reduce_sum3A_1414 = arith.constant dense<0.000000e+00> : vector<1xf32>
      %reduce_sum3A_1415 = vector.multi_reduction <add>, %reduce_sum3A, %reduce_sum3A_1414 [1] : vector<1x128xf32> to vector<1xf32>
      %reduce_sum3A_1416 = vector.shape_cast %reduce_sum3A_1415 : vector<1xf32> to vector<1x1xf32>
      %reduce_sum3A_1417 = vector.extract %reduce_sum3A_1416[0, 0] : f32 from vector<1x1xf32>
      %get3A_1418 = arith.index_cast %scan3A_1409 : i32 to index
      %get3A_1419 = arith.constant 0 : index
      %get3A_1420 = arith.constant 0 : index
      %get3A_1421 = vector.load %arg4[%get3A_1418, %get3A_1419, %get3A_1420] : memref<128x16x128xf32, #tpu.memory_space<vmem>>, vector<1x16x128xf32>
      %get3A_1422 = vector.shape_cast %get3A_1421 : vector<1x16x128xf32> to vector<16x128xf32>
      %mul3A_1423 = vector.broadcast %reduce_sum3A_1417 : f32 to vector<16x128xf32>
      %mul3A_1424 = arith.mulf %mul3A_1423, %get3A_1422 : vector<16x128xf32>
      %sub3A_1425 = arith.constant 1.000000e+00 : f32
      %sub3A_1426 = vector.broadcast %sub3A_1425 : f32 to vector<16x128xf32>
      %sub3A_1427 = arith.subf %sub3A_1426, %mul3A_1424 : vector<16x128xf32>
      %mul3A_1428 = arith.mulf %scan3A_1410, %sub3A_1427 : vector<16x128xf32>
      scf.yield %mul3A_1428 : vector<16x128xf32>
    }
    %scan3A_1204 = arith.constant 128 : i32
    %slice3A_1205 = vector.extract_strided_slice %min3A_48 {offsets = [15, 0], sizes = [1, 128], strides = [1, 1]} : vector<16x128xf32> to vector<1x128xf32>
    %transpose3A_1206 = tpu.transpose %slice3A_1205, [1, 0] : vector<1x128xf32> -> vector<128x1xf32>
    %broadcast_in_dim3A_1207 = vector.shape_cast %transpose3A_1206 : vector<128x1xf32> to vector<128x1x1xf32>
    %broadcast_in_dim3A_1208 = vector.shape_cast %min3A_48 : vector<16x128xf32> to vector<1x16x128xf32>
    %max3A_1209 = vector.broadcast %broadcast_in_dim3A_1207 : vector<128x1x1xf32> to vector<128x16x128xf32>
    %max3A_1210 = vector.broadcast %broadcast_in_dim3A_1208 : vector<1x16x128xf32> to vector<128x16x128xf32>
    %max3A_1211 = arith.maximumf %max3A_1209, %max3A_1210 : vector<128x16x128xf32>
    %slice3A_1212 = vector.extract_strided_slice %min3A_51 {offsets = [15, 0], sizes = [1, 128], strides = [1, 1]} : vector<16x128xf32> to vector<1x128xf32>
    %transpose3A_1213 = tpu.transpose %slice3A_1212, [1, 0] : vector<1x128xf32> -> vector<128x1xf32>
    %broadcast_in_dim3A_1214 = vector.shape_cast %transpose3A_1213 : vector<128x1xf32> to vector<128x1x1xf32>
    %broadcast_in_dim3A_1215 = vector.shape_cast %min3A_51 : vector<16x128xf32> to vector<1x16x128xf32>
    %max3A_1216 = vector.broadcast %broadcast_in_dim3A_1214 : vector<128x1x1xf32> to vector<128x16x128xf32>
    %max3A_1217 = vector.broadcast %broadcast_in_dim3A_1215 : vector<1x16x128xf32> to vector<128x16x128xf32>
    %max3A_1218 = arith.maximumf %max3A_1216, %max3A_1217 : vector<128x16x128xf32>
    %slice3A_1219 = vector.extract_strided_slice %max3A_53 {offsets = [15, 0], sizes = [1, 128], strides = [1, 1]} : vector<16x128xf32> to vector<1x128xf32>
    %transpose3A_1220 = tpu.transpose %slice3A_1219, [1, 0] : vector<1x128xf32> -> vector<128x1xf32>
    %broadcast_in_dim3A_1221 = vector.shape_cast %transpose3A_1220 : vector<128x1xf32> to vector<128x1x1xf32>
    %broadcast_in_dim3A_1222 = vector.shape_cast %max3A_53 : vector<16x128xf32> to vector<1x16x128xf32>
    %min3A_1223 = vector.broadcast %broadcast_in_dim3A_1221 : vector<128x1x1xf32> to vector<128x16x128xf32>
    %min3A_1224 = vector.broadcast %broadcast_in_dim3A_1222 : vector<1x16x128xf32> to vector<128x16x128xf32>
    %min3A_1225 = arith.minimumf %min3A_1223, %min3A_1224 : vector<128x16x128xf32>
    %slice3A_1226 = vector.extract_strided_slice %max3A_56 {offsets = [15, 0], sizes = [1, 128], strides = [1, 1]} : vector<16x128xf32> to vector<1x128xf32>
    %transpose3A_1227 = tpu.transpose %slice3A_1226, [1, 0] : vector<1x128xf32> -> vector<128x1xf32>
    %broadcast_in_dim3A_1228 = vector.shape_cast %transpose3A_1227 : vector<128x1xf32> to vector<128x1x1xf32>
    %broadcast_in_dim3A_1229 = vector.shape_cast %max3A_56 : vector<16x128xf32> to vector<1x16x128xf32>
    %min3A_1230 = vector.broadcast %broadcast_in_dim3A_1228 : vector<128x1x1xf32> to vector<128x16x128xf32>
    %min3A_1231 = vector.broadcast %broadcast_in_dim3A_1229 : vector<1x16x128xf32> to vector<128x16x128xf32>
    %min3A_1232 = arith.minimumf %min3A_1230, %min3A_1231 : vector<128x16x128xf32>
    %sub3A_1233 = arith.subf %min3A_1225, %max3A_1211 : vector<128x16x128xf32>
    %max3A_1234 = arith.constant 0.000000e+00 : f32
    %max3A_1235 = vector.broadcast %max3A_1234 : f32 to vector<128x16x128xf32>
    %max3A_1236 = arith.maximumf %sub3A_1233, %max3A_1235 : vector<128x16x128xf32>
    %sub3A_1237 = arith.subf %min3A_1232, %max3A_1218 : vector<128x16x128xf32>
    %max3A_1238 = arith.constant 0.000000e+00 : f32
    %max3A_1239 = vector.broadcast %max3A_1238 : f32 to vector<128x16x128xf32>
    %max3A_1240 = arith.maximumf %sub3A_1237, %max3A_1239 : vector<128x16x128xf32>
    %mul3A_1241 = arith.mulf %max3A_1236, %max3A_1240 : vector<128x16x128xf32>
    %slice3A_1242 = vector.extract_strided_slice %mul3A {offsets = [15, 0], sizes = [1, 128], strides = [1, 1]} : vector<16x128xf32> to vector<1x128xf32>
    %transpose3A_1243 = tpu.transpose %slice3A_1242, [1, 0] : vector<1x128xf32> -> vector<128x1xf32>
    %broadcast_in_dim3A_1244 = vector.shape_cast %transpose3A_1243 : vector<128x1xf32> to vector<128x1x1xf32>
    %broadcast_in_dim3A_1245 = vector.shape_cast %mul3A : vector<16x128xf32> to vector<1x16x128xf32>
    %add3A_1246 = vector.broadcast %broadcast_in_dim3A_1244 : vector<128x1x1xf32> to vector<128x16x128xf32>
    %add3A_1247 = vector.broadcast %broadcast_in_dim3A_1245 : vector<1x16x128xf32> to vector<128x16x128xf32>
    %add3A_1248 = arith.addf %add3A_1246, %add3A_1247 : vector<128x16x128xf32>
    %sub3A_1249 = arith.subf %add3A_1248, %mul3A_1241 : vector<128x16x128xf32>
    %add3A_1250 = arith.constant 9.99999971E-10 : f32
    %add3A_1251 = vector.broadcast %add3A_1250 : f32 to vector<128x16x128xf32>
    %add3A_1252 = arith.addf %sub3A_1249, %add3A_1251 : vector<128x16x128xf32>
    %div3A_1253 = arith.divf %mul3A_1241, %add3A_1252 : vector<128x16x128xf32>
    %iota3A_1254 = tpu.iota {dimensions = array<i32: 0>} : vector<128x1x1xi32>
    %add3A_1255 = arith.constant 1920 : i32
    %add3A_1256 = vector.broadcast %add3A_1255 : i32 to vector<128x1x1xi32>
    %add3A_1257 = arith.addi %add3A_1256, %iota3A_1254 : vector<128x1x1xi32>
    %gt3A_1258 = arith.constant 8.000000e-01 : f32
    %gt3A_1259 = vector.broadcast %gt3A_1258 : f32 to vector<128x16x128xf32>
    %gt3A_1260 = arith.cmpf ogt, %div3A_1253, %gt3A_1259 : vector<128x16x128xf32>
    %broadcast_in_dim3A_1261 = vector.shape_cast %add3A : vector<16x128xi32> to vector<1x16x128xi32>
    %gt3A_1262 = vector.broadcast %broadcast_in_dim3A_1261 : vector<1x16x128xi32> to vector<128x16x128xi32>
    %gt3A_1263 = vector.broadcast %add3A_1257 : vector<128x1x1xi32> to vector<128x16x128xi32>
    %gt3A_1264 = arith.cmpi sgt, %gt3A_1262, %gt3A_1263 : vector<128x16x128xi32>
    %and3A_1265 = arith.andi %gt3A_1260, %gt3A_1264 : vector<128x16x128xi1>
    %broadcast_in_dim3A_1266 = vector.shape_cast %lt3A_69 : vector<16x128xi1> to vector<1x16x128xi1>
    %and3A_1267 = vector.broadcast %broadcast_in_dim3A_1266 : vector<1x16x128xi1> to vector<128x16x128xi1>
    %and3A_1268 = arith.andi %and3A_1265, %and3A_1267 : vector<128x16x128xi1>
    %convert_element_type3A_1269 = arith.extui %and3A_1268 : vector<128x16x128xi1> to vector<128x16x128xi32>
    %convert_element_type3A_1270 = arith.sitofp %convert_element_type3A_1269 : vector<128x16x128xi32> to vector<128x16x128xf32>
    %swap3A_1271 = arith.constant 0 : index
    %swap3A_1272 = arith.constant 0 : index
    %swap3A_1273 = arith.constant 0 : index
    %swap3A_1274 = vector.load %arg4[%swap3A_1271, %swap3A_1272, %swap3A_1273] : memref<128x16x128xf32, #tpu.memory_space<vmem>>, vector<128x16x128xf32>
    tpu.vector_store %arg4[%swap3A_1271, %swap3A_1272, %swap3A_1273], %convert_element_type3A_1270 {strides = array<i32>} : memref<128x16x128xf32, #tpu.memory_space<vmem>>, vector<128x16x128xf32>,
    %scan3A_1275 = arith.constant 0 : i32
    %scan3A_1276 = arith.constant 80 : i32
    %scan3A_1277 = arith.addi %scan3A_1275, %scan3A_1276 : i32
    %scan3A_1278 = arith.constant 1 : i32
    %scan3A_1279 = scf.for %scan3A_1409 = %scan3A_1275 to %scan3A_1277 step %scan3A_1278 iter_args(%scan3A_1410 = %scan3A_1203) -> (vector<16x128xf32>)  : i32 {
      %eq3A = vector.broadcast %scan3A_1409 : i32 to vector<128xi32>
      %eq3A_1411 = arith.cmpi eq, %iota3A_71, %eq3A : vector<128xi32>
      %slice3A_1412 = vector.extract_strided_slice %scan3A_1410 {offsets = [15, 0], sizes = [1, 128], strides = [1, 1]} : vector<16x128xf32> to vector<1x128xf32>
      %squeeze3A = vector.shape_cast %slice3A_1412 : vector<1x128xf32> to vector<128xf32>
      %jit3A = arith.constant 0.000000e+00 : f32
      %broadcast_in_dim3A_1413 = vector.broadcast %jit3A : f32 to vector<128xf32>
      %select_n3A = arith.select %eq3A_1411, %squeeze3A, %broadcast_in_dim3A_1413 : vector<128xi1>, vector<128xf32>
      %reduce_sum3A = vector.shape_cast %select_n3A : vector<128xf32> to vector<1x128xf32>
      %reduce_sum3A_1414 = arith.constant dense<0.000000e+00> : vector<1xf32>
      %reduce_sum3A_1415 = vector.multi_reduction <add>, %reduce_sum3A, %reduce_sum3A_1414 [1] : vector<1x128xf32> to vector<1xf32>
      %reduce_sum3A_1416 = vector.shape_cast %reduce_sum3A_1415 : vector<1xf32> to vector<1x1xf32>
      %reduce_sum3A_1417 = vector.extract %reduce_sum3A_1416[0, 0] : f32 from vector<1x1xf32>
      %get3A_1418 = arith.index_cast %scan3A_1409 : i32 to index
      %get3A_1419 = arith.constant 0 : index
      %get3A_1420 = arith.constant 0 : index
      %get3A_1421 = vector.load %arg4[%get3A_1418, %get3A_1419, %get3A_1420] : memref<128x16x128xf32, #tpu.memory_space<vmem>>, vector<1x16x128xf32>
      %get3A_1422 = vector.shape_cast %get3A_1421 : vector<1x16x128xf32> to vector<16x128xf32>
      %mul3A_1423 = vector.broadcast %reduce_sum3A_1417 : f32 to vector<16x128xf32>
      %mul3A_1424 = arith.mulf %mul3A_1423, %get3A_1422 : vector<16x128xf32>
      %sub3A_1425 = arith.constant 1.000000e+00 : f32
      %sub3A_1426 = vector.broadcast %sub3A_1425 : f32 to vector<16x128xf32>
      %sub3A_1427 = arith.subf %sub3A_1426, %mul3A_1424 : vector<16x128xf32>
      %mul3A_1428 = arith.mulf %scan3A_1410, %sub3A_1427 : vector<16x128xf32>
      scf.yield %mul3A_1428 : vector<16x128xf32>
    }
    %scan3A_1280 = arith.constant 80 : i32
    %get3A_1281 = arith.constant 0 : index
    %get3A_1282 = arith.constant 0 : index
    %get3A_1283 = arith.constant 0 : index
    %get3A_1284 = vector.load %arg2[%get3A_1281, %get3A_1282, %get3A_1283] : memref<1x16x128xf32, #tpu.memory_space<vmem>>, vector<1x16x128xf32>
    %get3A_1285 = vector.shape_cast %get3A_1284 : vector<1x16x128xf32> to vector<16x128xf32>
    %mul3A_1286 = arith.mulf %get3A_4, %scan3A_1279 : vector<16x128xf32>
    %swap3A_1287 = arith.constant 0 : index
    %swap3A_1288 = arith.constant 0 : index
    %swap3A_1289 = arith.constant 0 : index
    %swap3A_1290 = arith.constant 0 : index
    %swap3A_1291 = vector.load %arg3[%swap3A_1287, %swap3A_1288, %swap3A_1289, %swap3A_1290] : memref<1x16x16x128xf32, #tpu.memory_space<vmem>>, vector<1x1x16x128xf32>
    %swap3A_1292 = vector.shape_cast %swap3A_1291 : vector<1x1x16x128xf32> to vector<16x128xf32>
    %swap3A_1293 = vector.shape_cast %mul3A_1286 : vector<16x128xf32> to vector<1x1x16x128xf32>
    tpu.vector_store %arg3[%swap3A_1287, %swap3A_1288, %swap3A_1289, %swap3A_1290], %swap3A_1293 {strides = array<i32>} : memref<1x16x16x128xf32, #tpu.memory_space<vmem>>, vector<1x1x16x128xf32>,
    %mul3A_1294 = arith.mulf %get3A_10, %scan3A_1279 : vector<16x128xf32>
    %swap3A_1295 = arith.constant 0 : index
    %swap3A_1296 = arith.constant 1 : index
    %swap3A_1297 = arith.constant 0 : index
    %swap3A_1298 = arith.constant 0 : index
    %swap3A_1299 = vector.load %arg3[%swap3A_1295, %swap3A_1296, %swap3A_1297, %swap3A_1298] : memref<1x16x16x128xf32, #tpu.memory_space<vmem>>, vector<1x1x16x128xf32>
    %swap3A_1300 = vector.shape_cast %swap3A_1299 : vector<1x1x16x128xf32> to vector<16x128xf32>
    %swap3A_1301 = vector.shape_cast %mul3A_1294 : vector<16x128xf32> to vector<1x1x16x128xf32>
    tpu.vector_store %arg3[%swap3A_1295, %swap3A_1296, %swap3A_1297, %swap3A_1298], %swap3A_1301 {strides = array<i32>} : memref<1x16x16x128xf32, #tpu.memory_space<vmem>>, vector<1x1x16x128xf32>,
    %mul3A_1302 = arith.mulf %get3A_16, %scan3A_1279 : vector<16x128xf32>
    %swap3A_1303 = arith.constant 0 : index
    %swap3A_1304 = arith.constant 2 : index
    %swap3A_1305 = arith.constant 0 : index
    %swap3A_1306 = arith.constant 0 : index
    %swap3A_1307 = vector.load %arg3[%swap3A_1303, %swap3A_1304, %swap3A_1305, %swap3A_1306] : memref<1x16x16x128xf32, #tpu.memory_space<vmem>>, vector<1x1x16x128xf32>
    %swap3A_1308 = vector.shape_cast %swap3A_1307 : vector<1x1x16x128xf32> to vector<16x128xf32>
    %swap3A_1309 = vector.shape_cast %mul3A_1302 : vector<16x128xf32> to vector<1x1x16x128xf32>
    tpu.vector_store %arg3[%swap3A_1303, %swap3A_1304, %swap3A_1305, %swap3A_1306], %swap3A_1309 {strides = array<i32>} : memref<1x16x16x128xf32, #tpu.memory_space<vmem>>, vector<1x1x16x128xf32>,
    %mul3A_1310 = arith.mulf %get3A_22, %scan3A_1279 : vector<16x128xf32>
    %swap3A_1311 = arith.constant 0 : index
    %swap3A_1312 = arith.constant 3 : index
    %swap3A_1313 = arith.constant 0 : index
    %swap3A_1314 = arith.constant 0 : index
    %swap3A_1315 = vector.load %arg3[%swap3A_1311, %swap3A_1312, %swap3A_1313, %swap3A_1314] : memref<1x16x16x128xf32, #tpu.memory_space<vmem>>, vector<1x1x16x128xf32>
    %swap3A_1316 = vector.shape_cast %swap3A_1315 : vector<1x1x16x128xf32> to vector<16x128xf32>
    %swap3A_1317 = vector.shape_cast %mul3A_1310 : vector<16x128xf32> to vector<1x1x16x128xf32>
    tpu.vector_store %arg3[%swap3A_1311, %swap3A_1312, %swap3A_1313, %swap3A_1314], %swap3A_1317 {strides = array<i32>} : memref<1x16x16x128xf32, #tpu.memory_space<vmem>>, vector<1x1x16x128xf32>,
    %mul3A_1318 = arith.mulf %get3A_28, %scan3A_1279 : vector<16x128xf32>
    %swap3A_1319 = arith.constant 0 : index
    %swap3A_1320 = arith.constant 4 : index
    %swap3A_1321 = arith.constant 0 : index
    %swap3A_1322 = arith.constant 0 : index
    %swap3A_1323 = vector.load %arg3[%swap3A_1319, %swap3A_1320, %swap3A_1321, %swap3A_1322] : memref<1x16x16x128xf32, #tpu.memory_space<vmem>>, vector<1x1x16x128xf32>
    %swap3A_1324 = vector.shape_cast %swap3A_1323 : vector<1x1x16x128xf32> to vector<16x128xf32>
    %swap3A_1325 = vector.shape_cast %mul3A_1318 : vector<16x128xf32> to vector<1x1x16x128xf32>
    tpu.vector_store %arg3[%swap3A_1319, %swap3A_1320, %swap3A_1321, %swap3A_1322], %swap3A_1325 {strides = array<i32>} : memref<1x16x16x128xf32, #tpu.memory_space<vmem>>, vector<1x1x16x128xf32>,
    %mul3A_1326 = arith.mulf %get3A_34, %scan3A_1279 : vector<16x128xf32>
    %swap3A_1327 = arith.constant 0 : index
    %swap3A_1328 = arith.constant 5 : index
    %swap3A_1329 = arith.constant 0 : index
    %swap3A_1330 = arith.constant 0 : index
    %swap3A_1331 = vector.load %arg3[%swap3A_1327, %swap3A_1328, %swap3A_1329, %swap3A_1330] : memref<1x16x16x128xf32, #tpu.memory_space<vmem>>, vector<1x1x16x128xf32>
    %swap3A_1332 = vector.shape_cast %swap3A_1331 : vector<1x1x16x128xf32> to vector<16x128xf32>
    %swap3A_1333 = vector.shape_cast %mul3A_1326 : vector<16x128xf32> to vector<1x1x16x128xf32>
    tpu.vector_store %arg3[%swap3A_1327, %swap3A_1328, %swap3A_1329, %swap3A_1330], %swap3A_1333 {strides = array<i32>} : memref<1x16x16x128xf32, #tpu.memory_space<vmem>>, vector<1x1x16x128xf32>,
    %mul3A_1334 = arith.mulf %get3A_40, %scan3A_1279 : vector<16x128xf32>
    %swap3A_1335 = arith.constant 0 : index
    %swap3A_1336 = arith.constant 6 : index
    %swap3A_1337 = arith.constant 0 : index
    %swap3A_1338 = arith.constant 0 : index
    %swap3A_1339 = vector.load %arg3[%swap3A_1335, %swap3A_1336, %swap3A_1337, %swap3A_1338] : memref<1x16x16x128xf32, #tpu.memory_space<vmem>>, vector<1x1x16x128xf32>
    %swap3A_1340 = vector.shape_cast %swap3A_1339 : vector<1x1x16x128xf32> to vector<16x128xf32>
    %swap3A_1341 = vector.shape_cast %mul3A_1334 : vector<16x128xf32> to vector<1x1x16x128xf32>
    tpu.vector_store %arg3[%swap3A_1335, %swap3A_1336, %swap3A_1337, %swap3A_1338], %swap3A_1341 {strides = array<i32>} : memref<1x16x16x128xf32, #tpu.memory_space<vmem>>, vector<1x1x16x128xf32>,
    %mul3A_1342 = arith.mulf %get3A_46, %scan3A_1279 : vector<16x128xf32>
    %swap3A_1343 = arith.constant 0 : index
    %swap3A_1344 = arith.constant 7 : index
    %swap3A_1345 = arith.constant 0 : index
    %swap3A_1346 = arith.constant 0 : index
    %swap3A_1347 = vector.load %arg3[%swap3A_1343, %swap3A_1344, %swap3A_1345, %swap3A_1346] : memref<1x16x16x128xf32, #tpu.memory_space<vmem>>, vector<1x1x16x128xf32>
    %swap3A_1348 = vector.shape_cast %swap3A_1347 : vector<1x1x16x128xf32> to vector<16x128xf32>
    %swap3A_1349 = vector.shape_cast %mul3A_1342 : vector<16x128xf32> to vector<1x1x16x128xf32>
    tpu.vector_store %arg3[%swap3A_1343, %swap3A_1344, %swap3A_1345, %swap3A_1346], %swap3A_1349 {strides = array<i32>} : memref<1x16x16x128xf32, #tpu.memory_space<vmem>>, vector<1x1x16x128xf32>,
    %mul3A_1350 = arith.mulf %get3A_1285, %scan3A_1279 : vector<16x128xf32>
    %swap3A_1351 = arith.constant 0 : index
    %swap3A_1352 = arith.constant 8 : index
    %swap3A_1353 = arith.constant 0 : index
    %swap3A_1354 = arith.constant 0 : index
    %swap3A_1355 = vector.load %arg3[%swap3A_1351, %swap3A_1352, %swap3A_1353, %swap3A_1354] : memref<1x16x16x128xf32, #tpu.memory_space<vmem>>, vector<1x1x16x128xf32>
    %swap3A_1356 = vector.shape_cast %swap3A_1355 : vector<1x1x16x128xf32> to vector<16x128xf32>
    %swap3A_1357 = vector.shape_cast %mul3A_1350 : vector<16x128xf32> to vector<1x1x16x128xf32>
    tpu.vector_store %arg3[%swap3A_1351, %swap3A_1352, %swap3A_1353, %swap3A_1354], %swap3A_1357 {strides = array<i32>} : memref<1x16x16x128xf32, #tpu.memory_space<vmem>>, vector<1x1x16x128xf32>,
    %broadcast_in_dim3A_1358 = arith.constant 0.000000e+00 : f32
    %broadcast_in_dim3A_1359 = vector.broadcast %broadcast_in_dim3A_1358 : f32 to vector<16x128xf32>
    %swap3A_1360 = arith.constant 0 : index
    %swap3A_1361 = arith.constant 9 : index
    %swap3A_1362 = arith.constant 0 : index
    %swap3A_1363 = arith.constant 0 : index
    %swap3A_1364 = vector.load %arg3[%swap3A_1360, %swap3A_1361, %swap3A_1362, %swap3A_1363] : memref<1x16x16x128xf32, #tpu.memory_space<vmem>>, vector<1x1x16x128xf32>
    %swap3A_1365 = vector.shape_cast %swap3A_1364 : vector<1x1x16x128xf32> to vector<16x128xf32>
    %swap3A_1366 = vector.shape_cast %broadcast_in_dim3A_1359 : vector<16x128xf32> to vector<1x1x16x128xf32>
    tpu.vector_store %arg3[%swap3A_1360, %swap3A_1361, %swap3A_1362, %swap3A_1363], %swap3A_1366 {strides = array<i32>} : memref<1x16x16x128xf32, #tpu.memory_space<vmem>>, vector<1x1x16x128xf32>,
    %swap3A_1367 = arith.constant 0 : index
    %swap3A_1368 = arith.constant 10 : index
    %swap3A_1369 = arith.constant 0 : index
    %swap3A_1370 = arith.constant 0 : index
    %swap3A_1371 = vector.load %arg3[%swap3A_1367, %swap3A_1368, %swap3A_1369, %swap3A_1370] : memref<1x16x16x128xf32, #tpu.memory_space<vmem>>, vector<1x1x16x128xf32>
    %swap3A_1372 = vector.shape_cast %swap3A_1371 : vector<1x1x16x128xf32> to vector<16x128xf32>
    %swap3A_1373 = vector.shape_cast %broadcast_in_dim3A_1359 : vector<16x128xf32> to vector<1x1x16x128xf32>
    tpu.vector_store %arg3[%swap3A_1367, %swap3A_1368, %swap3A_1369, %swap3A_1370], %swap3A_1373 {strides = array<i32>} : memref<1x16x16x128xf32, #tpu.memory_space<vmem>>, vector<1x1x16x128xf32>,
    %swap3A_1374 = arith.constant 0 : index
    %swap3A_1375 = arith.constant 11 : index
    %swap3A_1376 = arith.constant 0 : index
    %swap3A_1377 = arith.constant 0 : index
    %swap3A_1378 = vector.load %arg3[%swap3A_1374, %swap3A_1375, %swap3A_1376, %swap3A_1377] : memref<1x16x16x128xf32, #tpu.memory_space<vmem>>, vector<1x1x16x128xf32>
    %swap3A_1379 = vector.shape_cast %swap3A_1378 : vector<1x1x16x128xf32> to vector<16x128xf32>
    %swap3A_1380 = vector.shape_cast %broadcast_in_dim3A_1359 : vector<16x128xf32> to vector<1x1x16x128xf32>
    tpu.vector_store %arg3[%swap3A_1374, %swap3A_1375, %swap3A_1376, %swap3A_1377], %swap3A_1380 {strides = array<i32>} : memref<1x16x16x128xf32, #tpu.memory_space<vmem>>, vector<1x1x16x128xf32>,
    %swap3A_1381 = arith.constant 0 : index
    %swap3A_1382 = arith.constant 12 : index
    %swap3A_1383 = arith.constant 0 : index
    %swap3A_1384 = arith.constant 0 : index
    %swap3A_1385 = vector.load %arg3[%swap3A_1381, %swap3A_1382, %swap3A_1383, %swap3A_1384] : memref<1x16x16x128xf32, #tpu.memory_space<vmem>>, vector<1x1x16x128xf32>
    %swap3A_1386 = vector.shape_cast %swap3A_1385 : vector<1x1x16x128xf32> to vector<16x128xf32>
    %swap3A_1387 = vector.shape_cast %broadcast_in_dim3A_1359 : vector<16x128xf32> to vector<1x1x16x128xf32>
    tpu.vector_store %arg3[%swap3A_1381, %swap3A_1382, %swap3A_1383, %swap3A_1384], %swap3A_1387 {strides = array<i32>} : memref<1x16x16x128xf32, #tpu.memory_space<vmem>>, vector<1x1x16x128xf32>,
    %swap3A_1388 = arith.constant 0 : index
    %swap3A_1389 = arith.constant 13 : index
    %swap3A_1390 = arith.constant 0 : index
    %swap3A_1391 = arith.constant 0 : index
    %swap3A_1392 = vector.load %arg3[%swap3A_1388, %swap3A_1389, %swap3A_1390, %swap3A_1391] : memref<1x16x16x128xf32, #tpu.memory_space<vmem>>, vector<1x1x16x128xf32>
    %swap3A_1393 = vector.shape_cast %swap3A_1392 : vector<1x1x16x128xf32> to vector<16x128xf32>
    %swap3A_1394 = vector.shape_cast %broadcast_in_dim3A_1359 : vector<16x128xf32> to vector<1x1x16x128xf32>
    tpu.vector_store %arg3[%swap3A_1388, %swap3A_1389, %swap3A_1390, %swap3A_1391], %swap3A_1394 {strides = array<i32>} : memref<1x16x16x128xf32, #tpu.memory_space<vmem>>, vector<1x1x16x128xf32>,
    %swap3A_1395 = arith.constant 0 : index
    %swap3A_1396 = arith.constant 14 : index
    %swap3A_1397 = arith.constant 0 : index
    %swap3A_1398 = arith.constant 0 : index
    %swap3A_1399 = vector.load %arg3[%swap3A_1395, %swap3A_1396, %swap3A_1397, %swap3A_1398] : memref<1x16x16x128xf32, #tpu.memory_space<vmem>>, vector<1x1x16x128xf32>
    %swap3A_1400 = vector.shape_cast %swap3A_1399 : vector<1x1x16x128xf32> to vector<16x128xf32>
    %swap3A_1401 = vector.shape_cast %broadcast_in_dim3A_1359 : vector<16x128xf32> to vector<1x1x16x128xf32>
    tpu.vector_store %arg3[%swap3A_1395, %swap3A_1396, %swap3A_1397, %swap3A_1398], %swap3A_1401 {strides = array<i32>} : memref<1x16x16x128xf32, #tpu.memory_space<vmem>>, vector<1x1x16x128xf32>,
    %swap3A_1402 = arith.constant 0 : index
    %swap3A_1403 = arith.constant 15 : index
    %swap3A_1404 = arith.constant 0 : index
    %swap3A_1405 = arith.constant 0 : index
    %swap3A_1406 = vector.load %arg3[%swap3A_1402, %swap3A_1403, %swap3A_1404, %swap3A_1405] : memref<1x16x16x128xf32, #tpu.memory_space<vmem>>, vector<1x1x16x128xf32>
    %swap3A_1407 = vector.shape_cast %swap3A_1406 : vector<1x1x16x128xf32> to vector<16x128xf32>
    %swap3A_1408 = vector.shape_cast %broadcast_in_dim3A_1359 : vector<16x128xf32> to vector<1x1x16x128xf32>
    tpu.vector_store %arg3[%swap3A_1402, %swap3A_1403, %swap3A_1404, %swap3A_1405], %swap3A_1408 {strides = array<i32>} : memref<1x16x16x128xf32, #tpu.memory_space<vmem>>, vector<1x1x16x128xf32>,
    return
  }
  func.func @transform_0(%arg0: i32) -> (i32, i32, i32, i32) {
    %c0_i32 = arith.constant 0 : i32
    %c0_i32_0 = arith.constant 0 : i32
    %c0_i32_1 = arith.constant 0 : i32
    %c0_i32_2 = arith.constant 0 : i32
    return %arg0, %c0_i32, %c0_i32_0, %c0_i32_1 : i32, i32, i32, i32
  }
  func.func @transform_1(%arg0: i32) -> (i32, i32, i32) {
    %c0_i32 = arith.constant 0 : i32
    %c0_i32_0 = arith.constant 0 : i32
    %c0_i32_1 = arith.constant 0 : i32
    return %arg0, %c0_i32, %c0_i32_0 : i32, i32, i32
  }
  func.func @transform_2(%arg0: i32) -> (i32, i32, i32, i32) {
    %c0_i32 = arith.constant 0 : i32
    %c0_i32_0 = arith.constant 0 : i32
    %c0_i32_1 = arith.constant 0 : i32
    %c0_i32_2 = arith.constant 0 : i32
    return %arg0, %c0_i32, %c0_i32_0, %c0_i32_1 : i32, i32, i32, i32
  }
}

</mosaic_0001>

<sc_bundles>
// kernel: kernel.12.cloned.1.call-start
scs
__scs_entry_jumppad:
0x0: {  	(pc) =	sbr.rel $0x88, $3  }
0x1: {  	(tag) =	ssettag $0x0;
	lr =	simm.s32 $0x1  }
0x2: {  	[smem:$0x3F96] =	sst lr;
	_ =	strace $0xD0000000  }
0x3: {  	_ = 	snop  }
0x4: {  	_ = 	snop  }
0x5: {  	_ = 	snop  }
0x6: {  	_ = 	snop  }
0x7: {  	_ = 	snop  }
__scs_overlays_trampoline_lowered:
0x8: {  	[smem:$0x3FA5] =	sst s0  }
0x9: {  	[smem:$0x3FA6] =	sst s1  }
0xa: {  	[smem:$0x3FA7] =	sst s2  }
0xb: {  	[smem:$0x3FA8] =	sst s3  }
0xc: {  	[smem:$0x3FA9] =	sst s4  }
0xd: {  	[smem:$0x3FAA] =	sst s5  }
0xe: {  	[smem:$0x3FAB] =	sst s6  }
0xf: {  	[smem:$0x3FAC] =	sst s7  }
0x10: {  	[smem:$0x3FAD] =	sst s8  }
0x11: {  	[smem:$0x3FAE] =	sst s9;
	s0 =	simm.s32 @!p0 $0x0  }
0x12: {  	s1 =	sld [smem:$0x3F94];
	s0 =	simm.s32 @p0 $0x1  }
0x13: {  	[smem:$0x3FAF] =	sst s0;
	s0 =	simm.s32 @!p1 $0x0  }
0x14: {  	s2 =	sld [smem:$0x3F93];
	s0 =	simm.s32 @p1 $0x1  }
0x15: {  	[smem:$0x3FB0] =	sst s0;
	s0 =	simm.s32 @!p2 $0x0  }
0x16: {  	s3 =	sld [smem:$0x3FDB];
	s0 =	simm.s32 @p2 $0x1  }
0x17: {  	s4 =	simm.s32 $0x1BF5;
	[smem:$0x3FB2] =	sst s0  }
0x18: {  	s0 =	sld [smem:$0x3F95];
	_ =	swait.ge [sflag:s4], $0x0  }
0x19: {  	s7 =	sld [smem:$0x3F96]  }
0x1a: {  	s8 =	sadd.s32 $0xFFFFE003, lr  }
0x1b: {  	s9 =	sadd.s32 $0xFFFFFEF7, lr;
	s5 =	simm.s32 $0xFFFFFFFF;
	p2 =	slt.u32 s8, $0xFFFFF086  }
0x1c: {  	p1 =	slt.u32 s9, $0xF7A;
	s5 =	simm.s32 @!p2 $0x0  }
0x1d: {  	s5 =	simm.s32 @p1 $0x1;
	p0 =	seq.s32 s7, s2  }
0x1e: {  	s7 =	smul.u32 @!p0 $0xF7A, s2;
	p2 =	seq.s32 @!p0 s5, $0x0  }
0x1f: {  	s9 =	smul.u32 $0xF7A, s1;
	s8 =	simm.s32 @!p0 $0x1BF5;
	p2 =	por !p2, p0  }
0x20: {  	[sflag:s8] =	ssyncset.s32 @!p0 $0xFFFFF086;
	s6 =	sadd.s32 @!p0 s3, s7;
	s7 =	simm.s32 @!p0 $0x108  }
0x21: {  	s3 =	sadd.s32 s3, s9;
	s6 =	sadd.s32 @!p0 $0x88, s6;
	s7 =	simm.s32 @p2 $0x1082  }
0x22: {  	[simem:s7], [sflag:s8] =	dma.local @!p0 [hbm:s6], $0xF7A  }
0x23: {  	s9 =	sor.u32 $0xD0000000, s2;
	s6 =	simm.s32 $0x108;
	_ =	swait.ge @!p0 [sflag:s8], $0x0  }
0x24: {  	s3 =	sadd.s32 $0x88, s3;
	s6 =	simm.s32 @!p1 $0x1082;
	[sflag:s4] =	ssyncset.s32 $0xFFFFF086  }
0x25: {  	[simem:s6], [sflag:s4] =	dma.local [hbm:s3], $0xF7A  }
0x26: {  	[smem:$0x3F96] =	sst s1;
	(tag) =	ssettag s2;
	_ =	strace s9  }
0x27: {  	s1 =	sld [smem:$0x3FA6]  }
0x28: {  	s2 =	sld [smem:$0x3FA7]  }
0x29: {  	s4 =	sld [smem:$0x3FA9]  }
0x2a: {  	p0 =	seq.s32 s5, $0x0;
	s5 =	sld [smem:$0x3FAA]  }
0x2b: {  	s6 =	sld [smem:$0x3FAB]  }
0x2c: {  	s7 =	sld [smem:$0x3FAC]  }
0x2d: {  	s3 =	simm.s32 $0x108;
	s8 =	sld [smem:$0x3FAD]  }
0x2e: {  	s3 =	simm.s32 @!p0 $0x1082;
	s9 =	sld [smem:$0x3FAE]  }
0x2f: {  	lr =	sadd.s32 s0, s3;
	s0 =	sld [smem:$0x3FA5]  }
0x30: {  	s3 =	sld [smem:$0x3FA8]  }
0x31: {  	[smem:$0x3FB1] =	sst s10  }
0x32: {  	s10 =	sld [smem:$0x3FAF];
	_ =	sdelay $0x3  }
0x33: {  	p0 =	seq.s32 s10, $0x1;
	s10 =	sld [smem:$0x3FB1];
	_ =	sdelay $0x3  }
0x34: {  	[smem:$0x3FB1] =	sst s10  }
0x35: {  	s10 =	sld [smem:$0x3FB0];
	_ =	sdelay $0x3  }
0x36: {  	p1 =	seq.s32 s10, $0x1;
	s10 =	sld [smem:$0x3FB1];
	_ =	sdelay $0x3  }
0x37: {  	[smem:$0x3FB1] =	sst s10  }
0x38: {  	s10 =	sld [smem:$0x3FB2]  }
0x39: {  	_ = 	snop;
	(pc) =	sbr.ind lr, $3  }
0x3a: {  	_ = 	snop  }
0x3b: {  	_ = 	snop  }
0x3c: {  	p2 =	seq.s32 s10, $0x1;
	s10 =	sld [smem:$0x3FB1]  }
0x3d: {  	_ =	shalt  }
0x3e: {  	_ =	shalt  }
0x3f: {  	_ =	shalt  }
0x40: {  	_ =	shalt  }
0x41: {  	_ =	shalt  }
0x42: {  	_ =	shalt  }
0x43: {  	_ =	shalt  }
0x44: {  	_ =	shalt  }
0x45: {  	_ =	shalt  }
0x46: {  	_ =	shalt  }
0x47: {  	_ =	shalt  }
0x48: {  	_ =	shalt  }
0x49: {  	_ =	shalt  }
0x4a: {  	_ =	shalt  }
0x4b: {  	_ =	shalt  }
0x4c: {  	_ =	shalt  }
0x4d: {  	_ =	shalt  }
0x4e: {  	_ =	shalt  }
0x4f: {  	_ =	shalt  }
0x50: {  	_ =	shalt  }
0x51: {  	_ =	shalt  }
0x52: {  	_ =	shalt  }
0x53: {  	_ =	shalt  }
0x54: {  	_ =	shalt  }
0x55: {  	_ =	shalt  }
0x56: {  	_ =	shalt  }
0x57: {  	_ =	shalt  }
0x58: {  	_ =	shalt  }
0x59: {  	_ =	shalt  }
0x5a: {  	_ =	shalt  }
0x5b: {  	_ =	shalt  }
0x5c: {  	_ =	shalt  }
0x5d: {  	_ =	shalt  }
0x5e: {  	_ =	shalt  }
0x5f: {  	_ =	shalt  }
0x60: {  	_ =	shalt  }
0x61: {  	_ =	shalt  }
0x62: {  	_ =	shalt  }
0x63: {  	_ =	shalt  }
0x64: {  	_ =	shalt  }
0x65: {  	_ =	shalt  }
0x66: {  	_ =	shalt  }
0x67: {  	_ =	shalt  }
0x68: {  	_ =	shalt  }
0x69: {  	_ =	shalt  }
0x6a: {  	_ =	shalt  }
0x6b: {  	_ =	shalt  }
0x6c: {  	_ =	shalt  }
0x6d: {  	_ =	shalt  }
0x6e: {  	_ =	shalt  }
0x6f: {  	_ =	shalt  }
0x70: {  	_ =	shalt  }
0x71: {  	_ =	shalt  }
0x72: {  	_ =	shalt  }
0x73: {  	_ =	shalt  }
0x74: {  	_ =	shalt  }
0x75: {  	_ =	shalt  }
0x76: {  	_ =	shalt  }
0x77: {  	_ =	shalt  }
0x78: {  	_ =	shalt  }
0x79: {  	_ =	shalt  }
0x7a: {  	_ =	shalt  }
0x7b: {  	_ =	shalt  }
0x7c: {  	_ =	shalt  }
0x7d: {  	_ =	shalt  }
0x7e: {  	_ =	shalt  }
0x7f: {  	_ =	shalt  }
0x80: {  	_ =	shalt  }
0x81: {  	_ =	shalt  }
0x82: {  	_ =	shalt  }
0x83: {  	_ =	shalt  }
0x84: {  	_ =	shalt  }
0x85: {  	_ =	shalt  }
0x86: {  	_ =	shalt  }
0x87: {  	_ =	shalt  }
.Lfunc_end0:
.L_simem_size_0:
called_computation.1_lowered:
.L_overlay_start_0:
0x88: {  	s2 =	sld [smem:$0x3FD9]  }
0x89: {  	s3 =	sld [smem:$0x3FFE];
	_ =	sdelay $0x1  }
0x8a: {  	s1 =	srdreg.scid  }
0x8b: {  	s0 =	sand.u32 $0x1, s1  }
0x8c: {  	s17 =	sshll.u32 s0, $0xA;
	s2 =	sadd.s32 s3, s2  }
0x8d: {  	s2 =	sadd.s32 s2, s17  }
0x8e: {  	[smem:$0x3FBD] =	sst s2  }
0x8f: {  	_ = 	snop  }
0x90: {  	(tm) =	ssettm $0x1  }
0x91: {  	s18 =	sld [smem:$0x3FFB];
	_ =	sdelay $0x3  }
0x92: {  	_ =	strace s18  }
0x93: {  	s2 =	sld [smem:$0x3FFC];
	_ =	sdelay $0x3  }
0x94: {  	_ =	strace s2  }
0x95: {  	s2 =	sld [smem:$0x3FFD];
	_ =	sdelay $0x3  }
0x96: {  	_ =	strace s2  }
0x97: {  	_ =	strace $0x8FFFFFFF  }
0x98: {  	s19 =	sld [smem:$0x3FDB];
	_ =	sdelay $0x1  }
0x99: {  	s20 =	simm.s32 $_scs_section_size  }
0x9a: {  	s4 =	simm.s32 $_size__tile_overlayer_lowered;
	s5 =	simm.s32 $_tile_overlayer_lowered  }
0x9b: {  	s6 =	simm.s32 $0x1BFF;
	s21 =	sshll.u32 s5, $0x1;
	s3 =	sadd.s32 s20, s19  }
0x9c: {  	s22 =	simm.s32 $0x0;
	s4 =	sshll.u32 s4, $0x1;
	s5 =	sadd.s32 s21, s3  }
0x9d: {  	[timem:s22], [sflag:s6] =	dma.local [hbm:s5], s4  }
0x9e: {  	_ =	swait.ge [sflag:s6], s4  }
0x9f: {  	s4 =	ssub.s32 $0x0, s4;
	[sflag:s6] =	ssyncset.done $0x0  }
0xa0: {  	[sflag:s6] =	ssyncadd.s32 s4;
	_ =	sdelay $0x1  }
0xa1: {  	s23 =	simm.s32 $0x1B8B  }
0xa2: {  	_ =	swait.ge [sflag:s23], $0x1  }
0xa3: {  	[sflag:s23] =	ssyncset.done $0x0  }
0xa4: {  	[sflag:s23] =	ssyncadd.s32 $0xFFFFFFFF  }
0xa5: {  	s4 =	sld [smem:$0x0]  }
0xa6: {  	s5 =	sand.u32 $0xFFFFFFFE, s1  }
0xa7: {  	p0 =	sne.s32 s1, s5  }
0xa8: {  	s5 =	sshll.u32 @p0 s5, $0xE  }
0xa9: {  	s5 =	sadd.s32 @p0 $0x11B8D, s5;
	s6 =	sshll.u32 @p0 s4, $0x11  }
0xaa: {  	s5 =	sor.u32 @p0 s6, s5  }
0xab: {  	[sflag:s5] =	ssyncadd.remote.s32 @p0 $0x1;
	_ =	sdelay $0x1  }
0xac: {  	s5 =	simm.s32 @p0 $0x1B8D  }
0xad: {  	_ =	swait.eq @p0 [sflag:s5], $0x1  }
0xae: {  	[sflag:s5] =	ssyncadd.s32 @p0 $0xFFFFFFFF  }
0xaf: {  	s6 =	sshll.u32 @!p0 s1, $0xE  }
0xb0: {  	s6 =	sor.u32 @!p0 $0x4000, s6;
	s5 =	simm.s32 @!p0 $0x1B8D  }
0xb1: {  	s4 =	sshll.u32 @!p0 s4, $0x11;
	s6 =	sadd.s32 @!p0 $0x11B8D, s6;
	_ =	swait.eq @!p0 [sflag:s5], $0x1  }
0xb2: {  	s4 =	sor.u32 @!p0 s4, s6;
	[sflag:s5] =	ssyncadd.s32 @!p0 $0xFFFFFFFF  }
0xb3: {  	s25 =	simm.s32 $0x1B8E;
	s24 =	sld [smem:$0x3FFE];
	[sflag:s4] =	ssyncadd.remote.s32 @!p0 $0x1  }
0xb4: {  	s26 =	simm.s32 $execute0_lowered;
	[smem:$0x3FD2] =	sst s25  }
0xb5: {  	s5 =	sshll.u32 s26, $0x1;
	_ =	strace $0x80000055;
	[dreg:$0x1] =	wrdreg $0xFFFFFFFF  }
0xb6: {  	s28 =	simm.s32 $_size_execute0_lowered;
	s3 =	sadd.s32 s3, s5;
	[dreg:$0x0] =	wrdreg $0x0  }
0xb7: {  	s5 =	sshll.u32 s28, $0x1;
	[dreg:$0x2] =	wrdreg s3  }
0xb8: {  	[dreg:$0x3] =	wrdreg s5  }
0xb9: {  	[dreg:$0x4] =	wrdreg $0xC0  }
0xba: {  	_ =	task [dreg:s22], $0x5FFFF  }
0xbb: {  	[dreg:$0x1] =	wrdreg $0xFFFFFFFF  }
0xbc: {  	[dreg:$0x0] =	wrdreg $0x60  }
0xbd: {  	[dreg:$0x2] =	wrdreg s24  }
0xbe: {  	[dreg:$0x3] =	wrdreg $0xB  }
0xbf: {  	_ =	task.clear_ibuf [dreg:s22], $0x4FFFF;
	_ =	strace $0x90000055  }
0xc0: {  	s29 =	simm.s32 $0xB;
	_ =	strace $0x80000057  }
0xc1: {  	_ =	swait.ge [sflag:s29], $0x1  }
0xc2: {  	[sflag:s29] =	ssyncadd.s32 $0xFFFFFFFF  }
0xc3: {  	_ =	strace $0x90000057  }
0xc4: {  	_ =	sfence  }
0xc5: {  	s30 =	sld [smem:$0x0];
	_ =	sdelay $0x2  }
0xc6: {  	s31 =	sshll.u32 s1, $0xD;
	s1 =	sshrl.u32 s1, $0x2  }
0xc7: {  	s4 =	sand.u32 $0x4000, s31;
	s1 =	sadd.s32 s1, s30  }
0xc8: {  	s0 =	sor.u32 s4, s0;
	s1 =	sshll.u32 s1, $0x11  }
0xc9: {  	s0 =	sor.u32 s1, s0  }
0xca: {  	s0 =	sadd.s32 $0x8F2B, s0  }
0xcb: {  	[sflag:s0] =	ssyncadd.remote.s32 $0x1  }
0xcc: {  	_ =	sfence.sel $0xFFFF  }
0xcd: {  	[dreg:$0x0] =	wrdreg $0xFFFFFFFF;
	(pc) =	sbr.abs _section_cstart, $3  }
0xce: {  	[dreg:$0x1] =	wrdreg $0xFFFFFFFF  }
0xcf: {  	_ =	task.clear_ibuf [dreg:s22], $0x2FFFF;
	_ =	strace $0x9FFFFFFF  }
0xd0: {  	(tm) =	ssettm $0x7FFFFFFF  }
0xd1: {  	_ =	shalt  }
tec
execute0_lowered:
.L_overlay_start_1:
0x0: {  	(tag) =	ssettag $0x1  }
0x1: {  	s1 =	srdreg.scid  }
0x2: {  	s0 =	stileid.u32;
	s6 =	sand.u32 $0x1, s1  }
0x3: {  	s30 =	sshll.u32 s0, $0x8;
	s2 =	sshll.u32 s6, $0x7  }
0x4: {  	s8 =	rddreg [dreg:$0x0];
	s7 =	simm.s32 $0x1;
	s9 =	sor.u32 s2, s30  }
0x5: {  	s1 =	rddreg [dreg:$0x1];
	s2 =	simm.s32 $0x0;
	s3 =	sshrl.u32 s9, $0x3  }
0x6: {  	s10 =	ssub.s32 $0x2, s6;
	[smem:$0x7FF] =	sst s2;
	s3 =	sadd.s32 s3, s8  }
0x7: {  	_ =	strace $0x80000056;
	s4 =	sadd.s32 $0x1A0400, s3;
	s3 =	simm.s32 $0x2  }
0x8: {  	[tilespmem:s2], [sflag:$0x2] =	stream.linear.gather [hbm4b:s4+s2], $0x80, $0x38;
	[tilespmem:$0x480] =	vst v63  }
0x9: {  	s5 =	sadd.s32 $0x188400, s8;
	s11 =	sshrl.u32 s10, $0x1;
	_ =	swait.ge [sflag:s3], $0x80  }
0xa: {  	s6 =	simm.s32 $0x80;
	s31 =	ssub.s32 s10, s11;
	[sflag:s3] =	ssyncset.done $0x0  }
0xb: {  	s8 =	sadd.s32 s9, s8;
	s9 =	smax.u32 s31, $0x1;
	[sflag:s3] =	ssyncadd.s32 $0xFFFFFF80  }
0xc: {  	[tilespmem:s6], [sflag:$0x1] =	stream.indirect.gather [hbm4b:s5+s6], $0x8, s2, s6, $0xb8;
	[tilespmem:$0x480] =	vst v63  }
0xd: {  	p0 =	sne.s32 s9, $0x1;
	_ =	swait.ge [sflag:s7], $0x400  }
.Ltmp0:
0xe: {  	[sflag:s7] =	ssyncset.done $0x0;
	(pc) =	sbr.rel @!p0 .LBB2_2-.Ltmp0, $4  }
0xf: {  	s8 =	sadd.s32 $0x1A0600, s8;
	[sflag:s7] =	ssyncadd.s32 $0xFFFFFC00  }
0x10: {  	[hbm4b:s8+s2] =	stream.linear.scatter [tilespmem:s6], [sflag:$0x2], $0x400, $0x38;
	[tilespmem:$0x480] =	vst v63  }
0x11: {  	_ =	swait.ge [sflag:s3], $0x400  }
0x12: {  	s9 =	sadd.s32 $0xFFFFFFFF, s9;
	[sflag:s3] =	ssyncset.done $0x0  }
.LBB2_1:
0x13: {  	p0 =	sne.s32 s9, $0x1;
	s9 =	sadd.s32 $0xFFFFFFFF, s9;
	[sflag:s3] =	ssyncadd.s32 $0xFFFFFC00  }
0x14: {  	[tilespmem:s2], [sflag:$0x2] =	stream.linear.gather [hbm4b:s4+s2], $0x80, $0x38;
	[tilespmem:$0x480] =	vst v63  }
0x15: {  	_ =	swait.ge [sflag:s3], $0x80  }
0x16: {  	[sflag:s3] =	ssyncset.done $0x0  }
0x17: {  	[sflag:s3] =	ssyncadd.s32 $0xFFFFFF80  }
0x18: {  	[tilespmem:s6], [sflag:$0x1] =	stream.indirect.gather [hbm4b:s5+s6], $0x8, s2, s6, $0xb8;
	[tilespmem:$0x480] =	vst v63  }
0x19: {  	_ =	swait.ge [sflag:s7], $0x400  }
.Ltmp1:
0x1a: {  	[sflag:s7] =	ssyncset.done $0x0;
	(pc) =	sbr.rel @p0 .LBB2_1-.Ltmp1, $4  }
0x1b: {  	[sflag:s7] =	ssyncadd.s32 $0xFFFFFC00  }
0x1c: {  	[hbm4b:s8+s2] =	stream.linear.scatter [tilespmem:s6], [sflag:$0x2], $0x400, $0x38;
	[tilespmem:$0x480] =	vst v63  }
0x1d: {  	_ =	swait.ge [sflag:s3], $0x400  }
0x1e: {  	[sflag:s3] =	ssyncset.done $0x0  }
.LBB2_2:
0x1f: {  	[sflag:s3] =	ssyncadd.s32 $0xFFFFFC00  }
0x20: {  	_ =	sfence.sel $0x180000  }
0x21: {  	[bflag:$0x0] =	sbarrier.arrive $0xFFFF  }
0x22: {  	p0 =	sne.s32 s0, $0x0;
	_ =	strace $0x90000056  }
0x23: {  	s0 =	sadd.s32 @!p0 $0x100000, s1;
	[bflag:$0x2] =	sbarrier.arrive $0xFFFF  }
0x24: {  	[sflag:s0] =	ssyncadd.tile.s32 @!p0 $0x1;
	_ =	shalt  }
.Lfunc_end2:
_tile_overlayer_lowered:
.L_overlay_start_2:
0x25: {  	(tag) =	ssettag $0x2  }
0x26: {  	s0 =	rddreg [dreg:$0x0];
	s2 =	stileid.u32  }
0x27: {  	s1 =	rddreg [dreg:$0x1];
	p0 =	sne.s32 s2, $0x0  }
0x28: {  	s3 =	rddreg [dreg:$0x2];
	[bflag:$0x3] =	sbarrier.arrive $0xFFFF;
	s2 =	simm.s32 @!p0 $0x1C02  }
0x29: {  	[timem:s3], [sflag:s2] =	dma.local @!p0 [hbm:s0], s1  }
0x2a: {  	s0 =	simm.s32 @!p0 $0x2  }
0x2b: {  	_ =	swait.ge @!p0 [sflag:s0], s1  }
0x2c: {  	s1 =	ssub.s32 @!p0 $0x0, s1;
	[sflag:s0] =	ssyncset.done @!p0 $0x0  }
0x2d: {  	[sflag:s0] =	ssyncadd.s32 @!p0 s1  }
0x2e: {  	[bflag:$0x3] =	sbarrier.arrive $0xFFFF  }
0x2f: {  	_ =	shalt  }

// kernel: kernel.15.cloned.1.call-start
scs
__scs_entry_jumppad:
0x0: {  	(pc) =	sbr.rel $0x88, $3  }
0x1: {  	(tag) =	ssettag $0x0;
	lr =	simm.s32 $0x1  }
0x2: {  	[smem:$0x3F96] =	sst lr;
	_ =	strace $0xD0000000  }
0x3: {  	_ = 	snop  }
0x4: {  	_ = 	snop  }
0x5: {  	_ = 	snop  }
0x6: {  	_ = 	snop  }
0x7: {  	_ = 	snop  }
__scs_overlays_trampoline_lowered:
0x8: {  	[smem:$0x3FA5] =	sst s0  }
0x9: {  	[smem:$0x3FA6] =	sst s1  }
0xa: {  	[smem:$0x3FA7] =	sst s2  }
0xb: {  	[smem:$0x3FA8] =	sst s3  }
0xc: {  	[smem:$0x3FA9] =	sst s4  }
0xd: {  	[smem:$0x3FAA] =	sst s5  }
0xe: {  	[smem:$0x3FAB] =	sst s6  }
0xf: {  	[smem:$0x3FAC] =	sst s7  }
0x10: {  	[smem:$0x3FAD] =	sst s8  }
0x11: {  	[smem:$0x3FAE] =	sst s9;
	s0 =	simm.s32 @!p0 $0x0  }
0x12: {  	s1 =	sld [smem:$0x3F94];
	s0 =	simm.s32 @p0 $0x1  }
0x13: {  	[smem:$0x3FAF] =	sst s0;
	s0 =	simm.s32 @!p1 $0x0  }
0x14: {  	s2 =	sld [smem:$0x3F93];
	s0 =	simm.s32 @p1 $0x1  }
0x15: {  	[smem:$0x3FB0] =	sst s0;
	s0 =	simm.s32 @!p2 $0x0  }
0x16: {  	s3 =	sld [smem:$0x3FDB];
	s0 =	simm.s32 @p2 $0x1  }
0x17: {  	s4 =	simm.s32 $0x1BF5;
	[smem:$0x3FB2] =	sst s0  }
0x18: {  	s0 =	sld [smem:$0x3F95];
	_ =	swait.ge [sflag:s4], $0x0  }
0x19: {  	s7 =	sld [smem:$0x3F96]  }
0x1a: {  	s8 =	sadd.s32 $0xFFFFE003, lr  }
0x1b: {  	s9 =	sadd.s32 $0xFFFFFEF7, lr;
	s5 =	simm.s32 $0xFFFFFFFF;
	p2 =	slt.u32 s8, $0xFFFFF086  }
0x1c: {  	p1 =	slt.u32 s9, $0xF7A;
	s5 =	simm.s32 @!p2 $0x0  }
0x1d: {  	s5 =	simm.s32 @p1 $0x1;
	p0 =	seq.s32 s7, s2  }
0x1e: {  	s7 =	smul.u32 @!p0 $0xF7A, s2;
	p2 =	seq.s32 @!p0 s5, $0x0  }
0x1f: {  	s9 =	smul.u32 $0xF7A, s1;
	s8 =	simm.s32 @!p0 $0x1BF5;
	p2 =	por !p2, p0  }
0x20: {  	[sflag:s8] =	ssyncset.s32 @!p0 $0xFFFFF086;
	s6 =	sadd.s32 @!p0 s3, s7;
	s7 =	simm.s32 @!p0 $0x108  }
0x21: {  	s3 =	sadd.s32 s3, s9;
	s6 =	sadd.s32 @!p0 $0x88, s6;
	s7 =	simm.s32 @p2 $0x1082  }
0x22: {  	[simem:s7], [sflag:s8] =	dma.local @!p0 [hbm:s6], $0xF7A  }
0x23: {  	s9 =	sor.u32 $0xD0000000, s2;
	s6 =	simm.s32 $0x108;
	_ =	swait.ge @!p0 [sflag:s8], $0x0  }
0x24: {  	s3 =	sadd.s32 $0x88, s3;
	s6 =	simm.s32 @!p1 $0x1082;
	[sflag:s4] =	ssyncset.s32 $0xFFFFF086  }
0x25: {  	[simem:s6], [sflag:s4] =	dma.local [hbm:s3], $0xF7A  }
0x26: {  	[smem:$0x3F96] =	sst s1;
	(tag) =	ssettag s2;
	_ =	strace s9  }
0x27: {  	s1 =	sld [smem:$0x3FA6]  }
0x28: {  	s2 =	sld [smem:$0x3FA7]  }
0x29: {  	s4 =	sld [smem:$0x3FA9]  }
0x2a: {  	p0 =	seq.s32 s5, $0x0;
	s5 =	sld [smem:$0x3FAA]  }
0x2b: {  	s6 =	sld [smem:$0x3FAB]  }
0x2c: {  	s7 =	sld [smem:$0x3FAC]  }
0x2d: {  	s3 =	simm.s32 $0x108;
	s8 =	sld [smem:$0x3FAD]  }
0x2e: {  	s3 =	simm.s32 @!p0 $0x1082;
	s9 =	sld [smem:$0x3FAE]  }
0x2f: {  	lr =	sadd.s32 s0, s3;
	s0 =	sld [smem:$0x3FA5]  }
0x30: {  	s3 =	sld [smem:$0x3FA8]  }
0x31: {  	[smem:$0x3FB1] =	sst s10  }
0x32: {  	s10 =	sld [smem:$0x3FAF];
	_ =	sdelay $0x3  }
0x33: {  	p0 =	seq.s32 s10, $0x1;
	s10 =	sld [smem:$0x3FB1];
	_ =	sdelay $0x3  }
0x34: {  	[smem:$0x3FB1] =	sst s10  }
0x35: {  	s10 =	sld [smem:$0x3FB0];
	_ =	sdelay $0x3  }
0x36: {  	p1 =	seq.s32 s10, $0x1;
	s10 =	sld [smem:$0x3FB1];
	_ =	sdelay $0x3  }
0x37: {  	[smem:$0x3FB1] =	sst s10  }
0x38: {  	s10 =	sld [smem:$0x3FB2]  }
0x39: {  	_ = 	snop;
	(pc) =	sbr.ind lr, $3  }
0x3a: {  	_ = 	snop  }
0x3b: {  	_ = 	snop  }
0x3c: {  	p2 =	seq.s32 s10, $0x1;
	s10 =	sld [smem:$0x3FB1]  }
0x3d: {  	_ =	shalt  }
0x3e: {  	_ =	shalt  }
0x3f: {  	_ =	shalt  }
0x40: {  	_ =	shalt  }
0x41: {  	_ =	shalt  }
0x42: {  	_ =	shalt  }
0x43: {  	_ =	shalt  }
0x44: {  	_ =	shalt  }
0x45: {  	_ =	shalt  }
0x46: {  	_ =	shalt  }
0x47: {  	_ =	shalt  }
0x48: {  	_ =	shalt  }
0x49: {  	_ =	shalt  }
0x4a: {  	_ =	shalt  }
0x4b: {  	_ =	shalt  }
0x4c: {  	_ =	shalt  }
0x4d: {  	_ =	shalt  }
0x4e: {  	_ =	shalt  }
0x4f: {  	_ =	shalt  }
0x50: {  	_ =	shalt  }
0x51: {  	_ =	shalt  }
0x52: {  	_ =	shalt  }
0x53: {  	_ =	shalt  }
0x54: {  	_ =	shalt  }
0x55: {  	_ =	shalt  }
0x56: {  	_ =	shalt  }
0x57: {  	_ =	shalt  }
0x58: {  	_ =	shalt  }
0x59: {  	_ =	shalt  }
0x5a: {  	_ =	shalt  }
0x5b: {  	_ =	shalt  }
0x5c: {  	_ =	shalt  }
0x5d: {  	_ =	shalt  }
0x5e: {  	_ =	shalt  }
0x5f: {  	_ =	shalt  }
0x60: {  	_ =	shalt  }
0x61: {  	_ =	shalt  }
0x62: {  	_ =	shalt  }
0x63: {  	_ =	shalt  }
0x64: {  	_ =	shalt  }
0x65: {  	_ =	shalt  }
0x66: {  	_ =	shalt  }
0x67: {  	_ =	shalt  }
0x68: {  	_ =	shalt  }
0x69: {  	_ =	shalt  }
0x6a: {  	_ =	shalt  }
0x6b: {  	_ =	shalt  }
0x6c: {  	_ =	shalt  }
0x6d: {  	_ =	shalt  }
0x6e: {  	_ =	shalt  }
0x6f: {  	_ =	shalt  }
0x70: {  	_ =	shalt  }
0x71: {  	_ =	shalt  }
0x72: {  	_ =	shalt  }
0x73: {  	_ =	shalt  }
0x74: {  	_ =	shalt  }
0x75: {  	_ =	shalt  }
0x76: {  	_ =	shalt  }
0x77: {  	_ =	shalt  }
0x78: {  	_ =	shalt  }
0x79: {  	_ =	shalt  }
0x7a: {  	_ =	shalt  }
0x7b: {  	_ =	shalt  }
0x7c: {  	_ =	shalt  }
0x7d: {  	_ =	shalt  }
0x7e: {  	_ =	shalt  }
0x7f: {  	_ =	shalt  }
0x80: {  	_ =	shalt  }
0x81: {  	_ =	shalt  }
0x82: {  	_ =	shalt  }
0x83: {  	_ =	shalt  }
0x84: {  	_ =	shalt  }
0x85: {  	_ =	shalt  }
0x86: {  	_ =	shalt  }
0x87: {  	_ =	shalt  }
.Lfunc_end0:
.L_simem_size_0:
called_computation.2_lowered:
.L_overlay_start_0:
0x88: {  	s2 =	sld [smem:$0x3FD9]  }
0x89: {  	s3 =	sld [smem:$0x3FFE];
	_ =	sdelay $0x1  }
0x8a: {  	s1 =	srdreg.scid  }
0x8b: {  	s0 =	sand.u32 $0x1, s1  }
0x8c: {  	s17 =	sshll.u32 s0, $0xA;
	s2 =	sadd.s32 s3, s2  }
0x8d: {  	s2 =	sadd.s32 s2, s17  }
0x8e: {  	[smem:$0x3FBD] =	sst s2  }
0x8f: {  	_ = 	snop  }
0x90: {  	(tm) =	ssettm $0x1  }
0x91: {  	s18 =	sld [smem:$0x3FFB];
	_ =	sdelay $0x3  }
0x92: {  	_ =	strace s18  }
0x93: {  	s2 =	sld [smem:$0x3FFC];
	_ =	sdelay $0x3  }
0x94: {  	_ =	strace s2  }
0x95: {  	s2 =	sld [smem:$0x3FFD];
	_ =	sdelay $0x3  }
0x96: {  	_ =	strace s2  }
0x97: {  	_ =	strace $0x8FFFFFFF  }
0x98: {  	s19 =	sld [smem:$0x3FDB];
	_ =	sdelay $0x1  }
0x99: {  	s20 =	simm.s32 $_scs_section_size  }
0x9a: {  	s4 =	simm.s32 $_size__tile_overlayer_lowered;
	s5 =	simm.s32 $_tile_overlayer_lowered  }
0x9b: {  	s6 =	simm.s32 $0x1BFF;
	s21 =	sshll.u32 s5, $0x1;
	s3 =	sadd.s32 s20, s19  }
0x9c: {  	s22 =	simm.s32 $0x0;
	s4 =	sshll.u32 s4, $0x1;
	s5 =	sadd.s32 s21, s3  }
0x9d: {  	[timem:s22], [sflag:s6] =	dma.local [hbm:s5], s4  }
0x9e: {  	_ =	swait.ge [sflag:s6], s4  }
0x9f: {  	s4 =	ssub.s32 $0x0, s4;
	[sflag:s6] =	ssyncset.done $0x0  }
0xa0: {  	[sflag:s6] =	ssyncadd.s32 s4;
	_ =	sdelay $0x1  }
0xa1: {  	s23 =	simm.s32 $0x1B8B  }
0xa2: {  	_ =	swait.ge [sflag:s23], $0x1  }
0xa3: {  	[sflag:s23] =	ssyncset.done $0x0  }
0xa4: {  	[sflag:s23] =	ssyncadd.s32 $0xFFFFFFFF  }
0xa5: {  	s4 =	sld [smem:$0x0]  }
0xa6: {  	s5 =	sand.u32 $0xFFFFFFFE, s1  }
0xa7: {  	p0 =	sne.s32 s1, s5  }
0xa8: {  	s5 =	sshll.u32 @p0 s5, $0xE  }
0xa9: {  	s5 =	sadd.s32 @p0 $0x11B8D, s5;
	s6 =	sshll.u32 @p0 s4, $0x11  }
0xaa: {  	s5 =	sor.u32 @p0 s6, s5  }
0xab: {  	[sflag:s5] =	ssyncadd.remote.s32 @p0 $0x1;
	_ =	sdelay $0x1  }
0xac: {  	s5 =	simm.s32 @p0 $0x1B8D  }
0xad: {  	_ =	swait.eq @p0 [sflag:s5], $0x1  }
0xae: {  	[sflag:s5] =	ssyncadd.s32 @p0 $0xFFFFFFFF  }
0xaf: {  	s6 =	sshll.u32 @!p0 s1, $0xE  }
0xb0: {  	s6 =	sor.u32 @!p0 $0x4000, s6;
	s5 =	simm.s32 @!p0 $0x1B8D  }
0xb1: {  	s4 =	sshll.u32 @!p0 s4, $0x11;
	s6 =	sadd.s32 @!p0 $0x11B8D, s6;
	_ =	swait.eq @!p0 [sflag:s5], $0x1  }
0xb2: {  	s4 =	sor.u32 @!p0 s4, s6;
	[sflag:s5] =	ssyncadd.s32 @!p0 $0xFFFFFFFF  }
0xb3: {  	s25 =	simm.s32 $0x1B8E;
	s24 =	sld [smem:$0x3FFE];
	[sflag:s4] =	ssyncadd.remote.s32 @!p0 $0x1  }
0xb4: {  	s26 =	simm.s32 $execute0_lowered;
	[smem:$0x3FD2] =	sst s25  }
0xb5: {  	s5 =	sshll.u32 s26, $0x1;
	_ =	strace $0x80000052;
	[dreg:$0x1] =	wrdreg $0xFFFFFFFF  }
0xb6: {  	s28 =	simm.s32 $_size_execute0_lowered;
	s3 =	sadd.s32 s3, s5;
	[dreg:$0x0] =	wrdreg $0x0  }
0xb7: {  	s5 =	sshll.u32 s28, $0x1;
	[dreg:$0x2] =	wrdreg s3  }
0xb8: {  	[dreg:$0x3] =	wrdreg s5  }
0xb9: {  	[dreg:$0x4] =	wrdreg $0xC0  }
0xba: {  	_ =	task [dreg:s22], $0x5FFFF  }
0xbb: {  	[dreg:$0x1] =	wrdreg $0xFFFFFFFF  }
0xbc: {  	[dreg:$0x0] =	wrdreg $0x60  }
0xbd: {  	[dreg:$0x2] =	wrdreg s24  }
0xbe: {  	[dreg:$0x3] =	wrdreg $0xC  }
0xbf: {  	_ =	task.clear_ibuf [dreg:s22], $0x4FFFF;
	_ =	strace $0x90000052  }
0xc0: {  	s29 =	simm.s32 $0xC;
	_ =	strace $0x80000054  }
0xc1: {  	_ =	swait.ge [sflag:s29], $0x1  }
0xc2: {  	[sflag:s29] =	ssyncadd.s32 $0xFFFFFFFF  }
0xc3: {  	_ =	strace $0x90000054  }
0xc4: {  	_ =	sfence  }
0xc5: {  	s30 =	sld [smem:$0x0];
	_ =	sdelay $0x2  }
0xc6: {  	s31 =	sshll.u32 s1, $0xD;
	s1 =	sshrl.u32 s1, $0x2  }
0xc7: {  	s4 =	sand.u32 $0x4000, s31;
	s1 =	sadd.s32 s1, s30  }
0xc8: {  	s0 =	sor.u32 s4, s0;
	s1 =	sshll.u32 s1, $0x11  }
0xc9: {  	s0 =	sor.u32 s1, s0  }
0xca: {  	s0 =	sadd.s32 $0x8F2B, s0  }
0xcb: {  	[sflag:s0] =	ssyncadd.remote.s32 $0x1  }
0xcc: {  	_ =	sfence.sel $0xFFFF  }
0xcd: {  	[dreg:$0x0] =	wrdreg $0xFFFFFFFF;
	(pc) =	sbr.abs _section_cstart, $3  }
0xce: {  	[dreg:$0x1] =	wrdreg $0xFFFFFFFF  }
0xcf: {  	_ =	task.clear_ibuf [dreg:s22], $0x2FFFF;
	_ =	strace $0x9FFFFFFF  }
0xd0: {  	(tm) =	ssettm $0x7FFFFFFF  }
0xd1: {  	_ =	shalt  }
tec
execute0_lowered:
.L_overlay_start_1:
0x0: {  	(tag) =	ssettag $0x1  }
0x1: {  	s1 =	srdreg.scid  }
0x2: {  	s0 =	stileid.u32;
	s6 =	sand.u32 $0x1, s1  }
0x3: {  	s30 =	sshll.u32 s0, $0x8;
	s2 =	sshll.u32 s6, $0x7  }
0x4: {  	s8 =	rddreg [dreg:$0x0];
	s7 =	simm.s32 $0x1;
	s9 =	sor.u32 s2, s30  }
0x5: {  	s1 =	rddreg [dreg:$0x1];
	s2 =	simm.s32 $0x0;
	s3 =	sshrl.u32 s9, $0x3  }
0x6: {  	s10 =	ssub.s32 $0x2, s6;
	[smem:$0x7FF] =	sst s2;
	s3 =	sadd.s32 s3, s8  }
0x7: {  	_ =	strace $0x80000053;
	s4 =	sadd.s32 $0x7200, s3;
	s3 =	simm.s32 $0x2  }
0x8: {  	[tilespmem:s2], [sflag:$0x2] =	stream.linear.gather [hbm4b:s4+s2], $0x80, $0x38;
	[tilespmem:$0x480] =	vst v63  }
0x9: {  	s5 =	sadd.s32 $0x1200, s8;
	s11 =	sshrl.u32 s10, $0x1;
	_ =	swait.ge [sflag:s3], $0x80  }
0xa: {  	s6 =	simm.s32 $0x80;
	s31 =	ssub.s32 s10, s11;
	[sflag:s3] =	ssyncset.done $0x0  }
0xb: {  	s8 =	sadd.s32 s9, s8;
	s9 =	smax.u32 s31, $0x1;
	[sflag:s3] =	ssyncadd.s32 $0xFFFFFF80  }
0xc: {  	[tilespmem:s6], [sflag:$0x1] =	stream.indirect.gather [hbm4b:s5+s6], $0x8, s2, s6, $0xb8;
	[tilespmem:$0x480] =	vst v63  }
0xd: {  	p0 =	sne.s32 s9, $0x1;
	_ =	swait.ge [sflag:s7], $0x400  }
.Ltmp0:
0xe: {  	[sflag:s7] =	ssyncset.done $0x0;
	(pc) =	sbr.rel @!p0 .LBB2_2-.Ltmp0, $4  }
0xf: {  	s8 =	sadd.s32 $0x7400, s8;
	[sflag:s7] =	ssyncadd.s32 $0xFFFFFC00  }
0x10: {  	[hbm4b:s8+s2] =	stream.linear.scatter [tilespmem:s6], [sflag:$0x2], $0x400, $0x38;
	[tilespmem:$0x480] =	vst v63  }
0x11: {  	_ =	swait.ge [sflag:s3], $0x400  }
0x12: {  	s9 =	sadd.s32 $0xFFFFFFFF, s9;
	[sflag:s3] =	ssyncset.done $0x0  }
.LBB2_1:
0x13: {  	p0 =	sne.s32 s9, $0x1;
	s9 =	sadd.s32 $0xFFFFFFFF, s9;
	[sflag:s3] =	ssyncadd.s32 $0xFFFFFC00  }
0x14: {  	[tilespmem:s2], [sflag:$0x2] =	stream.linear.gather [hbm4b:s4+s2], $0x80, $0x38;
	[tilespmem:$0x480] =	vst v63  }
0x15: {  	_ =	swait.ge [sflag:s3], $0x80  }
0x16: {  	[sflag:s3] =	ssyncset.done $0x0  }
0x17: {  	[sflag:s3] =	ssyncadd.s32 $0xFFFFFF80  }
0x18: {  	[tilespmem:s6], [sflag:$0x1] =	stream.indirect.gather [hbm4b:s5+s6], $0x8, s2, s6, $0xb8;
	[tilespmem:$0x480] =	vst v63  }
0x19: {  	_ =	swait.ge [sflag:s7], $0x400  }
.Ltmp1:
0x1a: {  	[sflag:s7] =	ssyncset.done $0x0;
	(pc) =	sbr.rel @p0 .LBB2_1-.Ltmp1, $4  }
0x1b: {  	[sflag:s7] =	ssyncadd.s32 $0xFFFFFC00  }
0x1c: {  	[hbm4b:s8+s2] =	stream.linear.scatter [tilespmem:s6], [sflag:$0x2], $0x400, $0x38;
	[tilespmem:$0x480] =	vst v63  }
0x1d: {  	_ =	swait.ge [sflag:s3], $0x400  }
0x1e: {  	[sflag:s3] =	ssyncset.done $0x0  }
.LBB2_2:
0x1f: {  	[sflag:s3] =	ssyncadd.s32 $0xFFFFFC00  }
0x20: {  	_ =	sfence.sel $0x180000  }
0x21: {  	[bflag:$0x0] =	sbarrier.arrive $0xFFFF  }
0x22: {  	p0 =	sne.s32 s0, $0x0;
	_ =	strace $0x90000053  }
0x23: {  	s0 =	sadd.s32 @!p0 $0x100000, s1;
	[bflag:$0x2] =	sbarrier.arrive $0xFFFF  }
0x24: {  	[sflag:s0] =	ssyncadd.tile.s32 @!p0 $0x1;
	_ =	shalt  }
.Lfunc_end2:
_tile_overlayer_lowered:
.L_overlay_start_2:
0x25: {  	(tag) =	ssettag $0x2  }
0x26: {  	s0 =	rddreg [dreg:$0x0];
	s2 =	stileid.u32  }
0x27: {  	s1 =	rddreg [dreg:$0x1];
	p0 =	sne.s32 s2, $0x0  }
0x28: {  	s3 =	rddreg [dreg:$0x2];
	[bflag:$0x3] =	sbarrier.arrive $0xFFFF;
	s2 =	simm.s32 @!p0 $0x1C02  }
0x29: {  	[timem:s3], [sflag:s2] =	dma.local @!p0 [hbm:s0], s1  }
0x2a: {  	s0 =	simm.s32 @!p0 $0x2  }
0x2b: {  	_ =	swait.ge @!p0 [sflag:s0], s1  }
0x2c: {  	s1 =	ssub.s32 @!p0 $0x0, s1;
	[sflag:s0] =	ssyncset.done @!p0 $0x0  }
0x2d: {  	[sflag:s0] =	ssyncadd.s32 @!p0 s1  }
0x2e: {  	[bflag:$0x3] =	sbarrier.arrive $0xFFFF  }
0x2f: {  	_ =	shalt  }

// kernel: kernel.18.cloned.1.call-start
scs
__scs_entry_jumppad:
0x0: {  	(pc) =	sbr.rel $0x88, $3  }
0x1: {  	(tag) =	ssettag $0x0;
	lr =	simm.s32 $0x1  }
0x2: {  	[smem:$0x3F96] =	sst lr;
	_ =	strace $0xD0000000  }
0x3: {  	_ = 	snop  }
0x4: {  	_ = 	snop  }
0x5: {  	_ = 	snop  }
0x6: {  	_ = 	snop  }
0x7: {  	_ = 	snop  }
__scs_overlays_trampoline_lowered:
0x8: {  	[smem:$0x3FA5] =	sst s0  }
0x9: {  	[smem:$0x3FA6] =	sst s1  }
0xa: {  	[smem:$0x3FA7] =	sst s2  }
0xb: {  	[smem:$0x3FA8] =	sst s3  }
0xc: {  	[smem:$0x3FA9] =	sst s4  }
0xd: {  	[smem:$0x3FAA] =	sst s5  }
0xe: {  	[smem:$0x3FAB] =	sst s6  }
0xf: {  	[smem:$0x3FAC] =	sst s7  }
0x10: {  	[smem:$0x3FAD] =	sst s8  }
0x11: {  	[smem:$0x3FAE] =	sst s9;
	s0 =	simm.s32 @!p0 $0x0  }
0x12: {  	s1 =	sld [smem:$0x3F94];
	s0 =	simm.s32 @p0 $0x1  }
0x13: {  	[smem:$0x3FAF] =	sst s0;
	s0 =	simm.s32 @!p1 $0x0  }
0x14: {  	s2 =	sld [smem:$0x3F93];
	s0 =	simm.s32 @p1 $0x1  }
0x15: {  	[smem:$0x3FB0] =	sst s0;
	s0 =	simm.s32 @!p2 $0x0  }
0x16: {  	s3 =	sld [smem:$0x3FDB];
	s0 =	simm.s32 @p2 $0x1  }
0x17: {  	s4 =	simm.s32 $0x1BF5;
	[smem:$0x3FB2] =	sst s0  }
0x18: {  	s0 =	sld [smem:$0x3F95];
	_ =	swait.ge [sflag:s4], $0x0  }
0x19: {  	s7 =	sld [smem:$0x3F96]  }
0x1a: {  	s8 =	sadd.s32 $0xFFFFE003, lr  }
0x1b: {  	s9 =	sadd.s32 $0xFFFFFEF7, lr;
	s5 =	simm.s32 $0xFFFFFFFF;
	p2 =	slt.u32 s8, $0xFFFFF086  }
0x1c: {  	p1 =	slt.u32 s9, $0xF7A;
	s5 =	simm.s32 @!p2 $0x0  }
0x1d: {  	s5 =	simm.s32 @p1 $0x1;
	p0 =	seq.s32 s7, s2  }
0x1e: {  	s7 =	smul.u32 @!p0 $0xF7A, s2;
	p2 =	seq.s32 @!p0 s5, $0x0  }
0x1f: {  	s9 =	smul.u32 $0xF7A, s1;
	s8 =	simm.s32 @!p0 $0x1BF5;
	p2 =	por !p2, p0  }
0x20: {  	[sflag:s8] =	ssyncset.s32 @!p0 $0xFFFFF086;
	s6 =	sadd.s32 @!p0 s3, s7;
	s7 =	simm.s32 @!p0 $0x108  }
0x21: {  	s3 =	sadd.s32 s3, s9;
	s6 =	sadd.s32 @!p0 $0x88, s6;
	s7 =	simm.s32 @p2 $0x1082  }
0x22: {  	[simem:s7], [sflag:s8] =	dma.local @!p0 [hbm:s6], $0xF7A  }
0x23: {  	s9 =	sor.u32 $0xD0000000, s2;
	s6 =	simm.s32 $0x108;
	_ =	swait.ge @!p0 [sflag:s8], $0x0  }
0x24: {  	s3 =	sadd.s32 $0x88, s3;
	s6 =	simm.s32 @!p1 $0x1082;
	[sflag:s4] =	ssyncset.s32 $0xFFFFF086  }
0x25: {  	[simem:s6], [sflag:s4] =	dma.local [hbm:s3], $0xF7A  }
0x26: {  	[smem:$0x3F96] =	sst s1;
	(tag) =	ssettag s2;
	_ =	strace s9  }
0x27: {  	s1 =	sld [smem:$0x3FA6]  }
0x28: {  	s2 =	sld [smem:$0x3FA7]  }
0x29: {  	s4 =	sld [smem:$0x3FA9]  }
0x2a: {  	p0 =	seq.s32 s5, $0x0;
	s5 =	sld [smem:$0x3FAA]  }
0x2b: {  	s6 =	sld [smem:$0x3FAB]  }
0x2c: {  	s7 =	sld [smem:$0x3FAC]  }
0x2d: {  	s3 =	simm.s32 $0x108;
	s8 =	sld [smem:$0x3FAD]  }
0x2e: {  	s3 =	simm.s32 @!p0 $0x1082;
	s9 =	sld [smem:$0x3FAE]  }
0x2f: {  	lr =	sadd.s32 s0, s3;
	s0 =	sld [smem:$0x3FA5]  }
0x30: {  	s3 =	sld [smem:$0x3FA8]  }
0x31: {  	[smem:$0x3FB1] =	sst s10  }
0x32: {  	s10 =	sld [smem:$0x3FAF];
	_ =	sdelay $0x3  }
0x33: {  	p0 =	seq.s32 s10, $0x1;
	s10 =	sld [smem:$0x3FB1];
	_ =	sdelay $0x3  }
0x34: {  	[smem:$0x3FB1] =	sst s10  }
0x35: {  	s10 =	sld [smem:$0x3FB0];
	_ =	sdelay $0x3  }
0x36: {  	p1 =	seq.s32 s10, $0x1;
	s10 =	sld [smem:$0x3FB1];
	_ =	sdelay $0x3  }
0x37: {  	[smem:$0x3FB1] =	sst s10  }
0x38: {  	s10 =	sld [smem:$0x3FB2]  }
0x39: {  	_ = 	snop;
	(pc) =	sbr.ind lr, $3  }
0x3a: {  	_ = 	snop  }
0x3b: {  	_ = 	snop  }
0x3c: {  	p2 =	seq.s32 s10, $0x1;
	s10 =	sld [smem:$0x3FB1]  }
0x3d: {  	_ =	shalt  }
0x3e: {  	_ =	shalt  }
0x3f: {  	_ =	shalt  }
0x40: {  	_ =	shalt  }
0x41: {  	_ =	shalt  }
0x42: {  	_ =	shalt  }
0x43: {  	_ =	shalt  }
0x44: {  	_ =	shalt  }
0x45: {  	_ =	shalt  }
0x46: {  	_ =	shalt  }
0x47: {  	_ =	shalt  }
0x48: {  	_ =	shalt  }
0x49: {  	_ =	shalt  }
0x4a: {  	_ =	shalt  }
0x4b: {  	_ =	shalt  }
0x4c: {  	_ =	shalt  }
0x4d: {  	_ =	shalt  }
0x4e: {  	_ =	shalt  }
0x4f: {  	_ =	shalt  }
0x50: {  	_ =	shalt  }
0x51: {  	_ =	shalt  }
0x52: {  	_ =	shalt  }
0x53: {  	_ =	shalt  }
0x54: {  	_ =	shalt  }
0x55: {  	_ =	shalt  }
0x56: {  	_ =	shalt  }
0x57: {  	_ =	shalt  }
0x58: {  	_ =	shalt  }
0x59: {  	_ =	shalt  }
0x5a: {  	_ =	shalt  }
0x5b: {  	_ =	shalt  }
0x5c: {  	_ =	shalt  }
0x5d: {  	_ =	shalt  }
0x5e: {  	_ =	shalt  }
0x5f: {  	_ =	shalt  }
0x60: {  	_ =	shalt  }
0x61: {  	_ =	shalt  }
0x62: {  	_ =	shalt  }
0x63: {  	_ =	shalt  }
0x64: {  	_ =	shalt  }
0x65: {  	_ =	shalt  }
0x66: {  	_ =	shalt  }
0x67: {  	_ =	shalt  }
0x68: {  	_ =	shalt  }
0x69: {  	_ =	shalt  }
0x6a: {  	_ =	shalt  }
0x6b: {  	_ =	shalt  }
0x6c: {  	_ =	shalt  }
0x6d: {  	_ =	shalt  }
0x6e: {  	_ =	shalt  }
0x6f: {  	_ =	shalt  }
0x70: {  	_ =	shalt  }
0x71: {  	_ =	shalt  }
0x72: {  	_ =	shalt  }
0x73: {  	_ =	shalt  }
0x74: {  	_ =	shalt  }
0x75: {  	_ =	shalt  }
0x76: {  	_ =	shalt  }
0x77: {  	_ =	shalt  }
0x78: {  	_ =	shalt  }
0x79: {  	_ =	shalt  }
0x7a: {  	_ =	shalt  }
0x7b: {  	_ =	shalt  }
0x7c: {  	_ =	shalt  }
0x7d: {  	_ =	shalt  }
0x7e: {  	_ =	shalt  }
0x7f: {  	_ =	shalt  }
0x80: {  	_ =	shalt  }
0x81: {  	_ =	shalt  }
0x82: {  	_ =	shalt  }
0x83: {  	_ =	shalt  }
0x84: {  	_ =	shalt  }
0x85: {  	_ =	shalt  }
0x86: {  	_ =	shalt  }
0x87: {  	_ =	shalt  }
.Lfunc_end0:
.L_simem_size_0:
called_computation.3_lowered:
.L_overlay_start_0:
0x88: {  	s2 =	sld [smem:$0x3FD9]  }
0x89: {  	s3 =	sld [smem:$0x3FFE];
	_ =	sdelay $0x1  }
0x8a: {  	s1 =	srdreg.scid  }
0x8b: {  	s0 =	sand.u32 $0x1, s1  }
0x8c: {  	s17 =	sshll.u32 s0, $0xA;
	s2 =	sadd.s32 s3, s2  }
0x8d: {  	s2 =	sadd.s32 s2, s17  }
0x8e: {  	[smem:$0x3FBD] =	sst s2  }
0x8f: {  	_ = 	snop  }
0x90: {  	s18 =	sld [smem:$0x3FD0];
	(tm) =	ssettm $0x1  }
0x91: {  	s19 =	sld [smem:$0x3FFB];
	_ =	sdelay $0x3  }
0x92: {  	_ =	strace s19  }
0x93: {  	s2 =	sld [smem:$0x3FFC];
	_ =	sdelay $0x3  }
0x94: {  	_ =	strace s2  }
0x95: {  	s2 =	sld [smem:$0x3FFD];
	_ =	sdelay $0x3  }
0x96: {  	_ =	strace s2  }
0x97: {  	_ =	strace $0x8FFFFFFF  }
0x98: {  	s20 =	sld [smem:$0x3FDB];
	_ =	sdelay $0x1  }
0x99: {  	s4 =	simm.s32 $_scs_section_size  }
0x9a: {  	s5 =	simm.s32 $_size__tile_overlayer_lowered;
	s6 =	simm.s32 $_tile_overlayer_lowered  }
0x9b: {  	s7 =	simm.s32 $0x1BFF;
	s21 =	sshll.u32 s6, $0x1;
	s4 =	sadd.s32 s4, s20  }
0x9c: {  	s22 =	simm.s32 $0x0;
	s5 =	sshll.u32 s5, $0x1;
	s6 =	sadd.s32 s21, s4  }
0x9d: {  	[timem:s22], [sflag:s7] =	dma.local [hbm:s6], s5  }
0x9e: {  	_ =	swait.ge [sflag:s7], s5  }
0x9f: {  	s5 =	ssub.s32 $0x0, s5;
	[sflag:s7] =	ssyncset.done $0x0  }
0xa0: {  	[sflag:s7] =	ssyncadd.s32 s5;
	_ =	sdelay $0x1  }
0xa1: {  	s23 =	simm.s32 $0x1B8B  }
0xa2: {  	_ =	swait.ge [sflag:s23], $0x1  }
0xa3: {  	[sflag:s23] =	ssyncset.done $0x0  }
0xa4: {  	[sflag:s23] =	ssyncadd.s32 $0xFFFFFFFF  }
0xa5: {  	s5 =	sld [smem:$0x0]  }
0xa6: {  	s6 =	sand.u32 $0xFFFFFFFE, s1  }
0xa7: {  	p0 =	sne.s32 s1, s6  }
0xa8: {  	s6 =	sshll.u32 @p0 s6, $0xE  }
0xa9: {  	s6 =	sadd.s32 @p0 $0x11B8D, s6;
	s7 =	sshll.u32 @p0 s5, $0x11  }
0xaa: {  	s6 =	sor.u32 @p0 s7, s6  }
0xab: {  	[sflag:s6] =	ssyncadd.remote.s32 @p0 $0x1;
	_ =	sdelay $0x1  }
0xac: {  	s6 =	simm.s32 @p0 $0x1B8D  }
0xad: {  	_ =	swait.eq @p0 [sflag:s6], $0x1  }
0xae: {  	[sflag:s6] =	ssyncadd.s32 @p0 $0xFFFFFFFF  }
0xaf: {  	s7 =	sshll.u32 @!p0 s1, $0xE  }
0xb0: {  	s7 =	sor.u32 @!p0 $0x4000, s7;
	s6 =	simm.s32 @!p0 $0x1B8D  }
0xb1: {  	s5 =	sshll.u32 @!p0 s5, $0x11;
	s7 =	sadd.s32 @!p0 $0x11B8D, s7;
	_ =	swait.eq @!p0 [sflag:s6], $0x1  }
0xb2: {  	s5 =	sor.u32 @!p0 s5, s7;
	[sflag:s6] =	ssyncadd.s32 @!p0 $0xFFFFFFFF  }
0xb3: {  	s25 =	simm.s32 $0x1B8E;
	s24 =	sld [smem:$0x3FFE];
	[sflag:s5] =	ssyncadd.remote.s32 @!p0 $0x1  }
0xb4: {  	s26 =	simm.s32 $execute0_lowered;
	[smem:$0x3FD2] =	sst s25  }
0xb5: {  	s6 =	sshll.u32 s26, $0x1;
	_ =	strace $0x8000004F;
	[dreg:$0x1] =	wrdreg $0xFFFFFFFF  }
0xb6: {  	s28 =	simm.s32 $_size_execute0_lowered;
	s4 =	sadd.s32 s4, s6;
	[dreg:$0x0] =	wrdreg $0x0  }
0xb7: {  	s6 =	sshll.u32 s28, $0x1;
	[dreg:$0x2] =	wrdreg s4  }
0xb8: {  	[dreg:$0x3] =	wrdreg s6  }
0xb9: {  	[dreg:$0x4] =	wrdreg $0xC0  }
0xba: {  	_ =	task [dreg:s22], $0x5FFFF  }
0xbb: {  	[dreg:$0x1] =	wrdreg $0xFFFFFFFF  }
0xbc: {  	[dreg:$0x0] =	wrdreg $0x60  }
0xbd: {  	[dreg:$0x2] =	wrdreg s18  }
0xbe: {  	[dreg:$0x3] =	wrdreg s24  }
0xbf: {  	[dreg:$0x4] =	wrdreg $0xD  }
0xc0: {  	_ =	task.clear_ibuf [dreg:s22], $0x5FFFF;
	_ =	strace $0x9000004F  }
0xc1: {  	s29 =	simm.s32 $0xD;
	_ =	strace $0x80000051  }
0xc2: {  	_ =	swait.ge [sflag:s29], $0x1  }
0xc3: {  	[sflag:s29] =	ssyncadd.s32 $0xFFFFFFFF  }
0xc4: {  	_ =	strace $0x90000051  }
0xc5: {  	_ =	sfence  }
0xc6: {  	s30 =	sld [smem:$0x0];
	_ =	sdelay $0x2  }
0xc7: {  	s31 =	sshll.u32 s1, $0xD;
	s1 =	sshrl.u32 s1, $0x2  }
0xc8: {  	s4 =	sand.u32 $0x4000, s31;
	s1 =	sadd.s32 s1, s30  }
0xc9: {  	s0 =	sor.u32 s4, s0;
	s1 =	sshll.u32 s1, $0x11  }
0xca: {  	s0 =	sor.u32 s1, s0  }
0xcb: {  	s0 =	sadd.s32 $0x8F2B, s0  }
0xcc: {  	[sflag:s0] =	ssyncadd.remote.s32 $0x1  }
0xcd: {  	_ =	sfence.sel $0xFFFF  }
0xce: {  	[dreg:$0x0] =	wrdreg $0xFFFFFFFF;
	(pc) =	sbr.abs _section_cstart, $3  }
0xcf: {  	[dreg:$0x1] =	wrdreg $0xFFFFFFFF  }
0xd0: {  	_ =	task.clear_ibuf [dreg:s22], $0x2FFFF;
	_ =	strace $0x9FFFFFFF  }
0xd1: {  	(tm) =	ssettm $0x7FFFFFFF  }
tec
execute0_lowered:
.L_overlay_start_1:
0x0: {  	(tag) =	ssettag $0x1  }
0x1: {  	s1 =	srdreg.scid;
	s2 =	rddreg [dreg:$0x0]  }
0x2: {  	s0 =	stileid.u32;
	s8 =	rddreg [dreg:$0x1];
	s6 =	sand.u32 $0x1, s1  }
0x3: {  	s3 =	simm.s32 $0x0;
	s4 =	sshll.u32 s0, $0x8;
	s5 =	sshll.u32 s6, $0x7  }
0x4: {  	[smem:$0x7FF] =	sst s3;
	s9 =	sor.u32 s5, s4  }
0x5: {  	s1 =	rddreg [dreg:$0x2];
	_ =	strace $0x80000050;
	s4 =	sshrl.u32 s9, $0x3  }
0x6: {  	s10 =	ssub.s32 $0x2, s6;
	s5 =	sadd.s32 s8, s4;
	s4 =	simm.s32 $0x2  }
0x7: {  	[tilespmem:s3], [sflag:$0x2] =	stream.linear.gather [hbm4b:s5+s3], $0x80, $0x38;
	[tilespmem:$0x480] =	vst v63  }
0x8: {  	s7 =	simm.s32 $0x1;
	s11 =	sshrl.u32 s10, $0x1;
	_ =	swait.ge [sflag:s4], $0x80  }
0x9: {  	s6 =	simm.s32 $0x80;
	s31 =	ssub.s32 s10, s11;
	[sflag:s4] =	ssyncset.done $0x0  }
0xa: {  	s8 =	sadd.s32 s9, s8;
	s9 =	smax.u32 s31, $0x1;
	[sflag:s4] =	ssyncadd.s32 $0xFFFFFF80  }
0xb: {  	[tilespmem:s6], [sflag:$0x1] =	stream.indirect.gather [hbm4b:s2+s6], $0x8, s3, s6, $0xb8;
	[tilespmem:$0x480] =	vst v63  }
0xc: {  	p0 =	sne.s32 s9, $0x1;
	_ =	swait.ge [sflag:s7], $0x400  }
.Ltmp0:
0xd: {  	[sflag:s7] =	ssyncset.done $0x0;
	(pc) =	sbr.rel @!p0 .LBB2_2-.Ltmp0, $4  }
0xe: {  	s8 =	sadd.s32 $0x200, s8;
	[sflag:s7] =	ssyncadd.s32 $0xFFFFFC00  }
0xf: {  	[hbm4b:s8+s3] =	stream.linear.scatter [tilespmem:s6], [sflag:$0x2], $0x400, $0x38;
	[tilespmem:$0x480] =	vst v63  }
0x10: {  	_ =	swait.ge [sflag:s4], $0x400  }
0x11: {  	s9 =	sadd.s32 $0xFFFFFFFF, s9;
	[sflag:s4] =	ssyncset.done $0x0  }
.LBB2_1:
0x12: {  	p0 =	sne.s32 s9, $0x1;
	s9 =	sadd.s32 $0xFFFFFFFF, s9;
	[sflag:s4] =	ssyncadd.s32 $0xFFFFFC00  }
0x13: {  	[tilespmem:s3], [sflag:$0x2] =	stream.linear.gather [hbm4b:s5+s3], $0x80, $0x38;
	[tilespmem:$0x480] =	vst v63  }
0x14: {  	_ =	swait.ge [sflag:s4], $0x80  }
0x15: {  	[sflag:s4] =	ssyncset.done $0x0  }
0x16: {  	[sflag:s4] =	ssyncadd.s32 $0xFFFFFF80  }
0x17: {  	[tilespmem:s6], [sflag:$0x1] =	stream.indirect.gather [hbm4b:s2+s6], $0x8, s3, s6, $0xb8;
	[tilespmem:$0x480] =	vst v63  }
0x18: {  	_ =	swait.ge [sflag:s7], $0x400  }
.Ltmp1:
0x19: {  	[sflag:s7] =	ssyncset.done $0x0;
	(pc) =	sbr.rel @p0 .LBB2_1-.Ltmp1, $4  }
0x1a: {  	[sflag:s7] =	ssyncadd.s32 $0xFFFFFC00  }
0x1b: {  	[hbm4b:s8+s3] =	stream.linear.scatter [tilespmem:s6], [sflag:$0x2], $0x400, $0x38;
	[tilespmem:$0x480] =	vst v63  }
0x1c: {  	_ =	swait.ge [sflag:s4], $0x400  }
0x1d: {  	[sflag:s4] =	ssyncset.done $0x0  }
.LBB2_2:
0x1e: {  	[sflag:s4] =	ssyncadd.s32 $0xFFFFFC00  }
0x1f: {  	_ =	sfence.sel $0x180000  }
0x20: {  	[bflag:$0x0] =	sbarrier.arrive $0xFFFF  }
0x21: {  	p0 =	sne.s32 s0, $0x0;
	_ =	strace $0x90000050  }
0x22: {  	s0 =	sadd.s32 @!p0 $0x100000, s1;
	[bflag:$0x2] =	sbarrier.arrive $0xFFFF  }
0x23: {  	[sflag:s0] =	ssyncadd.tile.s32 @!p0 $0x1;
	_ =	shalt  }
.Lfunc_end2:
_tile_overlayer_lowered:
.L_overlay_start_2:
0x24: {  	(tag) =	ssettag $0x2  }
0x25: {  	s0 =	rddreg [dreg:$0x0];
	s2 =	stileid.u32  }
0x26: {  	s1 =	rddreg [dreg:$0x1];
	p0 =	sne.s32 s2, $0x0  }
0x27: {  	s3 =	rddreg [dreg:$0x2];
	[bflag:$0x3] =	sbarrier.arrive $0xFFFF;
	s2 =	simm.s32 @!p0 $0x1C02  }
0x28: {  	[timem:s3], [sflag:s2] =	dma.local @!p0 [hbm:s0], s1  }
0x29: {  	s0 =	simm.s32 @!p0 $0x2  }
0x2a: {  	_ =	swait.ge @!p0 [sflag:s0], s1  }
0x2b: {  	s1 =	ssub.s32 @!p0 $0x0, s1;
	[sflag:s0] =	ssyncset.done @!p0 $0x0  }
0x2c: {  	[sflag:s0] =	ssyncadd.s32 @!p0 s1  }
0x2d: {  	[bflag:$0x3] =	sbarrier.arrive $0xFFFF  }
0x2e: {  	_ =	shalt  }

// kernel: kernel.21.cloned.1.call-start
scs
__scs_entry_jumppad:
0x0: {  	(pc) =	sbr.rel $0x88, $3  }
0x1: {  	(tag) =	ssettag $0x0;
	lr =	simm.s32 $0x1  }
0x2: {  	[smem:$0x3F96] =	sst lr;
	_ =	strace $0xD0000000  }
0x3: {  	_ = 	snop  }
0x4: {  	_ = 	snop  }
0x5: {  	_ = 	snop  }
0x6: {  	_ = 	snop  }
0x7: {  	_ = 	snop  }
__scs_overlays_trampoline_lowered:
0x8: {  	[smem:$0x3FA5] =	sst s0  }
0x9: {  	[smem:$0x3FA6] =	sst s1  }
0xa: {  	[smem:$0x3FA7] =	sst s2  }
0xb: {  	[smem:$0x3FA8] =	sst s3  }
0xc: {  	[smem:$0x3FA9] =	sst s4  }
0xd: {  	[smem:$0x3FAA] =	sst s5  }
0xe: {  	[smem:$0x3FAB] =	sst s6  }
0xf: {  	[smem:$0x3FAC] =	sst s7  }
0x10: {  	[smem:$0x3FAD] =	sst s8  }
0x11: {  	[smem:$0x3FAE] =	sst s9;
	s0 =	simm.s32 @!p0 $0x0  }
0x12: {  	s1 =	sld [smem:$0x3F94];
	s0 =	simm.s32 @p0 $0x1  }
0x13: {  	[smem:$0x3FAF] =	sst s0;
	s0 =	simm.s32 @!p1 $0x0  }
0x14: {  	s2 =	sld [smem:$0x3F93];
	s0 =	simm.s32 @p1 $0x1  }
0x15: {  	[smem:$0x3FB0] =	sst s0;
	s0 =	simm.s32 @!p2 $0x0  }
0x16: {  	s3 =	sld [smem:$0x3FDB];
	s0 =	simm.s32 @p2 $0x1  }
0x17: {  	s4 =	simm.s32 $0x1BF5;
	[smem:$0x3FB2] =	sst s0  }
0x18: {  	s0 =	sld [smem:$0x3F95];
	_ =	swait.ge [sflag:s4], $0x0  }
0x19: {  	s7 =	sld [smem:$0x3F96]  }
0x1a: {  	s8 =	sadd.s32 $0xFFFFE003, lr  }
0x1b: {  	s9 =	sadd.s32 $0xFFFFFEF7, lr;
	s5 =	simm.s32 $0xFFFFFFFF;
	p2 =	slt.u32 s8, $0xFFFFF086  }
0x1c: {  	p1 =	slt.u32 s9, $0xF7A;
	s5 =	simm.s32 @!p2 $0x0  }
0x1d: {  	s5 =	simm.s32 @p1 $0x1;
	p0 =	seq.s32 s7, s2  }
0x1e: {  	s7 =	smul.u32 @!p0 $0xF7A, s2;
	p2 =	seq.s32 @!p0 s5, $0x0  }
0x1f: {  	s9 =	smul.u32 $0xF7A, s1;
	s8 =	simm.s32 @!p0 $0x1BF5;
	p2 =	por !p2, p0  }
0x20: {  	[sflag:s8] =	ssyncset.s32 @!p0 $0xFFFFF086;
	s6 =	sadd.s32 @!p0 s3, s7;
	s7 =	simm.s32 @!p0 $0x108  }
0x21: {  	s3 =	sadd.s32 s3, s9;
	s6 =	sadd.s32 @!p0 $0x88, s6;
	s7 =	simm.s32 @p2 $0x1082  }
0x22: {  	[simem:s7], [sflag:s8] =	dma.local @!p0 [hbm:s6], $0xF7A  }
0x23: {  	s9 =	sor.u32 $0xD0000000, s2;
	s6 =	simm.s32 $0x108;
	_ =	swait.ge @!p0 [sflag:s8], $0x0  }
0x24: {  	s3 =	sadd.s32 $0x88, s3;
	s6 =	simm.s32 @!p1 $0x1082;
	[sflag:s4] =	ssyncset.s32 $0xFFFFF086  }
0x25: {  	[simem:s6], [sflag:s4] =	dma.local [hbm:s3], $0xF7A  }
0x26: {  	[smem:$0x3F96] =	sst s1;
	(tag) =	ssettag s2;
	_ =	strace s9  }
0x27: {  	s1 =	sld [smem:$0x3FA6]  }
0x28: {  	s2 =	sld [smem:$0x3FA7]  }
0x29: {  	s4 =	sld [smem:$0x3FA9]  }
0x2a: {  	p0 =	seq.s32 s5, $0x0;
	s5 =	sld [smem:$0x3FAA]  }
0x2b: {  	s6 =	sld [smem:$0x3FAB]  }
0x2c: {  	s7 =	sld [smem:$0x3FAC]  }
0x2d: {  	s3 =	simm.s32 $0x108;
	s8 =	sld [smem:$0x3FAD]  }
0x2e: {  	s3 =	simm.s32 @!p0 $0x1082;
	s9 =	sld [smem:$0x3FAE]  }
0x2f: {  	lr =	sadd.s32 s0, s3;
	s0 =	sld [smem:$0x3FA5]  }
0x30: {  	s3 =	sld [smem:$0x3FA8]  }
0x31: {  	[smem:$0x3FB1] =	sst s10  }
0x32: {  	s10 =	sld [smem:$0x3FAF];
	_ =	sdelay $0x3  }
0x33: {  	p0 =	seq.s32 s10, $0x1;
	s10 =	sld [smem:$0x3FB1];
	_ =	sdelay $0x3  }
0x34: {  	[smem:$0x3FB1] =	sst s10  }
0x35: {  	s10 =	sld [smem:$0x3FB0];
	_ =	sdelay $0x3  }
0x36: {  	p1 =	seq.s32 s10, $0x1;
	s10 =	sld [smem:$0x3FB1];
	_ =	sdelay $0x3  }
0x37: {  	[smem:$0x3FB1] =	sst s10  }
0x38: {  	s10 =	sld [smem:$0x3FB2]  }
0x39: {  	_ = 	snop;
	(pc) =	sbr.ind lr, $3  }
0x3a: {  	_ = 	snop  }
0x3b: {  	_ = 	snop  }
0x3c: {  	p2 =	seq.s32 s10, $0x1;
	s10 =	sld [smem:$0x3FB1]  }
0x3d: {  	_ =	shalt  }
0x3e: {  	_ =	shalt  }
0x3f: {  	_ =	shalt  }
0x40: {  	_ =	shalt  }
0x41: {  	_ =	shalt  }
0x42: {  	_ =	shalt  }
0x43: {  	_ =	shalt  }
0x44: {  	_ =	shalt  }
0x45: {  	_ =	shalt  }
0x46: {  	_ =	shalt  }
0x47: {  	_ =	shalt  }
0x48: {  	_ =	shalt  }
0x49: {  	_ =	shalt  }
0x4a: {  	_ =	shalt  }
0x4b: {  	_ =	shalt  }
0x4c: {  	_ =	shalt  }
0x4d: {  	_ =	shalt  }
0x4e: {  	_ =	shalt  }
0x4f: {  	_ =	shalt  }
0x50: {  	_ =	shalt  }
0x51: {  	_ =	shalt  }
0x52: {  	_ =	shalt  }
0x53: {  	_ =	shalt  }
0x54: {  	_ =	shalt  }
0x55: {  	_ =	shalt  }
0x56: {  	_ =	shalt  }
0x57: {  	_ =	shalt  }
0x58: {  	_ =	shalt  }
0x59: {  	_ =	shalt  }
0x5a: {  	_ =	shalt  }
0x5b: {  	_ =	shalt  }
0x5c: {  	_ =	shalt  }
0x5d: {  	_ =	shalt  }
0x5e: {  	_ =	shalt  }
0x5f: {  	_ =	shalt  }
0x60: {  	_ =	shalt  }
0x61: {  	_ =	shalt  }
0x62: {  	_ =	shalt  }
0x63: {  	_ =	shalt  }
0x64: {  	_ =	shalt  }
0x65: {  	_ =	shalt  }
0x66: {  	_ =	shalt  }
0x67: {  	_ =	shalt  }
0x68: {  	_ =	shalt  }
0x69: {  	_ =	shalt  }
0x6a: {  	_ =	shalt  }
0x6b: {  	_ =	shalt  }
0x6c: {  	_ =	shalt  }
0x6d: {  	_ =	shalt  }
0x6e: {  	_ =	shalt  }
0x6f: {  	_ =	shalt  }
0x70: {  	_ =	shalt  }
0x71: {  	_ =	shalt  }
0x72: {  	_ =	shalt  }
0x73: {  	_ =	shalt  }
0x74: {  	_ =	shalt  }
0x75: {  	_ =	shalt  }
0x76: {  	_ =	shalt  }
0x77: {  	_ =	shalt  }
0x78: {  	_ =	shalt  }
0x79: {  	_ =	shalt  }
0x7a: {  	_ =	shalt  }
0x7b: {  	_ =	shalt  }
0x7c: {  	_ =	shalt  }
0x7d: {  	_ =	shalt  }
0x7e: {  	_ =	shalt  }
0x7f: {  	_ =	shalt  }
0x80: {  	_ =	shalt  }
0x81: {  	_ =	shalt  }
0x82: {  	_ =	shalt  }
0x83: {  	_ =	shalt  }
0x84: {  	_ =	shalt  }
0x85: {  	_ =	shalt  }
0x86: {  	_ =	shalt  }
0x87: {  	_ =	shalt  }
.Lfunc_end0:
.L_simem_size_0:
called_computation.4_lowered:
.L_overlay_start_0:
0x88: {  	s2 =	sld [smem:$0x3FD9]  }
0x89: {  	s3 =	sld [smem:$0x3FFE];
	_ =	sdelay $0x1  }
0x8a: {  	s1 =	srdreg.scid  }
0x8b: {  	s0 =	sand.u32 $0x1, s1  }
0x8c: {  	s17 =	sshll.u32 s0, $0xA;
	s2 =	sadd.s32 s3, s2  }
0x8d: {  	s2 =	sadd.s32 s2, s17  }
0x8e: {  	[smem:$0x3FBD] =	sst s2  }
0x8f: {  	_ = 	snop  }
0x90: {  	(tm) =	ssettm $0x1  }
0x91: {  	s18 =	sld [smem:$0x3FFB];
	_ =	sdelay $0x3  }
0x92: {  	_ =	strace s18  }
0x93: {  	s2 =	sld [smem:$0x3FFC];
	_ =	sdelay $0x3  }
0x94: {  	_ =	strace s2  }
0x95: {  	s2 =	sld [smem:$0x3FFD];
	_ =	sdelay $0x3  }
0x96: {  	_ =	strace s2  }
0x97: {  	_ =	strace $0x8FFFFFFF  }
0x98: {  	s19 =	sld [smem:$0x3FDB];
	_ =	sdelay $0x1  }
0x99: {  	s20 =	simm.s32 $_scs_section_size  }
0x9a: {  	s4 =	simm.s32 $_size__tile_overlayer_lowered;
	s5 =	simm.s32 $_tile_overlayer_lowered  }
0x9b: {  	s6 =	simm.s32 $0x1BFF;
	s21 =	sshll.u32 s5, $0x1;
	s3 =	sadd.s32 s20, s19  }
0x9c: {  	s22 =	simm.s32 $0x0;
	s4 =	sshll.u32 s4, $0x1;
	s5 =	sadd.s32 s21, s3  }
0x9d: {  	[timem:s22], [sflag:s6] =	dma.local [hbm:s5], s4  }
0x9e: {  	_ =	swait.ge [sflag:s6], s4  }
0x9f: {  	s4 =	ssub.s32 $0x0, s4;
	[sflag:s6] =	ssyncset.done $0x0  }
0xa0: {  	[sflag:s6] =	ssyncadd.s32 s4;
	_ =	sdelay $0x1  }
0xa1: {  	s23 =	simm.s32 $0x1B8B  }
0xa2: {  	_ =	swait.ge [sflag:s23], $0x1  }
0xa3: {  	[sflag:s23] =	ssyncset.done $0x0  }
0xa4: {  	[sflag:s23] =	ssyncadd.s32 $0xFFFFFFFF  }
0xa5: {  	s4 =	sld [smem:$0x0]  }
0xa6: {  	s5 =	sand.u32 $0xFFFFFFFE, s1  }
0xa7: {  	p0 =	sne.s32 s1, s5  }
0xa8: {  	s5 =	sshll.u32 @p0 s5, $0xE  }
0xa9: {  	s5 =	sadd.s32 @p0 $0x11B8D, s5;
	s6 =	sshll.u32 @p0 s4, $0x11  }
0xaa: {  	s5 =	sor.u32 @p0 s6, s5  }
0xab: {  	[sflag:s5] =	ssyncadd.remote.s32 @p0 $0x1;
	_ =	sdelay $0x1  }
0xac: {  	s5 =	simm.s32 @p0 $0x1B8D  }
0xad: {  	_ =	swait.eq @p0 [sflag:s5], $0x1  }
0xae: {  	[sflag:s5] =	ssyncadd.s32 @p0 $0xFFFFFFFF  }
0xaf: {  	s6 =	sshll.u32 @!p0 s1, $0xE  }
0xb0: {  	s6 =	sor.u32 @!p0 $0x4000, s6;
	s5 =	simm.s32 @!p0 $0x1B8D  }
0xb1: {  	s4 =	sshll.u32 @!p0 s4, $0x11;
	s6 =	sadd.s32 @!p0 $0x11B8D, s6;
	_ =	swait.eq @!p0 [sflag:s5], $0x1  }
0xb2: {  	s4 =	sor.u32 @!p0 s4, s6;
	[sflag:s5] =	ssyncadd.s32 @!p0 $0xFFFFFFFF  }
0xb3: {  	s25 =	simm.s32 $0x1B8E;
	s24 =	sld [smem:$0x3FFE];
	[sflag:s4] =	ssyncadd.remote.s32 @!p0 $0x1  }
0xb4: {  	s26 =	simm.s32 $execute0_lowered;
	[smem:$0x3FD2] =	sst s25  }
0xb5: {  	s5 =	sshll.u32 s26, $0x1;
	_ =	strace $0x80000049;
	[dreg:$0x1] =	wrdreg $0xFFFFFFFF  }
0xb6: {  	s28 =	simm.s32 $_size_execute0_lowered;
	s3 =	sadd.s32 s3, s5;
	[dreg:$0x0] =	wrdreg $0x0  }
0xb7: {  	s5 =	sshll.u32 s28, $0x1;
	[dreg:$0x2] =	wrdreg s3  }
0xb8: {  	[dreg:$0x3] =	wrdreg s5  }
0xb9: {  	[dreg:$0x4] =	wrdreg $0xC0  }
0xba: {  	_ =	task [dreg:s22], $0x5FFFF  }
0xbb: {  	[dreg:$0x1] =	wrdreg $0xFFFFFFFF  }
0xbc: {  	[dreg:$0x0] =	wrdreg $0x60  }
0xbd: {  	[dreg:$0x2] =	wrdreg s24  }
0xbe: {  	[dreg:$0x3] =	wrdreg $0x9  }
0xbf: {  	_ =	task.clear_ibuf [dreg:s22], $0x4FFFF;
	_ =	strace $0x90000049  }
0xc0: {  	s29 =	simm.s32 $0x9;
	_ =	strace $0x8000004B  }
0xc1: {  	_ =	swait.ge [sflag:s29], $0x1  }
0xc2: {  	[sflag:s29] =	ssyncadd.s32 $0xFFFFFFFF  }
0xc3: {  	_ =	strace $0x9000004B  }
0xc4: {  	_ =	sfence  }
0xc5: {  	s30 =	sld [smem:$0x0];
	_ =	sdelay $0x2  }
0xc6: {  	s31 =	sshll.u32 s1, $0xD;
	s1 =	sshrl.u32 s1, $0x2  }
0xc7: {  	s4 =	sand.u32 $0x4000, s31;
	s1 =	sadd.s32 s1, s30  }
0xc8: {  	s0 =	sor.u32 s4, s0;
	s1 =	sshll.u32 s1, $0x11  }
0xc9: {  	s0 =	sor.u32 s1, s0  }
0xca: {  	s0 =	sadd.s32 $0x8F2B, s0  }
0xcb: {  	[sflag:s0] =	ssyncadd.remote.s32 $0x1  }
0xcc: {  	_ =	sfence.sel $0xFFFF  }
0xcd: {  	[dreg:$0x0] =	wrdreg $0xFFFFFFFF;
	(pc) =	sbr.abs _section_cstart, $3  }
0xce: {  	[dreg:$0x1] =	wrdreg $0xFFFFFFFF  }
0xcf: {  	_ =	task.clear_ibuf [dreg:s22], $0x2FFFF;
	_ =	strace $0x9FFFFFFF  }
0xd0: {  	(tm) =	ssettm $0x7FFFFFFF  }
0xd1: {  	_ =	shalt  }
tec
execute0_lowered:
.L_overlay_start_1:
0x0: {  	(tag) =	ssettag $0x1  }
0x1: {  	s1 =	srdreg.scid;
	s0 =	stileid.u32  }
0x2: {  	s6 =	sand.u32 $0x1, s1;
	s30 =	sshll.u32 s0, $0x1  }
0x3: {  	s8 =	rddreg [dreg:$0x0];
	s7 =	sor.u32 s6, s30  }
0x4: {  	s2 =	simm.s32 $0x0;
	s1 =	rddreg [dreg:$0x1];
	s3 =	smul.u32 $0x6, s7  }
0x5: {  	[smem:$0x7FF] =	sst s2;
	s5 =	sadd.s32 $0x200000, s8  }
0x6: {  	_ =	strace $0x8000004A;
	s10 =	ssub.s32 $0x2, s6;
	s3 =	sadd.s32 s3, s8  }
0x7: {  	s6 =	simm.s32 $0x30;
	s4 =	sadd.s32 $0x200800, s3;
	s3 =	simm.s32 $0x2  }
0x8: {  	[tilespmem:s2], [sflag:$0x2] =	stream.linear.gather [hbm4b:s4+s2], $0x30, $0x38;
	[tilespmem:$0x1B0] =	vst v63  }
0x9: {  	s9 =	smul.u32 $0x30, s7;
	s11 =	sshrl.u32 s10, $0x1;
	_ =	swait.ge [sflag:s3], $0x30  }
0xa: {  	s7 =	simm.s32 $0x1;
	s31 =	ssub.s32 s10, s11;
	[sflag:s3] =	ssyncset.done $0x0  }
0xb: {  	s8 =	sadd.s32 s9, s8;
	s9 =	smax.u32 s31, $0x1;
	[sflag:s3] =	ssyncadd.s32 $0xFFFFFFD0  }
0xc: {  	[tilespmem:s6], [sflag:$0x1] =	stream.indirect.gather [hbm4b:s5+s6], $0x8, s2, s6, $0xb8;
	[tilespmem:$0x1B0] =	vst v63  }
0xd: {  	p0 =	sne.s32 s9, $0x1;
	_ =	swait.ge [sflag:s7], $0x180  }
.Ltmp0:
0xe: {  	[sflag:s7] =	ssyncset.done $0x0;
	(pc) =	sbr.rel @!p0 .LBB2_2-.Ltmp0, $4  }
0xf: {  	s8 =	sadd.s32 $0x200A00, s8;
	[sflag:s7] =	ssyncadd.s32 $0xFFFFFE80  }
0x10: {  	[hbm4b:s8+s2] =	stream.linear.scatter [tilespmem:s6], [sflag:$0x2], $0x180, $0x38;
	[tilespmem:$0x1B0] =	vst v63  }
0x11: {  	_ =	swait.ge [sflag:s3], $0x180  }
0x12: {  	s9 =	sadd.s32 $0xFFFFFFFF, s9;
	[sflag:s3] =	ssyncset.done $0x0  }
.LBB2_1:
0x13: {  	p0 =	sne.s32 s9, $0x1;
	s9 =	sadd.s32 $0xFFFFFFFF, s9;
	[sflag:s3] =	ssyncadd.s32 $0xFFFFFE80  }
0x14: {  	[tilespmem:s2], [sflag:$0x2] =	stream.linear.gather [hbm4b:s4+s2], $0x30, $0x38;
	[tilespmem:$0x1B0] =	vst v63  }
0x15: {  	_ =	swait.ge [sflag:s3], $0x30  }
0x16: {  	[sflag:s3] =	ssyncset.done $0x0  }
0x17: {  	[sflag:s3] =	ssyncadd.s32 $0xFFFFFFD0  }
0x18: {  	[tilespmem:s6], [sflag:$0x1] =	stream.indirect.gather [hbm4b:s5+s6], $0x8, s2, s6, $0xb8;
	[tilespmem:$0x1B0] =	vst v63  }
0x19: {  	_ =	swait.ge [sflag:s7], $0x180  }
.Ltmp1:
0x1a: {  	[sflag:s7] =	ssyncset.done $0x0;
	(pc) =	sbr.rel @p0 .LBB2_1-.Ltmp1, $4  }
0x1b: {  	[sflag:s7] =	ssyncadd.s32 $0xFFFFFE80  }
0x1c: {  	[hbm4b:s8+s2] =	stream.linear.scatter [tilespmem:s6], [sflag:$0x2], $0x180, $0x38;
	[tilespmem:$0x1B0] =	vst v63  }
0x1d: {  	_ =	swait.ge [sflag:s3], $0x180  }
0x1e: {  	[sflag:s3] =	ssyncset.done $0x0  }
.LBB2_2:
0x1f: {  	[sflag:s3] =	ssyncadd.s32 $0xFFFFFE80  }
0x20: {  	_ =	sfence.sel $0x180000  }
0x21: {  	[bflag:$0x0] =	sbarrier.arrive $0xFFFF  }
0x22: {  	p0 =	sne.s32 s0, $0x0;
	_ =	strace $0x9000004A  }
0x23: {  	s0 =	sadd.s32 @!p0 $0x100000, s1;
	[bflag:$0x2] =	sbarrier.arrive $0xFFFF  }
0x24: {  	[sflag:s0] =	ssyncadd.tile.s32 @!p0 $0x1;
	_ =	shalt  }
.Lfunc_end2:
_tile_overlayer_lowered:
.L_overlay_start_2:
0x25: {  	(tag) =	ssettag $0x2  }
0x26: {  	s0 =	rddreg [dreg:$0x0];
	s2 =	stileid.u32  }
0x27: {  	s1 =	rddreg [dreg:$0x1];
	p0 =	sne.s32 s2, $0x0  }
0x28: {  	s3 =	rddreg [dreg:$0x2];
	[bflag:$0x3] =	sbarrier.arrive $0xFFFF;
	s2 =	simm.s32 @!p0 $0x1C02  }
0x29: {  	[timem:s3], [sflag:s2] =	dma.local @!p0 [hbm:s0], s1  }
0x2a: {  	s0 =	simm.s32 @!p0 $0x2  }
0x2b: {  	_ =	swait.ge @!p0 [sflag:s0], s1  }
0x2c: {  	s1 =	ssub.s32 @!p0 $0x0, s1;
	[sflag:s0] =	ssyncset.done @!p0 $0x0  }
0x2d: {  	[sflag:s0] =	ssyncadd.s32 @!p0 s1  }
0x2e: {  	[bflag:$0x3] =	sbarrier.arrive $0xFFFF  }
0x2f: {  	_ =	shalt  }

// kernel: kernel.24.cloned.1.call-start
scs
__scs_entry_jumppad:
0x0: {  	(pc) =	sbr.rel $0x88, $3  }
0x1: {  	(tag) =	ssettag $0x0;
	lr =	simm.s32 $0x1  }
0x2: {  	[smem:$0x3F96] =	sst lr;
	_ =	strace $0xD0000000  }
0x3: {  	_ = 	snop  }
0x4: {  	_ = 	snop  }
0x5: {  	_ = 	snop  }
0x6: {  	_ = 	snop  }
0x7: {  	_ = 	snop  }
__scs_overlays_trampoline_lowered:
0x8: {  	[smem:$0x3FA5] =	sst s0  }
0x9: {  	[smem:$0x3FA6] =	sst s1  }
0xa: {  	[smem:$0x3FA7] =	sst s2  }
0xb: {  	[smem:$0x3FA8] =	sst s3  }
0xc: {  	[smem:$0x3FA9] =	sst s4  }
0xd: {  	[smem:$0x3FAA] =	sst s5  }
0xe: {  	[smem:$0x3FAB] =	sst s6  }
0xf: {  	[smem:$0x3FAC] =	sst s7  }
0x10: {  	[smem:$0x3FAD] =	sst s8  }
0x11: {  	[smem:$0x3FAE] =	sst s9;
	s0 =	simm.s32 @!p0 $0x0  }
0x12: {  	s1 =	sld [smem:$0x3F94];
	s0 =	simm.s32 @p0 $0x1  }
0x13: {  	[smem:$0x3FAF] =	sst s0;
	s0 =	simm.s32 @!p1 $0x0  }
0x14: {  	s2 =	sld [smem:$0x3F93];
	s0 =	simm.s32 @p1 $0x1  }
0x15: {  	[smem:$0x3FB0] =	sst s0;
	s0 =	simm.s32 @!p2 $0x0  }
0x16: {  	s3 =	sld [smem:$0x3FDB];
	s0 =	simm.s32 @p2 $0x1  }
0x17: {  	s4 =	simm.s32 $0x1BF5;
	[smem:$0x3FB2] =	sst s0  }
0x18: {  	s0 =	sld [smem:$0x3F95];
	_ =	swait.ge [sflag:s4], $0x0  }
0x19: {  	s7 =	sld [smem:$0x3F96]  }
0x1a: {  	s8 =	sadd.s32 $0xFFFFE003, lr  }
0x1b: {  	s9 =	sadd.s32 $0xFFFFFEF7, lr;
	s5 =	simm.s32 $0xFFFFFFFF;
	p2 =	slt.u32 s8, $0xFFFFF086  }
0x1c: {  	p1 =	slt.u32 s9, $0xF7A;
	s5 =	simm.s32 @!p2 $0x0  }
0x1d: {  	s5 =	simm.s32 @p1 $0x1;
	p0 =	seq.s32 s7, s2  }
0x1e: {  	s7 =	smul.u32 @!p0 $0xF7A, s2;
	p2 =	seq.s32 @!p0 s5, $0x0  }
0x1f: {  	s9 =	smul.u32 $0xF7A, s1;
	s8 =	simm.s32 @!p0 $0x1BF5;
	p2 =	por !p2, p0  }
0x20: {  	[sflag:s8] =	ssyncset.s32 @!p0 $0xFFFFF086;
	s6 =	sadd.s32 @!p0 s3, s7;
	s7 =	simm.s32 @!p0 $0x108  }
0x21: {  	s3 =	sadd.s32 s3, s9;
	s6 =	sadd.s32 @!p0 $0x88, s6;
	s7 =	simm.s32 @p2 $0x1082  }
0x22: {  	[simem:s7], [sflag:s8] =	dma.local @!p0 [hbm:s6], $0xF7A  }
0x23: {  	s9 =	sor.u32 $0xD0000000, s2;
	s6 =	simm.s32 $0x108;
	_ =	swait.ge @!p0 [sflag:s8], $0x0  }
0x24: {  	s3 =	sadd.s32 $0x88, s3;
	s6 =	simm.s32 @!p1 $0x1082;
	[sflag:s4] =	ssyncset.s32 $0xFFFFF086  }
0x25: {  	[simem:s6], [sflag:s4] =	dma.local [hbm:s3], $0xF7A  }
0x26: {  	[smem:$0x3F96] =	sst s1;
	(tag) =	ssettag s2;
	_ =	strace s9  }
0x27: {  	s1 =	sld [smem:$0x3FA6]  }
0x28: {  	s2 =	sld [smem:$0x3FA7]  }
0x29: {  	s4 =	sld [smem:$0x3FA9]  }
0x2a: {  	p0 =	seq.s32 s5, $0x0;
	s5 =	sld [smem:$0x3FAA]  }
0x2b: {  	s6 =	sld [smem:$0x3FAB]  }
0x2c: {  	s7 =	sld [smem:$0x3FAC]  }
0x2d: {  	s3 =	simm.s32 $0x108;
	s8 =	sld [smem:$0x3FAD]  }
0x2e: {  	s3 =	simm.s32 @!p0 $0x1082;
	s9 =	sld [smem:$0x3FAE]  }
0x2f: {  	lr =	sadd.s32 s0, s3;
	s0 =	sld [smem:$0x3FA5]  }
0x30: {  	s3 =	sld [smem:$0x3FA8]  }
0x31: {  	[smem:$0x3FB1] =	sst s10  }
0x32: {  	s10 =	sld [smem:$0x3FAF];
	_ =	sdelay $0x3  }
0x33: {  	p0 =	seq.s32 s10, $0x1;
	s10 =	sld [smem:$0x3FB1];
	_ =	sdelay $0x3  }
0x34: {  	[smem:$0x3FB1] =	sst s10  }
0x35: {  	s10 =	sld [smem:$0x3FB0];
	_ =	sdelay $0x3  }
0x36: {  	p1 =	seq.s32 s10, $0x1;
	s10 =	sld [smem:$0x3FB1];
	_ =	sdelay $0x3  }
0x37: {  	[smem:$0x3FB1] =	sst s10  }
0x38: {  	s10 =	sld [smem:$0x3FB2]  }
0x39: {  	_ = 	snop;
	(pc) =	sbr.ind lr, $3  }
0x3a: {  	_ = 	snop  }
0x3b: {  	_ = 	snop  }
0x3c: {  	p2 =	seq.s32 s10, $0x1;
	s10 =	sld [smem:$0x3FB1]  }
0x3d: {  	_ =	shalt  }
0x3e: {  	_ =	shalt  }
0x3f: {  	_ =	shalt  }
0x40: {  	_ =	shalt  }
0x41: {  	_ =	shalt  }
0x42: {  	_ =	shalt  }
0x43: {  	_ =	shalt  }
0x44: {  	_ =	shalt  }
0x45: {  	_ =	shalt  }
0x46: {  	_ =	shalt  }
0x47: {  	_ =	shalt  }
0x48: {  	_ =	shalt  }
0x49: {  	_ =	shalt  }
0x4a: {  	_ =	shalt  }
0x4b: {  	_ =	shalt  }
0x4c: {  	_ =	shalt  }
0x4d: {  	_ =	shalt  }
0x4e: {  	_ =	shalt  }
0x4f: {  	_ =	shalt  }
0x50: {  	_ =	shalt  }
0x51: {  	_ =	shalt  }
0x52: {  	_ =	shalt  }
0x53: {  	_ =	shalt  }
0x54: {  	_ =	shalt  }
0x55: {  	_ =	shalt  }
0x56: {  	_ =	shalt  }
0x57: {  	_ =	shalt  }
0x58: {  	_ =	shalt  }
0x59: {  	_ =	shalt  }
0x5a: {  	_ =	shalt  }
0x5b: {  	_ =	shalt  }
0x5c: {  	_ =	shalt  }
0x5d: {  	_ =	shalt  }
0x5e: {  	_ =	shalt  }
0x5f: {  	_ =	shalt  }
0x60: {  	_ =	shalt  }
0x61: {  	_ =	shalt  }
0x62: {  	_ =	shalt  }
0x63: {  	_ =	shalt  }
0x64: {  	_ =	shalt  }
0x65: {  	_ =	shalt  }
0x66: {  	_ =	shalt  }
0x67: {  	_ =	shalt  }
0x68: {  	_ =	shalt  }
0x69: {  	_ =	shalt  }
0x6a: {  	_ =	shalt  }
0x6b: {  	_ =	shalt  }
0x6c: {  	_ =	shalt  }
0x6d: {  	_ =	shalt  }
0x6e: {  	_ =	shalt  }
0x6f: {  	_ =	shalt  }
0x70: {  	_ =	shalt  }
0x71: {  	_ =	shalt  }
0x72: {  	_ =	shalt  }
0x73: {  	_ =	shalt  }
0x74: {  	_ =	shalt  }
0x75: {  	_ =	shalt  }
0x76: {  	_ =	shalt  }
0x77: {  	_ =	shalt  }
0x78: {  	_ =	shalt  }
0x79: {  	_ =	shalt  }
0x7a: {  	_ =	shalt  }
0x7b: {  	_ =	shalt  }
0x7c: {  	_ =	shalt  }
0x7d: {  	_ =	shalt  }
0x7e: {  	_ =	shalt  }
0x7f: {  	_ =	shalt  }
0x80: {  	_ =	shalt  }
0x81: {  	_ =	shalt  }
0x82: {  	_ =	shalt  }
0x83: {  	_ =	shalt  }
0x84: {  	_ =	shalt  }
0x85: {  	_ =	shalt  }
0x86: {  	_ =	shalt  }
0x87: {  	_ =	shalt  }
.Lfunc_end0:
.L_simem_size_0:
called_computation.5_lowered:
.L_overlay_start_0:
0x88: {  	s2 =	sld [smem:$0x3FD9]  }
0x89: {  	s3 =	sld [smem:$0x3FFE];
	_ =	sdelay $0x1  }
0x8a: {  	s1 =	srdreg.scid  }
0x8b: {  	s0 =	sand.u32 $0x1, s1  }
0x8c: {  	s17 =	sshll.u32 s0, $0xA;
	s2 =	sadd.s32 s3, s2  }
0x8d: {  	s2 =	sadd.s32 s2, s17  }
0x8e: {  	[smem:$0x3FBD] =	sst s2  }
0x8f: {  	_ = 	snop  }
0x90: {  	(tm) =	ssettm $0x1  }
0x91: {  	s18 =	sld [smem:$0x3FFB];
	_ =	sdelay $0x3  }
0x92: {  	_ =	strace s18  }
0x93: {  	s2 =	sld [smem:$0x3FFC];
	_ =	sdelay $0x3  }
0x94: {  	_ =	strace s2  }
0x95: {  	s2 =	sld [smem:$0x3FFD];
	_ =	sdelay $0x3  }
0x96: {  	_ =	strace s2  }
0x97: {  	_ =	strace $0x8FFFFFFF  }
0x98: {  	s19 =	sld [smem:$0x3FDB];
	_ =	sdelay $0x1  }
0x99: {  	s20 =	simm.s32 $_scs_section_size  }
0x9a: {  	s4 =	simm.s32 $_size__tile_overlayer_lowered;
	s5 =	simm.s32 $_tile_overlayer_lowered  }
0x9b: {  	s6 =	simm.s32 $0x1BFF;
	s21 =	sshll.u32 s5, $0x1;
	s3 =	sadd.s32 s20, s19  }
0x9c: {  	s22 =	simm.s32 $0x0;
	s4 =	sshll.u32 s4, $0x1;
	s5 =	sadd.s32 s21, s3  }
0x9d: {  	[timem:s22], [sflag:s6] =	dma.local [hbm:s5], s4  }
0x9e: {  	_ =	swait.ge [sflag:s6], s4  }
0x9f: {  	s4 =	ssub.s32 $0x0, s4;
	[sflag:s6] =	ssyncset.done $0x0  }
0xa0: {  	[sflag:s6] =	ssyncadd.s32 s4;
	_ =	sdelay $0x1  }
0xa1: {  	s23 =	simm.s32 $0x1B8B  }
0xa2: {  	_ =	swait.ge [sflag:s23], $0x1  }
0xa3: {  	[sflag:s23] =	ssyncset.done $0x0  }
0xa4: {  	[sflag:s23] =	ssyncadd.s32 $0xFFFFFFFF  }
0xa5: {  	s4 =	sld [smem:$0x0]  }
0xa6: {  	s5 =	sand.u32 $0xFFFFFFFE, s1  }
0xa7: {  	p0 =	sne.s32 s1, s5  }
0xa8: {  	s5 =	sshll.u32 @p0 s5, $0xE  }
0xa9: {  	s5 =	sadd.s32 @p0 $0x11B8D, s5;
	s6 =	sshll.u32 @p0 s4, $0x11  }
0xaa: {  	s5 =	sor.u32 @p0 s6, s5  }
0xab: {  	[sflag:s5] =	ssyncadd.remote.s32 @p0 $0x1;
	_ =	sdelay $0x1  }
0xac: {  	s5 =	simm.s32 @p0 $0x1B8D  }
0xad: {  	_ =	swait.eq @p0 [sflag:s5], $0x1  }
0xae: {  	[sflag:s5] =	ssyncadd.s32 @p0 $0xFFFFFFFF  }
0xaf: {  	s6 =	sshll.u32 @!p0 s1, $0xE  }
0xb0: {  	s6 =	sor.u32 @!p0 $0x4000, s6;
	s5 =	simm.s32 @!p0 $0x1B8D  }
0xb1: {  	s4 =	sshll.u32 @!p0 s4, $0x11;
	s6 =	sadd.s32 @!p0 $0x11B8D, s6;
	_ =	swait.eq @!p0 [sflag:s5], $0x1  }
0xb2: {  	s4 =	sor.u32 @!p0 s4, s6;
	[sflag:s5] =	ssyncadd.s32 @!p0 $0xFFFFFFFF  }
0xb3: {  	s25 =	simm.s32 $0x1B8E;
	s24 =	sld [smem:$0x3FFE];
	[sflag:s4] =	ssyncadd.remote.s32 @!p0 $0x1  }
0xb4: {  	s26 =	simm.s32 $execute0_lowered;
	[smem:$0x3FD2] =	sst s25  }
0xb5: {  	s5 =	sshll.u32 s26, $0x1;
	_ =	strace $0x8000004C;
	[dreg:$0x1] =	wrdreg $0xFFFFFFFF  }
0xb6: {  	s28 =	simm.s32 $_size_execute0_lowered;
	s3 =	sadd.s32 s3, s5;
	[dreg:$0x0] =	wrdreg $0x0  }
0xb7: {  	s5 =	sshll.u32 s28, $0x1;
	[dreg:$0x2] =	wrdreg s3  }
0xb8: {  	[dreg:$0x3] =	wrdreg s5  }
0xb9: {  	[dreg:$0x4] =	wrdreg $0xC0  }
0xba: {  	_ =	task [dreg:s22], $0x5FFFF  }
0xbb: {  	[dreg:$0x1] =	wrdreg $0xFFFFFFFF  }
0xbc: {  	[dreg:$0x0] =	wrdreg $0x60  }
0xbd: {  	[dreg:$0x2] =	wrdreg s24  }
0xbe: {  	[dreg:$0x3] =	wrdreg $0xA  }
0xbf: {  	_ =	task.clear_ibuf [dreg:s22], $0x4FFFF;
	_ =	strace $0x9000004C  }
0xc0: {  	s29 =	simm.s32 $0xA;
	_ =	strace $0x8000004E  }
0xc1: {  	_ =	swait.ge [sflag:s29], $0x1  }
0xc2: {  	[sflag:s29] =	ssyncadd.s32 $0xFFFFFFFF  }
0xc3: {  	_ =	strace $0x9000004E  }
0xc4: {  	_ =	sfence  }
0xc5: {  	s30 =	sld [smem:$0x0];
	_ =	sdelay $0x2  }
0xc6: {  	s31 =	sshll.u32 s1, $0xD;
	s1 =	sshrl.u32 s1, $0x2  }
0xc7: {  	s4 =	sand.u32 $0x4000, s31;
	s1 =	sadd.s32 s1, s30  }
0xc8: {  	s0 =	sor.u32 s4, s0;
	s1 =	sshll.u32 s1, $0x11  }
0xc9: {  	s0 =	sor.u32 s1, s0  }
0xca: {  	s0 =	sadd.s32 $0x8F2B, s0  }
0xcb: {  	[sflag:s0] =	ssyncadd.remote.s32 $0x1  }
0xcc: {  	_ =	sfence.sel $0xFFFF  }
0xcd: {  	[dreg:$0x0] =	wrdreg $0xFFFFFFFF;
	(pc) =	sbr.abs _section_cstart, $3  }
0xce: {  	[dreg:$0x1] =	wrdreg $0xFFFFFFFF  }
0xcf: {  	_ =	task.clear_ibuf [dreg:s22], $0x2FFFF;
	_ =	strace $0x9FFFFFFF  }
0xd0: {  	(tm) =	ssettm $0x7FFFFFFF  }
0xd1: {  	_ =	shalt  }
tec
execute0_lowered:
.L_overlay_start_1:
0x0: {  	(tag) =	ssettag $0x1  }
0x1: {  	s1 =	srdreg.scid  }
0x2: {  	s0 =	stileid.u32;
	s6 =	sand.u32 $0x1, s1  }
0x3: {  	s30 =	sshll.u32 s0, $0x5;
	s2 =	sshll.u32 s6, $0x4  }
0x4: {  	s8 =	rddreg [dreg:$0x0];
	s7 =	simm.s32 $0x1;
	s9 =	sor.u32 s2, s30  }
0x5: {  	s1 =	rddreg [dreg:$0x1];
	s2 =	simm.s32 $0x0;
	s3 =	sshrl.u32 s9, $0x3  }
0x6: {  	s10 =	ssub.s32 $0x2, s6;
	[smem:$0x7FF] =	sst s2;
	s3 =	sadd.s32 s3, s8  }
0x7: {  	_ =	strace $0x8000004D;
	s4 =	sadd.s32 $0x201400, s3;
	s3 =	simm.s32 $0x2  }
0x8: {  	[tilespmem:s2], [sflag:$0x2] =	stream.linear.gather [hbm4b:s4+s2], $0x10, $0x38;
	[tilespmem:$0x90] =	vst v63  }
0x9: {  	s5 =	sadd.s32 $0x201000, s8;
	s11 =	sshrl.u32 s10, $0x1;
	_ =	swait.ge [sflag:s3], $0x10  }
0xa: {  	s6 =	simm.s32 $0x10;
	s31 =	ssub.s32 s10, s11;
	[sflag:s3] =	ssyncset.done $0x0  }
0xb: {  	s8 =	sadd.s32 s9, s8;
	s9 =	smax.u32 s31, $0x1;
	[sflag:s3] =	ssyncadd.s32 $0xFFFFFFF0  }
0xc: {  	[tilespmem:s6], [sflag:$0x1] =	stream.indirect.gather [hbm4b:s5+s6], $0x8, s2, s6, $0xb8;
	[tilespmem:$0x90] =	vst v63  }
0xd: {  	p0 =	sne.s32 s9, $0x1;
	_ =	swait.ge [sflag:s7], $0x80  }
.Ltmp0:
0xe: {  	[sflag:s7] =	ssyncset.done $0x0;
	(pc) =	sbr.rel @!p0 .LBB2_2-.Ltmp0, $4  }
0xf: {  	s8 =	sadd.s32 $0x201600, s8;
	[sflag:s7] =	ssyncadd.s32 $0xFFFFFF80  }
0x10: {  	[hbm4b:s8+s2] =	stream.linear.scatter [tilespmem:s6], [sflag:$0x2], $0x80, $0x38;
	[tilespmem:$0x90] =	vst v63  }
0x11: {  	_ =	swait.ge [sflag:s3], $0x80  }
0x12: {  	s9 =	sadd.s32 $0xFFFFFFFF, s9;
	[sflag:s3] =	ssyncset.done $0x0  }
.LBB2_1:
0x13: {  	p0 =	sne.s32 s9, $0x1;
	s9 =	sadd.s32 $0xFFFFFFFF, s9;
	[sflag:s3] =	ssyncadd.s32 $0xFFFFFF80  }
0x14: {  	[tilespmem:s2], [sflag:$0x2] =	stream.linear.gather [hbm4b:s4+s2], $0x10, $0x38;
	[tilespmem:$0x90] =	vst v63  }
0x15: {  	_ =	swait.ge [sflag:s3], $0x10  }
0x16: {  	[sflag:s3] =	ssyncset.done $0x0  }
0x17: {  	[sflag:s3] =	ssyncadd.s32 $0xFFFFFFF0  }
0x18: {  	[tilespmem:s6], [sflag:$0x1] =	stream.indirect.gather [hbm4b:s5+s6], $0x8, s2, s6, $0xb8;
	[tilespmem:$0x90] =	vst v63  }
0x19: {  	_ =	swait.ge [sflag:s7], $0x80  }
.Ltmp1:
0x1a: {  	[sflag:s7] =	ssyncset.done $0x0;
	(pc) =	sbr.rel @p0 .LBB2_1-.Ltmp1, $4  }
0x1b: {  	[sflag:s7] =	ssyncadd.s32 $0xFFFFFF80  }
0x1c: {  	[hbm4b:s8+s2] =	stream.linear.scatter [tilespmem:s6], [sflag:$0x2], $0x80, $0x38;
	[tilespmem:$0x90] =	vst v63  }
0x1d: {  	_ =	swait.ge [sflag:s3], $0x80  }
0x1e: {  	[sflag:s3] =	ssyncset.done $0x0  }
.LBB2_2:
0x1f: {  	[sflag:s3] =	ssyncadd.s32 $0xFFFFFF80  }
0x20: {  	_ =	sfence.sel $0x180000  }
0x21: {  	[bflag:$0x0] =	sbarrier.arrive $0xFFFF  }
0x22: {  	p0 =	sne.s32 s0, $0x0;
	_ =	strace $0x9000004D  }
0x23: {  	s0 =	sadd.s32 @!p0 $0x100000, s1;
	[bflag:$0x2] =	sbarrier.arrive $0xFFFF  }
0x24: {  	[sflag:s0] =	ssyncadd.tile.s32 @!p0 $0x1;
	_ =	shalt  }
.Lfunc_end2:
_tile_overlayer_lowered:
.L_overlay_start_2:
0x25: {  	(tag) =	ssettag $0x2  }
0x26: {  	s0 =	rddreg [dreg:$0x0];
	s2 =	stileid.u32  }
0x27: {  	s1 =	rddreg [dreg:$0x1];
	p0 =	sne.s32 s2, $0x0  }
0x28: {  	s3 =	rddreg [dreg:$0x2];
	[bflag:$0x3] =	sbarrier.arrive $0xFFFF;
	s2 =	simm.s32 @!p0 $0x1C02  }
0x29: {  	[timem:s3], [sflag:s2] =	dma.local @!p0 [hbm:s0], s1  }
0x2a: {  	s0 =	simm.s32 @!p0 $0x2  }
0x2b: {  	_ =	swait.ge @!p0 [sflag:s0], s1  }
0x2c: {  	s1 =	ssub.s32 @!p0 $0x0, s1;
	[sflag:s0] =	ssyncset.done @!p0 $0x0  }
0x2d: {  	[sflag:s0] =	ssyncadd.s32 @!p0 s1  }
0x2e: {  	[bflag:$0x3] =	sbarrier.arrive $0xFFFF  }
0x2f: {  	_ =	shalt  }

// kernel: sparse-core-data-format-call.cloned.1.call-start
scs
called_computation_lowered:
.L_overlay_start_0:
0x0: {  	s1 =	sld [smem:$0x3FD9]  }
0x1: {  	s2 =	sld [smem:$0x3FFE];
	_ =	sdelay $0x1  }
0x2: {  	s3 =	srdreg.scid  }
0x3: {  	s0 =	sand.u32 $0x1, s3  }
0x4: {  	s17 =	sshll.u32 s0, $0xA;
	s1 =	sadd.s32 s2, s1  }
0x5: {  	s1 =	sadd.s32 s1, s17  }
0x6: {  	[smem:$0x3FBD] =	sst s1  }
0x7: {  	_ = 	snop  }
0x8: {  	(tm) =	ssettm $0x1  }
0x9: {  	s18 =	sld [smem:$0x3FFB];
	_ =	sdelay $0x3  }
0xa: {  	_ =	strace s18  }
0xb: {  	s1 =	sld [smem:$0x3FFC];
	_ =	sdelay $0x3  }
0xc: {  	_ =	strace s1  }
0xd: {  	s1 =	sld [smem:$0x3FFD];
	_ =	sdelay $0x3  }
0xe: {  	_ =	strace s1  }
0xf: {  	_ =	strace $0x8FFFFFFF  }
0x10: {  	s19 =	sld [smem:$0x3FDB];
	_ =	sdelay $0x1  }
0x11: {  	s20 =	simm.s32 $_scs_section_size  }
0x12: {  	s4 =	simm.s32 $_size__tile_overlayer_lowered;
	s5 =	simm.s32 $_tile_overlayer_lowered  }
0x13: {  	s23 =	simm.s32 $0x1BFF;
	s22 =	sshll.u32 s5, $0x1;
	s1 =	sadd.s32 s20, s19  }
0x14: {  	s6 =	simm.s32 $0x0;
	s21 =	sshll.u32 s4, $0x1;
	s4 =	sadd.s32 s22, s1  }
0x15: {  	[timem:s6], [sflag:s23] =	dma.local [hbm:s4], s21  }
0x16: {  	_ =	swait.ge [sflag:s23], s21  }
0x17: {  	s2 =	ssub.s32 $0x0, s21;
	[sflag:s23] =	ssyncset.done $0x0  }
0x18: {  	[sflag:s23] =	ssyncadd.s32 s2;
	_ =	sdelay $0x1  }
0x19: {  	s24 =	simm.s32 $0x1B8B  }
0x1a: {  	_ =	swait.ge [sflag:s24], $0x1  }
0x1b: {  	[sflag:s24] =	ssyncset.done $0x0  }
0x1c: {  	s26 =	simm.s32 $0x1B8E;
	s25 =	sld [smem:$0x3FFE];
	[sflag:s24] =	ssyncadd.s32 $0xFFFFFFFF  }
0x1d: {  	s27 =	simm.s32 $execute0_lowered;
	[smem:$0x3FD2] =	sst s26  }
0x1e: {  	s4 =	sshll.u32 s27, $0x1;
	_ =	strace $0x80000046;
	[dreg:$0x1] =	wrdreg $0xFFFFFFFF  }
0x1f: {  	s28 =	simm.s32 $_size_execute0_lowered;
	s1 =	sadd.s32 s1, s4;
	[dreg:$0x0] =	wrdreg $0x0  }
0x20: {  	s4 =	sshll.u32 s28, $0x1;
	[dreg:$0x2] =	wrdreg s1  }
0x21: {  	[dreg:$0x3] =	wrdreg s4  }
0x22: {  	[dreg:$0x4] =	wrdreg $0xC0  }
0x23: {  	_ =	task [dreg:s6], $0x5FFFF  }
0x24: {  	[dreg:$0x1] =	wrdreg $0xFFFFFFFF  }
0x25: {  	[dreg:$0x0] =	wrdreg $0x60  }
0x26: {  	[dreg:$0x2] =	wrdreg s25  }
0x27: {  	[dreg:$0x3] =	wrdreg $0xB  }
0x28: {  	_ =	task.clear_ibuf [dreg:s6], $0x4FFFF;
	_ =	strace $0x90000046  }
0x29: {  	s29 =	simm.s32 $0xB;
	_ =	strace $0x80000048  }
0x2a: {  	_ =	swait.ge [sflag:s29], $0x1  }
0x2b: {  	[sflag:s29] =	ssyncadd.s32 $0xFFFFFFFF  }
0x2c: {  	_ =	strace $0x90000048  }
0x2d: {  	_ =	sfence  }
0x2e: {  	s30 =	sld [smem:$0x0];
	_ =	sdelay $0x2  }
0x2f: {  	s31 =	sshll.u32 s3, $0xD;
	s3 =	sshrl.u32 s3, $0x2  }
0x30: {  	s2 =	sand.u32 $0x4000, s31;
	s1 =	sadd.s32 s3, s30  }
0x31: {  	s0 =	sor.u32 s2, s0;
	s1 =	sshll.u32 s1, $0x11  }
0x32: {  	s0 =	sor.u32 s1, s0  }
0x33: {  	s0 =	sadd.s32 $0x8F2B, s0  }
0x34: {  	[sflag:s0] =	ssyncadd.remote.s32 $0x1  }
0x35: {  	_ =	sfence.sel $0xFFFF  }
0x36: {  	[dreg:$0x0] =	wrdreg $0xFFFFFFFF;
	(pc) =	sbr.abs _section_cstart, $3  }
0x37: {  	[dreg:$0x1] =	wrdreg $0xFFFFFFFF  }
0x38: {  	_ =	task.clear_ibuf [dreg:s6], $0x2FFFF;
	_ =	strace $0x9FFFFFFF  }
0x39: {  	(tm) =	ssettm $0x7FFFFFFF  }
tec
execute0_lowered:
.L_overlay_start_1:
0x0: {  	(tag) =	ssettag $0x1  }
0x1: {  	s2 =	rddreg [dreg:$0x0]  }
0x2: {  	s0 =	rddreg [dreg:$0x1];
	_ =	strace $0x80000047;
	s4 =	srdreg.scid  }
0x3: {  	s1 =	stileid.u32;
	s6 =	simm.s32 $0x2;
	s12 =	simm.s32 $0x0  }
0x4: {  	p0 =	por $0x0, $0x0;
	s14 =	simm.s32 $0x0;
	s13 =	simm.s32 $0x0  }
.Ltmp0:
0x5: {  	s15 =	simm.s32 $0x0;
	s8 =	simm.s32 $0x0;
	(pc) =	sbr.rel .LBB1_1-.Ltmp0, $4  }
0x6: {  	s9 =	simm.s32 $0x0;
	s10 =	simm.s32 $0x0;
	s5 =	sshll.u32 s4, $0x4  }
0x7: {  	s7 =	simm.s32 $0x0;
	s4 =	simm.s32 $0x1;
	s5 =	sand.u32 $0x10, s5  }
0x8: {  	s3 =	sadd.s32 $0x100000, s2;
	[sflag:s4] =	ssyncpa.u1 $0x0;
	s5 =	sor.u32 s1, s5  }
0x9: {  	[sflag:s6] =	ssyncpa.u1 $0x0;
	s6 =	simm.s32 $0x4000;
	s11 =	smov.u32 s5  }
.LBB1_5:
0xa: {  	s16 =	sadd.s32 $0x80, s8  }
0xb: {  	s12 =	simm.s32 $0x1;
	p2 =	sgt.s32 s16, $0xFF  }
0xc: {  	s12 =	simm.s32 @!p2 $0x0  }
0xd: {  	s17 =	sadd.s32 s12, s9  }
0xe: {  	s18 =	smov.u32 s10;
	s12 =	sadd.s32 $0x80, s10;
	p3 =	sgt.s32 s17, $0x1  }
0xf: {  	s18 =	smov.u32 @p3 s12  }
0x10: {  	s19 =	smov.u32 s11;
	s12 =	sadd.s32 $0x20, s11;
	p4 =	sgt.s32 s18, $0x7F  }
0x11: {  	p1 =	slt.u32 s7, $0x2;
	s19 =	smov.u32 @p4 s12  }
0x12: {  	s7 =	sadd.s32 $0x1, s7;
	s16 =	simm.s32 @p2 $0x0;
	p2 =	sgt.s32 s19, $0x7F  }
0x13: {  	s20 =	simm.s32 @!p1 $0x2;
	s19 =	smov.u32 @p2 s5;
	p2 =	sne.s32 s7, $0x12  }
.Ltmp1:
0x14: {  	s14 =	smov.u32 s9;
	_ =	swait.ge @!p1 [sflag:s20], $0x4000;
	(pc) =	sbr.rel @!p2 .LBB1_6-.Ltmp1, $4  }
0x15: {  	s13 =	smov.u32 s10;
	s15 =	smov.u32 s11;
	[sflag:s20] =	ssyncset.done @!p1 $0x0  }
0x16: {  	p0 =	por !p0, !p0;
	[sflag:s20] =	ssyncadd.s32 @!p1 $0xFFFFC000;
	s17 =	simm.s32 @p3 $0x0  }
0x17: {  	s9 =	smov.u32 s17;
	s18 =	simm.s32 @p4 $0x0;
	s12 =	smov.u32 s8  }
0x18: {  	s8 =	smov.u32 s16;
	s10 =	smov.u32 s18;
	s11 =	smov.u32 s19  }
.LBB1_1:
0x19: {  	p1 =	sgt.u32 s7, $0xF  }
0x1a: {  	s16 =	sxor.u32 @!p1 $0xFFFFFFFF, s7;
	s17 =	sshll.u32 @!p1 s9, $0x7  }
0x1b: {  	s18 =	sand.u32 @!p1 $0x78, s8;
	s19 =	sshll.u32 @!p1 s10, $0x6;
	s17 =	sand.u32 @!p1 $0x80, s17  }
0x1c: {  	s20 =	sshrl.u32 @!p1 s8, $0x2;
	s17 =	sor.u32 @!p1 s18, s17;
	s18 =	sshll.u32 @!p1 s11, $0xD  }
0x1d: {  	s16 =	sshll.u32 @!p1 s16, $0xE;
	s20 =	sand.u32 @!p1 $0x20, s20;
	s18 =	sadd.s32 @!p1 s2, s18  }
0x1e: {  	s16 =	sand.u32 @!p1 $0x4000, s16;
	s18 =	sadd.s32 @!p1 s19, s18;
	s19 =	sand.u32 @!p1 $0x7, s8  }
0x1f: {  	s17 =	sshrl.u32 @!p1 s17, $0x3;
	s18 =	sadd.s32 @!p1 s20, s18;
	s19 =	sshll.u32 @!p1 s19, $0x12  }
0x20: {  	s17 =	sadd.s32 @!p1 s17, s18;
	s18 =	sor.u32 @!p1 $0x80, s19;
	s19 =	simm.s32 @!p1 $0x200  }
0x21: {  	[tilespmem:s16], [sflag:$0x1] =	stream.strided.gather @!p1 [hbm4b:s17+s18], $0x4000, s19, s18, $0x38;
	[tilespmem:$0x10100] =	vst v63  }
0x22: {  	p1 =	seq.s32 s7, $0x0  }
0x23: {  	p2 =	seq.s32 @!p1 s7, $0x11  }
0x24: {  	p1 =	por p1, p2  }
.Ltmp2:
0x25: {  	_ = 	snop;
	(pc) =	sbr.rel @p1 .LBB1_5-.Ltmp2, $1  }
0x26: {  	_ =	sdelay $0x3  }
0x27: {  	s16 =	simm.s32 $0x1  }
0x28: {  	_ =	swait.ge [sflag:s4], $0x4000;
	s16 =	simm.s32 @!p0 $0x0  }
0x29: {  	[sflag:s4] =	ssyncset.done $0x0;
	s17 =	sshll.u32 s16, $0xE  }
0x2a: {  	[sflag:s4] =	ssyncadd.s32 $0xFFFFC000;
	s18 =	sor.u32 $0x40, s17  }
0x2b: {  	s16 =	smul.u32 $0x10200, s16;
	v0 =	vld [tilespmem:s18+$0x30]  }
0x2c: {  	v3 =	vld [tilespmem:s18+$0xFFFFFFD0]  }
0x2d: {  	s16 =	sshrl.u32 s16, $0x2;
	v4 =	vld [tilespmem:s18+$0xFFFFFFE0]  }
0x2e: {  	v5 =	vld [tilespmem:s18+$0xFFFFFFF0];
	s17 =	sor.u32 $0x8000, s16  }
0x2f: {  	s31 =	sand.u32 $0x1, s7;
	v1 =	vld [tilespmem:s18+$0x0];
	s19 =	sadd.s32 $0x0, s17  }
0x30: {  	v2 =	vld [tilespmem:s18+$0x10];
	s16 =	smul.u32 $0x10200, s31;
	[tilespmem:s19+$0x3870 ss:$0x81] =	vst.msk $0xffff, v0  }
0x31: {  	[tilespmem:s19+$0x810 ss:$0x81] =	vst.msk $0xffff, v3;
	v3 =	vld [tilespmem:s18+$0x20]  }
0x32: {  	s16 =	sshrl.u32 s16, $0x2;
	v0 =	vld [tilespmem:s18+$0xFFFFFFC0];
	[tilespmem:s19+$0x1020 ss:$0x81] =	vst.msk $0xffff, v4;
	s18 =	sadd.s32 $0x80, s18  }
0x33: {  	s20 =	simm.s32 $0x4;
	s21 =	simm.s32 $0x8;
	s16 =	sor.u32 $0x8000, s16;
	[tilespmem:s19+$0x1830 ss:$0x81] =	vst.msk $0xffff, v5;
	v4 =	vld [tilespmem:s18+$0x30]  }
.LBB1_3:
0x34: {  	p1 =	sne.s32 s21, $0x1FC;
	v5 =	vld [tilespmem:s18+$0xFFFFFFD0];
	[tilespmem:s19+$0x2040 ss:$0x81] =	vst.msk $0xffff, v1  }
0x35: {  	v6 =	vld [tilespmem:s18+$0xFFFFFFE0];
	[tilespmem:s19+$0x2850 ss:$0x81] =	vst.msk $0xffff, v2  }
0x36: {  	s22 =	sshra.s32 s20, $0x2;
	s20 =	smov.u32 s21;
	v7 =	vld [tilespmem:s18+$0xFFFFFFF0];
	[tilespmem:s19+$0x3060 ss:$0x81] =	vst.msk $0xffff, v3  }
.Ltmp3:
0x37: {  	v1 =	vld [tilespmem:s18+$0x0];
	[tilespmem:s19+$0x0 ss:$0x81] =	vst.msk $0xffff, v0;
	s19 =	sadd.s32 s22, s17;
	(pc) =	sbr.rel @p1 .LBB1_3-.Ltmp3, $4  }
0x38: {  	v2 =	vld [tilespmem:s18+$0x10];
	[tilespmem:s19+$0x3870 ss:$0x81] =	vst.msk $0xffff, v4  }
0x39: {  	[tilespmem:s19+$0x810 ss:$0x81] =	vst.msk $0xffff, v5;
	v3 =	vld [tilespmem:s18+$0x20]  }
0x3a: {  	v0 =	vld [tilespmem:s18+$0xFFFFFFC0];
	[tilespmem:s19+$0x1020 ss:$0x81] =	vst.msk $0xffff, v6;
	s18 =	sadd.s32 $0x80, s18  }
0x3b: {  	s21 =	sadd.s32 $0x4, s21;
	v4 =	vld [tilespmem:s18+$0x30];
	[tilespmem:s19+$0x1830 ss:$0x81] =	vst.msk $0xffff, v7  }
0x3c: {  	v5 =	vld [tilespmem:s18+$0xFFFFFFD0];
	[tilespmem:s19+$0x2040 ss:$0x81] =	vst.msk $0xffff, v1  }
0x3d: {  	v58 =	vld [tilespmem:s18+$0xFFFFFFE0];
	[tilespmem:s19+$0x2850 ss:$0x81] =	vst.msk $0xffff, v2  }
0x3e: {  	s20 =	sshra.s32 s20, $0x2;
	v59 =	vld [tilespmem:s18+$0xFFFFFFF0];
	[tilespmem:s19+$0x3060 ss:$0x81] =	vst.msk $0xffff, v3  }
0x3f: {  	v60 =	vld [tilespmem:s18+$0x0];
	s17 =	sadd.s32 s20, s17;
	[tilespmem:s19+$0x0 ss:$0x81] =	vst.msk $0xffff, v0  }
0x40: {  	v61 =	vld [tilespmem:s18+$0x10];
	s15 =	sshll.u32 s15, $0x7;
	[tilespmem:s17+$0x3870 ss:$0x81] =	vst.msk $0xffff, v4  }
0x41: {  	s27 =	sshll.u32 s13, $0x3;
	v62 =	vld [tilespmem:s18+$0x20];
	s14 =	sshll.u32 s14, $0x13;
	s30 =	sshrl.u32 s13, $0x3;
	[tilespmem:s17+$0x810 ss:$0x81] =	vst.msk $0xffff, v5  }
0x42: {  	v63 =	vld [tilespmem:s18+$0xFFFFFFC0];
	s12 =	sshll.u32 s12, $0xB;
	s28 =	sand.u32 $0x3C00, s15;
	s19 =	sand.u32 $0x3C00, s27;
	[tilespmem:s17+$0x1020 ss:$0x81] =	vst.msk $0xffff, v58  }
0x43: {  	s15 =	sand.u32 $0x380, s15;
	s18 =	sand.u32 $0xF, s30;
	s29 =	sadd.s32 s28, s19;
	[tilespmem:s17+$0x1830 ss:$0x81] =	vst.msk $0xffff, v59  }
.Ltmp4:
0x44: {  	s14 =	sadd.s32 s3, s14;
	s15 =	sor.u32 s15, s29;
	[tilespmem:s17+$0x2040 ss:$0x81] =	vst.msk $0xffff, v60;
	(pc) =	sbr.rel .LBB1_5-.Ltmp4, $4  }
0x45: {  	s31 =	sand.u32 $0x7, s13;
	s14 =	sadd.s32 s18, s14;
	[tilespmem:s17+$0x2850 ss:$0x81] =	vst.msk $0xffff, v61;
	s15 =	sshrl.u32 s15, $0x3  }
0x46: {  	s13 =	sshll.u32 s31, $0x12;
	s12 =	sadd.s32 s12, s14;
	[tilespmem:s17+$0x3060 ss:$0x81] =	vst.msk $0xffff, v62;
	s15 =	sand.u32 $0x7F0, s15  }
0x47: {  	s13 =	sor.u32 $0x80, s13;
	[tilespmem:s17+$0x0 ss:$0x81] =	vst.msk $0xffff, v63;
	s12 =	sadd.s32 s15, s12  }
0x48: {  	[hbm4b:s12+s13] =	stream.strided.scatter [tilespmem:s16], [sflag:$0x2], $0x4000, s6, s13, $0x20;
	[tilespmem:$0x10100] =	vst v63  }
.LBB1_6:
0x49: {  	_ =	sfence.sel $0x180000  }
0x4a: {  	s2 =	simm.s32 $0x1;
	[bflag:$0x0] =	sbarrier.arrive $0xFFFF  }
0x4b: {  	s31 =	simm.s32 $0x2;
	[sflag:s2] =	ssyncpa.u1 $0x1  }
0x4c: {  	[sflag:s31] =	ssyncpa.u1 $0x1  }
0x4d: {  	p0 =	sne.s32 s1, $0x0;
	_ =	strace $0x90000047  }
0x4e: {  	s0 =	sadd.s32 @!p0 $0x100000, s0;
	[bflag:$0x2] =	sbarrier.arrive $0xFFFF  }
0x4f: {  	[sflag:s0] =	ssyncadd.tile.s32 @!p0 $0x1;
	_ =	shalt  }
.Lfunc_end1:
_tile_overlayer_lowered:
.L_overlay_start_2:
0x50: {  	(tag) =	ssettag $0x2  }
0x51: {  	s0 =	rddreg [dreg:$0x0];
	s2 =	stileid.u32  }
0x52: {  	s1 =	rddreg [dreg:$0x1];
	p0 =	sne.s32 s2, $0x0  }
0x53: {  	s3 =	rddreg [dreg:$0x2];
	[bflag:$0x3] =	sbarrier.arrive $0xFFFF;
	s2 =	simm.s32 @!p0 $0x1C01  }
0x54: {  	[timem:s3], [sflag:s2] =	dma.local @!p0 [hbm:s0], s1  }
0x55: {  	s0 =	simm.s32 @!p0 $0x1  }
0x56: {  	_ =	swait.ge @!p0 [sflag:s0], s1  }
0x57: {  	s1 =	ssub.s32 @!p0 $0x0, s1;
	[sflag:s0] =	ssyncset.done @!p0 $0x0  }
0x58: {  	[sflag:s0] =	ssyncadd.s32 @!p0 s1  }
0x59: {  	[bflag:$0x3] =	sbarrier.arrive $0xFFFF  }
0x5a: {  	_ =	shalt  }

</sc_bundles>
